<compile_context>
chip_gen: v7x
topology: tpu7x:2x2x1
jax: 0.10.2.dev20260603
libtpu: 0.0.44.dev20260713+nightly
codegen_flags: <defaults>
</compile_context>

<pallas_src>
import functools

import jax
import jax.numpy as jnp
from jax import lax
from jax.experimental import pallas as pl
from jax.experimental.pallas import tpu as pltpu
from jax.experimental.pallas import tpu_sc as plsc

VOCAB = 1000000
SEQ_LEN = 200
EMBED_DIM = 32
BATCH = 4096

NC = 2
NS = 16
NW = NC * NS
L = 16

BTILE = 128
NJ = BATCH // BTILE
UNITS = SEQ_LEN * NJ
UNITS_PER_W = UNITS // NW
IDX_PER_W = UNITS_PER_W * BTILE
TPITCH = BTILE + 1
NBUF = 5
AHEAD = 3


def _make_kernel():
    mesh = plsc.VectorSubcoreMesh(core_axis_name="c", subcore_axis_name="s")

    @functools.partial(
        pl.kernel,
        mesh=mesh,
        out_type=jax.ShapeDtypeStruct((SEQ_LEN * 4, NJ, 8, BTILE),
                                      jnp.float32),
        compiler_params=pltpu.CompilerParams(use_tc_tiling_on_sc=False,
                                             needs_layout_passes=False),
        scratch_types=[
            pltpu.VMEM((IDX_PER_W,), jnp.int32),
            pltpu.VMEM((NBUF, BTILE, EMBED_DIM), jnp.float32),
            pltpu.VMEM((NBUF, EMBED_DIM, TPITCH), jnp.float32),
            pltpu.VMEM((SEQ_LEN, EMBED_DIM), jnp.float32),
            pltpu.SemaphoreType.DMA((NBUF,)),
            pltpu.SemaphoreType.DMA((NBUF,)),
        ],
    )
    def k(idx_hbm, table_hbm, pos_hbm, out_hbm, idx_v, rows_v, trans_v,
          pos_v, gsem, osem):
        wid = lax.axis_index("s") * NC + lax.axis_index("c")
        g0 = wid * UNITS_PER_W

        pltpu.sync_copy(
            idx_hbm.at[pl.ds(pl.multiple_of(wid * IDX_PER_W, IDX_PER_W),
                             IDX_PER_W)],
            idx_v)
        pltpu.sync_copy(pos_hbm, pos_v)

        lane = lax.broadcasted_iota(jnp.int32, (L,), 0)

        def fire(uu, p):
            pltpu.async_copy(
                table_hbm.at[idx_v.at[pl.ds(uu * BTILE, BTILE)]],
                rows_v.at[p],
                gsem.at[p],
            )

        def drain_gather(p):
            pltpu.make_async_copy(
                table_hbm.at[pl.ds(0, BTILE)], rows_v.at[p], gsem.at[p]
            ).wait()

        def transform(uu, p):
            s = (g0 + uu) // NJ
            plo = pos_v[s, pl.ds(0, L)]
            phi = pos_v[s, pl.ds(L, L)]

            def rbody(rr, carry):
                for q in range(8):
                    r = rr * 8 + q
                    rcol = jnp.full((L,), 0, jnp.int32) + r
                    lo = rows_v[p, r, pl.ds(0, L)] + plo
                    hi = rows_v[p, r, pl.ds(L, L)] + phi
                    plsc.store_scatter(trans_v.at[p], [lane, rcol], lo)
                    plsc.store_scatter(trans_v.at[p], [lane + L, rcol], hi)
                return carry

            lax.fori_loop(0, BTILE // 8, rbody, 0)

        def fire_stores(uu, p):
            g = g0 + uu
            s = g // NJ
            j = g % NJ
            for i in range(4):
                pltpu.async_copy(
                    trans_v.at[p].at[pl.ds(i * 8, 8), pl.ds(0, BTILE)],
                    out_hbm.at[s * 4 + i, j],
                    osem.at[p],
                )

        def drain_stores(p):
            for i in range(4):
                pltpu.make_async_copy(
                    trans_v.at[p].at[pl.ds(i * 8, 8), pl.ds(0, BTILE)],
                    out_hbm.at[0, 0],
                    osem.at[p],
                ).wait()

        for a in range(AHEAD):
            fire(a, a)

        def quad(h, carry):
            uu = h * NBUF
            for q in range(NBUF):
                u = uu + q
                @pl.when(u + AHEAD < UNITS_PER_W)
                def _(u=u, q=q):
                    @pl.when(u + AHEAD >= NBUF)
                    def _():
                        drain_stores((q + AHEAD) % NBUF)
                    fire(u + AHEAD, (q + AHEAD) % NBUF)
                drain_gather(q)
                transform(u, q)
                fire_stores(u, q)
            return carry

        lax.fori_loop(0, UNITS_PER_W // NBUF, quad, 0)
        for q in range(NBUF):
            drain_stores(q)

    return k


_sc_kernel = _make_kernel()


@jax.jit
def kernel(inputs, token_table, pos_table):
    idx = inputs.astype(jnp.int32).T.reshape(-1)
    out4 = _sc_kernel(idx, token_table, pos_table)
    o5 = out4.reshape(SEQ_LEN, 4, NJ, 8, BTILE)
    return o5.transpose(2, 4, 0, 1, 3).reshape(BATCH, SEQ_LEN, EMBED_DIM)

# --- scband reference (transcript-rebuilt; emitter-appended) ---
"""Pipeline reference for scband-positional-embedding-85572928405936 (READ-ONLY COPY).

The authoritative reference and input builder live on the scoring server;
editing this copy changes nothing except your own understanding.
"""

import jax, jax.numpy as jnp
import numpy as np

VOCAB = 1000000
SEQ_LEN = 200
EMBED_DIM = 32
BATCH = 4096

def setup_inputs(seed: int = 0) -> dict:
    key = jax.random.key(seed)
    k1, k2, k3 = jax.random.split(key, 3)
    inputs = jax.random.randint(k1, (BATCH, SEQ_LEN), 0, VOCAB, dtype=jnp.int64 if jax.config.jax_enable_x64 else jnp.int32)
    token_table = jax.random.normal(k2, (VOCAB, EMBED_DIM), dtype=jnp.float32) * 0.02
    pos_table = jax.random.normal(k3, (SEQ_LEN, EMBED_DIM), dtype=jnp.float32) * 0.02
    return {"inputs": inputs, "token_table": token_table, "pos_table": pos_table}

def reference(inputs, token_table, pos_table):
    length = inputs.shape[-1]
    positions = jnp.linspace(0, length - 1, length).astype(jnp.int32)
    embedded_tokens = jnp.take(token_table, inputs, axis=0)
    embedded_positions = jnp.take(pos_table, positions, axis=0)
    return embedded_tokens + embedded_positions

if __name__ == "__main__":
    import jax
    _d = setup_inputs()
    print(jax.jit(kernel)(*tuple(_d.values())))

</pallas_src>

<mosaic_0001>
#map = affine_map<(d0, d1) -> (0)>
#map1 = affine_map<(d0, d1) -> (0, 0)>
#map2 = affine_map<(d0, d1) -> (0, 0, 0, 0)>
module attributes {stable_mosaic.version = 14 : i64} {
  func.func @k(%arg0: i32, %arg1: i32, %arg2: memref<819200xi32, #tpu.memory_space<hbm>>, %arg3: memref<1000000x32xf32, #tpu.memory_space<hbm>>, %arg4: memref<200x32xf32, #tpu.memory_space<hbm>>, %arg5: memref<800x32x8x128xf32, #tpu.memory_space<hbm>>, %arg6: memref<25600xi32, #tpu.memory_space<vmem>>, %arg7: memref<5x128x32xf32, #tpu.memory_space<vmem>>, %arg8: memref<5x32x129xf32, #tpu.memory_space<vmem>>, %arg9: memref<200x32xf32, #tpu.memory_space<vmem>>, %arg10: memref<5x!tpu.dma_semaphore, #tpu.memory_space<semaphore_mem>>, %arg11: memref<5x!tpu.dma_semaphore, #tpu.memory_space<semaphore_mem>>) attributes {dimension_semantics = [#tpu.dimension_semantics<core_parallel>, #tpu.dimension_semantics<subcore_parallel>], iteration_bounds = array<i64: 2, 16>, scalar_prefetch = 0 : i64, scratch_operands = 6 : i64, tpu.core_type = #tpu.core_type<sc_vector_subcore>, window_params = [{transform_indices = #map}, {transform_indices = #map1}, {transform_indices = #map1}, {transform_indices = #map2}]} {
    %mul3A = arith.constant 2 : i32
    %mul3A_0 = arith.muli %arg1, %mul3A : i32
    %add3A = arith.addi %mul3A_0, %arg0 : i32
    %mul3A_1 = arith.constant 200 : i32
    %mul3A_2 = arith.muli %add3A, %mul3A_1 : i32
    %mul3A_3 = arith.constant 25600 : i32
    %mul3A_4 = arith.muli %add3A, %mul3A_3 : i32
    %multiple_of3A = tpu.assume_multiple %mul3A_4, 25600 : i32
    "tpu.region"() ({
      %run_scoped3A = tpu.sem_alloc : memref<!tpu.dma_semaphore, #tpu.memory_space<semaphore_mem>>
      %dma_start3A_607 = tpu.memref_slice %arg2[%multiple_of3A] : memref<819200xi32, #tpu.memory_space<hbm>> -> memref<25600xi32, #tpu.memory_space<hbm>>
      %dma_start3A_608 = tpu.memref_slice %arg2[%multiple_of3A] : memref<819200xi32, #tpu.memory_space<hbm>> -> memref<25600xi32, #tpu.memory_space<hbm>>
      tpu.enqueue_dma source(%dma_start3A_608 : memref<25600xi32, #tpu.memory_space<hbm>>) target(%arg6 : memref<25600xi32, #tpu.memory_space<vmem>>) target_semaphore(%run_scoped3A : memref<!tpu.dma_semaphore, #tpu.memory_space<semaphore_mem>>)
      %dma_wait3A_609 = tpu.memref_slice %arg2[%multiple_of3A] : memref<819200xi32, #tpu.memory_space<hbm>> -> memref<25600xi32, #tpu.memory_space<hbm>>
      %dma_wait3A_610 = tpu.memref_slice %arg2[%multiple_of3A] : memref<819200xi32, #tpu.memory_space<hbm>> -> memref<25600xi32, #tpu.memory_space<hbm>>
      tpu.wait_dma2 semaphore(%run_scoped3A : memref<!tpu.dma_semaphore, #tpu.memory_space<semaphore_mem>>) src(%dma_wait3A_610 : memref<25600xi32, #tpu.memory_space<hbm>>) dst(%arg6 : memref<25600xi32, #tpu.memory_space<vmem>>)
      tpu.yield
    }) : () -> ()
    "tpu.region"() ({
      %run_scoped3A = tpu.sem_alloc : memref<!tpu.dma_semaphore, #tpu.memory_space<semaphore_mem>>
      tpu.enqueue_dma source(%arg4 : memref<200x32xf32, #tpu.memory_space<hbm>>) target(%arg9 : memref<200x32xf32, #tpu.memory_space<vmem>>) target_semaphore(%run_scoped3A : memref<!tpu.dma_semaphore, #tpu.memory_space<semaphore_mem>>)
      tpu.wait_dma2 semaphore(%run_scoped3A : memref<!tpu.dma_semaphore, #tpu.memory_space<semaphore_mem>>) src(%arg4 : memref<200x32xf32, #tpu.memory_space<hbm>>) dst(%arg9 : memref<200x32xf32, #tpu.memory_space<vmem>>)
      tpu.yield
    }) : () -> ()
    %iota3A = tpu.iota {dimensions = array<i32: 0>} : vector<16xi32>
    %dma_start3A = arith.constant 0 : i32
    %dma_start3A_5 = arith.constant 0 : i32
    %dma_start3A_6 = arith.constant 0 : i32
    %dma_start3A_7 = arith.constant 0 : i32
    %dma_start3A_8 = tpu.memref_slice %arg7[%dma_start3A, %dma_start3A_6, %dma_start3A_7] : memref<5x128x32xf32, #tpu.memory_space<vmem>> -> memref<1x128x32xf32, #tpu.memory_space<vmem>>
    %dma_start3A_9 = tpu.memref_squeeze %dma_start3A_8 : memref<1x128x32xf32, #tpu.memory_space<vmem>> -> memref<128x32xf32, #tpu.memory_space<vmem>>
    %dma_start3A_10 = arith.constant 0 : i32
    %dma_start3A_11 = tpu.memref_slice %arg6[%dma_start3A_10] : memref<25600xi32, #tpu.memory_space<vmem>> -> memref<128xi32, #tpu.memory_space<vmem>>
    %dma_start3A_12 = arith.constant 0 : i32
    %dma_start3A_13 = arith.constant 0 : i32
    %dma_start3A_14 = tpu.memref_slice %arg3[%dma_start3A_12, %dma_start3A_13] : memref<1000000x32xf32, #tpu.memory_space<hbm>> -> memref<1000000x32xf32, #tpu.memory_space<hbm>>
    %dma_start3A_15 = tpu.memref_slice %arg10[%dma_start3A_5] : memref<5x!tpu.dma_semaphore, #tpu.memory_space<semaphore_mem>> -> memref<1x!tpu.dma_semaphore, #tpu.memory_space<semaphore_mem>>
    %dma_start3A_16 = tpu.memref_squeeze %dma_start3A_15 : memref<1x!tpu.dma_semaphore, #tpu.memory_space<semaphore_mem>> -> memref<!tpu.dma_semaphore, #tpu.memory_space<semaphore_mem>>
    tpu.enqueue_indirect_dma source(%dma_start3A_14 : memref<1000000x32xf32, #tpu.memory_space<hbm>>) target(%dma_start3A_9 : memref<128x32xf32, #tpu.memory_space<vmem>>) offsets(%dma_start3A_11 : memref<128xi32, #tpu.memory_space<vmem>>) semaphore(%dma_start3A_16 : memref<!tpu.dma_semaphore, #tpu.memory_space<semaphore_mem>>)
    %dma_start3A_17 = arith.constant 1 : i32
    %dma_start3A_18 = arith.constant 1 : i32
    %dma_start3A_19 = arith.constant 0 : i32
    %dma_start3A_20 = arith.constant 0 : i32
    %dma_start3A_21 = tpu.memref_slice %arg7[%dma_start3A_17, %dma_start3A_19, %dma_start3A_20] : memref<5x128x32xf32, #tpu.memory_space<vmem>> -> memref<1x128x32xf32, #tpu.memory_space<vmem>>
    %dma_start3A_22 = tpu.memref_squeeze %dma_start3A_21 : memref<1x128x32xf32, #tpu.memory_space<vmem>> -> memref<128x32xf32, #tpu.memory_space<vmem>>
    %dma_start3A_23 = arith.constant 128 : i32
    %dma_start3A_24 = tpu.memref_slice %arg6[%dma_start3A_23] : memref<25600xi32, #tpu.memory_space<vmem>> -> memref<128xi32, #tpu.memory_space<vmem>>
    %dma_start3A_25 = arith.constant 0 : i32
    %dma_start3A_26 = arith.constant 0 : i32
    %dma_start3A_27 = tpu.memref_slice %arg3[%dma_start3A_25, %dma_start3A_26] : memref<1000000x32xf32, #tpu.memory_space<hbm>> -> memref<1000000x32xf32, #tpu.memory_space<hbm>>
    %dma_start3A_28 = tpu.memref_slice %arg10[%dma_start3A_18] : memref<5x!tpu.dma_semaphore, #tpu.memory_space<semaphore_mem>> -> memref<1x!tpu.dma_semaphore, #tpu.memory_space<semaphore_mem>>
    %dma_start3A_29 = tpu.memref_squeeze %dma_start3A_28 : memref<1x!tpu.dma_semaphore, #tpu.memory_space<semaphore_mem>> -> memref<!tpu.dma_semaphore, #tpu.memory_space<semaphore_mem>>
    tpu.enqueue_indirect_dma source(%dma_start3A_27 : memref<1000000x32xf32, #tpu.memory_space<hbm>>) target(%dma_start3A_22 : memref<128x32xf32, #tpu.memory_space<vmem>>) offsets(%dma_start3A_24 : memref<128xi32, #tpu.memory_space<vmem>>) semaphore(%dma_start3A_29 : memref<!tpu.dma_semaphore, #tpu.memory_space<semaphore_mem>>)
    %dma_start3A_30 = arith.constant 2 : i32
    %dma_start3A_31 = arith.constant 2 : i32
    %dma_start3A_32 = arith.constant 0 : i32
    %dma_start3A_33 = arith.constant 0 : i32
    %dma_start3A_34 = tpu.memref_slice %arg7[%dma_start3A_30, %dma_start3A_32, %dma_start3A_33] : memref<5x128x32xf32, #tpu.memory_space<vmem>> -> memref<1x128x32xf32, #tpu.memory_space<vmem>>
    %dma_start3A_35 = tpu.memref_squeeze %dma_start3A_34 : memref<1x128x32xf32, #tpu.memory_space<vmem>> -> memref<128x32xf32, #tpu.memory_space<vmem>>
    %dma_start3A_36 = arith.constant 256 : i32
    %dma_start3A_37 = tpu.memref_slice %arg6[%dma_start3A_36] : memref<25600xi32, #tpu.memory_space<vmem>> -> memref<128xi32, #tpu.memory_space<vmem>>
    %dma_start3A_38 = arith.constant 0 : i32
    %dma_start3A_39 = arith.constant 0 : i32
    %dma_start3A_40 = tpu.memref_slice %arg3[%dma_start3A_38, %dma_start3A_39] : memref<1000000x32xf32, #tpu.memory_space<hbm>> -> memref<1000000x32xf32, #tpu.memory_space<hbm>>
    %dma_start3A_41 = tpu.memref_slice %arg10[%dma_start3A_31] : memref<5x!tpu.dma_semaphore, #tpu.memory_space<semaphore_mem>> -> memref<1x!tpu.dma_semaphore, #tpu.memory_space<semaphore_mem>>
    %dma_start3A_42 = tpu.memref_squeeze %dma_start3A_41 : memref<1x!tpu.dma_semaphore, #tpu.memory_space<semaphore_mem>> -> memref<!tpu.dma_semaphore, #tpu.memory_space<semaphore_mem>>
    tpu.enqueue_indirect_dma source(%dma_start3A_40 : memref<1000000x32xf32, #tpu.memory_space<hbm>>) target(%dma_start3A_35 : memref<128x32xf32, #tpu.memory_space<vmem>>) offsets(%dma_start3A_37 : memref<128xi32, #tpu.memory_space<vmem>>) semaphore(%dma_start3A_42 : memref<!tpu.dma_semaphore, #tpu.memory_space<semaphore_mem>>)
    %scan3A = arith.constant 0 : i32
    %scan3A_43 = arith.constant 0 : i32
    %scan3A_44 = arith.constant 40 : i32
    %scan3A_45 = arith.addi %scan3A_43, %scan3A_44 : i32
    %scan3A_46 = arith.constant 1 : i32
    scf.for %scan3A_607 = %scan3A_43 to %scan3A_45 step %scan3A_46  : i32 {
      %mul3A_608 = arith.constant 5 : i32
      %mul3A_609 = arith.muli %scan3A_607, %mul3A_608 : i32
      %add3A_610 = arith.constant 0 : i32
      %add3A_611 = arith.addi %mul3A_609, %add3A_610 : i32
      %add3A_612 = arith.constant 3 : i32
      %add3A_613 = arith.addi %add3A_611, %add3A_612 : i32
      %lt3A = arith.constant 200 : i32
      %lt3A_614 = arith.cmpi slt, %add3A_613, %lt3A : i32
      %convert_element_type3A = arith.extui %lt3A_614 : i1 to i32
      %cond3A = arith.constant 0 : i32
      %cond3A_615 = arith.cmpi ne, %convert_element_type3A, %cond3A : i32
      scf.if %cond3A_615 {
        %add3A_1722 = arith.constant 3 : i32
        %add3A_1723 = arith.addi %add3A_611, %add3A_1722 : i32
        %ge3A = arith.constant 5 : i32
        %ge3A_1724 = arith.cmpi sge, %add3A_1723, %ge3A : i32
        %convert_element_type3A_1725 = arith.extui %ge3A_1724 : i1 to i32
        %cond3A_1726 = arith.constant 0 : i32
        %cond3A_1727 = arith.cmpi ne, %convert_element_type3A_1725, %cond3A_1726 : i32
        scf.if %cond3A_1727 {
          %dma_wait3A_1744 = arith.constant 3 : i32
          %dma_wait3A_1745 = arith.constant 0 : i32
          %dma_wait3A_1746 = arith.constant 0 : i32
          %dma_wait3A_1747 = arith.constant 3 : i32
          %dma_wait3A_1748 = arith.constant 0 : i32
          %dma_wait3A_1749 = arith.constant 0 : i32
          %dma_wait3A_1750 = tpu.memref_slice %arg8[%dma_wait3A_1744, %dma_wait3A_1748, %dma_wait3A_1749] : memref<5x32x129xf32, #tpu.memory_space<vmem>> -> memref<1x32x129xf32, #tpu.memory_space<vmem>>
          %dma_wait3A_1751 = tpu.memref_squeeze %dma_wait3A_1750 : memref<1x32x129xf32, #tpu.memory_space<vmem>> -> memref<32x129xf32, #tpu.memory_space<vmem>>
          %dma_wait3A_1752 = arith.constant 0 : i32
          %dma_wait3A_1753 = arith.constant 0 : i32
          %dma_wait3A_1754 = tpu.memref_slice %dma_wait3A_1751[%dma_wait3A_1752, %dma_wait3A_1753] : memref<32x129xf32, #tpu.memory_space<vmem>> -> memref<8x128xf32, #tpu.memory_space<vmem>>
          %dma_wait3A_1755 = arith.constant 0 : i32
          %dma_wait3A_1756 = arith.constant 0 : i32
          %dma_wait3A_1757 = tpu.memref_slice %arg5[%dma_wait3A_1745, %dma_wait3A_1746, %dma_wait3A_1755, %dma_wait3A_1756] : memref<800x32x8x128xf32, #tpu.memory_space<hbm>> -> memref<1x1x8x128xf32, #tpu.memory_space<hbm>>
          %dma_wait3A_1758 = tpu.memref_squeeze %dma_wait3A_1757 : memref<1x1x8x128xf32, #tpu.memory_space<hbm>> -> memref<8x128xf32, #tpu.memory_space<hbm>>
          %dma_wait3A_1759 = tpu.memref_slice %arg11[%dma_wait3A_1747] : memref<5x!tpu.dma_semaphore, #tpu.memory_space<semaphore_mem>> -> memref<1x!tpu.dma_semaphore, #tpu.memory_space<semaphore_mem>>
          %dma_wait3A_1760 = tpu.memref_squeeze %dma_wait3A_1759 : memref<1x!tpu.dma_semaphore, #tpu.memory_space<semaphore_mem>> -> memref<!tpu.dma_semaphore, #tpu.memory_space<semaphore_mem>>
          %dma_wait3A_1761 = arith.constant 0 : i32
          %dma_wait3A_1762 = arith.constant 0 : i32
          %dma_wait3A_1763 = tpu.memref_slice %arg5[%dma_wait3A_1745, %dma_wait3A_1746, %dma_wait3A_1761, %dma_wait3A_1762] : memref<800x32x8x128xf32, #tpu.memory_space<hbm>> -> memref<1x1x8x128xf32, #tpu.memory_space<hbm>>
          %dma_wait3A_1764 = tpu.memref_squeeze %dma_wait3A_1763 : memref<1x1x8x128xf32, #tpu.memory_space<hbm>> -> memref<8x128xf32, #tpu.memory_space<hbm>>
          %dma_wait3A_1765 = arith.constant 0 : i32
          %dma_wait3A_1766 = arith.constant 0 : i32
          %dma_wait3A_1767 = tpu.memref_slice %arg8[%dma_wait3A_1744, %dma_wait3A_1765, %dma_wait3A_1766] : memref<5x32x129xf32, #tpu.memory_space<vmem>> -> memref<1x32x129xf32, #tpu.memory_space<vmem>>
          %dma_wait3A_1768 = tpu.memref_squeeze %dma_wait3A_1767 : memref<1x32x129xf32, #tpu.memory_space<vmem>> -> memref<32x129xf32, #tpu.memory_space<vmem>>
          %dma_wait3A_1769 = arith.constant 0 : i32
          %dma_wait3A_1770 = arith.constant 0 : i32
          %dma_wait3A_1771 = tpu.memref_slice %dma_wait3A_1768[%dma_wait3A_1769, %dma_wait3A_1770] : memref<32x129xf32, #tpu.memory_space<vmem>> -> memref<8x128xf32, #tpu.memory_space<vmem>>
          tpu.wait_dma2 semaphore(%dma_wait3A_1760 : memref<!tpu.dma_semaphore, #tpu.memory_space<semaphore_mem>>) src(%dma_wait3A_1771 : memref<8x128xf32, #tpu.memory_space<vmem>>) dst(%dma_wait3A_1764 : memref<8x128xf32, #tpu.memory_space<hbm>>)
          %dma_wait3A_1772 = arith.constant 3 : i32
          %dma_wait3A_1773 = arith.constant 0 : i32
          %dma_wait3A_1774 = arith.constant 0 : i32
          %dma_wait3A_1775 = arith.constant 3 : i32
          %dma_wait3A_1776 = arith.constant 0 : i32
          %dma_wait3A_1777 = arith.constant 0 : i32
          %dma_wait3A_1778 = tpu.memref_slice %arg8[%dma_wait3A_1772, %dma_wait3A_1776, %dma_wait3A_1777] : memref<5x32x129xf32, #tpu.memory_space<vmem>> -> memref<1x32x129xf32, #tpu.memory_space<vmem>>
          %dma_wait3A_1779 = tpu.memref_squeeze %dma_wait3A_1778 : memref<1x32x129xf32, #tpu.memory_space<vmem>> -> memref<32x129xf32, #tpu.memory_space<vmem>>
          %dma_wait3A_1780 = arith.constant 8 : i32
          %dma_wait3A_1781 = arith.constant 0 : i32
          %dma_wait3A_1782 = tpu.memref_slice %dma_wait3A_1779[%dma_wait3A_1780, %dma_wait3A_1781] : memref<32x129xf32, #tpu.memory_space<vmem>> -> memref<8x128xf32, #tpu.memory_space<vmem>>
          %dma_wait3A_1783 = arith.constant 0 : i32
          %dma_wait3A_1784 = arith.constant 0 : i32
          %dma_wait3A_1785 = tpu.memref_slice %arg5[%dma_wait3A_1773, %dma_wait3A_1774, %dma_wait3A_1783, %dma_wait3A_1784] : memref<800x32x8x128xf32, #tpu.memory_space<hbm>> -> memref<1x1x8x128xf32, #tpu.memory_space<hbm>>
          %dma_wait3A_1786 = tpu.memref_squeeze %dma_wait3A_1785 : memref<1x1x8x128xf32, #tpu.memory_space<hbm>> -> memref<8x128xf32, #tpu.memory_space<hbm>>
          %dma_wait3A_1787 = tpu.memref_slice %arg11[%dma_wait3A_1775] : memref<5x!tpu.dma_semaphore, #tpu.memory_space<semaphore_mem>> -> memref<1x!tpu.dma_semaphore, #tpu.memory_space<semaphore_mem>>
          %dma_wait3A_1788 = tpu.memref_squeeze %dma_wait3A_1787 : memref<1x!tpu.dma_semaphore, #tpu.memory_space<semaphore_mem>> -> memref<!tpu.dma_semaphore, #tpu.memory_space<semaphore_mem>>
          %dma_wait3A_1789 = arith.constant 0 : i32
          %dma_wait3A_1790 = arith.constant 0 : i32
          %dma_wait3A_1791 = tpu.memref_slice %arg5[%dma_wait3A_1773, %dma_wait3A_1774, %dma_wait3A_1789, %dma_wait3A_1790] : memref<800x32x8x128xf32, #tpu.memory_space<hbm>> -> memref<1x1x8x128xf32, #tpu.memory_space<hbm>>
          %dma_wait3A_1792 = tpu.memref_squeeze %dma_wait3A_1791 : memref<1x1x8x128xf32, #tpu.memory_space<hbm>> -> memref<8x128xf32, #tpu.memory_space<hbm>>
          %dma_wait3A_1793 = arith.constant 0 : i32
          %dma_wait3A_1794 = arith.constant 0 : i32
          %dma_wait3A_1795 = tpu.memref_slice %arg8[%dma_wait3A_1772, %dma_wait3A_1793, %dma_wait3A_1794] : memref<5x32x129xf32, #tpu.memory_space<vmem>> -> memref<1x32x129xf32, #tpu.memory_space<vmem>>
          %dma_wait3A_1796 = tpu.memref_squeeze %dma_wait3A_1795 : memref<1x32x129xf32, #tpu.memory_space<vmem>> -> memref<32x129xf32, #tpu.memory_space<vmem>>
          %dma_wait3A_1797 = arith.constant 8 : i32
          %dma_wait3A_1798 = arith.constant 0 : i32
          %dma_wait3A_1799 = tpu.memref_slice %dma_wait3A_1796[%dma_wait3A_1797, %dma_wait3A_1798] : memref<32x129xf32, #tpu.memory_space<vmem>> -> memref<8x128xf32, #tpu.memory_space<vmem>>
          tpu.wait_dma2 semaphore(%dma_wait3A_1788 : memref<!tpu.dma_semaphore, #tpu.memory_space<semaphore_mem>>) src(%dma_wait3A_1799 : memref<8x128xf32, #tpu.memory_space<vmem>>) dst(%dma_wait3A_1792 : memref<8x128xf32, #tpu.memory_space<hbm>>)
          %dma_wait3A_1800 = arith.constant 3 : i32
          %dma_wait3A_1801 = arith.constant 0 : i32
          %dma_wait3A_1802 = arith.constant 0 : i32
          %dma_wait3A_1803 = arith.constant 3 : i32
          %dma_wait3A_1804 = arith.constant 0 : i32
          %dma_wait3A_1805 = arith.constant 0 : i32
          %dma_wait3A_1806 = tpu.memref_slice %arg8[%dma_wait3A_1800, %dma_wait3A_1804, %dma_wait3A_1805] : memref<5x32x129xf32, #tpu.memory_space<vmem>> -> memref<1x32x129xf32, #tpu.memory_space<vmem>>
          %dma_wait3A_1807 = tpu.memref_squeeze %dma_wait3A_1806 : memref<1x32x129xf32, #tpu.memory_space<vmem>> -> memref<32x129xf32, #tpu.memory_space<vmem>>
          %dma_wait3A_1808 = arith.constant 16 : i32
          %dma_wait3A_1809 = arith.constant 0 : i32
          %dma_wait3A_1810 = tpu.memref_slice %dma_wait3A_1807[%dma_wait3A_1808, %dma_wait3A_1809] : memref<32x129xf32, #tpu.memory_space<vmem>> -> memref<8x128xf32, #tpu.memory_space<vmem>>
          %dma_wait3A_1811 = arith.constant 0 : i32
          %dma_wait3A_1812 = arith.constant 0 : i32
          %dma_wait3A_1813 = tpu.memref_slice %arg5[%dma_wait3A_1801, %dma_wait3A_1802, %dma_wait3A_1811, %dma_wait3A_1812] : memref<800x32x8x128xf32, #tpu.memory_space<hbm>> -> memref<1x1x8x128xf32, #tpu.memory_space<hbm>>
          %dma_wait3A_1814 = tpu.memref_squeeze %dma_wait3A_1813 : memref<1x1x8x128xf32, #tpu.memory_space<hbm>> -> memref<8x128xf32, #tpu.memory_space<hbm>>
          %dma_wait3A_1815 = tpu.memref_slice %arg11[%dma_wait3A_1803] : memref<5x!tpu.dma_semaphore, #tpu.memory_space<semaphore_mem>> -> memref<1x!tpu.dma_semaphore, #tpu.memory_space<semaphore_mem>>
          %dma_wait3A_1816 = tpu.memref_squeeze %dma_wait3A_1815 : memref<1x!tpu.dma_semaphore, #tpu.memory_space<semaphore_mem>> -> memref<!tpu.dma_semaphore, #tpu.memory_space<semaphore_mem>>
          %dma_wait3A_1817 = arith.constant 0 : i32
          %dma_wait3A_1818 = arith.constant 0 : i32
          %dma_wait3A_1819 = tpu.memref_slice %arg5[%dma_wait3A_1801, %dma_wait3A_1802, %dma_wait3A_1817, %dma_wait3A_1818] : memref<800x32x8x128xf32, #tpu.memory_space<hbm>> -> memref<1x1x8x128xf32, #tpu.memory_space<hbm>>
          %dma_wait3A_1820 = tpu.memref_squeeze %dma_wait3A_1819 : memref<1x1x8x128xf32, #tpu.memory_space<hbm>> -> memref<8x128xf32, #tpu.memory_space<hbm>>
          %dma_wait3A_1821 = arith.constant 0 : i32
          %dma_wait3A_1822 = arith.constant 0 : i32
          %dma_wait3A_1823 = tpu.memref_slice %arg8[%dma_wait3A_1800, %dma_wait3A_1821, %dma_wait3A_1822] : memref<5x32x129xf32, #tpu.memory_space<vmem>> -> memref<1x32x129xf32, #tpu.memory_space<vmem>>
          %dma_wait3A_1824 = tpu.memref_squeeze %dma_wait3A_1823 : memref<1x32x129xf32, #tpu.memory_space<vmem>> -> memref<32x129xf32, #tpu.memory_space<vmem>>
          %dma_wait3A_1825 = arith.constant 16 : i32
          %dma_wait3A_1826 = arith.constant 0 : i32
          %dma_wait3A_1827 = tpu.memref_slice %dma_wait3A_1824[%dma_wait3A_1825, %dma_wait3A_1826] : memref<32x129xf32, #tpu.memory_space<vmem>> -> memref<8x128xf32, #tpu.memory_space<vmem>>
          tpu.wait_dma2 semaphore(%dma_wait3A_1816 : memref<!tpu.dma_semaphore, #tpu.memory_space<semaphore_mem>>) src(%dma_wait3A_1827 : memref<8x128xf32, #tpu.memory_space<vmem>>) dst(%dma_wait3A_1820 : memref<8x128xf32, #tpu.memory_space<hbm>>)
          %dma_wait3A_1828 = arith.constant 3 : i32
          %dma_wait3A_1829 = arith.constant 0 : i32
          %dma_wait3A_1830 = arith.constant 0 : i32
          %dma_wait3A_1831 = arith.constant 3 : i32
          %dma_wait3A_1832 = arith.constant 0 : i32
          %dma_wait3A_1833 = arith.constant 0 : i32
          %dma_wait3A_1834 = tpu.memref_slice %arg8[%dma_wait3A_1828, %dma_wait3A_1832, %dma_wait3A_1833] : memref<5x32x129xf32, #tpu.memory_space<vmem>> -> memref<1x32x129xf32, #tpu.memory_space<vmem>>
          %dma_wait3A_1835 = tpu.memref_squeeze %dma_wait3A_1834 : memref<1x32x129xf32, #tpu.memory_space<vmem>> -> memref<32x129xf32, #tpu.memory_space<vmem>>
          %dma_wait3A_1836 = arith.constant 24 : i32
          %dma_wait3A_1837 = arith.constant 0 : i32
          %dma_wait3A_1838 = tpu.memref_slice %dma_wait3A_1835[%dma_wait3A_1836, %dma_wait3A_1837] : memref<32x129xf32, #tpu.memory_space<vmem>> -> memref<8x128xf32, #tpu.memory_space<vmem>>
          %dma_wait3A_1839 = arith.constant 0 : i32
          %dma_wait3A_1840 = arith.constant 0 : i32
          %dma_wait3A_1841 = tpu.memref_slice %arg5[%dma_wait3A_1829, %dma_wait3A_1830, %dma_wait3A_1839, %dma_wait3A_1840] : memref<800x32x8x128xf32, #tpu.memory_space<hbm>> -> memref<1x1x8x128xf32, #tpu.memory_space<hbm>>
          %dma_wait3A_1842 = tpu.memref_squeeze %dma_wait3A_1841 : memref<1x1x8x128xf32, #tpu.memory_space<hbm>> -> memref<8x128xf32, #tpu.memory_space<hbm>>
          %dma_wait3A_1843 = tpu.memref_slice %arg11[%dma_wait3A_1831] : memref<5x!tpu.dma_semaphore, #tpu.memory_space<semaphore_mem>> -> memref<1x!tpu.dma_semaphore, #tpu.memory_space<semaphore_mem>>
          %dma_wait3A_1844 = tpu.memref_squeeze %dma_wait3A_1843 : memref<1x!tpu.dma_semaphore, #tpu.memory_space<semaphore_mem>> -> memref<!tpu.dma_semaphore, #tpu.memory_space<semaphore_mem>>
          %dma_wait3A_1845 = arith.constant 0 : i32
          %dma_wait3A_1846 = arith.constant 0 : i32
          %dma_wait3A_1847 = tpu.memref_slice %arg5[%dma_wait3A_1829, %dma_wait3A_1830, %dma_wait3A_1845, %dma_wait3A_1846] : memref<800x32x8x128xf32, #tpu.memory_space<hbm>> -> memref<1x1x8x128xf32, #tpu.memory_space<hbm>>
          %dma_wait3A_1848 = tpu.memref_squeeze %dma_wait3A_1847 : memref<1x1x8x128xf32, #tpu.memory_space<hbm>> -> memref<8x128xf32, #tpu.memory_space<hbm>>
          %dma_wait3A_1849 = arith.constant 0 : i32
          %dma_wait3A_1850 = arith.constant 0 : i32
          %dma_wait3A_1851 = tpu.memref_slice %arg8[%dma_wait3A_1828, %dma_wait3A_1849, %dma_wait3A_1850] : memref<5x32x129xf32, #tpu.memory_space<vmem>> -> memref<1x32x129xf32, #tpu.memory_space<vmem>>
          %dma_wait3A_1852 = tpu.memref_squeeze %dma_wait3A_1851 : memref<1x32x129xf32, #tpu.memory_space<vmem>> -> memref<32x129xf32, #tpu.memory_space<vmem>>
          %dma_wait3A_1853 = arith.constant 24 : i32
          %dma_wait3A_1854 = arith.constant 0 : i32
          %dma_wait3A_1855 = tpu.memref_slice %dma_wait3A_1852[%dma_wait3A_1853, %dma_wait3A_1854] : memref<32x129xf32, #tpu.memory_space<vmem>> -> memref<8x128xf32, #tpu.memory_space<vmem>>
          tpu.wait_dma2 semaphore(%dma_wait3A_1844 : memref<!tpu.dma_semaphore, #tpu.memory_space<semaphore_mem>>) src(%dma_wait3A_1855 : memref<8x128xf32, #tpu.memory_space<vmem>>) dst(%dma_wait3A_1848 : memref<8x128xf32, #tpu.memory_space<hbm>>)
        } else {
        }
        %add3A_1728 = arith.constant 3 : i32
        %add3A_1729 = arith.addi %add3A_611, %add3A_1728 : i32
        %mul3A_1730 = arith.constant 128 : i32
        %mul3A_1731 = arith.muli %add3A_1729, %mul3A_1730 : i32
        %dma_start3A_1732 = arith.constant 3 : i32
        %dma_start3A_1733 = arith.constant 3 : i32
        %dma_start3A_1734 = arith.constant 0 : i32
        %dma_start3A_1735 = arith.constant 0 : i32
        %dma_start3A_1736 = tpu.memref_slice %arg7[%dma_start3A_1732, %dma_start3A_1734, %dma_start3A_1735] : memref<5x128x32xf32, #tpu.memory_space<vmem>> -> memref<1x128x32xf32, #tpu.memory_space<vmem>>
        %dma_start3A_1737 = tpu.memref_squeeze %dma_start3A_1736 : memref<1x128x32xf32, #tpu.memory_space<vmem>> -> memref<128x32xf32, #tpu.memory_space<vmem>>
        %dma_start3A_1738 = tpu.memref_slice %arg6[%mul3A_1731] : memref<25600xi32, #tpu.memory_space<vmem>> -> memref<128xi32, #tpu.memory_space<vmem>>
        %dma_start3A_1739 = arith.constant 0 : i32
        %dma_start3A_1740 = arith.constant 0 : i32
        %dma_start3A_1741 = tpu.memref_slice %arg3[%dma_start3A_1739, %dma_start3A_1740] : memref<1000000x32xf32, #tpu.memory_space<hbm>> -> memref<1000000x32xf32, #tpu.memory_space<hbm>>
        %dma_start3A_1742 = tpu.memref_slice %arg10[%dma_start3A_1733] : memref<5x!tpu.dma_semaphore, #tpu.memory_space<semaphore_mem>> -> memref<1x!tpu.dma_semaphore, #tpu.memory_space<semaphore_mem>>
        %dma_start3A_1743 = tpu.memref_squeeze %dma_start3A_1742 : memref<1x!tpu.dma_semaphore, #tpu.memory_space<semaphore_mem>> -> memref<!tpu.dma_semaphore, #tpu.memory_space<semaphore_mem>>
        tpu.enqueue_indirect_dma source(%dma_start3A_1741 : memref<1000000x32xf32, #tpu.memory_space<hbm>>) target(%dma_start3A_1737 : memref<128x32xf32, #tpu.memory_space<vmem>>) offsets(%dma_start3A_1738 : memref<128xi32, #tpu.memory_space<vmem>>) semaphore(%dma_start3A_1743 : memref<!tpu.dma_semaphore, #tpu.memory_space<semaphore_mem>>)
      } else {
      }
      %dma_wait3A_616 = arith.constant 0 : i32
      %dma_wait3A_617 = arith.constant 0 : i32
      %dma_wait3A_618 = arith.constant 0 : i32
      %dma_wait3A_619 = arith.constant 0 : i32
      %dma_wait3A_620 = tpu.memref_slice %arg7[%dma_wait3A_616, %dma_wait3A_618, %dma_wait3A_619] : memref<5x128x32xf32, #tpu.memory_space<vmem>> -> memref<1x128x32xf32, #tpu.memory_space<vmem>>
      %dma_wait3A_621 = tpu.memref_squeeze %dma_wait3A_620 : memref<1x128x32xf32, #tpu.memory_space<vmem>> -> memref<128x32xf32, #tpu.memory_space<vmem>>
      %dma_wait3A_622 = arith.constant 0 : i32
      %dma_wait3A_623 = arith.constant 0 : i32
      %dma_wait3A_624 = tpu.memref_slice %arg3[%dma_wait3A_622, %dma_wait3A_623] : memref<1000000x32xf32, #tpu.memory_space<hbm>> -> memref<128x32xf32, #tpu.memory_space<hbm>>
      %dma_wait3A_625 = tpu.memref_slice %arg10[%dma_wait3A_617] : memref<5x!tpu.dma_semaphore, #tpu.memory_space<semaphore_mem>> -> memref<1x!tpu.dma_semaphore, #tpu.memory_space<semaphore_mem>>
      %dma_wait3A_626 = tpu.memref_squeeze %dma_wait3A_625 : memref<1x!tpu.dma_semaphore, #tpu.memory_space<semaphore_mem>> -> memref<!tpu.dma_semaphore, #tpu.memory_space<semaphore_mem>>
      %dma_wait3A_627 = arith.constant 0 : i32
      %dma_wait3A_628 = arith.constant 0 : i32
      %dma_wait3A_629 = tpu.memref_slice %arg7[%dma_wait3A_616, %dma_wait3A_627, %dma_wait3A_628] : memref<5x128x32xf32, #tpu.memory_space<vmem>> -> memref<1x128x32xf32, #tpu.memory_space<vmem>>
      %dma_wait3A_630 = tpu.memref_squeeze %dma_wait3A_629 : memref<1x128x32xf32, #tpu.memory_space<vmem>> -> memref<128x32xf32, #tpu.memory_space<vmem>>
      %dma_wait3A_631 = arith.constant 0 : i32
      %dma_wait3A_632 = arith.constant 0 : i32
      %dma_wait3A_633 = tpu.memref_slice %arg3[%dma_wait3A_631, %dma_wait3A_632] : memref<1000000x32xf32, #tpu.memory_space<hbm>> -> memref<128x32xf32, #tpu.memory_space<hbm>>
      tpu.wait_dma2 semaphore(%dma_wait3A_626 : memref<!tpu.dma_semaphore, #tpu.memory_space<semaphore_mem>>) src(%dma_wait3A_633 : memref<128x32xf32, #tpu.memory_space<hbm>>) dst(%dma_wait3A_630 : memref<128x32xf32, #tpu.memory_space<vmem>>)
      %add3A_634 = arith.addi %mul3A_2, %add3A_611 : i32
      %jit3A = arith.constant 32 : i32
      %div3A = arith.divsi %add3A_634, %jit3A : i32
      %sign3A = arith.constant 0 : i32
      %sign3A_635 = arith.cmpi sgt, %add3A_634, %sign3A : i32
      %sign3A_636 = arith.extui %sign3A_635 : i1 to i32
      %sign3A_637 = arith.constant 0 : i32
      %sign3A_638 = arith.cmpi slt, %add3A_634, %sign3A_637 : i32
      %sign3A_639 = arith.extui %sign3A_638 : i1 to i32
      %sign3A_640 = arith.subi %sign3A_636, %sign3A_639 : i32
      %sign3A_641 = arith.constant 0 : i32
      %sign3A_642 = arith.cmpi sgt, %jit3A, %sign3A_641 : i32
      %sign3A_643 = arith.extui %sign3A_642 : i1 to i32
      %sign3A_644 = arith.constant 0 : i32
      %sign3A_645 = arith.cmpi slt, %jit3A, %sign3A_644 : i32
      %sign3A_646 = arith.extui %sign3A_645 : i1 to i32
      %sign3A_647 = arith.subi %sign3A_643, %sign3A_646 : i32
      %ne3A = arith.cmpi ne, %sign3A_640, %sign3A_647 : i32
      %rem3A = arith.remsi %add3A_634, %jit3A : i32
      %ne3A_648 = arith.constant 0 : i32
      %ne3A_649 = arith.cmpi ne, %rem3A, %ne3A_648 : i32
      %and3A = arith.andi %ne3A, %ne3A_649 : i1
      %sub3A = arith.constant 1 : i32
      %sub3A_650 = arith.subi %div3A, %sub3A : i32
      %select_n3A = arith.select %and3A, %sub3A_650, %div3A : i32
      %get3A = arith.index_cast %select_n3A : i32 to index
      %get3A_651 = arith.constant 0 : index
      %get3A_652 = tpu.vector_load %arg9[%get3A, %get3A_651] {strides = array<i32>} : memref<200x32xf32, #tpu.memory_space<vmem>>, vector<16xf32>,
      %get3A_653 = arith.index_cast %select_n3A : i32 to index
      %get3A_654 = arith.constant 16 : index
      %get3A_655 = tpu.vector_load %arg9[%get3A_653, %get3A_654] {strides = array<i32>} : memref<200x32xf32, #tpu.memory_space<vmem>>, vector<16xf32>,
      %scan3A_656 = arith.constant 0 : i32
      %scan3A_657 = arith.constant 0 : i32
      %scan3A_658 = arith.constant 16 : i32
      %scan3A_659 = arith.addi %scan3A_657, %scan3A_658 : i32
      %scan3A_660 = arith.constant 1 : i32
      scf.for %scan3A_1722 = %scan3A_657 to %scan3A_659 step %scan3A_660  : i32 {
        %mul3A_1723 = arith.constant 8 : i32
        %mul3A_1724 = arith.muli %scan3A_1722, %mul3A_1723 : i32
        %add3A_1725 = arith.constant 0 : i32
        %add3A_1726 = arith.addi %mul3A_1724, %add3A_1725 : i32
        %broadcast_in_dim3A = arith.constant 0 : i32
        %broadcast_in_dim3A_1727 = vector.broadcast %broadcast_in_dim3A : i32 to vector<16xi32>
        %add3A_1728 = vector.broadcast %add3A_1726 : i32 to vector<16xi32>
        %add3A_1729 = arith.addi %broadcast_in_dim3A_1727, %add3A_1728 : vector<16xi32>
        %get3A_1730 = arith.constant 0 : i32
        %get3A_1731 = arith.index_cast %get3A_1730 : i32 to index
        %get3A_1732 = arith.index_cast %add3A_1726 : i32 to index
        %get3A_1733 = arith.constant 0 : index
        %get3A_1734 = tpu.vector_load %arg7[%get3A_1731, %get3A_1732, %get3A_1733] {strides = array<i32>} : memref<5x128x32xf32, #tpu.memory_space<vmem>>, vector<16xf32>,
        %add3A_1735 = arith.addf %get3A_1734, %get3A_652 : vector<16xf32>
        %get3A_1736 = arith.constant 0 : i32
        %get3A_1737 = arith.index_cast %get3A_1736 : i32 to index
        %get3A_1738 = arith.index_cast %add3A_1726 : i32 to index
        %get3A_1739 = arith.constant 16 : index
        %get3A_1740 = tpu.vector_load %arg7[%get3A_1737, %get3A_1738, %get3A_1739] {strides = array<i32>} : memref<5x128x32xf32, #tpu.memory_space<vmem>>, vector<16xf32>,
        %add3A_1741 = arith.addf %get3A_1740, %get3A_655 : vector<16xf32>
        %scatter3A = arith.constant 0 : i32
        %scatter3A_1742 = arith.constant 0 : i32
        %scatter3A_1743 = arith.constant 0 : i32
        %scatter3A_1744 = tpu.memref_slice %arg8[%scatter3A, %scatter3A_1742, %scatter3A_1743] : memref<5x32x129xf32, #tpu.memory_space<vmem>> -> memref<1x32x129xf32, #tpu.memory_space<vmem>>
        %scatter3A_1745 = tpu.memref_squeeze %scatter3A_1744 : memref<1x32x129xf32, #tpu.memory_space<vmem>> -> memref<32x129xf32, #tpu.memory_space<vmem>>
        tpu.vector_store_idx %scatter3A_1745[%iota3A, %add3A_1729], %add3A_1735 : memref<32x129xf32, #tpu.memory_space<vmem>>[vector<16xi32>, vector<16xi32>], vector<16xf32>,
        %add3A_1746 = arith.constant 16 : i32
        %add3A_1747 = vector.broadcast %add3A_1746 : i32 to vector<16xi32>
        %add3A_1748 = arith.addi %iota3A, %add3A_1747 : vector<16xi32>
        %scatter3A_1749 = arith.constant 0 : i32
        %scatter3A_1750 = arith.constant 0 : i32
        %scatter3A_1751 = arith.constant 0 : i32
        %scatter3A_1752 = tpu.memref_slice %arg8[%scatter3A_1749, %scatter3A_1750, %scatter3A_1751] : memref<5x32x129xf32, #tpu.memory_space<vmem>> -> memref<1x32x129xf32, #tpu.memory_space<vmem>>
        %scatter3A_1753 = tpu.memref_squeeze %scatter3A_1752 : memref<1x32x129xf32, #tpu.memory_space<vmem>> -> memref<32x129xf32, #tpu.memory_space<vmem>>
        tpu.vector_store_idx %scatter3A_1753[%add3A_1748, %add3A_1729], %add3A_1741 : memref<32x129xf32, #tpu.memory_space<vmem>>[vector<16xi32>, vector<16xi32>], vector<16xf32>,
        %mul3A_1754 = arith.constant 8 : i32
        %mul3A_1755 = arith.muli %scan3A_1722, %mul3A_1754 : i32
        %add3A_1756 = arith.constant 1 : i32
        %add3A_1757 = arith.addi %mul3A_1755, %add3A_1756 : i32
        %broadcast_in_dim3A_1758 = arith.constant 0 : i32
        %broadcast_in_dim3A_1759 = vector.broadcast %broadcast_in_dim3A_1758 : i32 to vector<16xi32>
        %add3A_1760 = vector.broadcast %add3A_1757 : i32 to vector<16xi32>
        %add3A_1761 = arith.addi %broadcast_in_dim3A_1759, %add3A_1760 : vector<16xi32>
        %get3A_1762 = arith.constant 0 : i32
        %get3A_1763 = arith.index_cast %get3A_1762 : i32 to index
        %get3A_1764 = arith.index_cast %add3A_1757 : i32 to index
        %get3A_1765 = arith.constant 0 : index
        %get3A_1766 = tpu.vector_load %arg7[%get3A_1763, %get3A_1764, %get3A_1765] {strides = array<i32>} : memref<5x128x32xf32, #tpu.memory_space<vmem>>, vector<16xf32>,
        %add3A_1767 = arith.addf %get3A_1766, %get3A_652 : vector<16xf32>
        %get3A_1768 = arith.constant 0 : i32
        %get3A_1769 = arith.index_cast %get3A_1768 : i32 to index
        %get3A_1770 = arith.index_cast %add3A_1757 : i32 to index
        %get3A_1771 = arith.constant 16 : index
        %get3A_1772 = tpu.vector_load %arg7[%get3A_1769, %get3A_1770, %get3A_1771] {strides = array<i32>} : memref<5x128x32xf32, #tpu.memory_space<vmem>>, vector<16xf32>,
        %add3A_1773 = arith.addf %get3A_1772, %get3A_655 : vector<16xf32>
        %scatter3A_1774 = arith.constant 0 : i32
        %scatter3A_1775 = arith.constant 0 : i32
        %scatter3A_1776 = arith.constant 0 : i32
        %scatter3A_1777 = tpu.memref_slice %arg8[%scatter3A_1774, %scatter3A_1775, %scatter3A_1776] : memref<5x32x129xf32, #tpu.memory_space<vmem>> -> memref<1x32x129xf32, #tpu.memory_space<vmem>>
        %scatter3A_1778 = tpu.memref_squeeze %scatter3A_1777 : memref<1x32x129xf32, #tpu.memory_space<vmem>> -> memref<32x129xf32, #tpu.memory_space<vmem>>
        tpu.vector_store_idx %scatter3A_1778[%iota3A, %add3A_1761], %add3A_1767 : memref<32x129xf32, #tpu.memory_space<vmem>>[vector<16xi32>, vector<16xi32>], vector<16xf32>,
        %add3A_1779 = arith.constant 16 : i32
        %add3A_1780 = vector.broadcast %add3A_1779 : i32 to vector<16xi32>
        %add3A_1781 = arith.addi %iota3A, %add3A_1780 : vector<16xi32>
        %scatter3A_1782 = arith.constant 0 : i32
        %scatter3A_1783 = arith.constant 0 : i32
        %scatter3A_1784 = arith.constant 0 : i32
        %scatter3A_1785 = tpu.memref_slice %arg8[%scatter3A_1782, %scatter3A_1783, %scatter3A_1784] : memref<5x32x129xf32, #tpu.memory_space<vmem>> -> memref<1x32x129xf32, #tpu.memory_space<vmem>>
        %scatter3A_1786 = tpu.memref_squeeze %scatter3A_1785 : memref<1x32x129xf32, #tpu.memory_space<vmem>> -> memref<32x129xf32, #tpu.memory_space<vmem>>
        tpu.vector_store_idx %scatter3A_1786[%add3A_1781, %add3A_1761], %add3A_1773 : memref<32x129xf32, #tpu.memory_space<vmem>>[vector<16xi32>, vector<16xi32>], vector<16xf32>,
        %mul3A_1787 = arith.constant 8 : i32
        %mul3A_1788 = arith.muli %scan3A_1722, %mul3A_1787 : i32
        %add3A_1789 = arith.constant 2 : i32
        %add3A_1790 = arith.addi %mul3A_1788, %add3A_1789 : i32
        %broadcast_in_dim3A_1791 = arith.constant 0 : i32
        %broadcast_in_dim3A_1792 = vector.broadcast %broadcast_in_dim3A_1791 : i32 to vector<16xi32>
        %add3A_1793 = vector.broadcast %add3A_1790 : i32 to vector<16xi32>
        %add3A_1794 = arith.addi %broadcast_in_dim3A_1792, %add3A_1793 : vector<16xi32>
        %get3A_1795 = arith.constant 0 : i32
        %get3A_1796 = arith.index_cast %get3A_1795 : i32 to index
        %get3A_1797 = arith.index_cast %add3A_1790 : i32 to index
        %get3A_1798 = arith.constant 0 : index
        %get3A_1799 = tpu.vector_load %arg7[%get3A_1796, %get3A_1797, %get3A_1798] {strides = array<i32>} : memref<5x128x32xf32, #tpu.memory_space<vmem>>, vector<16xf32>,
        %add3A_1800 = arith.addf %get3A_1799, %get3A_652 : vector<16xf32>
        %get3A_1801 = arith.constant 0 : i32
        %get3A_1802 = arith.index_cast %get3A_1801 : i32 to index
        %get3A_1803 = arith.index_cast %add3A_1790 : i32 to index
        %get3A_1804 = arith.constant 16 : index
        %get3A_1805 = tpu.vector_load %arg7[%get3A_1802, %get3A_1803, %get3A_1804] {strides = array<i32>} : memref<5x128x32xf32, #tpu.memory_space<vmem>>, vector<16xf32>,
        %add3A_1806 = arith.addf %get3A_1805, %get3A_655 : vector<16xf32>
        %scatter3A_1807 = arith.constant 0 : i32
        %scatter3A_1808 = arith.constant 0 : i32
        %scatter3A_1809 = arith.constant 0 : i32
        %scatter3A_1810 = tpu.memref_slice %arg8[%scatter3A_1807, %scatter3A_1808, %scatter3A_1809] : memref<5x32x129xf32, #tpu.memory_space<vmem>> -> memref<1x32x129xf32, #tpu.memory_space<vmem>>
        %scatter3A_1811 = tpu.memref_squeeze %scatter3A_1810 : memref<1x32x129xf32, #tpu.memory_space<vmem>> -> memref<32x129xf32, #tpu.memory_space<vmem>>
        tpu.vector_store_idx %scatter3A_1811[%iota3A, %add3A_1794], %add3A_1800 : memref<32x129xf32, #tpu.memory_space<vmem>>[vector<16xi32>, vector<16xi32>], vector<16xf32>,
        %add3A_1812 = arith.constant 16 : i32
        %add3A_1813 = vector.broadcast %add3A_1812 : i32 to vector<16xi32>
        %add3A_1814 = arith.addi %iota3A, %add3A_1813 : vector<16xi32>
        %scatter3A_1815 = arith.constant 0 : i32
        %scatter3A_1816 = arith.constant 0 : i32
        %scatter3A_1817 = arith.constant 0 : i32
        %scatter3A_1818 = tpu.memref_slice %arg8[%scatter3A_1815, %scatter3A_1816, %scatter3A_1817] : memref<5x32x129xf32, #tpu.memory_space<vmem>> -> memref<1x32x129xf32, #tpu.memory_space<vmem>>
        %scatter3A_1819 = tpu.memref_squeeze %scatter3A_1818 : memref<1x32x129xf32, #tpu.memory_space<vmem>> -> memref<32x129xf32, #tpu.memory_space<vmem>>
        tpu.vector_store_idx %scatter3A_1819[%add3A_1814, %add3A_1794], %add3A_1806 : memref<32x129xf32, #tpu.memory_space<vmem>>[vector<16xi32>, vector<16xi32>], vector<16xf32>,
        %mul3A_1820 = arith.constant 8 : i32
        %mul3A_1821 = arith.muli %scan3A_1722, %mul3A_1820 : i32
        %add3A_1822 = arith.constant 3 : i32
        %add3A_1823 = arith.addi %mul3A_1821, %add3A_1822 : i32
        %broadcast_in_dim3A_1824 = arith.constant 0 : i32
        %broadcast_in_dim3A_1825 = vector.broadcast %broadcast_in_dim3A_1824 : i32 to vector<16xi32>
        %add3A_1826 = vector.broadcast %add3A_1823 : i32 to vector<16xi32>
        %add3A_1827 = arith.addi %broadcast_in_dim3A_1825, %add3A_1826 : vector<16xi32>
        %get3A_1828 = arith.constant 0 : i32
        %get3A_1829 = arith.index_cast %get3A_1828 : i32 to index
        %get3A_1830 = arith.index_cast %add3A_1823 : i32 to index
        %get3A_1831 = arith.constant 0 : index
        %get3A_1832 = tpu.vector_load %arg7[%get3A_1829, %get3A_1830, %get3A_1831] {strides = array<i32>} : memref<5x128x32xf32, #tpu.memory_space<vmem>>, vector<16xf32>,
        %add3A_1833 = arith.addf %get3A_1832, %get3A_652 : vector<16xf32>
        %get3A_1834 = arith.constant 0 : i32
        %get3A_1835 = arith.index_cast %get3A_1834 : i32 to index
        %get3A_1836 = arith.index_cast %add3A_1823 : i32 to index
        %get3A_1837 = arith.constant 16 : index
        %get3A_1838 = tpu.vector_load %arg7[%get3A_1835, %get3A_1836, %get3A_1837] {strides = array<i32>} : memref<5x128x32xf32, #tpu.memory_space<vmem>>, vector<16xf32>,
        %add3A_1839 = arith.addf %get3A_1838, %get3A_655 : vector<16xf32>
        %scatter3A_1840 = arith.constant 0 : i32
        %scatter3A_1841 = arith.constant 0 : i32
        %scatter3A_1842 = arith.constant 0 : i32
        %scatter3A_1843 = tpu.memref_slice %arg8[%scatter3A_1840, %scatter3A_1841, %scatter3A_1842] : memref<5x32x129xf32, #tpu.memory_space<vmem>> -> memref<1x32x129xf32, #tpu.memory_space<vmem>>
        %scatter3A_1844 = tpu.memref_squeeze %scatter3A_1843 : memref<1x32x129xf32, #tpu.memory_space<vmem>> -> memref<32x129xf32, #tpu.memory_space<vmem>>
        tpu.vector_store_idx %scatter3A_1844[%iota3A, %add3A_1827], %add3A_1833 : memref<32x129xf32, #tpu.memory_space<vmem>>[vector<16xi32>, vector<16xi32>], vector<16xf32>,
        %add3A_1845 = arith.constant 16 : i32
        %add3A_1846 = vector.broadcast %add3A_1845 : i32 to vector<16xi32>
        %add3A_1847 = arith.addi %iota3A, %add3A_1846 : vector<16xi32>
        %scatter3A_1848 = arith.constant 0 : i32
        %scatter3A_1849 = arith.constant 0 : i32
        %scatter3A_1850 = arith.constant 0 : i32
        %scatter3A_1851 = tpu.memref_slice %arg8[%scatter3A_1848, %scatter3A_1849, %scatter3A_1850] : memref<5x32x129xf32, #tpu.memory_space<vmem>> -> memref<1x32x129xf32, #tpu.memory_space<vmem>>
        %scatter3A_1852 = tpu.memref_squeeze %scatter3A_1851 : memref<1x32x129xf32, #tpu.memory_space<vmem>> -> memref<32x129xf32, #tpu.memory_space<vmem>>
        tpu.vector_store_idx %scatter3A_1852[%add3A_1847, %add3A_1827], %add3A_1839 : memref<32x129xf32, #tpu.memory_space<vmem>>[vector<16xi32>, vector<16xi32>], vector<16xf32>,
        %mul3A_1853 = arith.constant 8 : i32
        %mul3A_1854 = arith.muli %scan3A_1722, %mul3A_1853 : i32
        %add3A_1855 = arith.constant 4 : i32
        %add3A_1856 = arith.addi %mul3A_1854, %add3A_1855 : i32
        %broadcast_in_dim3A_1857 = arith.constant 0 : i32
        %broadcast_in_dim3A_1858 = vector.broadcast %broadcast_in_dim3A_1857 : i32 to vector<16xi32>
        %add3A_1859 = vector.broadcast %add3A_1856 : i32 to vector<16xi32>
        %add3A_1860 = arith.addi %broadcast_in_dim3A_1858, %add3A_1859 : vector<16xi32>
        %get3A_1861 = arith.constant 0 : i32
        %get3A_1862 = arith.index_cast %get3A_1861 : i32 to index
        %get3A_1863 = arith.index_cast %add3A_1856 : i32 to index
        %get3A_1864 = arith.constant 0 : index
        %get3A_1865 = tpu.vector_load %arg7[%get3A_1862, %get3A_1863, %get3A_1864] {strides = array<i32>} : memref<5x128x32xf32, #tpu.memory_space<vmem>>, vector<16xf32>,
        %add3A_1866 = arith.addf %get3A_1865, %get3A_652 : vector<16xf32>
        %get3A_1867 = arith.constant 0 : i32
        %get3A_1868 = arith.index_cast %get3A_1867 : i32 to index
        %get3A_1869 = arith.index_cast %add3A_1856 : i32 to index
        %get3A_1870 = arith.constant 16 : index
        %get3A_1871 = tpu.vector_load %arg7[%get3A_1868, %get3A_1869, %get3A_1870] {strides = array<i32>} : memref<5x128x32xf32, #tpu.memory_space<vmem>>, vector<16xf32>,
        %add3A_1872 = arith.addf %get3A_1871, %get3A_655 : vector<16xf32>
        %scatter3A_1873 = arith.constant 0 : i32
        %scatter3A_1874 = arith.constant 0 : i32
        %scatter3A_1875 = arith.constant 0 : i32
        %scatter3A_1876 = tpu.memref_slice %arg8[%scatter3A_1873, %scatter3A_1874, %scatter3A_1875] : memref<5x32x129xf32, #tpu.memory_space<vmem>> -> memref<1x32x129xf32, #tpu.memory_space<vmem>>
        %scatter3A_1877 = tpu.memref_squeeze %scatter3A_1876 : memref<1x32x129xf32, #tpu.memory_space<vmem>> -> memref<32x129xf32, #tpu.memory_space<vmem>>
        tpu.vector_store_idx %scatter3A_1877[%iota3A, %add3A_1860], %add3A_1866 : memref<32x129xf32, #tpu.memory_space<vmem>>[vector<16xi32>, vector<16xi32>], vector<16xf32>,
        %add3A_1878 = arith.constant 16 : i32
        %add3A_1879 = vector.broadcast %add3A_1878 : i32 to vector<16xi32>
        %add3A_1880 = arith.addi %iota3A, %add3A_1879 : vector<16xi32>
        %scatter3A_1881 = arith.constant 0 : i32
        %scatter3A_1882 = arith.constant 0 : i32
        %scatter3A_1883 = arith.constant 0 : i32
        %scatter3A_1884 = tpu.memref_slice %arg8[%scatter3A_1881, %scatter3A_1882, %scatter3A_1883] : memref<5x32x129xf32, #tpu.memory_space<vmem>> -> memref<1x32x129xf32, #tpu.memory_space<vmem>>
        %scatter3A_1885 = tpu.memref_squeeze %scatter3A_1884 : memref<1x32x129xf32, #tpu.memory_space<vmem>> -> memref<32x129xf32, #tpu.memory_space<vmem>>
        tpu.vector_store_idx %scatter3A_1885[%add3A_1880, %add3A_1860], %add3A_1872 : memref<32x129xf32, #tpu.memory_space<vmem>>[vector<16xi32>, vector<16xi32>], vector<16xf32>,
        %mul3A_1886 = arith.constant 8 : i32
        %mul3A_1887 = arith.muli %scan3A_1722, %mul3A_1886 : i32
        %add3A_1888 = arith.constant 5 : i32
        %add3A_1889 = arith.addi %mul3A_1887, %add3A_1888 : i32
        %broadcast_in_dim3A_1890 = arith.constant 0 : i32
        %broadcast_in_dim3A_1891 = vector.broadcast %broadcast_in_dim3A_1890 : i32 to vector<16xi32>
        %add3A_1892 = vector.broadcast %add3A_1889 : i32 to vector<16xi32>
        %add3A_1893 = arith.addi %broadcast_in_dim3A_1891, %add3A_1892 : vector<16xi32>
        %get3A_1894 = arith.constant 0 : i32
        %get3A_1895 = arith.index_cast %get3A_1894 : i32 to index
        %get3A_1896 = arith.index_cast %add3A_1889 : i32 to index
        %get3A_1897 = arith.constant 0 : index
        %get3A_1898 = tpu.vector_load %arg7[%get3A_1895, %get3A_1896, %get3A_1897] {strides = array<i32>} : memref<5x128x32xf32, #tpu.memory_space<vmem>>, vector<16xf32>,
        %add3A_1899 = arith.addf %get3A_1898, %get3A_652 : vector<16xf32>
        %get3A_1900 = arith.constant 0 : i32
        %get3A_1901 = arith.index_cast %get3A_1900 : i32 to index
        %get3A_1902 = arith.index_cast %add3A_1889 : i32 to index
        %get3A_1903 = arith.constant 16 : index
        %get3A_1904 = tpu.vector_load %arg7[%get3A_1901, %get3A_1902, %get3A_1903] {strides = array<i32>} : memref<5x128x32xf32, #tpu.memory_space<vmem>>, vector<16xf32>,
        %add3A_1905 = arith.addf %get3A_1904, %get3A_655 : vector<16xf32>
        %scatter3A_1906 = arith.constant 0 : i32
        %scatter3A_1907 = arith.constant 0 : i32
        %scatter3A_1908 = arith.constant 0 : i32
        %scatter3A_1909 = tpu.memref_slice %arg8[%scatter3A_1906, %scatter3A_1907, %scatter3A_1908] : memref<5x32x129xf32, #tpu.memory_space<vmem>> -> memref<1x32x129xf32, #tpu.memory_space<vmem>>
        %scatter3A_1910 = tpu.memref_squeeze %scatter3A_1909 : memref<1x32x129xf32, #tpu.memory_space<vmem>> -> memref<32x129xf32, #tpu.memory_space<vmem>>
        tpu.vector_store_idx %scatter3A_1910[%iota3A, %add3A_1893], %add3A_1899 : memref<32x129xf32, #tpu.memory_space<vmem>>[vector<16xi32>, vector<16xi32>], vector<16xf32>,
        %add3A_1911 = arith.constant 16 : i32
        %add3A_1912 = vector.broadcast %add3A_1911 : i32 to vector<16xi32>
        %add3A_1913 = arith.addi %iota3A, %add3A_1912 : vector<16xi32>
        %scatter3A_1914 = arith.constant 0 : i32
        %scatter3A_1915 = arith.constant 0 : i32
        %scatter3A_1916 = arith.constant 0 : i32
        %scatter3A_1917 = tpu.memref_slice %arg8[%scatter3A_1914, %scatter3A_1915, %scatter3A_1916] : memref<5x32x129xf32, #tpu.memory_space<vmem>> -> memref<1x32x129xf32, #tpu.memory_space<vmem>>
        %scatter3A_1918 = tpu.memref_squeeze %scatter3A_1917 : memref<1x32x129xf32, #tpu.memory_space<vmem>> -> memref<32x129xf32, #tpu.memory_space<vmem>>
        tpu.vector_store_idx %scatter3A_1918[%add3A_1913, %add3A_1893], %add3A_1905 : memref<32x129xf32, #tpu.memory_space<vmem>>[vector<16xi32>, vector<16xi32>], vector<16xf32>,
        %mul3A_1919 = arith.constant 8 : i32
        %mul3A_1920 = arith.muli %scan3A_1722, %mul3A_1919 : i32
        %add3A_1921 = arith.constant 6 : i32
        %add3A_1922 = arith.addi %mul3A_1920, %add3A_1921 : i32
        %broadcast_in_dim3A_1923 = arith.constant 0 : i32
        %broadcast_in_dim3A_1924 = vector.broadcast %broadcast_in_dim3A_1923 : i32 to vector<16xi32>
        %add3A_1925 = vector.broadcast %add3A_1922 : i32 to vector<16xi32>
        %add3A_1926 = arith.addi %broadcast_in_dim3A_1924, %add3A_1925 : vector<16xi32>
        %get3A_1927 = arith.constant 0 : i32
        %get3A_1928 = arith.index_cast %get3A_1927 : i32 to index
        %get3A_1929 = arith.index_cast %add3A_1922 : i32 to index
        %get3A_1930 = arith.constant 0 : index
        %get3A_1931 = tpu.vector_load %arg7[%get3A_1928, %get3A_1929, %get3A_1930] {strides = array<i32>} : memref<5x128x32xf32, #tpu.memory_space<vmem>>, vector<16xf32>,
        %add3A_1932 = arith.addf %get3A_1931, %get3A_652 : vector<16xf32>
        %get3A_1933 = arith.constant 0 : i32
        %get3A_1934 = arith.index_cast %get3A_1933 : i32 to index
        %get3A_1935 = arith.index_cast %add3A_1922 : i32 to index
        %get3A_1936 = arith.constant 16 : index
        %get3A_1937 = tpu.vector_load %arg7[%get3A_1934, %get3A_1935, %get3A_1936] {strides = array<i32>} : memref<5x128x32xf32, #tpu.memory_space<vmem>>, vector<16xf32>,
        %add3A_1938 = arith.addf %get3A_1937, %get3A_655 : vector<16xf32>
        %scatter3A_1939 = arith.constant 0 : i32
        %scatter3A_1940 = arith.constant 0 : i32
        %scatter3A_1941 = arith.constant 0 : i32
        %scatter3A_1942 = tpu.memref_slice %arg8[%scatter3A_1939, %scatter3A_1940, %scatter3A_1941] : memref<5x32x129xf32, #tpu.memory_space<vmem>> -> memref<1x32x129xf32, #tpu.memory_space<vmem>>
        %scatter3A_1943 = tpu.memref_squeeze %scatter3A_1942 : memref<1x32x129xf32, #tpu.memory_space<vmem>> -> memref<32x129xf32, #tpu.memory_space<vmem>>
        tpu.vector_store_idx %scatter3A_1943[%iota3A, %add3A_1926], %add3A_1932 : memref<32x129xf32, #tpu.memory_space<vmem>>[vector<16xi32>, vector<16xi32>], vector<16xf32>,
        %add3A_1944 = arith.constant 16 : i32
        %add3A_1945 = vector.broadcast %add3A_1944 : i32 to vector<16xi32>
        %add3A_1946 = arith.addi %iota3A, %add3A_1945 : vector<16xi32>
        %scatter3A_1947 = arith.constant 0 : i32
        %scatter3A_1948 = arith.constant 0 : i32
        %scatter3A_1949 = arith.constant 0 : i32
        %scatter3A_1950 = tpu.memref_slice %arg8[%scatter3A_1947, %scatter3A_1948, %scatter3A_1949] : memref<5x32x129xf32, #tpu.memory_space<vmem>> -> memref<1x32x129xf32, #tpu.memory_space<vmem>>
        %scatter3A_1951 = tpu.memref_squeeze %scatter3A_1950 : memref<1x32x129xf32, #tpu.memory_space<vmem>> -> memref<32x129xf32, #tpu.memory_space<vmem>>
        tpu.vector_store_idx %scatter3A_1951[%add3A_1946, %add3A_1926], %add3A_1938 : memref<32x129xf32, #tpu.memory_space<vmem>>[vector<16xi32>, vector<16xi32>], vector<16xf32>,
        %mul3A_1952 = arith.constant 8 : i32
        %mul3A_1953 = arith.muli %scan3A_1722, %mul3A_1952 : i32
        %add3A_1954 = arith.constant 7 : i32
        %add3A_1955 = arith.addi %mul3A_1953, %add3A_1954 : i32
        %broadcast_in_dim3A_1956 = arith.constant 0 : i32
        %broadcast_in_dim3A_1957 = vector.broadcast %broadcast_in_dim3A_1956 : i32 to vector<16xi32>
        %add3A_1958 = vector.broadcast %add3A_1955 : i32 to vector<16xi32>
        %add3A_1959 = arith.addi %broadcast_in_dim3A_1957, %add3A_1958 : vector<16xi32>
        %get3A_1960 = arith.constant 0 : i32
        %get3A_1961 = arith.index_cast %get3A_1960 : i32 to index
        %get3A_1962 = arith.index_cast %add3A_1955 : i32 to index
        %get3A_1963 = arith.constant 0 : index
        %get3A_1964 = tpu.vector_load %arg7[%get3A_1961, %get3A_1962, %get3A_1963] {strides = array<i32>} : memref<5x128x32xf32, #tpu.memory_space<vmem>>, vector<16xf32>,
        %add3A_1965 = arith.addf %get3A_1964, %get3A_652 : vector<16xf32>
        %get3A_1966 = arith.constant 0 : i32
        %get3A_1967 = arith.index_cast %get3A_1966 : i32 to index
        %get3A_1968 = arith.index_cast %add3A_1955 : i32 to index
        %get3A_1969 = arith.constant 16 : index
        %get3A_1970 = tpu.vector_load %arg7[%get3A_1967, %get3A_1968, %get3A_1969] {strides = array<i32>} : memref<5x128x32xf32, #tpu.memory_space<vmem>>, vector<16xf32>,
        %add3A_1971 = arith.addf %get3A_1970, %get3A_655 : vector<16xf32>
        %scatter3A_1972 = arith.constant 0 : i32
        %scatter3A_1973 = arith.constant 0 : i32
        %scatter3A_1974 = arith.constant 0 : i32
        %scatter3A_1975 = tpu.memref_slice %arg8[%scatter3A_1972, %scatter3A_1973, %scatter3A_1974] : memref<5x32x129xf32, #tpu.memory_space<vmem>> -> memref<1x32x129xf32, #tpu.memory_space<vmem>>
        %scatter3A_1976 = tpu.memref_squeeze %scatter3A_1975 : memref<1x32x129xf32, #tpu.memory_space<vmem>> -> memref<32x129xf32, #tpu.memory_space<vmem>>
        tpu.vector_store_idx %scatter3A_1976[%iota3A, %add3A_1959], %add3A_1965 : memref<32x129xf32, #tpu.memory_space<vmem>>[vector<16xi32>, vector<16xi32>], vector<16xf32>,
        %add3A_1977 = arith.constant 16 : i32
        %add3A_1978 = vector.broadcast %add3A_1977 : i32 to vector<16xi32>
        %add3A_1979 = arith.addi %iota3A, %add3A_1978 : vector<16xi32>
        %scatter3A_1980 = arith.constant 0 : i32
        %scatter3A_1981 = arith.constant 0 : i32
        %scatter3A_1982 = arith.constant 0 : i32
        %scatter3A_1983 = tpu.memref_slice %arg8[%scatter3A_1980, %scatter3A_1981, %scatter3A_1982] : memref<5x32x129xf32, #tpu.memory_space<vmem>> -> memref<1x32x129xf32, #tpu.memory_space<vmem>>
        %scatter3A_1984 = tpu.memref_squeeze %scatter3A_1983 : memref<1x32x129xf32, #tpu.memory_space<vmem>> -> memref<32x129xf32, #tpu.memory_space<vmem>>
        tpu.vector_store_idx %scatter3A_1984[%add3A_1979, %add3A_1959], %add3A_1971 : memref<32x129xf32, #tpu.memory_space<vmem>>[vector<16xi32>, vector<16xi32>], vector<16xf32>,
      }
      %scan3A_661 = arith.constant 16 : i32
      %add3A_662 = arith.addi %mul3A_2, %add3A_611 : i32
      %jit3A_663 = arith.constant 32 : i32
      %div3A_664 = arith.divsi %add3A_662, %jit3A_663 : i32
      %sign3A_665 = arith.constant 0 : i32
      %sign3A_666 = arith.cmpi sgt, %add3A_662, %sign3A_665 : i32
      %sign3A_667 = arith.extui %sign3A_666 : i1 to i32
      %sign3A_668 = arith.constant 0 : i32
      %sign3A_669 = arith.cmpi slt, %add3A_662, %sign3A_668 : i32
      %sign3A_670 = arith.extui %sign3A_669 : i1 to i32
      %sign3A_671 = arith.subi %sign3A_667, %sign3A_670 : i32
      %sign3A_672 = arith.constant 0 : i32
      %sign3A_673 = arith.cmpi sgt, %jit3A_663, %sign3A_672 : i32
      %sign3A_674 = arith.extui %sign3A_673 : i1 to i32
      %sign3A_675 = arith.constant 0 : i32
      %sign3A_676 = arith.cmpi slt, %jit3A_663, %sign3A_675 : i32
      %sign3A_677 = arith.extui %sign3A_676 : i1 to i32
      %sign3A_678 = arith.subi %sign3A_674, %sign3A_677 : i32
      %ne3A_679 = arith.cmpi ne, %sign3A_671, %sign3A_678 : i32
      %rem3A_680 = arith.remsi %add3A_662, %jit3A_663 : i32
      %ne3A_681 = arith.constant 0 : i32
      %ne3A_682 = arith.cmpi ne, %rem3A_680, %ne3A_681 : i32
      %and3A_683 = arith.andi %ne3A_679, %ne3A_682 : i1
      %sub3A_684 = arith.constant 1 : i32
      %sub3A_685 = arith.subi %div3A_664, %sub3A_684 : i32
      %select_n3A_686 = arith.select %and3A_683, %sub3A_685, %div3A_664 : i32
      %jit3A_687 = arith.constant 32 : i32
      %eq3A = arith.constant 0 : i32
      %eq3A_688 = arith.cmpi eq, %jit3A_687, %eq3A : i32
      %jit3A_689 = arith.constant 1 : i32
      %select_n3A_690 = arith.select %eq3A_688, %jit3A_689, %jit3A_687 : i32
      %rem3A_691 = arith.remsi %add3A_662, %select_n3A_690 : i32
      %ne3A_692 = arith.constant 0 : i32
      %ne3A_693 = arith.cmpi ne, %rem3A_691, %ne3A_692 : i32
      %lt3A_694 = arith.constant 0 : i32
      %lt3A_695 = arith.cmpi slt, %rem3A_691, %lt3A_694 : i32
      %lt3A_696 = arith.constant 0 : i32
      %lt3A_697 = arith.cmpi slt, %select_n3A_690, %lt3A_696 : i32
      %ne3A_698 = arith.xori %lt3A_695, %lt3A_697 : i1
      %and3A_699 = arith.andi %ne3A_698, %ne3A_693 : i1
      %add3A_700 = arith.addi %rem3A_691, %select_n3A_690 : i32
      %select_n3A_701 = arith.select %and3A_699, %add3A_700, %rem3A_691 : i32
      %mul3A_702 = arith.constant 4 : i32
      %mul3A_703 = arith.muli %select_n3A_686, %mul3A_702 : i32
      %add3A_704 = arith.constant 0 : i32
      %add3A_705 = arith.addi %mul3A_703, %add3A_704 : i32
      %dma_start3A_706 = arith.constant 0 : i32
      %dma_start3A_707 = arith.constant 0 : i32
      %dma_start3A_708 = arith.constant 0 : i32
      %dma_start3A_709 = arith.constant 0 : i32
      %dma_start3A_710 = tpu.memref_slice %arg8[%dma_start3A_706, %dma_start3A_708, %dma_start3A_709] : memref<5x32x129xf32, #tpu.memory_space<vmem>> -> memref<1x32x129xf32, #tpu.memory_space<vmem>>
      %dma_start3A_711 = tpu.memref_squeeze %dma_start3A_710 : memref<1x32x129xf32, #tpu.memory_space<vmem>> -> memref<32x129xf32, #tpu.memory_space<vmem>>
      %dma_start3A_712 = arith.constant 0 : i32
      %dma_start3A_713 = arith.constant 0 : i32
      %dma_start3A_714 = tpu.memref_slice %dma_start3A_711[%dma_start3A_712, %dma_start3A_713] : memref<32x129xf32, #tpu.memory_space<vmem>> -> memref<8x128xf32, #tpu.memory_space<vmem>>
      %dma_start3A_715 = arith.constant 0 : i32
      %dma_start3A_716 = arith.constant 0 : i32
      %dma_start3A_717 = tpu.memref_slice %arg5[%add3A_705, %select_n3A_701, %dma_start3A_715, %dma_start3A_716] : memref<800x32x8x128xf32, #tpu.memory_space<hbm>> -> memref<1x1x8x128xf32, #tpu.memory_space<hbm>>
      %dma_start3A_718 = tpu.memref_squeeze %dma_start3A_717 : memref<1x1x8x128xf32, #tpu.memory_space<hbm>> -> memref<8x128xf32, #tpu.memory_space<hbm>>
      %dma_start3A_719 = tpu.memref_slice %arg11[%dma_start3A_707] : memref<5x!tpu.dma_semaphore, #tpu.memory_space<semaphore_mem>> -> memref<1x!tpu.dma_semaphore, #tpu.memory_space<semaphore_mem>>
      %dma_start3A_720 = tpu.memref_squeeze %dma_start3A_719 : memref<1x!tpu.dma_semaphore, #tpu.memory_space<semaphore_mem>> -> memref<!tpu.dma_semaphore, #tpu.memory_space<semaphore_mem>>
      %dma_start3A_721 = arith.constant 0 : i32
      %dma_start3A_722 = arith.constant 0 : i32
      %dma_start3A_723 = tpu.memref_slice %arg5[%add3A_705, %select_n3A_701, %dma_start3A_721, %dma_start3A_722] : memref<800x32x8x128xf32, #tpu.memory_space<hbm>> -> memref<1x1x8x128xf32, #tpu.memory_space<hbm>>
      %dma_start3A_724 = tpu.memref_squeeze %dma_start3A_723 : memref<1x1x8x128xf32, #tpu.memory_space<hbm>> -> memref<8x128xf32, #tpu.memory_space<hbm>>
      %dma_start3A_725 = arith.constant 0 : i32
      %dma_start3A_726 = arith.constant 0 : i32
      %dma_start3A_727 = tpu.memref_slice %arg8[%dma_start3A_706, %dma_start3A_725, %dma_start3A_726] : memref<5x32x129xf32, #tpu.memory_space<vmem>> -> memref<1x32x129xf32, #tpu.memory_space<vmem>>
      %dma_start3A_728 = tpu.memref_squeeze %dma_start3A_727 : memref<1x32x129xf32, #tpu.memory_space<vmem>> -> memref<32x129xf32, #tpu.memory_space<vmem>>
      %dma_start3A_729 = arith.constant 0 : i32
      %dma_start3A_730 = arith.constant 0 : i32
      %dma_start3A_731 = tpu.memref_slice %dma_start3A_728[%dma_start3A_729, %dma_start3A_730] : memref<32x129xf32, #tpu.memory_space<vmem>> -> memref<8x128xf32, #tpu.memory_space<vmem>>
      tpu.enqueue_dma source(%dma_start3A_731 : memref<8x128xf32, #tpu.memory_space<vmem>>) target(%dma_start3A_724 : memref<8x128xf32, #tpu.memory_space<hbm>>) target_semaphore(%dma_start3A_720 : memref<!tpu.dma_semaphore, #tpu.memory_space<semaphore_mem>>)
      %mul3A_732 = arith.constant 4 : i32
      %mul3A_733 = arith.muli %select_n3A_686, %mul3A_732 : i32
      %add3A_734 = arith.constant 1 : i32
      %add3A_735 = arith.addi %mul3A_733, %add3A_734 : i32
      %dma_start3A_736 = arith.constant 0 : i32
      %dma_start3A_737 = arith.constant 0 : i32
      %dma_start3A_738 = arith.constant 0 : i32
      %dma_start3A_739 = arith.constant 0 : i32
      %dma_start3A_740 = tpu.memref_slice %arg8[%dma_start3A_736, %dma_start3A_738, %dma_start3A_739] : memref<5x32x129xf32, #tpu.memory_space<vmem>> -> memref<1x32x129xf32, #tpu.memory_space<vmem>>
      %dma_start3A_741 = tpu.memref_squeeze %dma_start3A_740 : memref<1x32x129xf32, #tpu.memory_space<vmem>> -> memref<32x129xf32, #tpu.memory_space<vmem>>
      %dma_start3A_742 = arith.constant 8 : i32
      %dma_start3A_743 = arith.constant 0 : i32
      %dma_start3A_744 = tpu.memref_slice %dma_start3A_741[%dma_start3A_742, %dma_start3A_743] : memref<32x129xf32, #tpu.memory_space<vmem>> -> memref<8x128xf32, #tpu.memory_space<vmem>>
      %dma_start3A_745 = arith.constant 0 : i32
      %dma_start3A_746 = arith.constant 0 : i32
      %dma_start3A_747 = tpu.memref_slice %arg5[%add3A_735, %select_n3A_701, %dma_start3A_745, %dma_start3A_746] : memref<800x32x8x128xf32, #tpu.memory_space<hbm>> -> memref<1x1x8x128xf32, #tpu.memory_space<hbm>>
      %dma_start3A_748 = tpu.memref_squeeze %dma_start3A_747 : memref<1x1x8x128xf32, #tpu.memory_space<hbm>> -> memref<8x128xf32, #tpu.memory_space<hbm>>
      %dma_start3A_749 = tpu.memref_slice %arg11[%dma_start3A_737] : memref<5x!tpu.dma_semaphore, #tpu.memory_space<semaphore_mem>> -> memref<1x!tpu.dma_semaphore, #tpu.memory_space<semaphore_mem>>
      %dma_start3A_750 = tpu.memref_squeeze %dma_start3A_749 : memref<1x!tpu.dma_semaphore, #tpu.memory_space<semaphore_mem>> -> memref<!tpu.dma_semaphore, #tpu.memory_space<semaphore_mem>>
      %dma_start3A_751 = arith.constant 0 : i32
      %dma_start3A_752 = arith.constant 0 : i32
      %dma_start3A_753 = tpu.memref_slice %arg5[%add3A_735, %select_n3A_701, %dma_start3A_751, %dma_start3A_752] : memref<800x32x8x128xf32, #tpu.memory_space<hbm>> -> memref<1x1x8x128xf32, #tpu.memory_space<hbm>>
      %dma_start3A_754 = tpu.memref_squeeze %dma_start3A_753 : memref<1x1x8x128xf32, #tpu.memory_space<hbm>> -> memref<8x128xf32, #tpu.memory_space<hbm>>
      %dma_start3A_755 = arith.constant 0 : i32
      %dma_start3A_756 = arith.constant 0 : i32
      %dma_start3A_757 = tpu.memref_slice %arg8[%dma_start3A_736, %dma_start3A_755, %dma_start3A_756] : memref<5x32x129xf32, #tpu.memory_space<vmem>> -> memref<1x32x129xf32, #tpu.memory_space<vmem>>
      %dma_start3A_758 = tpu.memref_squeeze %dma_start3A_757 : memref<1x32x129xf32, #tpu.memory_space<vmem>> -> memref<32x129xf32, #tpu.memory_space<vmem>>
      %dma_start3A_759 = arith.constant 8 : i32
      %dma_start3A_760 = arith.constant 0 : i32
      %dma_start3A_761 = tpu.memref_slice %dma_start3A_758[%dma_start3A_759, %dma_start3A_760] : memref<32x129xf32, #tpu.memory_space<vmem>> -> memref<8x128xf32, #tpu.memory_space<vmem>>
      tpu.enqueue_dma source(%dma_start3A_761 : memref<8x128xf32, #tpu.memory_space<vmem>>) target(%dma_start3A_754 : memref<8x128xf32, #tpu.memory_space<hbm>>) target_semaphore(%dma_start3A_750 : memref<!tpu.dma_semaphore, #tpu.memory_space<semaphore_mem>>)
      %mul3A_762 = arith.constant 4 : i32
      %mul3A_763 = arith.muli %select_n3A_686, %mul3A_762 : i32
      %add3A_764 = arith.constant 2 : i32
      %add3A_765 = arith.addi %mul3A_763, %add3A_764 : i32
      %dma_start3A_766 = arith.constant 0 : i32
      %dma_start3A_767 = arith.constant 0 : i32
      %dma_start3A_768 = arith.constant 0 : i32
      %dma_start3A_769 = arith.constant 0 : i32
      %dma_start3A_770 = tpu.memref_slice %arg8[%dma_start3A_766, %dma_start3A_768, %dma_start3A_769] : memref<5x32x129xf32, #tpu.memory_space<vmem>> -> memref<1x32x129xf32, #tpu.memory_space<vmem>>
      %dma_start3A_771 = tpu.memref_squeeze %dma_start3A_770 : memref<1x32x129xf32, #tpu.memory_space<vmem>> -> memref<32x129xf32, #tpu.memory_space<vmem>>
      %dma_start3A_772 = arith.constant 16 : i32
      %dma_start3A_773 = arith.constant 0 : i32
      %dma_start3A_774 = tpu.memref_slice %dma_start3A_771[%dma_start3A_772, %dma_start3A_773] : memref<32x129xf32, #tpu.memory_space<vmem>> -> memref<8x128xf32, #tpu.memory_space<vmem>>
      %dma_start3A_775 = arith.constant 0 : i32
      %dma_start3A_776 = arith.constant 0 : i32
      %dma_start3A_777 = tpu.memref_slice %arg5[%add3A_765, %select_n3A_701, %dma_start3A_775, %dma_start3A_776] : memref<800x32x8x128xf32, #tpu.memory_space<hbm>> -> memref<1x1x8x128xf32, #tpu.memory_space<hbm>>
      %dma_start3A_778 = tpu.memref_squeeze %dma_start3A_777 : memref<1x1x8x128xf32, #tpu.memory_space<hbm>> -> memref<8x128xf32, #tpu.memory_space<hbm>>
      %dma_start3A_779 = tpu.memref_slice %arg11[%dma_start3A_767] : memref<5x!tpu.dma_semaphore, #tpu.memory_space<semaphore_mem>> -> memref<1x!tpu.dma_semaphore, #tpu.memory_space<semaphore_mem>>
      %dma_start3A_780 = tpu.memref_squeeze %dma_start3A_779 : memref<1x!tpu.dma_semaphore, #tpu.memory_space<semaphore_mem>> -> memref<!tpu.dma_semaphore, #tpu.memory_space<semaphore_mem>>
      %dma_start3A_781 = arith.constant 0 : i32
      %dma_start3A_782 = arith.constant 0 : i32
      %dma_start3A_783 = tpu.memref_slice %arg5[%add3A_765, %select_n3A_701, %dma_start3A_781, %dma_start3A_782] : memref<800x32x8x128xf32, #tpu.memory_space<hbm>> -> memref<1x1x8x128xf32, #tpu.memory_space<hbm>>
      %dma_start3A_784 = tpu.memref_squeeze %dma_start3A_783 : memref<1x1x8x128xf32, #tpu.memory_space<hbm>> -> memref<8x128xf32, #tpu.memory_space<hbm>>
      %dma_start3A_785 = arith.constant 0 : i32
      %dma_start3A_786 = arith.constant 0 : i32
      %dma_start3A_787 = tpu.memref_slice %arg8[%dma_start3A_766, %dma_start3A_785, %dma_start3A_786] : memref<5x32x129xf32, #tpu.memory_space<vmem>> -> memref<1x32x129xf32, #tpu.memory_space<vmem>>
      %dma_start3A_788 = tpu.memref_squeeze %dma_start3A_787 : memref<1x32x129xf32, #tpu.memory_space<vmem>> -> memref<32x129xf32, #tpu.memory_space<vmem>>
      %dma_start3A_789 = arith.constant 16 : i32
      %dma_start3A_790 = arith.constant 0 : i32
      %dma_start3A_791 = tpu.memref_slice %dma_start3A_788[%dma_start3A_789, %dma_start3A_790] : memref<32x129xf32, #tpu.memory_space<vmem>> -> memref<8x128xf32, #tpu.memory_space<vmem>>
      tpu.enqueue_dma source(%dma_start3A_791 : memref<8x128xf32, #tpu.memory_space<vmem>>) target(%dma_start3A_784 : memref<8x128xf32, #tpu.memory_space<hbm>>) target_semaphore(%dma_start3A_780 : memref<!tpu.dma_semaphore, #tpu.memory_space<semaphore_mem>>)
      %mul3A_792 = arith.constant 4 : i32
      %mul3A_793 = arith.muli %select_n3A_686, %mul3A_792 : i32
      %add3A_794 = arith.constant 3 : i32
      %add3A_795 = arith.addi %mul3A_793, %add3A_794 : i32
      %dma_start3A_796 = arith.constant 0 : i32
      %dma_start3A_797 = arith.constant 0 : i32
      %dma_start3A_798 = arith.constant 0 : i32
      %dma_start3A_799 = arith.constant 0 : i32
      %dma_start3A_800 = tpu.memref_slice %arg8[%dma_start3A_796, %dma_start3A_798, %dma_start3A_799] : memref<5x32x129xf32, #tpu.memory_space<vmem>> -> memref<1x32x129xf32, #tpu.memory_space<vmem>>
      %dma_start3A_801 = tpu.memref_squeeze %dma_start3A_800 : memref<1x32x129xf32, #tpu.memory_space<vmem>> -> memref<32x129xf32, #tpu.memory_space<vmem>>
      %dma_start3A_802 = arith.constant 24 : i32
      %dma_start3A_803 = arith.constant 0 : i32
      %dma_start3A_804 = tpu.memref_slice %dma_start3A_801[%dma_start3A_802, %dma_start3A_803] : memref<32x129xf32, #tpu.memory_space<vmem>> -> memref<8x128xf32, #tpu.memory_space<vmem>>
      %dma_start3A_805 = arith.constant 0 : i32
      %dma_start3A_806 = arith.constant 0 : i32
      %dma_start3A_807 = tpu.memref_slice %arg5[%add3A_795, %select_n3A_701, %dma_start3A_805, %dma_start3A_806] : memref<800x32x8x128xf32, #tpu.memory_space<hbm>> -> memref<1x1x8x128xf32, #tpu.memory_space<hbm>>
      %dma_start3A_808 = tpu.memref_squeeze %dma_start3A_807 : memref<1x1x8x128xf32, #tpu.memory_space<hbm>> -> memref<8x128xf32, #tpu.memory_space<hbm>>
      %dma_start3A_809 = tpu.memref_slice %arg11[%dma_start3A_797] : memref<5x!tpu.dma_semaphore, #tpu.memory_space<semaphore_mem>> -> memref<1x!tpu.dma_semaphore, #tpu.memory_space<semaphore_mem>>
      %dma_start3A_810 = tpu.memref_squeeze %dma_start3A_809 : memref<1x!tpu.dma_semaphore, #tpu.memory_space<semaphore_mem>> -> memref<!tpu.dma_semaphore, #tpu.memory_space<semaphore_mem>>
      %dma_start3A_811 = arith.constant 0 : i32
      %dma_start3A_812 = arith.constant 0 : i32
      %dma_start3A_813 = tpu.memref_slice %arg5[%add3A_795, %select_n3A_701, %dma_start3A_811, %dma_start3A_812] : memref<800x32x8x128xf32, #tpu.memory_space<hbm>> -> memref<1x1x8x128xf32, #tpu.memory_space<hbm>>
      %dma_start3A_814 = tpu.memref_squeeze %dma_start3A_813 : memref<1x1x8x128xf32, #tpu.memory_space<hbm>> -> memref<8x128xf32, #tpu.memory_space<hbm>>
      %dma_start3A_815 = arith.constant 0 : i32
      %dma_start3A_816 = arith.constant 0 : i32
      %dma_start3A_817 = tpu.memref_slice %arg8[%dma_start3A_796, %dma_start3A_815, %dma_start3A_816] : memref<5x32x129xf32, #tpu.memory_space<vmem>> -> memref<1x32x129xf32, #tpu.memory_space<vmem>>
      %dma_start3A_818 = tpu.memref_squeeze %dma_start3A_817 : memref<1x32x129xf32, #tpu.memory_space<vmem>> -> memref<32x129xf32, #tpu.memory_space<vmem>>
      %dma_start3A_819 = arith.constant 24 : i32
      %dma_start3A_820 = arith.constant 0 : i32
      %dma_start3A_821 = tpu.memref_slice %dma_start3A_818[%dma_start3A_819, %dma_start3A_820] : memref<32x129xf32, #tpu.memory_space<vmem>> -> memref<8x128xf32, #tpu.memory_space<vmem>>
      tpu.enqueue_dma source(%dma_start3A_821 : memref<8x128xf32, #tpu.memory_space<vmem>>) target(%dma_start3A_814 : memref<8x128xf32, #tpu.memory_space<hbm>>) target_semaphore(%dma_start3A_810 : memref<!tpu.dma_semaphore, #tpu.memory_space<semaphore_mem>>)
      %add3A_822 = arith.constant 1 : i32
      %add3A_823 = arith.addi %mul3A_609, %add3A_822 : i32
      %add3A_824 = arith.constant 3 : i32
      %add3A_825 = arith.addi %add3A_823, %add3A_824 : i32
      %lt3A_826 = arith.constant 200 : i32
      %lt3A_827 = arith.cmpi slt, %add3A_825, %lt3A_826 : i32
      %convert_element_type3A_828 = arith.extui %lt3A_827 : i1 to i32
      %cond3A_829 = arith.constant 0 : i32
      %cond3A_830 = arith.cmpi ne, %convert_element_type3A_828, %cond3A_829 : i32
      scf.if %cond3A_830 {
        %add3A_1722 = arith.constant 3 : i32
        %add3A_1723 = arith.addi %add3A_823, %add3A_1722 : i32
        %ge3A = arith.constant 5 : i32
        %ge3A_1724 = arith.cmpi sge, %add3A_1723, %ge3A : i32
        %convert_element_type3A_1725 = arith.extui %ge3A_1724 : i1 to i32
        %cond3A_1726 = arith.constant 0 : i32
        %cond3A_1727 = arith.cmpi ne, %convert_element_type3A_1725, %cond3A_1726 : i32
        scf.if %cond3A_1727 {
          %dma_wait3A_1744 = arith.constant 4 : i32
          %dma_wait3A_1745 = arith.constant 0 : i32
          %dma_wait3A_1746 = arith.constant 0 : i32
          %dma_wait3A_1747 = arith.constant 4 : i32
          %dma_wait3A_1748 = arith.constant 0 : i32
          %dma_wait3A_1749 = arith.constant 0 : i32
          %dma_wait3A_1750 = tpu.memref_slice %arg8[%dma_wait3A_1744, %dma_wait3A_1748, %dma_wait3A_1749] : memref<5x32x129xf32, #tpu.memory_space<vmem>> -> memref<1x32x129xf32, #tpu.memory_space<vmem>>
          %dma_wait3A_1751 = tpu.memref_squeeze %dma_wait3A_1750 : memref<1x32x129xf32, #tpu.memory_space<vmem>> -> memref<32x129xf32, #tpu.memory_space<vmem>>
          %dma_wait3A_1752 = arith.constant 0 : i32
          %dma_wait3A_1753 = arith.constant 0 : i32
          %dma_wait3A_1754 = tpu.memref_slice %dma_wait3A_1751[%dma_wait3A_1752, %dma_wait3A_1753] : memref<32x129xf32, #tpu.memory_space<vmem>> -> memref<8x128xf32, #tpu.memory_space<vmem>>
          %dma_wait3A_1755 = arith.constant 0 : i32
          %dma_wait3A_1756 = arith.constant 0 : i32
          %dma_wait3A_1757 = tpu.memref_slice %arg5[%dma_wait3A_1745, %dma_wait3A_1746, %dma_wait3A_1755, %dma_wait3A_1756] : memref<800x32x8x128xf32, #tpu.memory_space<hbm>> -> memref<1x1x8x128xf32, #tpu.memory_space<hbm>>
          %dma_wait3A_1758 = tpu.memref_squeeze %dma_wait3A_1757 : memref<1x1x8x128xf32, #tpu.memory_space<hbm>> -> memref<8x128xf32, #tpu.memory_space<hbm>>
          %dma_wait3A_1759 = tpu.memref_slice %arg11[%dma_wait3A_1747] : memref<5x!tpu.dma_semaphore, #tpu.memory_space<semaphore_mem>> -> memref<1x!tpu.dma_semaphore, #tpu.memory_space<semaphore_mem>>
          %dma_wait3A_1760 = tpu.memref_squeeze %dma_wait3A_1759 : memref<1x!tpu.dma_semaphore, #tpu.memory_space<semaphore_mem>> -> memref<!tpu.dma_semaphore, #tpu.memory_space<semaphore_mem>>
          %dma_wait3A_1761 = arith.constant 0 : i32
          %dma_wait3A_1762 = arith.constant 0 : i32
          %dma_wait3A_1763 = tpu.memref_slice %arg5[%dma_wait3A_1745, %dma_wait3A_1746, %dma_wait3A_1761, %dma_wait3A_1762] : memref<800x32x8x128xf32, #tpu.memory_space<hbm>> -> memref<1x1x8x128xf32, #tpu.memory_space<hbm>>
          %dma_wait3A_1764 = tpu.memref_squeeze %dma_wait3A_1763 : memref<1x1x8x128xf32, #tpu.memory_space<hbm>> -> memref<8x128xf32, #tpu.memory_space<hbm>>
          %dma_wait3A_1765 = arith.constant 0 : i32
          %dma_wait3A_1766 = arith.constant 0 : i32
          %dma_wait3A_1767 = tpu.memref_slice %arg8[%dma_wait3A_1744, %dma_wait3A_1765, %dma_wait3A_1766] : memref<5x32x129xf32, #tpu.memory_space<vmem>> -> memref<1x32x129xf32, #tpu.memory_space<vmem>>
          %dma_wait3A_1768 = tpu.memref_squeeze %dma_wait3A_1767 : memref<1x32x129xf32, #tpu.memory_space<vmem>> -> memref<32x129xf32, #tpu.memory_space<vmem>>
          %dma_wait3A_1769 = arith.constant 0 : i32
          %dma_wait3A_1770 = arith.constant 0 : i32
          %dma_wait3A_1771 = tpu.memref_slice %dma_wait3A_1768[%dma_wait3A_1769, %dma_wait3A_1770] : memref<32x129xf32, #tpu.memory_space<vmem>> -> memref<8x128xf32, #tpu.memory_space<vmem>>
          tpu.wait_dma2 semaphore(%dma_wait3A_1760 : memref<!tpu.dma_semaphore, #tpu.memory_space<semaphore_mem>>) src(%dma_wait3A_1771 : memref<8x128xf32, #tpu.memory_space<vmem>>) dst(%dma_wait3A_1764 : memref<8x128xf32, #tpu.memory_space<hbm>>)
          %dma_wait3A_1772 = arith.constant 4 : i32
          %dma_wait3A_1773 = arith.constant 0 : i32
          %dma_wait3A_1774 = arith.constant 0 : i32
          %dma_wait3A_1775 = arith.constant 4 : i32
          %dma_wait3A_1776 = arith.constant 0 : i32
          %dma_wait3A_1777 = arith.constant 0 : i32
          %dma_wait3A_1778 = tpu.memref_slice %arg8[%dma_wait3A_1772, %dma_wait3A_1776, %dma_wait3A_1777] : memref<5x32x129xf32, #tpu.memory_space<vmem>> -> memref<1x32x129xf32, #tpu.memory_space<vmem>>
          %dma_wait3A_1779 = tpu.memref_squeeze %dma_wait3A_1778 : memref<1x32x129xf32, #tpu.memory_space<vmem>> -> memref<32x129xf32, #tpu.memory_space<vmem>>
          %dma_wait3A_1780 = arith.constant 8 : i32
          %dma_wait3A_1781 = arith.constant 0 : i32
          %dma_wait3A_1782 = tpu.memref_slice %dma_wait3A_1779[%dma_wait3A_1780, %dma_wait3A_1781] : memref<32x129xf32, #tpu.memory_space<vmem>> -> memref<8x128xf32, #tpu.memory_space<vmem>>
          %dma_wait3A_1783 = arith.constant 0 : i32
          %dma_wait3A_1784 = arith.constant 0 : i32
          %dma_wait3A_1785 = tpu.memref_slice %arg5[%dma_wait3A_1773, %dma_wait3A_1774, %dma_wait3A_1783, %dma_wait3A_1784] : memref<800x32x8x128xf32, #tpu.memory_space<hbm>> -> memref<1x1x8x128xf32, #tpu.memory_space<hbm>>
          %dma_wait3A_1786 = tpu.memref_squeeze %dma_wait3A_1785 : memref<1x1x8x128xf32, #tpu.memory_space<hbm>> -> memref<8x128xf32, #tpu.memory_space<hbm>>
          %dma_wait3A_1787 = tpu.memref_slice %arg11[%dma_wait3A_1775] : memref<5x!tpu.dma_semaphore, #tpu.memory_space<semaphore_mem>> -> memref<1x!tpu.dma_semaphore, #tpu.memory_space<semaphore_mem>>
          %dma_wait3A_1788 = tpu.memref_squeeze %dma_wait3A_1787 : memref<1x!tpu.dma_semaphore, #tpu.memory_space<semaphore_mem>> -> memref<!tpu.dma_semaphore, #tpu.memory_space<semaphore_mem>>
          %dma_wait3A_1789 = arith.constant 0 : i32
          %dma_wait3A_1790 = arith.constant 0 : i32
          %dma_wait3A_1791 = tpu.memref_slice %arg5[%dma_wait3A_1773, %dma_wait3A_1774, %dma_wait3A_1789, %dma_wait3A_1790] : memref<800x32x8x128xf32, #tpu.memory_space<hbm>> -> memref<1x1x8x128xf32, #tpu.memory_space<hbm>>
          %dma_wait3A_1792 = tpu.memref_squeeze %dma_wait3A_1791 : memref<1x1x8x128xf32, #tpu.memory_space<hbm>> -> memref<8x128xf32, #tpu.memory_space<hbm>>
          %dma_wait3A_1793 = arith.constant 0 : i32
          %dma_wait3A_1794 = arith.constant 0 : i32
          %dma_wait3A_1795 = tpu.memref_slice %arg8[%dma_wait3A_1772, %dma_wait3A_1793, %dma_wait3A_1794] : memref<5x32x129xf32, #tpu.memory_space<vmem>> -> memref<1x32x129xf32, #tpu.memory_space<vmem>>
          %dma_wait3A_1796 = tpu.memref_squeeze %dma_wait3A_1795 : memref<1x32x129xf32, #tpu.memory_space<vmem>> -> memref<32x129xf32, #tpu.memory_space<vmem>>
          %dma_wait3A_1797 = arith.constant 8 : i32
          %dma_wait3A_1798 = arith.constant 0 : i32
          %dma_wait3A_1799 = tpu.memref_slice %dma_wait3A_1796[%dma_wait3A_1797, %dma_wait3A_1798] : memref<32x129xf32, #tpu.memory_space<vmem>> -> memref<8x128xf32, #tpu.memory_space<vmem>>
          tpu.wait_dma2 semaphore(%dma_wait3A_1788 : memref<!tpu.dma_semaphore, #tpu.memory_space<semaphore_mem>>) src(%dma_wait3A_1799 : memref<8x128xf32, #tpu.memory_space<vmem>>) dst(%dma_wait3A_1792 : memref<8x128xf32, #tpu.memory_space<hbm>>)
          %dma_wait3A_1800 = arith.constant 4 : i32
          %dma_wait3A_1801 = arith.constant 0 : i32
          %dma_wait3A_1802 = arith.constant 0 : i32
          %dma_wait3A_1803 = arith.constant 4 : i32
          %dma_wait3A_1804 = arith.constant 0 : i32
          %dma_wait3A_1805 = arith.constant 0 : i32
          %dma_wait3A_1806 = tpu.memref_slice %arg8[%dma_wait3A_1800, %dma_wait3A_1804, %dma_wait3A_1805] : memref<5x32x129xf32, #tpu.memory_space<vmem>> -> memref<1x32x129xf32, #tpu.memory_space<vmem>>
          %dma_wait3A_1807 = tpu.memref_squeeze %dma_wait3A_1806 : memref<1x32x129xf32, #tpu.memory_space<vmem>> -> memref<32x129xf32, #tpu.memory_space<vmem>>
          %dma_wait3A_1808 = arith.constant 16 : i32
          %dma_wait3A_1809 = arith.constant 0 : i32
          %dma_wait3A_1810 = tpu.memref_slice %dma_wait3A_1807[%dma_wait3A_1808, %dma_wait3A_1809] : memref<32x129xf32, #tpu.memory_space<vmem>> -> memref<8x128xf32, #tpu.memory_space<vmem>>
          %dma_wait3A_1811 = arith.constant 0 : i32
          %dma_wait3A_1812 = arith.constant 0 : i32
          %dma_wait3A_1813 = tpu.memref_slice %arg5[%dma_wait3A_1801, %dma_wait3A_1802, %dma_wait3A_1811, %dma_wait3A_1812] : memref<800x32x8x128xf32, #tpu.memory_space<hbm>> -> memref<1x1x8x128xf32, #tpu.memory_space<hbm>>
          %dma_wait3A_1814 = tpu.memref_squeeze %dma_wait3A_1813 : memref<1x1x8x128xf32, #tpu.memory_space<hbm>> -> memref<8x128xf32, #tpu.memory_space<hbm>>
          %dma_wait3A_1815 = tpu.memref_slice %arg11[%dma_wait3A_1803] : memref<5x!tpu.dma_semaphore, #tpu.memory_space<semaphore_mem>> -> memref<1x!tpu.dma_semaphore, #tpu.memory_space<semaphore_mem>>
          %dma_wait3A_1816 = tpu.memref_squeeze %dma_wait3A_1815 : memref<1x!tpu.dma_semaphore, #tpu.memory_space<semaphore_mem>> -> memref<!tpu.dma_semaphore, #tpu.memory_space<semaphore_mem>>
          %dma_wait3A_1817 = arith.constant 0 : i32
          %dma_wait3A_1818 = arith.constant 0 : i32
          %dma_wait3A_1819 = tpu.memref_slice %arg5[%dma_wait3A_1801, %dma_wait3A_1802, %dma_wait3A_1817, %dma_wait3A_1818] : memref<800x32x8x128xf32, #tpu.memory_space<hbm>> -> memref<1x1x8x128xf32, #tpu.memory_space<hbm>>
          %dma_wait3A_1820 = tpu.memref_squeeze %dma_wait3A_1819 : memref<1x1x8x128xf32, #tpu.memory_space<hbm>> -> memref<8x128xf32, #tpu.memory_space<hbm>>
          %dma_wait3A_1821 = arith.constant 0 : i32
          %dma_wait3A_1822 = arith.constant 0 : i32
          %dma_wait3A_1823 = tpu.memref_slice %arg8[%dma_wait3A_1800, %dma_wait3A_1821, %dma_wait3A_1822] : memref<5x32x129xf32, #tpu.memory_space<vmem>> -> memref<1x32x129xf32, #tpu.memory_space<vmem>>
          %dma_wait3A_1824 = tpu.memref_squeeze %dma_wait3A_1823 : memref<1x32x129xf32, #tpu.memory_space<vmem>> -> memref<32x129xf32, #tpu.memory_space<vmem>>
          %dma_wait3A_1825 = arith.constant 16 : i32
          %dma_wait3A_1826 = arith.constant 0 : i32
          %dma_wait3A_1827 = tpu.memref_slice %dma_wait3A_1824[%dma_wait3A_1825, %dma_wait3A_1826] : memref<32x129xf32, #tpu.memory_space<vmem>> -> memref<8x128xf32, #tpu.memory_space<vmem>>
          tpu.wait_dma2 semaphore(%dma_wait3A_1816 : memref<!tpu.dma_semaphore, #tpu.memory_space<semaphore_mem>>) src(%dma_wait3A_1827 : memref<8x128xf32, #tpu.memory_space<vmem>>) dst(%dma_wait3A_1820 : memref<8x128xf32, #tpu.memory_space<hbm>>)
          %dma_wait3A_1828 = arith.constant 4 : i32
          %dma_wait3A_1829 = arith.constant 0 : i32
          %dma_wait3A_1830 = arith.constant 0 : i32
          %dma_wait3A_1831 = arith.constant 4 : i32
          %dma_wait3A_1832 = arith.constant 0 : i32
          %dma_wait3A_1833 = arith.constant 0 : i32
          %dma_wait3A_1834 = tpu.memref_slice %arg8[%dma_wait3A_1828, %dma_wait3A_1832, %dma_wait3A_1833] : memref<5x32x129xf32, #tpu.memory_space<vmem>> -> memref<1x32x129xf32, #tpu.memory_space<vmem>>
          %dma_wait3A_1835 = tpu.memref_squeeze %dma_wait3A_1834 : memref<1x32x129xf32, #tpu.memory_space<vmem>> -> memref<32x129xf32, #tpu.memory_space<vmem>>
          %dma_wait3A_1836 = arith.constant 24 : i32
          %dma_wait3A_1837 = arith.constant 0 : i32
          %dma_wait3A_1838 = tpu.memref_slice %dma_wait3A_1835[%dma_wait3A_1836, %dma_wait3A_1837] : memref<32x129xf32, #tpu.memory_space<vmem>> -> memref<8x128xf32, #tpu.memory_space<vmem>>
          %dma_wait3A_1839 = arith.constant 0 : i32
          %dma_wait3A_1840 = arith.constant 0 : i32
          %dma_wait3A_1841 = tpu.memref_slice %arg5[%dma_wait3A_1829, %dma_wait3A_1830, %dma_wait3A_1839, %dma_wait3A_1840] : memref<800x32x8x128xf32, #tpu.memory_space<hbm>> -> memref<1x1x8x128xf32, #tpu.memory_space<hbm>>
          %dma_wait3A_1842 = tpu.memref_squeeze %dma_wait3A_1841 : memref<1x1x8x128xf32, #tpu.memory_space<hbm>> -> memref<8x128xf32, #tpu.memory_space<hbm>>
          %dma_wait3A_1843 = tpu.memref_slice %arg11[%dma_wait3A_1831] : memref<5x!tpu.dma_semaphore, #tpu.memory_space<semaphore_mem>> -> memref<1x!tpu.dma_semaphore, #tpu.memory_space<semaphore_mem>>
          %dma_wait3A_1844 = tpu.memref_squeeze %dma_wait3A_1843 : memref<1x!tpu.dma_semaphore, #tpu.memory_space<semaphore_mem>> -> memref<!tpu.dma_semaphore, #tpu.memory_space<semaphore_mem>>
          %dma_wait3A_1845 = arith.constant 0 : i32
          %dma_wait3A_1846 = arith.constant 0 : i32
          %dma_wait3A_1847 = tpu.memref_slice %arg5[%dma_wait3A_1829, %dma_wait3A_1830, %dma_wait3A_1845, %dma_wait3A_1846] : memref<800x32x8x128xf32, #tpu.memory_space<hbm>> -> memref<1x1x8x128xf32, #tpu.memory_space<hbm>>
          %dma_wait3A_1848 = tpu.memref_squeeze %dma_wait3A_1847 : memref<1x1x8x128xf32, #tpu.memory_space<hbm>> -> memref<8x128xf32, #tpu.memory_space<hbm>>
          %dma_wait3A_1849 = arith.constant 0 : i32
          %dma_wait3A_1850 = arith.constant 0 : i32
          %dma_wait3A_1851 = tpu.memref_slice %arg8[%dma_wait3A_1828, %dma_wait3A_1849, %dma_wait3A_1850] : memref<5x32x129xf32, #tpu.memory_space<vmem>> -> memref<1x32x129xf32, #tpu.memory_space<vmem>>
          %dma_wait3A_1852 = tpu.memref_squeeze %dma_wait3A_1851 : memref<1x32x129xf32, #tpu.memory_space<vmem>> -> memref<32x129xf32, #tpu.memory_space<vmem>>
          %dma_wait3A_1853 = arith.constant 24 : i32
          %dma_wait3A_1854 = arith.constant 0 : i32
          %dma_wait3A_1855 = tpu.memref_slice %dma_wait3A_1852[%dma_wait3A_1853, %dma_wait3A_1854] : memref<32x129xf32, #tpu.memory_space<vmem>> -> memref<8x128xf32, #tpu.memory_space<vmem>>
          tpu.wait_dma2 semaphore(%dma_wait3A_1844 : memref<!tpu.dma_semaphore, #tpu.memory_space<semaphore_mem>>) src(%dma_wait3A_1855 : memref<8x128xf32, #tpu.memory_space<vmem>>) dst(%dma_wait3A_1848 : memref<8x128xf32, #tpu.memory_space<hbm>>)
        } else {
        }
        %add3A_1728 = arith.constant 3 : i32
        %add3A_1729 = arith.addi %add3A_823, %add3A_1728 : i32
        %mul3A_1730 = arith.constant 128 : i32
        %mul3A_1731 = arith.muli %add3A_1729, %mul3A_1730 : i32
        %dma_start3A_1732 = arith.constant 4 : i32
        %dma_start3A_1733 = arith.constant 4 : i32
        %dma_start3A_1734 = arith.constant 0 : i32
        %dma_start3A_1735 = arith.constant 0 : i32
        %dma_start3A_1736 = tpu.memref_slice %arg7[%dma_start3A_1732, %dma_start3A_1734, %dma_start3A_1735] : memref<5x128x32xf32, #tpu.memory_space<vmem>> -> memref<1x128x32xf32, #tpu.memory_space<vmem>>
        %dma_start3A_1737 = tpu.memref_squeeze %dma_start3A_1736 : memref<1x128x32xf32, #tpu.memory_space<vmem>> -> memref<128x32xf32, #tpu.memory_space<vmem>>
        %dma_start3A_1738 = tpu.memref_slice %arg6[%mul3A_1731] : memref<25600xi32, #tpu.memory_space<vmem>> -> memref<128xi32, #tpu.memory_space<vmem>>
        %dma_start3A_1739 = arith.constant 0 : i32
        %dma_start3A_1740 = arith.constant 0 : i32
        %dma_start3A_1741 = tpu.memref_slice %arg3[%dma_start3A_1739, %dma_start3A_1740] : memref<1000000x32xf32, #tpu.memory_space<hbm>> -> memref<1000000x32xf32, #tpu.memory_space<hbm>>
        %dma_start3A_1742 = tpu.memref_slice %arg10[%dma_start3A_1733] : memref<5x!tpu.dma_semaphore, #tpu.memory_space<semaphore_mem>> -> memref<1x!tpu.dma_semaphore, #tpu.memory_space<semaphore_mem>>
        %dma_start3A_1743 = tpu.memref_squeeze %dma_start3A_1742 : memref<1x!tpu.dma_semaphore, #tpu.memory_space<semaphore_mem>> -> memref<!tpu.dma_semaphore, #tpu.memory_space<semaphore_mem>>
        tpu.enqueue_indirect_dma source(%dma_start3A_1741 : memref<1000000x32xf32, #tpu.memory_space<hbm>>) target(%dma_start3A_1737 : memref<128x32xf32, #tpu.memory_space<vmem>>) offsets(%dma_start3A_1738 : memref<128xi32, #tpu.memory_space<vmem>>) semaphore(%dma_start3A_1743 : memref<!tpu.dma_semaphore, #tpu.memory_space<semaphore_mem>>)
      } else {
      }
      %dma_wait3A_831 = arith.constant 1 : i32
      %dma_wait3A_832 = arith.constant 1 : i32
      %dma_wait3A_833 = arith.constant 0 : i32
      %dma_wait3A_834 = arith.constant 0 : i32
      %dma_wait3A_835 = tpu.memref_slice %arg7[%dma_wait3A_831, %dma_wait3A_833, %dma_wait3A_834] : memref<5x128x32xf32, #tpu.memory_space<vmem>> -> memref<1x128x32xf32, #tpu.memory_space<vmem>>
      %dma_wait3A_836 = tpu.memref_squeeze %dma_wait3A_835 : memref<1x128x32xf32, #tpu.memory_space<vmem>> -> memref<128x32xf32, #tpu.memory_space<vmem>>
      %dma_wait3A_837 = arith.constant 0 : i32
      %dma_wait3A_838 = arith.constant 0 : i32
      %dma_wait3A_839 = tpu.memref_slice %arg3[%dma_wait3A_837, %dma_wait3A_838] : memref<1000000x32xf32, #tpu.memory_space<hbm>> -> memref<128x32xf32, #tpu.memory_space<hbm>>
      %dma_wait3A_840 = tpu.memref_slice %arg10[%dma_wait3A_832] : memref<5x!tpu.dma_semaphore, #tpu.memory_space<semaphore_mem>> -> memref<1x!tpu.dma_semaphore, #tpu.memory_space<semaphore_mem>>
      %dma_wait3A_841 = tpu.memref_squeeze %dma_wait3A_840 : memref<1x!tpu.dma_semaphore, #tpu.memory_space<semaphore_mem>> -> memref<!tpu.dma_semaphore, #tpu.memory_space<semaphore_mem>>
      %dma_wait3A_842 = arith.constant 0 : i32
      %dma_wait3A_843 = arith.constant 0 : i32
      %dma_wait3A_844 = tpu.memref_slice %arg7[%dma_wait3A_831, %dma_wait3A_842, %dma_wait3A_843] : memref<5x128x32xf32, #tpu.memory_space<vmem>> -> memref<1x128x32xf32, #tpu.memory_space<vmem>>
      %dma_wait3A_845 = tpu.memref_squeeze %dma_wait3A_844 : memref<1x128x32xf32, #tpu.memory_space<vmem>> -> memref<128x32xf32, #tpu.memory_space<vmem>>
      %dma_wait3A_846 = arith.constant 0 : i32
      %dma_wait3A_847 = arith.constant 0 : i32
      %dma_wait3A_848 = tpu.memref_slice %arg3[%dma_wait3A_846, %dma_wait3A_847] : memref<1000000x32xf32, #tpu.memory_space<hbm>> -> memref<128x32xf32, #tpu.memory_space<hbm>>
      tpu.wait_dma2 semaphore(%dma_wait3A_841 : memref<!tpu.dma_semaphore, #tpu.memory_space<semaphore_mem>>) src(%dma_wait3A_848 : memref<128x32xf32, #tpu.memory_space<hbm>>) dst(%dma_wait3A_845 : memref<128x32xf32, #tpu.memory_space<vmem>>)
      %add3A_849 = arith.addi %mul3A_2, %add3A_823 : i32
      %jit3A_850 = arith.constant 32 : i32
      %div3A_851 = arith.divsi %add3A_849, %jit3A_850 : i32
      %sign3A_852 = arith.constant 0 : i32
      %sign3A_853 = arith.cmpi sgt, %add3A_849, %sign3A_852 : i32
      %sign3A_854 = arith.extui %sign3A_853 : i1 to i32
      %sign3A_855 = arith.constant 0 : i32
      %sign3A_856 = arith.cmpi slt, %add3A_849, %sign3A_855 : i32
      %sign3A_857 = arith.extui %sign3A_856 : i1 to i32
      %sign3A_858 = arith.subi %sign3A_854, %sign3A_857 : i32
      %sign3A_859 = arith.constant 0 : i32
      %sign3A_860 = arith.cmpi sgt, %jit3A_850, %sign3A_859 : i32
      %sign3A_861 = arith.extui %sign3A_860 : i1 to i32
      %sign3A_862 = arith.constant 0 : i32
      %sign3A_863 = arith.cmpi slt, %jit3A_850, %sign3A_862 : i32
      %sign3A_864 = arith.extui %sign3A_863 : i1 to i32
      %sign3A_865 = arith.subi %sign3A_861, %sign3A_864 : i32
      %ne3A_866 = arith.cmpi ne, %sign3A_858, %sign3A_865 : i32
      %rem3A_867 = arith.remsi %add3A_849, %jit3A_850 : i32
      %ne3A_868 = arith.constant 0 : i32
      %ne3A_869 = arith.cmpi ne, %rem3A_867, %ne3A_868 : i32
      %and3A_870 = arith.andi %ne3A_866, %ne3A_869 : i1
      %sub3A_871 = arith.constant 1 : i32
      %sub3A_872 = arith.subi %div3A_851, %sub3A_871 : i32
      %select_n3A_873 = arith.select %and3A_870, %sub3A_872, %div3A_851 : i32
      %get3A_874 = arith.index_cast %select_n3A_873 : i32 to index
      %get3A_875 = arith.constant 0 : index
      %get3A_876 = tpu.vector_load %arg9[%get3A_874, %get3A_875] {strides = array<i32>} : memref<200x32xf32, #tpu.memory_space<vmem>>, vector<16xf32>,
      %get3A_877 = arith.index_cast %select_n3A_873 : i32 to index
      %get3A_878 = arith.constant 16 : index
      %get3A_879 = tpu.vector_load %arg9[%get3A_877, %get3A_878] {strides = array<i32>} : memref<200x32xf32, #tpu.memory_space<vmem>>, vector<16xf32>,
      %scan3A_880 = arith.constant 0 : i32
      %scan3A_881 = arith.constant 0 : i32
      %scan3A_882 = arith.constant 16 : i32
      %scan3A_883 = arith.addi %scan3A_881, %scan3A_882 : i32
      %scan3A_884 = arith.constant 1 : i32
      scf.for %scan3A_1722 = %scan3A_881 to %scan3A_883 step %scan3A_884  : i32 {
        %mul3A_1723 = arith.constant 8 : i32
        %mul3A_1724 = arith.muli %scan3A_1722, %mul3A_1723 : i32
        %add3A_1725 = arith.constant 0 : i32
        %add3A_1726 = arith.addi %mul3A_1724, %add3A_1725 : i32
        %broadcast_in_dim3A = arith.constant 0 : i32
        %broadcast_in_dim3A_1727 = vector.broadcast %broadcast_in_dim3A : i32 to vector<16xi32>
        %add3A_1728 = vector.broadcast %add3A_1726 : i32 to vector<16xi32>
        %add3A_1729 = arith.addi %broadcast_in_dim3A_1727, %add3A_1728 : vector<16xi32>
        %get3A_1730 = arith.constant 1 : i32
        %get3A_1731 = arith.index_cast %get3A_1730 : i32 to index
        %get3A_1732 = arith.index_cast %add3A_1726 : i32 to index
        %get3A_1733 = arith.constant 0 : index
        %get3A_1734 = tpu.vector_load %arg7[%get3A_1731, %get3A_1732, %get3A_1733] {strides = array<i32>} : memref<5x128x32xf32, #tpu.memory_space<vmem>>, vector<16xf32>,
        %add3A_1735 = arith.addf %get3A_1734, %get3A_876 : vector<16xf32>
        %get3A_1736 = arith.constant 1 : i32
        %get3A_1737 = arith.index_cast %get3A_1736 : i32 to index
        %get3A_1738 = arith.index_cast %add3A_1726 : i32 to index
        %get3A_1739 = arith.constant 16 : index
        %get3A_1740 = tpu.vector_load %arg7[%get3A_1737, %get3A_1738, %get3A_1739] {strides = array<i32>} : memref<5x128x32xf32, #tpu.memory_space<vmem>>, vector<16xf32>,
        %add3A_1741 = arith.addf %get3A_1740, %get3A_879 : vector<16xf32>
        %scatter3A = arith.constant 1 : i32
        %scatter3A_1742 = arith.constant 0 : i32
        %scatter3A_1743 = arith.constant 0 : i32
        %scatter3A_1744 = tpu.memref_slice %arg8[%scatter3A, %scatter3A_1742, %scatter3A_1743] : memref<5x32x129xf32, #tpu.memory_space<vmem>> -> memref<1x32x129xf32, #tpu.memory_space<vmem>>
        %scatter3A_1745 = tpu.memref_squeeze %scatter3A_1744 : memref<1x32x129xf32, #tpu.memory_space<vmem>> -> memref<32x129xf32, #tpu.memory_space<vmem>>
        tpu.vector_store_idx %scatter3A_1745[%iota3A, %add3A_1729], %add3A_1735 : memref<32x129xf32, #tpu.memory_space<vmem>>[vector<16xi32>, vector<16xi32>], vector<16xf32>,
        %add3A_1746 = arith.constant 16 : i32
        %add3A_1747 = vector.broadcast %add3A_1746 : i32 to vector<16xi32>
        %add3A_1748 = arith.addi %iota3A, %add3A_1747 : vector<16xi32>
        %scatter3A_1749 = arith.constant 1 : i32
        %scatter3A_1750 = arith.constant 0 : i32
        %scatter3A_1751 = arith.constant 0 : i32
        %scatter3A_1752 = tpu.memref_slice %arg8[%scatter3A_1749, %scatter3A_1750, %scatter3A_1751] : memref<5x32x129xf32, #tpu.memory_space<vmem>> -> memref<1x32x129xf32, #tpu.memory_space<vmem>>
        %scatter3A_1753 = tpu.memref_squeeze %scatter3A_1752 : memref<1x32x129xf32, #tpu.memory_space<vmem>> -> memref<32x129xf32, #tpu.memory_space<vmem>>
        tpu.vector_store_idx %scatter3A_1753[%add3A_1748, %add3A_1729], %add3A_1741 : memref<32x129xf32, #tpu.memory_space<vmem>>[vector<16xi32>, vector<16xi32>], vector<16xf32>,
        %mul3A_1754 = arith.constant 8 : i32
        %mul3A_1755 = arith.muli %scan3A_1722, %mul3A_1754 : i32
        %add3A_1756 = arith.constant 1 : i32
        %add3A_1757 = arith.addi %mul3A_1755, %add3A_1756 : i32
        %broadcast_in_dim3A_1758 = arith.constant 0 : i32
        %broadcast_in_dim3A_1759 = vector.broadcast %broadcast_in_dim3A_1758 : i32 to vector<16xi32>
        %add3A_1760 = vector.broadcast %add3A_1757 : i32 to vector<16xi32>
        %add3A_1761 = arith.addi %broadcast_in_dim3A_1759, %add3A_1760 : vector<16xi32>
        %get3A_1762 = arith.constant 1 : i32
        %get3A_1763 = arith.index_cast %get3A_1762 : i32 to index
        %get3A_1764 = arith.index_cast %add3A_1757 : i32 to index
        %get3A_1765 = arith.constant 0 : index
        %get3A_1766 = tpu.vector_load %arg7[%get3A_1763, %get3A_1764, %get3A_1765] {strides = array<i32>} : memref<5x128x32xf32, #tpu.memory_space<vmem>>, vector<16xf32>,
        %add3A_1767 = arith.addf %get3A_1766, %get3A_876 : vector<16xf32>
        %get3A_1768 = arith.constant 1 : i32
        %get3A_1769 = arith.index_cast %get3A_1768 : i32 to index
        %get3A_1770 = arith.index_cast %add3A_1757 : i32 to index
        %get3A_1771 = arith.constant 16 : index
        %get3A_1772 = tpu.vector_load %arg7[%get3A_1769, %get3A_1770, %get3A_1771] {strides = array<i32>} : memref<5x128x32xf32, #tpu.memory_space<vmem>>, vector<16xf32>,
        %add3A_1773 = arith.addf %get3A_1772, %get3A_879 : vector<16xf32>
        %scatter3A_1774 = arith.constant 1 : i32
        %scatter3A_1775 = arith.constant 0 : i32
        %scatter3A_1776 = arith.constant 0 : i32
        %scatter3A_1777 = tpu.memref_slice %arg8[%scatter3A_1774, %scatter3A_1775, %scatter3A_1776] : memref<5x32x129xf32, #tpu.memory_space<vmem>> -> memref<1x32x129xf32, #tpu.memory_space<vmem>>
        %scatter3A_1778 = tpu.memref_squeeze %scatter3A_1777 : memref<1x32x129xf32, #tpu.memory_space<vmem>> -> memref<32x129xf32, #tpu.memory_space<vmem>>
        tpu.vector_store_idx %scatter3A_1778[%iota3A, %add3A_1761], %add3A_1767 : memref<32x129xf32, #tpu.memory_space<vmem>>[vector<16xi32>, vector<16xi32>], vector<16xf32>,
        %add3A_1779 = arith.constant 16 : i32
        %add3A_1780 = vector.broadcast %add3A_1779 : i32 to vector<16xi32>
        %add3A_1781 = arith.addi %iota3A, %add3A_1780 : vector<16xi32>
        %scatter3A_1782 = arith.constant 1 : i32
        %scatter3A_1783 = arith.constant 0 : i32
        %scatter3A_1784 = arith.constant 0 : i32
        %scatter3A_1785 = tpu.memref_slice %arg8[%scatter3A_1782, %scatter3A_1783, %scatter3A_1784] : memref<5x32x129xf32, #tpu.memory_space<vmem>> -> memref<1x32x129xf32, #tpu.memory_space<vmem>>
        %scatter3A_1786 = tpu.memref_squeeze %scatter3A_1785 : memref<1x32x129xf32, #tpu.memory_space<vmem>> -> memref<32x129xf32, #tpu.memory_space<vmem>>
        tpu.vector_store_idx %scatter3A_1786[%add3A_1781, %add3A_1761], %add3A_1773 : memref<32x129xf32, #tpu.memory_space<vmem>>[vector<16xi32>, vector<16xi32>], vector<16xf32>,
        %mul3A_1787 = arith.constant 8 : i32
        %mul3A_1788 = arith.muli %scan3A_1722, %mul3A_1787 : i32
        %add3A_1789 = arith.constant 2 : i32
        %add3A_1790 = arith.addi %mul3A_1788, %add3A_1789 : i32
        %broadcast_in_dim3A_1791 = arith.constant 0 : i32
        %broadcast_in_dim3A_1792 = vector.broadcast %broadcast_in_dim3A_1791 : i32 to vector<16xi32>
        %add3A_1793 = vector.broadcast %add3A_1790 : i32 to vector<16xi32>
        %add3A_1794 = arith.addi %broadcast_in_dim3A_1792, %add3A_1793 : vector<16xi32>
        %get3A_1795 = arith.constant 1 : i32
        %get3A_1796 = arith.index_cast %get3A_1795 : i32 to index
        %get3A_1797 = arith.index_cast %add3A_1790 : i32 to index
        %get3A_1798 = arith.constant 0 : index
        %get3A_1799 = tpu.vector_load %arg7[%get3A_1796, %get3A_1797, %get3A_1798] {strides = array<i32>} : memref<5x128x32xf32, #tpu.memory_space<vmem>>, vector<16xf32>,
        %add3A_1800 = arith.addf %get3A_1799, %get3A_876 : vector<16xf32>
        %get3A_1801 = arith.constant 1 : i32
        %get3A_1802 = arith.index_cast %get3A_1801 : i32 to index
        %get3A_1803 = arith.index_cast %add3A_1790 : i32 to index
        %get3A_1804 = arith.constant 16 : index
        %get3A_1805 = tpu.vector_load %arg7[%get3A_1802, %get3A_1803, %get3A_1804] {strides = array<i32>} : memref<5x128x32xf32, #tpu.memory_space<vmem>>, vector<16xf32>,
        %add3A_1806 = arith.addf %get3A_1805, %get3A_879 : vector<16xf32>
        %scatter3A_1807 = arith.constant 1 : i32
        %scatter3A_1808 = arith.constant 0 : i32
        %scatter3A_1809 = arith.constant 0 : i32
        %scatter3A_1810 = tpu.memref_slice %arg8[%scatter3A_1807, %scatter3A_1808, %scatter3A_1809] : memref<5x32x129xf32, #tpu.memory_space<vmem>> -> memref<1x32x129xf32, #tpu.memory_space<vmem>>
        %scatter3A_1811 = tpu.memref_squeeze %scatter3A_1810 : memref<1x32x129xf32, #tpu.memory_space<vmem>> -> memref<32x129xf32, #tpu.memory_space<vmem>>
        tpu.vector_store_idx %scatter3A_1811[%iota3A, %add3A_1794], %add3A_1800 : memref<32x129xf32, #tpu.memory_space<vmem>>[vector<16xi32>, vector<16xi32>], vector<16xf32>,
        %add3A_1812 = arith.constant 16 : i32
        %add3A_1813 = vector.broadcast %add3A_1812 : i32 to vector<16xi32>
        %add3A_1814 = arith.addi %iota3A, %add3A_1813 : vector<16xi32>
        %scatter3A_1815 = arith.constant 1 : i32
        %scatter3A_1816 = arith.constant 0 : i32
        %scatter3A_1817 = arith.constant 0 : i32
        %scatter3A_1818 = tpu.memref_slice %arg8[%scatter3A_1815, %scatter3A_1816, %scatter3A_1817] : memref<5x32x129xf32, #tpu.memory_space<vmem>> -> memref<1x32x129xf32, #tpu.memory_space<vmem>>
        %scatter3A_1819 = tpu.memref_squeeze %scatter3A_1818 : memref<1x32x129xf32, #tpu.memory_space<vmem>> -> memref<32x129xf32, #tpu.memory_space<vmem>>
        tpu.vector_store_idx %scatter3A_1819[%add3A_1814, %add3A_1794], %add3A_1806 : memref<32x129xf32, #tpu.memory_space<vmem>>[vector<16xi32>, vector<16xi32>], vector<16xf32>,
        %mul3A_1820 = arith.constant 8 : i32
        %mul3A_1821 = arith.muli %scan3A_1722, %mul3A_1820 : i32
        %add3A_1822 = arith.constant 3 : i32
        %add3A_1823 = arith.addi %mul3A_1821, %add3A_1822 : i32
        %broadcast_in_dim3A_1824 = arith.constant 0 : i32
        %broadcast_in_dim3A_1825 = vector.broadcast %broadcast_in_dim3A_1824 : i32 to vector<16xi32>
        %add3A_1826 = vector.broadcast %add3A_1823 : i32 to vector<16xi32>
        %add3A_1827 = arith.addi %broadcast_in_dim3A_1825, %add3A_1826 : vector<16xi32>
        %get3A_1828 = arith.constant 1 : i32
        %get3A_1829 = arith.index_cast %get3A_1828 : i32 to index
        %get3A_1830 = arith.index_cast %add3A_1823 : i32 to index
        %get3A_1831 = arith.constant 0 : index
        %get3A_1832 = tpu.vector_load %arg7[%get3A_1829, %get3A_1830, %get3A_1831] {strides = array<i32>} : memref<5x128x32xf32, #tpu.memory_space<vmem>>, vector<16xf32>,
        %add3A_1833 = arith.addf %get3A_1832, %get3A_876 : vector<16xf32>
        %get3A_1834 = arith.constant 1 : i32
        %get3A_1835 = arith.index_cast %get3A_1834 : i32 to index
        %get3A_1836 = arith.index_cast %add3A_1823 : i32 to index
        %get3A_1837 = arith.constant 16 : index
        %get3A_1838 = tpu.vector_load %arg7[%get3A_1835, %get3A_1836, %get3A_1837] {strides = array<i32>} : memref<5x128x32xf32, #tpu.memory_space<vmem>>, vector<16xf32>,
        %add3A_1839 = arith.addf %get3A_1838, %get3A_879 : vector<16xf32>
        %scatter3A_1840 = arith.constant 1 : i32
        %scatter3A_1841 = arith.constant 0 : i32
        %scatter3A_1842 = arith.constant 0 : i32
        %scatter3A_1843 = tpu.memref_slice %arg8[%scatter3A_1840, %scatter3A_1841, %scatter3A_1842] : memref<5x32x129xf32, #tpu.memory_space<vmem>> -> memref<1x32x129xf32, #tpu.memory_space<vmem>>
        %scatter3A_1844 = tpu.memref_squeeze %scatter3A_1843 : memref<1x32x129xf32, #tpu.memory_space<vmem>> -> memref<32x129xf32, #tpu.memory_space<vmem>>
        tpu.vector_store_idx %scatter3A_1844[%iota3A, %add3A_1827], %add3A_1833 : memref<32x129xf32, #tpu.memory_space<vmem>>[vector<16xi32>, vector<16xi32>], vector<16xf32>,
        %add3A_1845 = arith.constant 16 : i32
        %add3A_1846 = vector.broadcast %add3A_1845 : i32 to vector<16xi32>
        %add3A_1847 = arith.addi %iota3A, %add3A_1846 : vector<16xi32>
        %scatter3A_1848 = arith.constant 1 : i32
        %scatter3A_1849 = arith.constant 0 : i32
        %scatter3A_1850 = arith.constant 0 : i32
        %scatter3A_1851 = tpu.memref_slice %arg8[%scatter3A_1848, %scatter3A_1849, %scatter3A_1850] : memref<5x32x129xf32, #tpu.memory_space<vmem>> -> memref<1x32x129xf32, #tpu.memory_space<vmem>>
        %scatter3A_1852 = tpu.memref_squeeze %scatter3A_1851 : memref<1x32x129xf32, #tpu.memory_space<vmem>> -> memref<32x129xf32, #tpu.memory_space<vmem>>
        tpu.vector_store_idx %scatter3A_1852[%add3A_1847, %add3A_1827], %add3A_1839 : memref<32x129xf32, #tpu.memory_space<vmem>>[vector<16xi32>, vector<16xi32>], vector<16xf32>,
        %mul3A_1853 = arith.constant 8 : i32
        %mul3A_1854 = arith.muli %scan3A_1722, %mul3A_1853 : i32
        %add3A_1855 = arith.constant 4 : i32
        %add3A_1856 = arith.addi %mul3A_1854, %add3A_1855 : i32
        %broadcast_in_dim3A_1857 = arith.constant 0 : i32
        %broadcast_in_dim3A_1858 = vector.broadcast %broadcast_in_dim3A_1857 : i32 to vector<16xi32>
        %add3A_1859 = vector.broadcast %add3A_1856 : i32 to vector<16xi32>
        %add3A_1860 = arith.addi %broadcast_in_dim3A_1858, %add3A_1859 : vector<16xi32>
        %get3A_1861 = arith.constant 1 : i32
        %get3A_1862 = arith.index_cast %get3A_1861 : i32 to index
        %get3A_1863 = arith.index_cast %add3A_1856 : i32 to index
        %get3A_1864 = arith.constant 0 : index
        %get3A_1865 = tpu.vector_load %arg7[%get3A_1862, %get3A_1863, %get3A_1864] {strides = array<i32>} : memref<5x128x32xf32, #tpu.memory_space<vmem>>, vector<16xf32>,
        %add3A_1866 = arith.addf %get3A_1865, %get3A_876 : vector<16xf32>
        %get3A_1867 = arith.constant 1 : i32
        %get3A_1868 = arith.index_cast %get3A_1867 : i32 to index
        %get3A_1869 = arith.index_cast %add3A_1856 : i32 to index
        %get3A_1870 = arith.constant 16 : index
        %get3A_1871 = tpu.vector_load %arg7[%get3A_1868, %get3A_1869, %get3A_1870] {strides = array<i32>} : memref<5x128x32xf32, #tpu.memory_space<vmem>>, vector<16xf32>,
        %add3A_1872 = arith.addf %get3A_1871, %get3A_879 : vector<16xf32>
        %scatter3A_1873 = arith.constant 1 : i32
        %scatter3A_1874 = arith.constant 0 : i32
        %scatter3A_1875 = arith.constant 0 : i32
        %scatter3A_1876 = tpu.memref_slice %arg8[%scatter3A_1873, %scatter3A_1874, %scatter3A_1875] : memref<5x32x129xf32, #tpu.memory_space<vmem>> -> memref<1x32x129xf32, #tpu.memory_space<vmem>>
        %scatter3A_1877 = tpu.memref_squeeze %scatter3A_1876 : memref<1x32x129xf32, #tpu.memory_space<vmem>> -> memref<32x129xf32, #tpu.memory_space<vmem>>
        tpu.vector_store_idx %scatter3A_1877[%iota3A, %add3A_1860], %add3A_1866 : memref<32x129xf32, #tpu.memory_space<vmem>>[vector<16xi32>, vector<16xi32>], vector<16xf32>,
        %add3A_1878 = arith.constant 16 : i32
        %add3A_1879 = vector.broadcast %add3A_1878 : i32 to vector<16xi32>
        %add3A_1880 = arith.addi %iota3A, %add3A_1879 : vector<16xi32>
        %scatter3A_1881 = arith.constant 1 : i32
        %scatter3A_1882 = arith.constant 0 : i32
        %scatter3A_1883 = arith.constant 0 : i32
        %scatter3A_1884 = tpu.memref_slice %arg8[%scatter3A_1881, %scatter3A_1882, %scatter3A_1883] : memref<5x32x129xf32, #tpu.memory_space<vmem>> -> memref<1x32x129xf32, #tpu.memory_space<vmem>>
        %scatter3A_1885 = tpu.memref_squeeze %scatter3A_1884 : memref<1x32x129xf32, #tpu.memory_space<vmem>> -> memref<32x129xf32, #tpu.memory_space<vmem>>
        tpu.vector_store_idx %scatter3A_1885[%add3A_1880, %add3A_1860], %add3A_1872 : memref<32x129xf32, #tpu.memory_space<vmem>>[vector<16xi32>, vector<16xi32>], vector<16xf32>,
        %mul3A_1886 = arith.constant 8 : i32
        %mul3A_1887 = arith.muli %scan3A_1722, %mul3A_1886 : i32
        %add3A_1888 = arith.constant 5 : i32
        %add3A_1889 = arith.addi %mul3A_1887, %add3A_1888 : i32
        %broadcast_in_dim3A_1890 = arith.constant 0 : i32
        %broadcast_in_dim3A_1891 = vector.broadcast %broadcast_in_dim3A_1890 : i32 to vector<16xi32>
        %add3A_1892 = vector.broadcast %add3A_1889 : i32 to vector<16xi32>
        %add3A_1893 = arith.addi %broadcast_in_dim3A_1891, %add3A_1892 : vector<16xi32>
        %get3A_1894 = arith.constant 1 : i32
        %get3A_1895 = arith.index_cast %get3A_1894 : i32 to index
        %get3A_1896 = arith.index_cast %add3A_1889 : i32 to index
        %get3A_1897 = arith.constant 0 : index
        %get3A_1898 = tpu.vector_load %arg7[%get3A_1895, %get3A_1896, %get3A_1897] {strides = array<i32>} : memref<5x128x32xf32, #tpu.memory_space<vmem>>, vector<16xf32>,
        %add3A_1899 = arith.addf %get3A_1898, %get3A_876 : vector<16xf32>
        %get3A_1900 = arith.constant 1 : i32
        %get3A_1901 = arith.index_cast %get3A_1900 : i32 to index
        %get3A_1902 = arith.index_cast %add3A_1889 : i32 to index
        %get3A_1903 = arith.constant 16 : index
        %get3A_1904 = tpu.vector_load %arg7[%get3A_1901, %get3A_1902, %get3A_1903] {strides = array<i32>} : memref<5x128x32xf32, #tpu.memory_space<vmem>>, vector<16xf32>,
        %add3A_1905 = arith.addf %get3A_1904, %get3A_879 : vector<16xf32>
        %scatter3A_1906 = arith.constant 1 : i32
        %scatter3A_1907 = arith.constant 0 : i32
        %scatter3A_1908 = arith.constant 0 : i32
        %scatter3A_1909 = tpu.memref_slice %arg8[%scatter3A_1906, %scatter3A_1907, %scatter3A_1908] : memref<5x32x129xf32, #tpu.memory_space<vmem>> -> memref<1x32x129xf32, #tpu.memory_space<vmem>>
        %scatter3A_1910 = tpu.memref_squeeze %scatter3A_1909 : memref<1x32x129xf32, #tpu.memory_space<vmem>> -> memref<32x129xf32, #tpu.memory_space<vmem>>
        tpu.vector_store_idx %scatter3A_1910[%iota3A, %add3A_1893], %add3A_1899 : memref<32x129xf32, #tpu.memory_space<vmem>>[vector<16xi32>, vector<16xi32>], vector<16xf32>,
        %add3A_1911 = arith.constant 16 : i32
        %add3A_1912 = vector.broadcast %add3A_1911 : i32 to vector<16xi32>
        %add3A_1913 = arith.addi %iota3A, %add3A_1912 : vector<16xi32>
        %scatter3A_1914 = arith.constant 1 : i32
        %scatter3A_1915 = arith.constant 0 : i32
        %scatter3A_1916 = arith.constant 0 : i32
        %scatter3A_1917 = tpu.memref_slice %arg8[%scatter3A_1914, %scatter3A_1915, %scatter3A_1916] : memref<5x32x129xf32, #tpu.memory_space<vmem>> -> memref<1x32x129xf32, #tpu.memory_space<vmem>>
        %scatter3A_1918 = tpu.memref_squeeze %scatter3A_1917 : memref<1x32x129xf32, #tpu.memory_space<vmem>> -> memref<32x129xf32, #tpu.memory_space<vmem>>
        tpu.vector_store_idx %scatter3A_1918[%add3A_1913, %add3A_1893], %add3A_1905 : memref<32x129xf32, #tpu.memory_space<vmem>>[vector<16xi32>, vector<16xi32>], vector<16xf32>,
        %mul3A_1919 = arith.constant 8 : i32
        %mul3A_1920 = arith.muli %scan3A_1722, %mul3A_1919 : i32
        %add3A_1921 = arith.constant 6 : i32
        %add3A_1922 = arith.addi %mul3A_1920, %add3A_1921 : i32
        %broadcast_in_dim3A_1923 = arith.constant 0 : i32
        %broadcast_in_dim3A_1924 = vector.broadcast %broadcast_in_dim3A_1923 : i32 to vector<16xi32>
        %add3A_1925 = vector.broadcast %add3A_1922 : i32 to vector<16xi32>
        %add3A_1926 = arith.addi %broadcast_in_dim3A_1924, %add3A_1925 : vector<16xi32>
        %get3A_1927 = arith.constant 1 : i32
        %get3A_1928 = arith.index_cast %get3A_1927 : i32 to index
        %get3A_1929 = arith.index_cast %add3A_1922 : i32 to index
        %get3A_1930 = arith.constant 0 : index
        %get3A_1931 = tpu.vector_load %arg7[%get3A_1928, %get3A_1929, %get3A_1930] {strides = array<i32>} : memref<5x128x32xf32, #tpu.memory_space<vmem>>, vector<16xf32>,
        %add3A_1932 = arith.addf %get3A_1931, %get3A_876 : vector<16xf32>
        %get3A_1933 = arith.constant 1 : i32
        %get3A_1934 = arith.index_cast %get3A_1933 : i32 to index
        %get3A_1935 = arith.index_cast %add3A_1922 : i32 to index
        %get3A_1936 = arith.constant 16 : index
        %get3A_1937 = tpu.vector_load %arg7[%get3A_1934, %get3A_1935, %get3A_1936] {strides = array<i32>} : memref<5x128x32xf32, #tpu.memory_space<vmem>>, vector<16xf32>,
        %add3A_1938 = arith.addf %get3A_1937, %get3A_879 : vector<16xf32>
        %scatter3A_1939 = arith.constant 1 : i32
        %scatter3A_1940 = arith.constant 0 : i32
        %scatter3A_1941 = arith.constant 0 : i32
        %scatter3A_1942 = tpu.memref_slice %arg8[%scatter3A_1939, %scatter3A_1940, %scatter3A_1941] : memref<5x32x129xf32, #tpu.memory_space<vmem>> -> memref<1x32x129xf32, #tpu.memory_space<vmem>>
        %scatter3A_1943 = tpu.memref_squeeze %scatter3A_1942 : memref<1x32x129xf32, #tpu.memory_space<vmem>> -> memref<32x129xf32, #tpu.memory_space<vmem>>
        tpu.vector_store_idx %scatter3A_1943[%iota3A, %add3A_1926], %add3A_1932 : memref<32x129xf32, #tpu.memory_space<vmem>>[vector<16xi32>, vector<16xi32>], vector<16xf32>,
        %add3A_1944 = arith.constant 16 : i32
        %add3A_1945 = vector.broadcast %add3A_1944 : i32 to vector<16xi32>
        %add3A_1946 = arith.addi %iota3A, %add3A_1945 : vector<16xi32>
        %scatter3A_1947 = arith.constant 1 : i32
        %scatter3A_1948 = arith.constant 0 : i32
        %scatter3A_1949 = arith.constant 0 : i32
        %scatter3A_1950 = tpu.memref_slice %arg8[%scatter3A_1947, %scatter3A_1948, %scatter3A_1949] : memref<5x32x129xf32, #tpu.memory_space<vmem>> -> memref<1x32x129xf32, #tpu.memory_space<vmem>>
        %scatter3A_1951 = tpu.memref_squeeze %scatter3A_1950 : memref<1x32x129xf32, #tpu.memory_space<vmem>> -> memref<32x129xf32, #tpu.memory_space<vmem>>
        tpu.vector_store_idx %scatter3A_1951[%add3A_1946, %add3A_1926], %add3A_1938 : memref<32x129xf32, #tpu.memory_space<vmem>>[vector<16xi32>, vector<16xi32>], vector<16xf32>,
        %mul3A_1952 = arith.constant 8 : i32
        %mul3A_1953 = arith.muli %scan3A_1722, %mul3A_1952 : i32
        %add3A_1954 = arith.constant 7 : i32
        %add3A_1955 = arith.addi %mul3A_1953, %add3A_1954 : i32
        %broadcast_in_dim3A_1956 = arith.constant 0 : i32
        %broadcast_in_dim3A_1957 = vector.broadcast %broadcast_in_dim3A_1956 : i32 to vector<16xi32>
        %add3A_1958 = vector.broadcast %add3A_1955 : i32 to vector<16xi32>
        %add3A_1959 = arith.addi %broadcast_in_dim3A_1957, %add3A_1958 : vector<16xi32>
        %get3A_1960 = arith.constant 1 : i32
        %get3A_1961 = arith.index_cast %get3A_1960 : i32 to index
        %get3A_1962 = arith.index_cast %add3A_1955 : i32 to index
        %get3A_1963 = arith.constant 0 : index
        %get3A_1964 = tpu.vector_load %arg7[%get3A_1961, %get3A_1962, %get3A_1963] {strides = array<i32>} : memref<5x128x32xf32, #tpu.memory_space<vmem>>, vector<16xf32>,
        %add3A_1965 = arith.addf %get3A_1964, %get3A_876 : vector<16xf32>
        %get3A_1966 = arith.constant 1 : i32
        %get3A_1967 = arith.index_cast %get3A_1966 : i32 to index
        %get3A_1968 = arith.index_cast %add3A_1955 : i32 to index
        %get3A_1969 = arith.constant 16 : index
        %get3A_1970 = tpu.vector_load %arg7[%get3A_1967, %get3A_1968, %get3A_1969] {strides = array<i32>} : memref<5x128x32xf32, #tpu.memory_space<vmem>>, vector<16xf32>,
        %add3A_1971 = arith.addf %get3A_1970, %get3A_879 : vector<16xf32>
        %scatter3A_1972 = arith.constant 1 : i32
        %scatter3A_1973 = arith.constant 0 : i32
        %scatter3A_1974 = arith.constant 0 : i32
        %scatter3A_1975 = tpu.memref_slice %arg8[%scatter3A_1972, %scatter3A_1973, %scatter3A_1974] : memref<5x32x129xf32, #tpu.memory_space<vmem>> -> memref<1x32x129xf32, #tpu.memory_space<vmem>>
        %scatter3A_1976 = tpu.memref_squeeze %scatter3A_1975 : memref<1x32x129xf32, #tpu.memory_space<vmem>> -> memref<32x129xf32, #tpu.memory_space<vmem>>
        tpu.vector_store_idx %scatter3A_1976[%iota3A, %add3A_1959], %add3A_1965 : memref<32x129xf32, #tpu.memory_space<vmem>>[vector<16xi32>, vector<16xi32>], vector<16xf32>,
        %add3A_1977 = arith.constant 16 : i32
        %add3A_1978 = vector.broadcast %add3A_1977 : i32 to vector<16xi32>
        %add3A_1979 = arith.addi %iota3A, %add3A_1978 : vector<16xi32>
        %scatter3A_1980 = arith.constant 1 : i32
        %scatter3A_1981 = arith.constant 0 : i32
        %scatter3A_1982 = arith.constant 0 : i32
        %scatter3A_1983 = tpu.memref_slice %arg8[%scatter3A_1980, %scatter3A_1981, %scatter3A_1982] : memref<5x32x129xf32, #tpu.memory_space<vmem>> -> memref<1x32x129xf32, #tpu.memory_space<vmem>>
        %scatter3A_1984 = tpu.memref_squeeze %scatter3A_1983 : memref<1x32x129xf32, #tpu.memory_space<vmem>> -> memref<32x129xf32, #tpu.memory_space<vmem>>
        tpu.vector_store_idx %scatter3A_1984[%add3A_1979, %add3A_1959], %add3A_1971 : memref<32x129xf32, #tpu.memory_space<vmem>>[vector<16xi32>, vector<16xi32>], vector<16xf32>,
      }
      %scan3A_885 = arith.constant 16 : i32
      %add3A_886 = arith.addi %mul3A_2, %add3A_823 : i32
      %jit3A_887 = arith.constant 32 : i32
      %div3A_888 = arith.divsi %add3A_886, %jit3A_887 : i32
      %sign3A_889 = arith.constant 0 : i32
      %sign3A_890 = arith.cmpi sgt, %add3A_886, %sign3A_889 : i32
      %sign3A_891 = arith.extui %sign3A_890 : i1 to i32
      %sign3A_892 = arith.constant 0 : i32
      %sign3A_893 = arith.cmpi slt, %add3A_886, %sign3A_892 : i32
      %sign3A_894 = arith.extui %sign3A_893 : i1 to i32
      %sign3A_895 = arith.subi %sign3A_891, %sign3A_894 : i32
      %sign3A_896 = arith.constant 0 : i32
      %sign3A_897 = arith.cmpi sgt, %jit3A_887, %sign3A_896 : i32
      %sign3A_898 = arith.extui %sign3A_897 : i1 to i32
      %sign3A_899 = arith.constant 0 : i32
      %sign3A_900 = arith.cmpi slt, %jit3A_887, %sign3A_899 : i32
      %sign3A_901 = arith.extui %sign3A_900 : i1 to i32
      %sign3A_902 = arith.subi %sign3A_898, %sign3A_901 : i32
      %ne3A_903 = arith.cmpi ne, %sign3A_895, %sign3A_902 : i32
      %rem3A_904 = arith.remsi %add3A_886, %jit3A_887 : i32
      %ne3A_905 = arith.constant 0 : i32
      %ne3A_906 = arith.cmpi ne, %rem3A_904, %ne3A_905 : i32
      %and3A_907 = arith.andi %ne3A_903, %ne3A_906 : i1
      %sub3A_908 = arith.constant 1 : i32
      %sub3A_909 = arith.subi %div3A_888, %sub3A_908 : i32
      %select_n3A_910 = arith.select %and3A_907, %sub3A_909, %div3A_888 : i32
      %jit3A_911 = arith.constant 32 : i32
      %eq3A_912 = arith.constant 0 : i32
      %eq3A_913 = arith.cmpi eq, %jit3A_911, %eq3A_912 : i32
      %jit3A_914 = arith.constant 1 : i32
      %select_n3A_915 = arith.select %eq3A_913, %jit3A_914, %jit3A_911 : i32
      %rem3A_916 = arith.remsi %add3A_886, %select_n3A_915 : i32
      %ne3A_917 = arith.constant 0 : i32
      %ne3A_918 = arith.cmpi ne, %rem3A_916, %ne3A_917 : i32
      %lt3A_919 = arith.constant 0 : i32
      %lt3A_920 = arith.cmpi slt, %rem3A_916, %lt3A_919 : i32
      %lt3A_921 = arith.constant 0 : i32
      %lt3A_922 = arith.cmpi slt, %select_n3A_915, %lt3A_921 : i32
      %ne3A_923 = arith.xori %lt3A_920, %lt3A_922 : i1
      %and3A_924 = arith.andi %ne3A_923, %ne3A_918 : i1
      %add3A_925 = arith.addi %rem3A_916, %select_n3A_915 : i32
      %select_n3A_926 = arith.select %and3A_924, %add3A_925, %rem3A_916 : i32
      %mul3A_927 = arith.constant 4 : i32
      %mul3A_928 = arith.muli %select_n3A_910, %mul3A_927 : i32
      %add3A_929 = arith.constant 0 : i32
      %add3A_930 = arith.addi %mul3A_928, %add3A_929 : i32
      %dma_start3A_931 = arith.constant 1 : i32
      %dma_start3A_932 = arith.constant 1 : i32
      %dma_start3A_933 = arith.constant 0 : i32
      %dma_start3A_934 = arith.constant 0 : i32
      %dma_start3A_935 = tpu.memref_slice %arg8[%dma_start3A_931, %dma_start3A_933, %dma_start3A_934] : memref<5x32x129xf32, #tpu.memory_space<vmem>> -> memref<1x32x129xf32, #tpu.memory_space<vmem>>
      %dma_start3A_936 = tpu.memref_squeeze %dma_start3A_935 : memref<1x32x129xf32, #tpu.memory_space<vmem>> -> memref<32x129xf32, #tpu.memory_space<vmem>>
      %dma_start3A_937 = arith.constant 0 : i32
      %dma_start3A_938 = arith.constant 0 : i32
      %dma_start3A_939 = tpu.memref_slice %dma_start3A_936[%dma_start3A_937, %dma_start3A_938] : memref<32x129xf32, #tpu.memory_space<vmem>> -> memref<8x128xf32, #tpu.memory_space<vmem>>
      %dma_start3A_940 = arith.constant 0 : i32
      %dma_start3A_941 = arith.constant 0 : i32
      %dma_start3A_942 = tpu.memref_slice %arg5[%add3A_930, %select_n3A_926, %dma_start3A_940, %dma_start3A_941] : memref<800x32x8x128xf32, #tpu.memory_space<hbm>> -> memref<1x1x8x128xf32, #tpu.memory_space<hbm>>
      %dma_start3A_943 = tpu.memref_squeeze %dma_start3A_942 : memref<1x1x8x128xf32, #tpu.memory_space<hbm>> -> memref<8x128xf32, #tpu.memory_space<hbm>>
      %dma_start3A_944 = tpu.memref_slice %arg11[%dma_start3A_932] : memref<5x!tpu.dma_semaphore, #tpu.memory_space<semaphore_mem>> -> memref<1x!tpu.dma_semaphore, #tpu.memory_space<semaphore_mem>>
      %dma_start3A_945 = tpu.memref_squeeze %dma_start3A_944 : memref<1x!tpu.dma_semaphore, #tpu.memory_space<semaphore_mem>> -> memref<!tpu.dma_semaphore, #tpu.memory_space<semaphore_mem>>
      %dma_start3A_946 = arith.constant 0 : i32
      %dma_start3A_947 = arith.constant 0 : i32
      %dma_start3A_948 = tpu.memref_slice %arg5[%add3A_930, %select_n3A_926, %dma_start3A_946, %dma_start3A_947] : memref<800x32x8x128xf32, #tpu.memory_space<hbm>> -> memref<1x1x8x128xf32, #tpu.memory_space<hbm>>
      %dma_start3A_949 = tpu.memref_squeeze %dma_start3A_948 : memref<1x1x8x128xf32, #tpu.memory_space<hbm>> -> memref<8x128xf32, #tpu.memory_space<hbm>>
      %dma_start3A_950 = arith.constant 0 : i32
      %dma_start3A_951 = arith.constant 0 : i32
      %dma_start3A_952 = tpu.memref_slice %arg8[%dma_start3A_931, %dma_start3A_950, %dma_start3A_951] : memref<5x32x129xf32, #tpu.memory_space<vmem>> -> memref<1x32x129xf32, #tpu.memory_space<vmem>>
      %dma_start3A_953 = tpu.memref_squeeze %dma_start3A_952 : memref<1x32x129xf32, #tpu.memory_space<vmem>> -> memref<32x129xf32, #tpu.memory_space<vmem>>
      %dma_start3A_954 = arith.constant 0 : i32
      %dma_start3A_955 = arith.constant 0 : i32
      %dma_start3A_956 = tpu.memref_slice %dma_start3A_953[%dma_start3A_954, %dma_start3A_955] : memref<32x129xf32, #tpu.memory_space<vmem>> -> memref<8x128xf32, #tpu.memory_space<vmem>>
      tpu.enqueue_dma source(%dma_start3A_956 : memref<8x128xf32, #tpu.memory_space<vmem>>) target(%dma_start3A_949 : memref<8x128xf32, #tpu.memory_space<hbm>>) target_semaphore(%dma_start3A_945 : memref<!tpu.dma_semaphore, #tpu.memory_space<semaphore_mem>>)
      %mul3A_957 = arith.constant 4 : i32
      %mul3A_958 = arith.muli %select_n3A_910, %mul3A_957 : i32
      %add3A_959 = arith.constant 1 : i32
      %add3A_960 = arith.addi %mul3A_958, %add3A_959 : i32
      %dma_start3A_961 = arith.constant 1 : i32
      %dma_start3A_962 = arith.constant 1 : i32
      %dma_start3A_963 = arith.constant 0 : i32
      %dma_start3A_964 = arith.constant 0 : i32
      %dma_start3A_965 = tpu.memref_slice %arg8[%dma_start3A_961, %dma_start3A_963, %dma_start3A_964] : memref<5x32x129xf32, #tpu.memory_space<vmem>> -> memref<1x32x129xf32, #tpu.memory_space<vmem>>
      %dma_start3A_966 = tpu.memref_squeeze %dma_start3A_965 : memref<1x32x129xf32, #tpu.memory_space<vmem>> -> memref<32x129xf32, #tpu.memory_space<vmem>>
      %dma_start3A_967 = arith.constant 8 : i32
      %dma_start3A_968 = arith.constant 0 : i32
      %dma_start3A_969 = tpu.memref_slice %dma_start3A_966[%dma_start3A_967, %dma_start3A_968] : memref<32x129xf32, #tpu.memory_space<vmem>> -> memref<8x128xf32, #tpu.memory_space<vmem>>
      %dma_start3A_970 = arith.constant 0 : i32
      %dma_start3A_971 = arith.constant 0 : i32
      %dma_start3A_972 = tpu.memref_slice %arg5[%add3A_960, %select_n3A_926, %dma_start3A_970, %dma_start3A_971] : memref<800x32x8x128xf32, #tpu.memory_space<hbm>> -> memref<1x1x8x128xf32, #tpu.memory_space<hbm>>
      %dma_start3A_973 = tpu.memref_squeeze %dma_start3A_972 : memref<1x1x8x128xf32, #tpu.memory_space<hbm>> -> memref<8x128xf32, #tpu.memory_space<hbm>>
      %dma_start3A_974 = tpu.memref_slice %arg11[%dma_start3A_962] : memref<5x!tpu.dma_semaphore, #tpu.memory_space<semaphore_mem>> -> memref<1x!tpu.dma_semaphore, #tpu.memory_space<semaphore_mem>>
      %dma_start3A_975 = tpu.memref_squeeze %dma_start3A_974 : memref<1x!tpu.dma_semaphore, #tpu.memory_space<semaphore_mem>> -> memref<!tpu.dma_semaphore, #tpu.memory_space<semaphore_mem>>
      %dma_start3A_976 = arith.constant 0 : i32
      %dma_start3A_977 = arith.constant 0 : i32
      %dma_start3A_978 = tpu.memref_slice %arg5[%add3A_960, %select_n3A_926, %dma_start3A_976, %dma_start3A_977] : memref<800x32x8x128xf32, #tpu.memory_space<hbm>> -> memref<1x1x8x128xf32, #tpu.memory_space<hbm>>
      %dma_start3A_979 = tpu.memref_squeeze %dma_start3A_978 : memref<1x1x8x128xf32, #tpu.memory_space<hbm>> -> memref<8x128xf32, #tpu.memory_space<hbm>>
      %dma_start3A_980 = arith.constant 0 : i32
      %dma_start3A_981 = arith.constant 0 : i32
      %dma_start3A_982 = tpu.memref_slice %arg8[%dma_start3A_961, %dma_start3A_980, %dma_start3A_981] : memref<5x32x129xf32, #tpu.memory_space<vmem>> -> memref<1x32x129xf32, #tpu.memory_space<vmem>>
      %dma_start3A_983 = tpu.memref_squeeze %dma_start3A_982 : memref<1x32x129xf32, #tpu.memory_space<vmem>> -> memref<32x129xf32, #tpu.memory_space<vmem>>
      %dma_start3A_984 = arith.constant 8 : i32
      %dma_start3A_985 = arith.constant 0 : i32
      %dma_start3A_986 = tpu.memref_slice %dma_start3A_983[%dma_start3A_984, %dma_start3A_985] : memref<32x129xf32, #tpu.memory_space<vmem>> -> memref<8x128xf32, #tpu.memory_space<vmem>>
      tpu.enqueue_dma source(%dma_start3A_986 : memref<8x128xf32, #tpu.memory_space<vmem>>) target(%dma_start3A_979 : memref<8x128xf32, #tpu.memory_space<hbm>>) target_semaphore(%dma_start3A_975 : memref<!tpu.dma_semaphore, #tpu.memory_space<semaphore_mem>>)
      %mul3A_987 = arith.constant 4 : i32
      %mul3A_988 = arith.muli %select_n3A_910, %mul3A_987 : i32
      %add3A_989 = arith.constant 2 : i32
      %add3A_990 = arith.addi %mul3A_988, %add3A_989 : i32
      %dma_start3A_991 = arith.constant 1 : i32
      %dma_start3A_992 = arith.constant 1 : i32
      %dma_start3A_993 = arith.constant 0 : i32
      %dma_start3A_994 = arith.constant 0 : i32
      %dma_start3A_995 = tpu.memref_slice %arg8[%dma_start3A_991, %dma_start3A_993, %dma_start3A_994] : memref<5x32x129xf32, #tpu.memory_space<vmem>> -> memref<1x32x129xf32, #tpu.memory_space<vmem>>
      %dma_start3A_996 = tpu.memref_squeeze %dma_start3A_995 : memref<1x32x129xf32, #tpu.memory_space<vmem>> -> memref<32x129xf32, #tpu.memory_space<vmem>>
      %dma_start3A_997 = arith.constant 16 : i32
      %dma_start3A_998 = arith.constant 0 : i32
      %dma_start3A_999 = tpu.memref_slice %dma_start3A_996[%dma_start3A_997, %dma_start3A_998] : memref<32x129xf32, #tpu.memory_space<vmem>> -> memref<8x128xf32, #tpu.memory_space<vmem>>
      %dma_start3A_1000 = arith.constant 0 : i32
      %dma_start3A_1001 = arith.constant 0 : i32
      %dma_start3A_1002 = tpu.memref_slice %arg5[%add3A_990, %select_n3A_926, %dma_start3A_1000, %dma_start3A_1001] : memref<800x32x8x128xf32, #tpu.memory_space<hbm>> -> memref<1x1x8x128xf32, #tpu.memory_space<hbm>>
      %dma_start3A_1003 = tpu.memref_squeeze %dma_start3A_1002 : memref<1x1x8x128xf32, #tpu.memory_space<hbm>> -> memref<8x128xf32, #tpu.memory_space<hbm>>
      %dma_start3A_1004 = tpu.memref_slice %arg11[%dma_start3A_992] : memref<5x!tpu.dma_semaphore, #tpu.memory_space<semaphore_mem>> -> memref<1x!tpu.dma_semaphore, #tpu.memory_space<semaphore_mem>>
      %dma_start3A_1005 = tpu.memref_squeeze %dma_start3A_1004 : memref<1x!tpu.dma_semaphore, #tpu.memory_space<semaphore_mem>> -> memref<!tpu.dma_semaphore, #tpu.memory_space<semaphore_mem>>
      %dma_start3A_1006 = arith.constant 0 : i32
      %dma_start3A_1007 = arith.constant 0 : i32
      %dma_start3A_1008 = tpu.memref_slice %arg5[%add3A_990, %select_n3A_926, %dma_start3A_1006, %dma_start3A_1007] : memref<800x32x8x128xf32, #tpu.memory_space<hbm>> -> memref<1x1x8x128xf32, #tpu.memory_space<hbm>>
      %dma_start3A_1009 = tpu.memref_squeeze %dma_start3A_1008 : memref<1x1x8x128xf32, #tpu.memory_space<hbm>> -> memref<8x128xf32, #tpu.memory_space<hbm>>
      %dma_start3A_1010 = arith.constant 0 : i32
      %dma_start3A_1011 = arith.constant 0 : i32
      %dma_start3A_1012 = tpu.memref_slice %arg8[%dma_start3A_991, %dma_start3A_1010, %dma_start3A_1011] : memref<5x32x129xf32, #tpu.memory_space<vmem>> -> memref<1x32x129xf32, #tpu.memory_space<vmem>>
      %dma_start3A_1013 = tpu.memref_squeeze %dma_start3A_1012 : memref<1x32x129xf32, #tpu.memory_space<vmem>> -> memref<32x129xf32, #tpu.memory_space<vmem>>
      %dma_start3A_1014 = arith.constant 16 : i32
      %dma_start3A_1015 = arith.constant 0 : i32
      %dma_start3A_1016 = tpu.memref_slice %dma_start3A_1013[%dma_start3A_1014, %dma_start3A_1015] : memref<32x129xf32, #tpu.memory_space<vmem>> -> memref<8x128xf32, #tpu.memory_space<vmem>>
      tpu.enqueue_dma source(%dma_start3A_1016 : memref<8x128xf32, #tpu.memory_space<vmem>>) target(%dma_start3A_1009 : memref<8x128xf32, #tpu.memory_space<hbm>>) target_semaphore(%dma_start3A_1005 : memref<!tpu.dma_semaphore, #tpu.memory_space<semaphore_mem>>)
      %mul3A_1017 = arith.constant 4 : i32
      %mul3A_1018 = arith.muli %select_n3A_910, %mul3A_1017 : i32
      %add3A_1019 = arith.constant 3 : i32
      %add3A_1020 = arith.addi %mul3A_1018, %add3A_1019 : i32
      %dma_start3A_1021 = arith.constant 1 : i32
      %dma_start3A_1022 = arith.constant 1 : i32
      %dma_start3A_1023 = arith.constant 0 : i32
      %dma_start3A_1024 = arith.constant 0 : i32
      %dma_start3A_1025 = tpu.memref_slice %arg8[%dma_start3A_1021, %dma_start3A_1023, %dma_start3A_1024] : memref<5x32x129xf32, #tpu.memory_space<vmem>> -> memref<1x32x129xf32, #tpu.memory_space<vmem>>
      %dma_start3A_1026 = tpu.memref_squeeze %dma_start3A_1025 : memref<1x32x129xf32, #tpu.memory_space<vmem>> -> memref<32x129xf32, #tpu.memory_space<vmem>>
      %dma_start3A_1027 = arith.constant 24 : i32
      %dma_start3A_1028 = arith.constant 0 : i32
      %dma_start3A_1029 = tpu.memref_slice %dma_start3A_1026[%dma_start3A_1027, %dma_start3A_1028] : memref<32x129xf32, #tpu.memory_space<vmem>> -> memref<8x128xf32, #tpu.memory_space<vmem>>
      %dma_start3A_1030 = arith.constant 0 : i32
      %dma_start3A_1031 = arith.constant 0 : i32
      %dma_start3A_1032 = tpu.memref_slice %arg5[%add3A_1020, %select_n3A_926, %dma_start3A_1030, %dma_start3A_1031] : memref<800x32x8x128xf32, #tpu.memory_space<hbm>> -> memref<1x1x8x128xf32, #tpu.memory_space<hbm>>
      %dma_start3A_1033 = tpu.memref_squeeze %dma_start3A_1032 : memref<1x1x8x128xf32, #tpu.memory_space<hbm>> -> memref<8x128xf32, #tpu.memory_space<hbm>>
      %dma_start3A_1034 = tpu.memref_slice %arg11[%dma_start3A_1022] : memref<5x!tpu.dma_semaphore, #tpu.memory_space<semaphore_mem>> -> memref<1x!tpu.dma_semaphore, #tpu.memory_space<semaphore_mem>>
      %dma_start3A_1035 = tpu.memref_squeeze %dma_start3A_1034 : memref<1x!tpu.dma_semaphore, #tpu.memory_space<semaphore_mem>> -> memref<!tpu.dma_semaphore, #tpu.memory_space<semaphore_mem>>
      %dma_start3A_1036 = arith.constant 0 : i32
      %dma_start3A_1037 = arith.constant 0 : i32
      %dma_start3A_1038 = tpu.memref_slice %arg5[%add3A_1020, %select_n3A_926, %dma_start3A_1036, %dma_start3A_1037] : memref<800x32x8x128xf32, #tpu.memory_space<hbm>> -> memref<1x1x8x128xf32, #tpu.memory_space<hbm>>
      %dma_start3A_1039 = tpu.memref_squeeze %dma_start3A_1038 : memref<1x1x8x128xf32, #tpu.memory_space<hbm>> -> memref<8x128xf32, #tpu.memory_space<hbm>>
      %dma_start3A_1040 = arith.constant 0 : i32
      %dma_start3A_1041 = arith.constant 0 : i32
      %dma_start3A_1042 = tpu.memref_slice %arg8[%dma_start3A_1021, %dma_start3A_1040, %dma_start3A_1041] : memref<5x32x129xf32, #tpu.memory_space<vmem>> -> memref<1x32x129xf32, #tpu.memory_space<vmem>>
      %dma_start3A_1043 = tpu.memref_squeeze %dma_start3A_1042 : memref<1x32x129xf32, #tpu.memory_space<vmem>> -> memref<32x129xf32, #tpu.memory_space<vmem>>
      %dma_start3A_1044 = arith.constant 24 : i32
      %dma_start3A_1045 = arith.constant 0 : i32
      %dma_start3A_1046 = tpu.memref_slice %dma_start3A_1043[%dma_start3A_1044, %dma_start3A_1045] : memref<32x129xf32, #tpu.memory_space<vmem>> -> memref<8x128xf32, #tpu.memory_space<vmem>>
      tpu.enqueue_dma source(%dma_start3A_1046 : memref<8x128xf32, #tpu.memory_space<vmem>>) target(%dma_start3A_1039 : memref<8x128xf32, #tpu.memory_space<hbm>>) target_semaphore(%dma_start3A_1035 : memref<!tpu.dma_semaphore, #tpu.memory_space<semaphore_mem>>)
      %add3A_1047 = arith.constant 2 : i32
      %add3A_1048 = arith.addi %mul3A_609, %add3A_1047 : i32
      %add3A_1049 = arith.constant 3 : i32
      %add3A_1050 = arith.addi %add3A_1048, %add3A_1049 : i32
      %lt3A_1051 = arith.constant 200 : i32
      %lt3A_1052 = arith.cmpi slt, %add3A_1050, %lt3A_1051 : i32
      %convert_element_type3A_1053 = arith.extui %lt3A_1052 : i1 to i32
      %cond3A_1054 = arith.constant 0 : i32
      %cond3A_1055 = arith.cmpi ne, %convert_element_type3A_1053, %cond3A_1054 : i32
      scf.if %cond3A_1055 {
        %add3A_1722 = arith.constant 3 : i32
        %add3A_1723 = arith.addi %add3A_1048, %add3A_1722 : i32
        %ge3A = arith.constant 5 : i32
        %ge3A_1724 = arith.cmpi sge, %add3A_1723, %ge3A : i32
        %convert_element_type3A_1725 = arith.extui %ge3A_1724 : i1 to i32
        %cond3A_1726 = arith.constant 0 : i32
        %cond3A_1727 = arith.cmpi ne, %convert_element_type3A_1725, %cond3A_1726 : i32
        scf.if %cond3A_1727 {
          %dma_wait3A_1744 = arith.constant 0 : i32
          %dma_wait3A_1745 = arith.constant 0 : i32
          %dma_wait3A_1746 = arith.constant 0 : i32
          %dma_wait3A_1747 = arith.constant 0 : i32
          %dma_wait3A_1748 = arith.constant 0 : i32
          %dma_wait3A_1749 = arith.constant 0 : i32
          %dma_wait3A_1750 = tpu.memref_slice %arg8[%dma_wait3A_1744, %dma_wait3A_1748, %dma_wait3A_1749] : memref<5x32x129xf32, #tpu.memory_space<vmem>> -> memref<1x32x129xf32, #tpu.memory_space<vmem>>
          %dma_wait3A_1751 = tpu.memref_squeeze %dma_wait3A_1750 : memref<1x32x129xf32, #tpu.memory_space<vmem>> -> memref<32x129xf32, #tpu.memory_space<vmem>>
          %dma_wait3A_1752 = arith.constant 0 : i32
          %dma_wait3A_1753 = arith.constant 0 : i32
          %dma_wait3A_1754 = tpu.memref_slice %dma_wait3A_1751[%dma_wait3A_1752, %dma_wait3A_1753] : memref<32x129xf32, #tpu.memory_space<vmem>> -> memref<8x128xf32, #tpu.memory_space<vmem>>
          %dma_wait3A_1755 = arith.constant 0 : i32
          %dma_wait3A_1756 = arith.constant 0 : i32
          %dma_wait3A_1757 = tpu.memref_slice %arg5[%dma_wait3A_1745, %dma_wait3A_1746, %dma_wait3A_1755, %dma_wait3A_1756] : memref<800x32x8x128xf32, #tpu.memory_space<hbm>> -> memref<1x1x8x128xf32, #tpu.memory_space<hbm>>
          %dma_wait3A_1758 = tpu.memref_squeeze %dma_wait3A_1757 : memref<1x1x8x128xf32, #tpu.memory_space<hbm>> -> memref<8x128xf32, #tpu.memory_space<hbm>>
          %dma_wait3A_1759 = tpu.memref_slice %arg11[%dma_wait3A_1747] : memref<5x!tpu.dma_semaphore, #tpu.memory_space<semaphore_mem>> -> memref<1x!tpu.dma_semaphore, #tpu.memory_space<semaphore_mem>>
          %dma_wait3A_1760 = tpu.memref_squeeze %dma_wait3A_1759 : memref<1x!tpu.dma_semaphore, #tpu.memory_space<semaphore_mem>> -> memref<!tpu.dma_semaphore, #tpu.memory_space<semaphore_mem>>
          %dma_wait3A_1761 = arith.constant 0 : i32
          %dma_wait3A_1762 = arith.constant 0 : i32
          %dma_wait3A_1763 = tpu.memref_slice %arg5[%dma_wait3A_1745, %dma_wait3A_1746, %dma_wait3A_1761, %dma_wait3A_1762] : memref<800x32x8x128xf32, #tpu.memory_space<hbm>> -> memref<1x1x8x128xf32, #tpu.memory_space<hbm>>
          %dma_wait3A_1764 = tpu.memref_squeeze %dma_wait3A_1763 : memref<1x1x8x128xf32, #tpu.memory_space<hbm>> -> memref<8x128xf32, #tpu.memory_space<hbm>>
          %dma_wait3A_1765 = arith.constant 0 : i32
          %dma_wait3A_1766 = arith.constant 0 : i32
          %dma_wait3A_1767 = tpu.memref_slice %arg8[%dma_wait3A_1744, %dma_wait3A_1765, %dma_wait3A_1766] : memref<5x32x129xf32, #tpu.memory_space<vmem>> -> memref<1x32x129xf32, #tpu.memory_space<vmem>>
          %dma_wait3A_1768 = tpu.memref_squeeze %dma_wait3A_1767 : memref<1x32x129xf32, #tpu.memory_space<vmem>> -> memref<32x129xf32, #tpu.memory_space<vmem>>
          %dma_wait3A_1769 = arith.constant 0 : i32
          %dma_wait3A_1770 = arith.constant 0 : i32
          %dma_wait3A_1771 = tpu.memref_slice %dma_wait3A_1768[%dma_wait3A_1769, %dma_wait3A_1770] : memref<32x129xf32, #tpu.memory_space<vmem>> -> memref<8x128xf32, #tpu.memory_space<vmem>>
          tpu.wait_dma2 semaphore(%dma_wait3A_1760 : memref<!tpu.dma_semaphore, #tpu.memory_space<semaphore_mem>>) src(%dma_wait3A_1771 : memref<8x128xf32, #tpu.memory_space<vmem>>) dst(%dma_wait3A_1764 : memref<8x128xf32, #tpu.memory_space<hbm>>)
          %dma_wait3A_1772 = arith.constant 0 : i32
          %dma_wait3A_1773 = arith.constant 0 : i32
          %dma_wait3A_1774 = arith.constant 0 : i32
          %dma_wait3A_1775 = arith.constant 0 : i32
          %dma_wait3A_1776 = arith.constant 0 : i32
          %dma_wait3A_1777 = arith.constant 0 : i32
          %dma_wait3A_1778 = tpu.memref_slice %arg8[%dma_wait3A_1772, %dma_wait3A_1776, %dma_wait3A_1777] : memref<5x32x129xf32, #tpu.memory_space<vmem>> -> memref<1x32x129xf32, #tpu.memory_space<vmem>>
          %dma_wait3A_1779 = tpu.memref_squeeze %dma_wait3A_1778 : memref<1x32x129xf32, #tpu.memory_space<vmem>> -> memref<32x129xf32, #tpu.memory_space<vmem>>
          %dma_wait3A_1780 = arith.constant 8 : i32
          %dma_wait3A_1781 = arith.constant 0 : i32
          %dma_wait3A_1782 = tpu.memref_slice %dma_wait3A_1779[%dma_wait3A_1780, %dma_wait3A_1781] : memref<32x129xf32, #tpu.memory_space<vmem>> -> memref<8x128xf32, #tpu.memory_space<vmem>>
          %dma_wait3A_1783 = arith.constant 0 : i32
          %dma_wait3A_1784 = arith.constant 0 : i32
          %dma_wait3A_1785 = tpu.memref_slice %arg5[%dma_wait3A_1773, %dma_wait3A_1774, %dma_wait3A_1783, %dma_wait3A_1784] : memref<800x32x8x128xf32, #tpu.memory_space<hbm>> -> memref<1x1x8x128xf32, #tpu.memory_space<hbm>>
          %dma_wait3A_1786 = tpu.memref_squeeze %dma_wait3A_1785 : memref<1x1x8x128xf32, #tpu.memory_space<hbm>> -> memref<8x128xf32, #tpu.memory_space<hbm>>
          %dma_wait3A_1787 = tpu.memref_slice %arg11[%dma_wait3A_1775] : memref<5x!tpu.dma_semaphore, #tpu.memory_space<semaphore_mem>> -> memref<1x!tpu.dma_semaphore, #tpu.memory_space<semaphore_mem>>
          %dma_wait3A_1788 = tpu.memref_squeeze %dma_wait3A_1787 : memref<1x!tpu.dma_semaphore, #tpu.memory_space<semaphore_mem>> -> memref<!tpu.dma_semaphore, #tpu.memory_space<semaphore_mem>>
          %dma_wait3A_1789 = arith.constant 0 : i32
          %dma_wait3A_1790 = arith.constant 0 : i32
          %dma_wait3A_1791 = tpu.memref_slice %arg5[%dma_wait3A_1773, %dma_wait3A_1774, %dma_wait3A_1789, %dma_wait3A_1790] : memref<800x32x8x128xf32, #tpu.memory_space<hbm>> -> memref<1x1x8x128xf32, #tpu.memory_space<hbm>>
          %dma_wait3A_1792 = tpu.memref_squeeze %dma_wait3A_1791 : memref<1x1x8x128xf32, #tpu.memory_space<hbm>> -> memref<8x128xf32, #tpu.memory_space<hbm>>
          %dma_wait3A_1793 = arith.constant 0 : i32
          %dma_wait3A_1794 = arith.constant 0 : i32
          %dma_wait3A_1795 = tpu.memref_slice %arg8[%dma_wait3A_1772, %dma_wait3A_1793, %dma_wait3A_1794] : memref<5x32x129xf32, #tpu.memory_space<vmem>> -> memref<1x32x129xf32, #tpu.memory_space<vmem>>
          %dma_wait3A_1796 = tpu.memref_squeeze %dma_wait3A_1795 : memref<1x32x129xf32, #tpu.memory_space<vmem>> -> memref<32x129xf32, #tpu.memory_space<vmem>>
          %dma_wait3A_1797 = arith.constant 8 : i32
          %dma_wait3A_1798 = arith.constant 0 : i32
          %dma_wait3A_1799 = tpu.memref_slice %dma_wait3A_1796[%dma_wait3A_1797, %dma_wait3A_1798] : memref<32x129xf32, #tpu.memory_space<vmem>> -> memref<8x128xf32, #tpu.memory_space<vmem>>
          tpu.wait_dma2 semaphore(%dma_wait3A_1788 : memref<!tpu.dma_semaphore, #tpu.memory_space<semaphore_mem>>) src(%dma_wait3A_1799 : memref<8x128xf32, #tpu.memory_space<vmem>>) dst(%dma_wait3A_1792 : memref<8x128xf32, #tpu.memory_space<hbm>>)
          %dma_wait3A_1800 = arith.constant 0 : i32
          %dma_wait3A_1801 = arith.constant 0 : i32
          %dma_wait3A_1802 = arith.constant 0 : i32
          %dma_wait3A_1803 = arith.constant 0 : i32
          %dma_wait3A_1804 = arith.constant 0 : i32
          %dma_wait3A_1805 = arith.constant 0 : i32
          %dma_wait3A_1806 = tpu.memref_slice %arg8[%dma_wait3A_1800, %dma_wait3A_1804, %dma_wait3A_1805] : memref<5x32x129xf32, #tpu.memory_space<vmem>> -> memref<1x32x129xf32, #tpu.memory_space<vmem>>
          %dma_wait3A_1807 = tpu.memref_squeeze %dma_wait3A_1806 : memref<1x32x129xf32, #tpu.memory_space<vmem>> -> memref<32x129xf32, #tpu.memory_space<vmem>>
          %dma_wait3A_1808 = arith.constant 16 : i32
          %dma_wait3A_1809 = arith.constant 0 : i32
          %dma_wait3A_1810 = tpu.memref_slice %dma_wait3A_1807[%dma_wait3A_1808, %dma_wait3A_1809] : memref<32x129xf32, #tpu.memory_space<vmem>> -> memref<8x128xf32, #tpu.memory_space<vmem>>
          %dma_wait3A_1811 = arith.constant 0 : i32
          %dma_wait3A_1812 = arith.constant 0 : i32
          %dma_wait3A_1813 = tpu.memref_slice %arg5[%dma_wait3A_1801, %dma_wait3A_1802, %dma_wait3A_1811, %dma_wait3A_1812] : memref<800x32x8x128xf32, #tpu.memory_space<hbm>> -> memref<1x1x8x128xf32, #tpu.memory_space<hbm>>
          %dma_wait3A_1814 = tpu.memref_squeeze %dma_wait3A_1813 : memref<1x1x8x128xf32, #tpu.memory_space<hbm>> -> memref<8x128xf32, #tpu.memory_space<hbm>>
          %dma_wait3A_1815 = tpu.memref_slice %arg11[%dma_wait3A_1803] : memref<5x!tpu.dma_semaphore, #tpu.memory_space<semaphore_mem>> -> memref<1x!tpu.dma_semaphore, #tpu.memory_space<semaphore_mem>>
          %dma_wait3A_1816 = tpu.memref_squeeze %dma_wait3A_1815 : memref<1x!tpu.dma_semaphore, #tpu.memory_space<semaphore_mem>> -> memref<!tpu.dma_semaphore, #tpu.memory_space<semaphore_mem>>
          %dma_wait3A_1817 = arith.constant 0 : i32
          %dma_wait3A_1818 = arith.constant 0 : i32
          %dma_wait3A_1819 = tpu.memref_slice %arg5[%dma_wait3A_1801, %dma_wait3A_1802, %dma_wait3A_1817, %dma_wait3A_1818] : memref<800x32x8x128xf32, #tpu.memory_space<hbm>> -> memref<1x1x8x128xf32, #tpu.memory_space<hbm>>
          %dma_wait3A_1820 = tpu.memref_squeeze %dma_wait3A_1819 : memref<1x1x8x128xf32, #tpu.memory_space<hbm>> -> memref<8x128xf32, #tpu.memory_space<hbm>>
          %dma_wait3A_1821 = arith.constant 0 : i32
          %dma_wait3A_1822 = arith.constant 0 : i32
          %dma_wait3A_1823 = tpu.memref_slice %arg8[%dma_wait3A_1800, %dma_wait3A_1821, %dma_wait3A_1822] : memref<5x32x129xf32, #tpu.memory_space<vmem>> -> memref<1x32x129xf32, #tpu.memory_space<vmem>>
          %dma_wait3A_1824 = tpu.memref_squeeze %dma_wait3A_1823 : memref<1x32x129xf32, #tpu.memory_space<vmem>> -> memref<32x129xf32, #tpu.memory_space<vmem>>
          %dma_wait3A_1825 = arith.constant 16 : i32
          %dma_wait3A_1826 = arith.constant 0 : i32
          %dma_wait3A_1827 = tpu.memref_slice %dma_wait3A_1824[%dma_wait3A_1825, %dma_wait3A_1826] : memref<32x129xf32, #tpu.memory_space<vmem>> -> memref<8x128xf32, #tpu.memory_space<vmem>>
          tpu.wait_dma2 semaphore(%dma_wait3A_1816 : memref<!tpu.dma_semaphore, #tpu.memory_space<semaphore_mem>>) src(%dma_wait3A_1827 : memref<8x128xf32, #tpu.memory_space<vmem>>) dst(%dma_wait3A_1820 : memref<8x128xf32, #tpu.memory_space<hbm>>)
          %dma_wait3A_1828 = arith.constant 0 : i32
          %dma_wait3A_1829 = arith.constant 0 : i32
          %dma_wait3A_1830 = arith.constant 0 : i32
          %dma_wait3A_1831 = arith.constant 0 : i32
          %dma_wait3A_1832 = arith.constant 0 : i32
          %dma_wait3A_1833 = arith.constant 0 : i32
          %dma_wait3A_1834 = tpu.memref_slice %arg8[%dma_wait3A_1828, %dma_wait3A_1832, %dma_wait3A_1833] : memref<5x32x129xf32, #tpu.memory_space<vmem>> -> memref<1x32x129xf32, #tpu.memory_space<vmem>>
          %dma_wait3A_1835 = tpu.memref_squeeze %dma_wait3A_1834 : memref<1x32x129xf32, #tpu.memory_space<vmem>> -> memref<32x129xf32, #tpu.memory_space<vmem>>
          %dma_wait3A_1836 = arith.constant 24 : i32
          %dma_wait3A_1837 = arith.constant 0 : i32
          %dma_wait3A_1838 = tpu.memref_slice %dma_wait3A_1835[%dma_wait3A_1836, %dma_wait3A_1837] : memref<32x129xf32, #tpu.memory_space<vmem>> -> memref<8x128xf32, #tpu.memory_space<vmem>>
          %dma_wait3A_1839 = arith.constant 0 : i32
          %dma_wait3A_1840 = arith.constant 0 : i32
          %dma_wait3A_1841 = tpu.memref_slice %arg5[%dma_wait3A_1829, %dma_wait3A_1830, %dma_wait3A_1839, %dma_wait3A_1840] : memref<800x32x8x128xf32, #tpu.memory_space<hbm>> -> memref<1x1x8x128xf32, #tpu.memory_space<hbm>>
          %dma_wait3A_1842 = tpu.memref_squeeze %dma_wait3A_1841 : memref<1x1x8x128xf32, #tpu.memory_space<hbm>> -> memref<8x128xf32, #tpu.memory_space<hbm>>
          %dma_wait3A_1843 = tpu.memref_slice %arg11[%dma_wait3A_1831] : memref<5x!tpu.dma_semaphore, #tpu.memory_space<semaphore_mem>> -> memref<1x!tpu.dma_semaphore, #tpu.memory_space<semaphore_mem>>
          %dma_wait3A_1844 = tpu.memref_squeeze %dma_wait3A_1843 : memref<1x!tpu.dma_semaphore, #tpu.memory_space<semaphore_mem>> -> memref<!tpu.dma_semaphore, #tpu.memory_space<semaphore_mem>>
          %dma_wait3A_1845 = arith.constant 0 : i32
          %dma_wait3A_1846 = arith.constant 0 : i32
          %dma_wait3A_1847 = tpu.memref_slice %arg5[%dma_wait3A_1829, %dma_wait3A_1830, %dma_wait3A_1845, %dma_wait3A_1846] : memref<800x32x8x128xf32, #tpu.memory_space<hbm>> -> memref<1x1x8x128xf32, #tpu.memory_space<hbm>>
          %dma_wait3A_1848 = tpu.memref_squeeze %dma_wait3A_1847 : memref<1x1x8x128xf32, #tpu.memory_space<hbm>> -> memref<8x128xf32, #tpu.memory_space<hbm>>
          %dma_wait3A_1849 = arith.constant 0 : i32
          %dma_wait3A_1850 = arith.constant 0 : i32
          %dma_wait3A_1851 = tpu.memref_slice %arg8[%dma_wait3A_1828, %dma_wait3A_1849, %dma_wait3A_1850] : memref<5x32x129xf32, #tpu.memory_space<vmem>> -> memref<1x32x129xf32, #tpu.memory_space<vmem>>
          %dma_wait3A_1852 = tpu.memref_squeeze %dma_wait3A_1851 : memref<1x32x129xf32, #tpu.memory_space<vmem>> -> memref<32x129xf32, #tpu.memory_space<vmem>>
          %dma_wait3A_1853 = arith.constant 24 : i32
          %dma_wait3A_1854 = arith.constant 0 : i32
          %dma_wait3A_1855 = tpu.memref_slice %dma_wait3A_1852[%dma_wait3A_1853, %dma_wait3A_1854] : memref<32x129xf32, #tpu.memory_space<vmem>> -> memref<8x128xf32, #tpu.memory_space<vmem>>
          tpu.wait_dma2 semaphore(%dma_wait3A_1844 : memref<!tpu.dma_semaphore, #tpu.memory_space<semaphore_mem>>) src(%dma_wait3A_1855 : memref<8x128xf32, #tpu.memory_space<vmem>>) dst(%dma_wait3A_1848 : memref<8x128xf32, #tpu.memory_space<hbm>>)
        } else {
        }
        %add3A_1728 = arith.constant 3 : i32
        %add3A_1729 = arith.addi %add3A_1048, %add3A_1728 : i32
        %mul3A_1730 = arith.constant 128 : i32
        %mul3A_1731 = arith.muli %add3A_1729, %mul3A_1730 : i32
        %dma_start3A_1732 = arith.constant 0 : i32
        %dma_start3A_1733 = arith.constant 0 : i32
        %dma_start3A_1734 = arith.constant 0 : i32
        %dma_start3A_1735 = arith.constant 0 : i32
        %dma_start3A_1736 = tpu.memref_slice %arg7[%dma_start3A_1732, %dma_start3A_1734, %dma_start3A_1735] : memref<5x128x32xf32, #tpu.memory_space<vmem>> -> memref<1x128x32xf32, #tpu.memory_space<vmem>>
        %dma_start3A_1737 = tpu.memref_squeeze %dma_start3A_1736 : memref<1x128x32xf32, #tpu.memory_space<vmem>> -> memref<128x32xf32, #tpu.memory_space<vmem>>
        %dma_start3A_1738 = tpu.memref_slice %arg6[%mul3A_1731] : memref<25600xi32, #tpu.memory_space<vmem>> -> memref<128xi32, #tpu.memory_space<vmem>>
        %dma_start3A_1739 = arith.constant 0 : i32
        %dma_start3A_1740 = arith.constant 0 : i32
        %dma_start3A_1741 = tpu.memref_slice %arg3[%dma_start3A_1739, %dma_start3A_1740] : memref<1000000x32xf32, #tpu.memory_space<hbm>> -> memref<1000000x32xf32, #tpu.memory_space<hbm>>
        %dma_start3A_1742 = tpu.memref_slice %arg10[%dma_start3A_1733] : memref<5x!tpu.dma_semaphore, #tpu.memory_space<semaphore_mem>> -> memref<1x!tpu.dma_semaphore, #tpu.memory_space<semaphore_mem>>
        %dma_start3A_1743 = tpu.memref_squeeze %dma_start3A_1742 : memref<1x!tpu.dma_semaphore, #tpu.memory_space<semaphore_mem>> -> memref<!tpu.dma_semaphore, #tpu.memory_space<semaphore_mem>>
        tpu.enqueue_indirect_dma source(%dma_start3A_1741 : memref<1000000x32xf32, #tpu.memory_space<hbm>>) target(%dma_start3A_1737 : memref<128x32xf32, #tpu.memory_space<vmem>>) offsets(%dma_start3A_1738 : memref<128xi32, #tpu.memory_space<vmem>>) semaphore(%dma_start3A_1743 : memref<!tpu.dma_semaphore, #tpu.memory_space<semaphore_mem>>)
      } else {
      }
      %dma_wait3A_1056 = arith.constant 2 : i32
      %dma_wait3A_1057 = arith.constant 2 : i32
      %dma_wait3A_1058 = arith.constant 0 : i32
      %dma_wait3A_1059 = arith.constant 0 : i32
      %dma_wait3A_1060 = tpu.memref_slice %arg7[%dma_wait3A_1056, %dma_wait3A_1058, %dma_wait3A_1059] : memref<5x128x32xf32, #tpu.memory_space<vmem>> -> memref<1x128x32xf32, #tpu.memory_space<vmem>>
      %dma_wait3A_1061 = tpu.memref_squeeze %dma_wait3A_1060 : memref<1x128x32xf32, #tpu.memory_space<vmem>> -> memref<128x32xf32, #tpu.memory_space<vmem>>
      %dma_wait3A_1062 = arith.constant 0 : i32
      %dma_wait3A_1063 = arith.constant 0 : i32
      %dma_wait3A_1064 = tpu.memref_slice %arg3[%dma_wait3A_1062, %dma_wait3A_1063] : memref<1000000x32xf32, #tpu.memory_space<hbm>> -> memref<128x32xf32, #tpu.memory_space<hbm>>
      %dma_wait3A_1065 = tpu.memref_slice %arg10[%dma_wait3A_1057] : memref<5x!tpu.dma_semaphore, #tpu.memory_space<semaphore_mem>> -> memref<1x!tpu.dma_semaphore, #tpu.memory_space<semaphore_mem>>
      %dma_wait3A_1066 = tpu.memref_squeeze %dma_wait3A_1065 : memref<1x!tpu.dma_semaphore, #tpu.memory_space<semaphore_mem>> -> memref<!tpu.dma_semaphore, #tpu.memory_space<semaphore_mem>>
      %dma_wait3A_1067 = arith.constant 0 : i32
      %dma_wait3A_1068 = arith.constant 0 : i32
      %dma_wait3A_1069 = tpu.memref_slice %arg7[%dma_wait3A_1056, %dma_wait3A_1067, %dma_wait3A_1068] : memref<5x128x32xf32, #tpu.memory_space<vmem>> -> memref<1x128x32xf32, #tpu.memory_space<vmem>>
      %dma_wait3A_1070 = tpu.memref_squeeze %dma_wait3A_1069 : memref<1x128x32xf32, #tpu.memory_space<vmem>> -> memref<128x32xf32, #tpu.memory_space<vmem>>
      %dma_wait3A_1071 = arith.constant 0 : i32
      %dma_wait3A_1072 = arith.constant 0 : i32
      %dma_wait3A_1073 = tpu.memref_slice %arg3[%dma_wait3A_1071, %dma_wait3A_1072] : memref<1000000x32xf32, #tpu.memory_space<hbm>> -> memref<128x32xf32, #tpu.memory_space<hbm>>
      tpu.wait_dma2 semaphore(%dma_wait3A_1066 : memref<!tpu.dma_semaphore, #tpu.memory_space<semaphore_mem>>) src(%dma_wait3A_1073 : memref<128x32xf32, #tpu.memory_space<hbm>>) dst(%dma_wait3A_1070 : memref<128x32xf32, #tpu.memory_space<vmem>>)
      %add3A_1074 = arith.addi %mul3A_2, %add3A_1048 : i32
      %jit3A_1075 = arith.constant 32 : i32
      %div3A_1076 = arith.divsi %add3A_1074, %jit3A_1075 : i32
      %sign3A_1077 = arith.constant 0 : i32
      %sign3A_1078 = arith.cmpi sgt, %add3A_1074, %sign3A_1077 : i32
      %sign3A_1079 = arith.extui %sign3A_1078 : i1 to i32
      %sign3A_1080 = arith.constant 0 : i32
      %sign3A_1081 = arith.cmpi slt, %add3A_1074, %sign3A_1080 : i32
      %sign3A_1082 = arith.extui %sign3A_1081 : i1 to i32
      %sign3A_1083 = arith.subi %sign3A_1079, %sign3A_1082 : i32
      %sign3A_1084 = arith.constant 0 : i32
      %sign3A_1085 = arith.cmpi sgt, %jit3A_1075, %sign3A_1084 : i32
      %sign3A_1086 = arith.extui %sign3A_1085 : i1 to i32
      %sign3A_1087 = arith.constant 0 : i32
      %sign3A_1088 = arith.cmpi slt, %jit3A_1075, %sign3A_1087 : i32
      %sign3A_1089 = arith.extui %sign3A_1088 : i1 to i32
      %sign3A_1090 = arith.subi %sign3A_1086, %sign3A_1089 : i32
      %ne3A_1091 = arith.cmpi ne, %sign3A_1083, %sign3A_1090 : i32
      %rem3A_1092 = arith.remsi %add3A_1074, %jit3A_1075 : i32
      %ne3A_1093 = arith.constant 0 : i32
      %ne3A_1094 = arith.cmpi ne, %rem3A_1092, %ne3A_1093 : i32
      %and3A_1095 = arith.andi %ne3A_1091, %ne3A_1094 : i1
      %sub3A_1096 = arith.constant 1 : i32
      %sub3A_1097 = arith.subi %div3A_1076, %sub3A_1096 : i32
      %select_n3A_1098 = arith.select %and3A_1095, %sub3A_1097, %div3A_1076 : i32
      %get3A_1099 = arith.index_cast %select_n3A_1098 : i32 to index
      %get3A_1100 = arith.constant 0 : index
      %get3A_1101 = tpu.vector_load %arg9[%get3A_1099, %get3A_1100] {strides = array<i32>} : memref<200x32xf32, #tpu.memory_space<vmem>>, vector<16xf32>,
      %get3A_1102 = arith.index_cast %select_n3A_1098 : i32 to index
      %get3A_1103 = arith.constant 16 : index
      %get3A_1104 = tpu.vector_load %arg9[%get3A_1102, %get3A_1103] {strides = array<i32>} : memref<200x32xf32, #tpu.memory_space<vmem>>, vector<16xf32>,
      %scan3A_1105 = arith.constant 0 : i32
      %scan3A_1106 = arith.constant 0 : i32
      %scan3A_1107 = arith.constant 16 : i32
      %scan3A_1108 = arith.addi %scan3A_1106, %scan3A_1107 : i32
      %scan3A_1109 = arith.constant 1 : i32
      scf.for %scan3A_1722 = %scan3A_1106 to %scan3A_1108 step %scan3A_1109  : i32 {
        %mul3A_1723 = arith.constant 8 : i32
        %mul3A_1724 = arith.muli %scan3A_1722, %mul3A_1723 : i32
        %add3A_1725 = arith.constant 0 : i32
        %add3A_1726 = arith.addi %mul3A_1724, %add3A_1725 : i32
        %broadcast_in_dim3A = arith.constant 0 : i32
        %broadcast_in_dim3A_1727 = vector.broadcast %broadcast_in_dim3A : i32 to vector<16xi32>
        %add3A_1728 = vector.broadcast %add3A_1726 : i32 to vector<16xi32>
        %add3A_1729 = arith.addi %broadcast_in_dim3A_1727, %add3A_1728 : vector<16xi32>
        %get3A_1730 = arith.constant 2 : i32
        %get3A_1731 = arith.index_cast %get3A_1730 : i32 to index
        %get3A_1732 = arith.index_cast %add3A_1726 : i32 to index
        %get3A_1733 = arith.constant 0 : index
        %get3A_1734 = tpu.vector_load %arg7[%get3A_1731, %get3A_1732, %get3A_1733] {strides = array<i32>} : memref<5x128x32xf32, #tpu.memory_space<vmem>>, vector<16xf32>,
        %add3A_1735 = arith.addf %get3A_1734, %get3A_1101 : vector<16xf32>
        %get3A_1736 = arith.constant 2 : i32
        %get3A_1737 = arith.index_cast %get3A_1736 : i32 to index
        %get3A_1738 = arith.index_cast %add3A_1726 : i32 to index
        %get3A_1739 = arith.constant 16 : index
        %get3A_1740 = tpu.vector_load %arg7[%get3A_1737, %get3A_1738, %get3A_1739] {strides = array<i32>} : memref<5x128x32xf32, #tpu.memory_space<vmem>>, vector<16xf32>,
        %add3A_1741 = arith.addf %get3A_1740, %get3A_1104 : vector<16xf32>
        %scatter3A = arith.constant 2 : i32
        %scatter3A_1742 = arith.constant 0 : i32
        %scatter3A_1743 = arith.constant 0 : i32
        %scatter3A_1744 = tpu.memref_slice %arg8[%scatter3A, %scatter3A_1742, %scatter3A_1743] : memref<5x32x129xf32, #tpu.memory_space<vmem>> -> memref<1x32x129xf32, #tpu.memory_space<vmem>>
        %scatter3A_1745 = tpu.memref_squeeze %scatter3A_1744 : memref<1x32x129xf32, #tpu.memory_space<vmem>> -> memref<32x129xf32, #tpu.memory_space<vmem>>
        tpu.vector_store_idx %scatter3A_1745[%iota3A, %add3A_1729], %add3A_1735 : memref<32x129xf32, #tpu.memory_space<vmem>>[vector<16xi32>, vector<16xi32>], vector<16xf32>,
        %add3A_1746 = arith.constant 16 : i32
        %add3A_1747 = vector.broadcast %add3A_1746 : i32 to vector<16xi32>
        %add3A_1748 = arith.addi %iota3A, %add3A_1747 : vector<16xi32>
        %scatter3A_1749 = arith.constant 2 : i32
        %scatter3A_1750 = arith.constant 0 : i32
        %scatter3A_1751 = arith.constant 0 : i32
        %scatter3A_1752 = tpu.memref_slice %arg8[%scatter3A_1749, %scatter3A_1750, %scatter3A_1751] : memref<5x32x129xf32, #tpu.memory_space<vmem>> -> memref<1x32x129xf32, #tpu.memory_space<vmem>>
        %scatter3A_1753 = tpu.memref_squeeze %scatter3A_1752 : memref<1x32x129xf32, #tpu.memory_space<vmem>> -> memref<32x129xf32, #tpu.memory_space<vmem>>
        tpu.vector_store_idx %scatter3A_1753[%add3A_1748, %add3A_1729], %add3A_1741 : memref<32x129xf32, #tpu.memory_space<vmem>>[vector<16xi32>, vector<16xi32>], vector<16xf32>,
        %mul3A_1754 = arith.constant 8 : i32
        %mul3A_1755 = arith.muli %scan3A_1722, %mul3A_1754 : i32
        %add3A_1756 = arith.constant 1 : i32
        %add3A_1757 = arith.addi %mul3A_1755, %add3A_1756 : i32
        %broadcast_in_dim3A_1758 = arith.constant 0 : i32
        %broadcast_in_dim3A_1759 = vector.broadcast %broadcast_in_dim3A_1758 : i32 to vector<16xi32>
        %add3A_1760 = vector.broadcast %add3A_1757 : i32 to vector<16xi32>
        %add3A_1761 = arith.addi %broadcast_in_dim3A_1759, %add3A_1760 : vector<16xi32>
        %get3A_1762 = arith.constant 2 : i32
        %get3A_1763 = arith.index_cast %get3A_1762 : i32 to index
        %get3A_1764 = arith.index_cast %add3A_1757 : i32 to index
        %get3A_1765 = arith.constant 0 : index
        %get3A_1766 = tpu.vector_load %arg7[%get3A_1763, %get3A_1764, %get3A_1765] {strides = array<i32>} : memref<5x128x32xf32, #tpu.memory_space<vmem>>, vector<16xf32>,
        %add3A_1767 = arith.addf %get3A_1766, %get3A_1101 : vector<16xf32>
        %get3A_1768 = arith.constant 2 : i32
        %get3A_1769 = arith.index_cast %get3A_1768 : i32 to index
        %get3A_1770 = arith.index_cast %add3A_1757 : i32 to index
        %get3A_1771 = arith.constant 16 : index
        %get3A_1772 = tpu.vector_load %arg7[%get3A_1769, %get3A_1770, %get3A_1771] {strides = array<i32>} : memref<5x128x32xf32, #tpu.memory_space<vmem>>, vector<16xf32>,
        %add3A_1773 = arith.addf %get3A_1772, %get3A_1104 : vector<16xf32>
        %scatter3A_1774 = arith.constant 2 : i32
        %scatter3A_1775 = arith.constant 0 : i32
        %scatter3A_1776 = arith.constant 0 : i32
        %scatter3A_1777 = tpu.memref_slice %arg8[%scatter3A_1774, %scatter3A_1775, %scatter3A_1776] : memref<5x32x129xf32, #tpu.memory_space<vmem>> -> memref<1x32x129xf32, #tpu.memory_space<vmem>>
        %scatter3A_1778 = tpu.memref_squeeze %scatter3A_1777 : memref<1x32x129xf32, #tpu.memory_space<vmem>> -> memref<32x129xf32, #tpu.memory_space<vmem>>
        tpu.vector_store_idx %scatter3A_1778[%iota3A, %add3A_1761], %add3A_1767 : memref<32x129xf32, #tpu.memory_space<vmem>>[vector<16xi32>, vector<16xi32>], vector<16xf32>,
        %add3A_1779 = arith.constant 16 : i32
        %add3A_1780 = vector.broadcast %add3A_1779 : i32 to vector<16xi32>
        %add3A_1781 = arith.addi %iota3A, %add3A_1780 : vector<16xi32>
        %scatter3A_1782 = arith.constant 2 : i32
        %scatter3A_1783 = arith.constant 0 : i32
        %scatter3A_1784 = arith.constant 0 : i32
        %scatter3A_1785 = tpu.memref_slice %arg8[%scatter3A_1782, %scatter3A_1783, %scatter3A_1784] : memref<5x32x129xf32, #tpu.memory_space<vmem>> -> memref<1x32x129xf32, #tpu.memory_space<vmem>>
        %scatter3A_1786 = tpu.memref_squeeze %scatter3A_1785 : memref<1x32x129xf32, #tpu.memory_space<vmem>> -> memref<32x129xf32, #tpu.memory_space<vmem>>
        tpu.vector_store_idx %scatter3A_1786[%add3A_1781, %add3A_1761], %add3A_1773 : memref<32x129xf32, #tpu.memory_space<vmem>>[vector<16xi32>, vector<16xi32>], vector<16xf32>,
        %mul3A_1787 = arith.constant 8 : i32
        %mul3A_1788 = arith.muli %scan3A_1722, %mul3A_1787 : i32
        %add3A_1789 = arith.constant 2 : i32
        %add3A_1790 = arith.addi %mul3A_1788, %add3A_1789 : i32
        %broadcast_in_dim3A_1791 = arith.constant 0 : i32
        %broadcast_in_dim3A_1792 = vector.broadcast %broadcast_in_dim3A_1791 : i32 to vector<16xi32>
        %add3A_1793 = vector.broadcast %add3A_1790 : i32 to vector<16xi32>
        %add3A_1794 = arith.addi %broadcast_in_dim3A_1792, %add3A_1793 : vector<16xi32>
        %get3A_1795 = arith.constant 2 : i32
        %get3A_1796 = arith.index_cast %get3A_1795 : i32 to index
        %get3A_1797 = arith.index_cast %add3A_1790 : i32 to index
        %get3A_1798 = arith.constant 0 : index
        %get3A_1799 = tpu.vector_load %arg7[%get3A_1796, %get3A_1797, %get3A_1798] {strides = array<i32>} : memref<5x128x32xf32, #tpu.memory_space<vmem>>, vector<16xf32>,
        %add3A_1800 = arith.addf %get3A_1799, %get3A_1101 : vector<16xf32>
        %get3A_1801 = arith.constant 2 : i32
        %get3A_1802 = arith.index_cast %get3A_1801 : i32 to index
        %get3A_1803 = arith.index_cast %add3A_1790 : i32 to index
        %get3A_1804 = arith.constant 16 : index
        %get3A_1805 = tpu.vector_load %arg7[%get3A_1802, %get3A_1803, %get3A_1804] {strides = array<i32>} : memref<5x128x32xf32, #tpu.memory_space<vmem>>, vector<16xf32>,
        %add3A_1806 = arith.addf %get3A_1805, %get3A_1104 : vector<16xf32>
        %scatter3A_1807 = arith.constant 2 : i32
        %scatter3A_1808 = arith.constant 0 : i32
        %scatter3A_1809 = arith.constant 0 : i32
        %scatter3A_1810 = tpu.memref_slice %arg8[%scatter3A_1807, %scatter3A_1808, %scatter3A_1809] : memref<5x32x129xf32, #tpu.memory_space<vmem>> -> memref<1x32x129xf32, #tpu.memory_space<vmem>>
        %scatter3A_1811 = tpu.memref_squeeze %scatter3A_1810 : memref<1x32x129xf32, #tpu.memory_space<vmem>> -> memref<32x129xf32, #tpu.memory_space<vmem>>
        tpu.vector_store_idx %scatter3A_1811[%iota3A, %add3A_1794], %add3A_1800 : memref<32x129xf32, #tpu.memory_space<vmem>>[vector<16xi32>, vector<16xi32>], vector<16xf32>,
        %add3A_1812 = arith.constant 16 : i32
        %add3A_1813 = vector.broadcast %add3A_1812 : i32 to vector<16xi32>
        %add3A_1814 = arith.addi %iota3A, %add3A_1813 : vector<16xi32>
        %scatter3A_1815 = arith.constant 2 : i32
        %scatter3A_1816 = arith.constant 0 : i32
        %scatter3A_1817 = arith.constant 0 : i32
        %scatter3A_1818 = tpu.memref_slice %arg8[%scatter3A_1815, %scatter3A_1816, %scatter3A_1817] : memref<5x32x129xf32, #tpu.memory_space<vmem>> -> memref<1x32x129xf32, #tpu.memory_space<vmem>>
        %scatter3A_1819 = tpu.memref_squeeze %scatter3A_1818 : memref<1x32x129xf32, #tpu.memory_space<vmem>> -> memref<32x129xf32, #tpu.memory_space<vmem>>
        tpu.vector_store_idx %scatter3A_1819[%add3A_1814, %add3A_1794], %add3A_1806 : memref<32x129xf32, #tpu.memory_space<vmem>>[vector<16xi32>, vector<16xi32>], vector<16xf32>,
        %mul3A_1820 = arith.constant 8 : i32
        %mul3A_1821 = arith.muli %scan3A_1722, %mul3A_1820 : i32
        %add3A_1822 = arith.constant 3 : i32
        %add3A_1823 = arith.addi %mul3A_1821, %add3A_1822 : i32
        %broadcast_in_dim3A_1824 = arith.constant 0 : i32
        %broadcast_in_dim3A_1825 = vector.broadcast %broadcast_in_dim3A_1824 : i32 to vector<16xi32>
        %add3A_1826 = vector.broadcast %add3A_1823 : i32 to vector<16xi32>
        %add3A_1827 = arith.addi %broadcast_in_dim3A_1825, %add3A_1826 : vector<16xi32>
        %get3A_1828 = arith.constant 2 : i32
        %get3A_1829 = arith.index_cast %get3A_1828 : i32 to index
        %get3A_1830 = arith.index_cast %add3A_1823 : i32 to index
        %get3A_1831 = arith.constant 0 : index
        %get3A_1832 = tpu.vector_load %arg7[%get3A_1829, %get3A_1830, %get3A_1831] {strides = array<i32>} : memref<5x128x32xf32, #tpu.memory_space<vmem>>, vector<16xf32>,
        %add3A_1833 = arith.addf %get3A_1832, %get3A_1101 : vector<16xf32>
        %get3A_1834 = arith.constant 2 : i32
        %get3A_1835 = arith.index_cast %get3A_1834 : i32 to index
        %get3A_1836 = arith.index_cast %add3A_1823 : i32 to index
        %get3A_1837 = arith.constant 16 : index
        %get3A_1838 = tpu.vector_load %arg7[%get3A_1835, %get3A_1836, %get3A_1837] {strides = array<i32>} : memref<5x128x32xf32, #tpu.memory_space<vmem>>, vector<16xf32>,
        %add3A_1839 = arith.addf %get3A_1838, %get3A_1104 : vector<16xf32>
        %scatter3A_1840 = arith.constant 2 : i32
        %scatter3A_1841 = arith.constant 0 : i32
        %scatter3A_1842 = arith.constant 0 : i32
        %scatter3A_1843 = tpu.memref_slice %arg8[%scatter3A_1840, %scatter3A_1841, %scatter3A_1842] : memref<5x32x129xf32, #tpu.memory_space<vmem>> -> memref<1x32x129xf32, #tpu.memory_space<vmem>>
        %scatter3A_1844 = tpu.memref_squeeze %scatter3A_1843 : memref<1x32x129xf32, #tpu.memory_space<vmem>> -> memref<32x129xf32, #tpu.memory_space<vmem>>
        tpu.vector_store_idx %scatter3A_1844[%iota3A, %add3A_1827], %add3A_1833 : memref<32x129xf32, #tpu.memory_space<vmem>>[vector<16xi32>, vector<16xi32>], vector<16xf32>,
        %add3A_1845 = arith.constant 16 : i32
        %add3A_1846 = vector.broadcast %add3A_1845 : i32 to vector<16xi32>
        %add3A_1847 = arith.addi %iota3A, %add3A_1846 : vector<16xi32>
        %scatter3A_1848 = arith.constant 2 : i32
        %scatter3A_1849 = arith.constant 0 : i32
        %scatter3A_1850 = arith.constant 0 : i32
        %scatter3A_1851 = tpu.memref_slice %arg8[%scatter3A_1848, %scatter3A_1849, %scatter3A_1850] : memref<5x32x129xf32, #tpu.memory_space<vmem>> -> memref<1x32x129xf32, #tpu.memory_space<vmem>>
        %scatter3A_1852 = tpu.memref_squeeze %scatter3A_1851 : memref<1x32x129xf32, #tpu.memory_space<vmem>> -> memref<32x129xf32, #tpu.memory_space<vmem>>
        tpu.vector_store_idx %scatter3A_1852[%add3A_1847, %add3A_1827], %add3A_1839 : memref<32x129xf32, #tpu.memory_space<vmem>>[vector<16xi32>, vector<16xi32>], vector<16xf32>,
        %mul3A_1853 = arith.constant 8 : i32
        %mul3A_1854 = arith.muli %scan3A_1722, %mul3A_1853 : i32
        %add3A_1855 = arith.constant 4 : i32
        %add3A_1856 = arith.addi %mul3A_1854, %add3A_1855 : i32
        %broadcast_in_dim3A_1857 = arith.constant 0 : i32
        %broadcast_in_dim3A_1858 = vector.broadcast %broadcast_in_dim3A_1857 : i32 to vector<16xi32>
        %add3A_1859 = vector.broadcast %add3A_1856 : i32 to vector<16xi32>
        %add3A_1860 = arith.addi %broadcast_in_dim3A_1858, %add3A_1859 : vector<16xi32>
        %get3A_1861 = arith.constant 2 : i32
        %get3A_1862 = arith.index_cast %get3A_1861 : i32 to index
        %get3A_1863 = arith.index_cast %add3A_1856 : i32 to index
        %get3A_1864 = arith.constant 0 : index
        %get3A_1865 = tpu.vector_load %arg7[%get3A_1862, %get3A_1863, %get3A_1864] {strides = array<i32>} : memref<5x128x32xf32, #tpu.memory_space<vmem>>, vector<16xf32>,
        %add3A_1866 = arith.addf %get3A_1865, %get3A_1101 : vector<16xf32>
        %get3A_1867 = arith.constant 2 : i32
        %get3A_1868 = arith.index_cast %get3A_1867 : i32 to index
        %get3A_1869 = arith.index_cast %add3A_1856 : i32 to index
        %get3A_1870 = arith.constant 16 : index
        %get3A_1871 = tpu.vector_load %arg7[%get3A_1868, %get3A_1869, %get3A_1870] {strides = array<i32>} : memref<5x128x32xf32, #tpu.memory_space<vmem>>, vector<16xf32>,
        %add3A_1872 = arith.addf %get3A_1871, %get3A_1104 : vector<16xf32>
        %scatter3A_1873 = arith.constant 2 : i32
        %scatter3A_1874 = arith.constant 0 : i32
        %scatter3A_1875 = arith.constant 0 : i32
        %scatter3A_1876 = tpu.memref_slice %arg8[%scatter3A_1873, %scatter3A_1874, %scatter3A_1875] : memref<5x32x129xf32, #tpu.memory_space<vmem>> -> memref<1x32x129xf32, #tpu.memory_space<vmem>>
        %scatter3A_1877 = tpu.memref_squeeze %scatter3A_1876 : memref<1x32x129xf32, #tpu.memory_space<vmem>> -> memref<32x129xf32, #tpu.memory_space<vmem>>
        tpu.vector_store_idx %scatter3A_1877[%iota3A, %add3A_1860], %add3A_1866 : memref<32x129xf32, #tpu.memory_space<vmem>>[vector<16xi32>, vector<16xi32>], vector<16xf32>,
        %add3A_1878 = arith.constant 16 : i32
        %add3A_1879 = vector.broadcast %add3A_1878 : i32 to vector<16xi32>
        %add3A_1880 = arith.addi %iota3A, %add3A_1879 : vector<16xi32>
        %scatter3A_1881 = arith.constant 2 : i32
        %scatter3A_1882 = arith.constant 0 : i32
        %scatter3A_1883 = arith.constant 0 : i32
        %scatter3A_1884 = tpu.memref_slice %arg8[%scatter3A_1881, %scatter3A_1882, %scatter3A_1883] : memref<5x32x129xf32, #tpu.memory_space<vmem>> -> memref<1x32x129xf32, #tpu.memory_space<vmem>>
        %scatter3A_1885 = tpu.memref_squeeze %scatter3A_1884 : memref<1x32x129xf32, #tpu.memory_space<vmem>> -> memref<32x129xf32, #tpu.memory_space<vmem>>
        tpu.vector_store_idx %scatter3A_1885[%add3A_1880, %add3A_1860], %add3A_1872 : memref<32x129xf32, #tpu.memory_space<vmem>>[vector<16xi32>, vector<16xi32>], vector<16xf32>,
        %mul3A_1886 = arith.constant 8 : i32
        %mul3A_1887 = arith.muli %scan3A_1722, %mul3A_1886 : i32
        %add3A_1888 = arith.constant 5 : i32
        %add3A_1889 = arith.addi %mul3A_1887, %add3A_1888 : i32
        %broadcast_in_dim3A_1890 = arith.constant 0 : i32
        %broadcast_in_dim3A_1891 = vector.broadcast %broadcast_in_dim3A_1890 : i32 to vector<16xi32>
        %add3A_1892 = vector.broadcast %add3A_1889 : i32 to vector<16xi32>
        %add3A_1893 = arith.addi %broadcast_in_dim3A_1891, %add3A_1892 : vector<16xi32>
        %get3A_1894 = arith.constant 2 : i32
        %get3A_1895 = arith.index_cast %get3A_1894 : i32 to index
        %get3A_1896 = arith.index_cast %add3A_1889 : i32 to index
        %get3A_1897 = arith.constant 0 : index
        %get3A_1898 = tpu.vector_load %arg7[%get3A_1895, %get3A_1896, %get3A_1897] {strides = array<i32>} : memref<5x128x32xf32, #tpu.memory_space<vmem>>, vector<16xf32>,
        %add3A_1899 = arith.addf %get3A_1898, %get3A_1101 : vector<16xf32>
        %get3A_1900 = arith.constant 2 : i32
        %get3A_1901 = arith.index_cast %get3A_1900 : i32 to index
        %get3A_1902 = arith.index_cast %add3A_1889 : i32 to index
        %get3A_1903 = arith.constant 16 : index
        %get3A_1904 = tpu.vector_load %arg7[%get3A_1901, %get3A_1902, %get3A_1903] {strides = array<i32>} : memref<5x128x32xf32, #tpu.memory_space<vmem>>, vector<16xf32>,
        %add3A_1905 = arith.addf %get3A_1904, %get3A_1104 : vector<16xf32>
        %scatter3A_1906 = arith.constant 2 : i32
        %scatter3A_1907 = arith.constant 0 : i32
        %scatter3A_1908 = arith.constant 0 : i32
        %scatter3A_1909 = tpu.memref_slice %arg8[%scatter3A_1906, %scatter3A_1907, %scatter3A_1908] : memref<5x32x129xf32, #tpu.memory_space<vmem>> -> memref<1x32x129xf32, #tpu.memory_space<vmem>>
        %scatter3A_1910 = tpu.memref_squeeze %scatter3A_1909 : memref<1x32x129xf32, #tpu.memory_space<vmem>> -> memref<32x129xf32, #tpu.memory_space<vmem>>
        tpu.vector_store_idx %scatter3A_1910[%iota3A, %add3A_1893], %add3A_1899 : memref<32x129xf32, #tpu.memory_space<vmem>>[vector<16xi32>, vector<16xi32>], vector<16xf32>,
        %add3A_1911 = arith.constant 16 : i32
        %add3A_1912 = vector.broadcast %add3A_1911 : i32 to vector<16xi32>
        %add3A_1913 = arith.addi %iota3A, %add3A_1912 : vector<16xi32>
        %scatter3A_1914 = arith.constant 2 : i32
        %scatter3A_1915 = arith.constant 0 : i32
        %scatter3A_1916 = arith.constant 0 : i32
        %scatter3A_1917 = tpu.memref_slice %arg8[%scatter3A_1914, %scatter3A_1915, %scatter3A_1916] : memref<5x32x129xf32, #tpu.memory_space<vmem>> -> memref<1x32x129xf32, #tpu.memory_space<vmem>>
        %scatter3A_1918 = tpu.memref_squeeze %scatter3A_1917 : memref<1x32x129xf32, #tpu.memory_space<vmem>> -> memref<32x129xf32, #tpu.memory_space<vmem>>
        tpu.vector_store_idx %scatter3A_1918[%add3A_1913, %add3A_1893], %add3A_1905 : memref<32x129xf32, #tpu.memory_space<vmem>>[vector<16xi32>, vector<16xi32>], vector<16xf32>,
        %mul3A_1919 = arith.constant 8 : i32
        %mul3A_1920 = arith.muli %scan3A_1722, %mul3A_1919 : i32
        %add3A_1921 = arith.constant 6 : i32
        %add3A_1922 = arith.addi %mul3A_1920, %add3A_1921 : i32
        %broadcast_in_dim3A_1923 = arith.constant 0 : i32
        %broadcast_in_dim3A_1924 = vector.broadcast %broadcast_in_dim3A_1923 : i32 to vector<16xi32>
        %add3A_1925 = vector.broadcast %add3A_1922 : i32 to vector<16xi32>
        %add3A_1926 = arith.addi %broadcast_in_dim3A_1924, %add3A_1925 : vector<16xi32>
        %get3A_1927 = arith.constant 2 : i32
        %get3A_1928 = arith.index_cast %get3A_1927 : i32 to index
        %get3A_1929 = arith.index_cast %add3A_1922 : i32 to index
        %get3A_1930 = arith.constant 0 : index
        %get3A_1931 = tpu.vector_load %arg7[%get3A_1928, %get3A_1929, %get3A_1930] {strides = array<i32>} : memref<5x128x32xf32, #tpu.memory_space<vmem>>, vector<16xf32>,
        %add3A_1932 = arith.addf %get3A_1931, %get3A_1101 : vector<16xf32>
        %get3A_1933 = arith.constant 2 : i32
        %get3A_1934 = arith.index_cast %get3A_1933 : i32 to index
        %get3A_1935 = arith.index_cast %add3A_1922 : i32 to index
        %get3A_1936 = arith.constant 16 : index
        %get3A_1937 = tpu.vector_load %arg7[%get3A_1934, %get3A_1935, %get3A_1936] {strides = array<i32>} : memref<5x128x32xf32, #tpu.memory_space<vmem>>, vector<16xf32>,
        %add3A_1938 = arith.addf %get3A_1937, %get3A_1104 : vector<16xf32>
        %scatter3A_1939 = arith.constant 2 : i32
        %scatter3A_1940 = arith.constant 0 : i32
        %scatter3A_1941 = arith.constant 0 : i32
        %scatter3A_1942 = tpu.memref_slice %arg8[%scatter3A_1939, %scatter3A_1940, %scatter3A_1941] : memref<5x32x129xf32, #tpu.memory_space<vmem>> -> memref<1x32x129xf32, #tpu.memory_space<vmem>>
        %scatter3A_1943 = tpu.memref_squeeze %scatter3A_1942 : memref<1x32x129xf32, #tpu.memory_space<vmem>> -> memref<32x129xf32, #tpu.memory_space<vmem>>
        tpu.vector_store_idx %scatter3A_1943[%iota3A, %add3A_1926], %add3A_1932 : memref<32x129xf32, #tpu.memory_space<vmem>>[vector<16xi32>, vector<16xi32>], vector<16xf32>,
        %add3A_1944 = arith.constant 16 : i32
        %add3A_1945 = vector.broadcast %add3A_1944 : i32 to vector<16xi32>
        %add3A_1946 = arith.addi %iota3A, %add3A_1945 : vector<16xi32>
        %scatter3A_1947 = arith.constant 2 : i32
        %scatter3A_1948 = arith.constant 0 : i32
        %scatter3A_1949 = arith.constant 0 : i32
        %scatter3A_1950 = tpu.memref_slice %arg8[%scatter3A_1947, %scatter3A_1948, %scatter3A_1949] : memref<5x32x129xf32, #tpu.memory_space<vmem>> -> memref<1x32x129xf32, #tpu.memory_space<vmem>>
        %scatter3A_1951 = tpu.memref_squeeze %scatter3A_1950 : memref<1x32x129xf32, #tpu.memory_space<vmem>> -> memref<32x129xf32, #tpu.memory_space<vmem>>
        tpu.vector_store_idx %scatter3A_1951[%add3A_1946, %add3A_1926], %add3A_1938 : memref<32x129xf32, #tpu.memory_space<vmem>>[vector<16xi32>, vector<16xi32>], vector<16xf32>,
        %mul3A_1952 = arith.constant 8 : i32
        %mul3A_1953 = arith.muli %scan3A_1722, %mul3A_1952 : i32
        %add3A_1954 = arith.constant 7 : i32
        %add3A_1955 = arith.addi %mul3A_1953, %add3A_1954 : i32
        %broadcast_in_dim3A_1956 = arith.constant 0 : i32
        %broadcast_in_dim3A_1957 = vector.broadcast %broadcast_in_dim3A_1956 : i32 to vector<16xi32>
        %add3A_1958 = vector.broadcast %add3A_1955 : i32 to vector<16xi32>
        %add3A_1959 = arith.addi %broadcast_in_dim3A_1957, %add3A_1958 : vector<16xi32>
        %get3A_1960 = arith.constant 2 : i32
        %get3A_1961 = arith.index_cast %get3A_1960 : i32 to index
        %get3A_1962 = arith.index_cast %add3A_1955 : i32 to index
        %get3A_1963 = arith.constant 0 : index
        %get3A_1964 = tpu.vector_load %arg7[%get3A_1961, %get3A_1962, %get3A_1963] {strides = array<i32>} : memref<5x128x32xf32, #tpu.memory_space<vmem>>, vector<16xf32>,
        %add3A_1965 = arith.addf %get3A_1964, %get3A_1101 : vector<16xf32>
        %get3A_1966 = arith.constant 2 : i32
        %get3A_1967 = arith.index_cast %get3A_1966 : i32 to index
        %get3A_1968 = arith.index_cast %add3A_1955 : i32 to index
        %get3A_1969 = arith.constant 16 : index
        %get3A_1970 = tpu.vector_load %arg7[%get3A_1967, %get3A_1968, %get3A_1969] {strides = array<i32>} : memref<5x128x32xf32, #tpu.memory_space<vmem>>, vector<16xf32>,
        %add3A_1971 = arith.addf %get3A_1970, %get3A_1104 : vector<16xf32>
        %scatter3A_1972 = arith.constant 2 : i32
        %scatter3A_1973 = arith.constant 0 : i32
        %scatter3A_1974 = arith.constant 0 : i32
        %scatter3A_1975 = tpu.memref_slice %arg8[%scatter3A_1972, %scatter3A_1973, %scatter3A_1974] : memref<5x32x129xf32, #tpu.memory_space<vmem>> -> memref<1x32x129xf32, #tpu.memory_space<vmem>>
        %scatter3A_1976 = tpu.memref_squeeze %scatter3A_1975 : memref<1x32x129xf32, #tpu.memory_space<vmem>> -> memref<32x129xf32, #tpu.memory_space<vmem>>
        tpu.vector_store_idx %scatter3A_1976[%iota3A, %add3A_1959], %add3A_1965 : memref<32x129xf32, #tpu.memory_space<vmem>>[vector<16xi32>, vector<16xi32>], vector<16xf32>,
        %add3A_1977 = arith.constant 16 : i32
        %add3A_1978 = vector.broadcast %add3A_1977 : i32 to vector<16xi32>
        %add3A_1979 = arith.addi %iota3A, %add3A_1978 : vector<16xi32>
        %scatter3A_1980 = arith.constant 2 : i32
        %scatter3A_1981 = arith.constant 0 : i32
        %scatter3A_1982 = arith.constant 0 : i32
        %scatter3A_1983 = tpu.memref_slice %arg8[%scatter3A_1980, %scatter3A_1981, %scatter3A_1982] : memref<5x32x129xf32, #tpu.memory_space<vmem>> -> memref<1x32x129xf32, #tpu.memory_space<vmem>>
        %scatter3A_1984 = tpu.memref_squeeze %scatter3A_1983 : memref<1x32x129xf32, #tpu.memory_space<vmem>> -> memref<32x129xf32, #tpu.memory_space<vmem>>
        tpu.vector_store_idx %scatter3A_1984[%add3A_1979, %add3A_1959], %add3A_1971 : memref<32x129xf32, #tpu.memory_space<vmem>>[vector<16xi32>, vector<16xi32>], vector<16xf32>,
      }
      %scan3A_1110 = arith.constant 16 : i32
      %add3A_1111 = arith.addi %mul3A_2, %add3A_1048 : i32
      %jit3A_1112 = arith.constant 32 : i32
      %div3A_1113 = arith.divsi %add3A_1111, %jit3A_1112 : i32
      %sign3A_1114 = arith.constant 0 : i32
      %sign3A_1115 = arith.cmpi sgt, %add3A_1111, %sign3A_1114 : i32
      %sign3A_1116 = arith.extui %sign3A_1115 : i1 to i32
      %sign3A_1117 = arith.constant 0 : i32
      %sign3A_1118 = arith.cmpi slt, %add3A_1111, %sign3A_1117 : i32
      %sign3A_1119 = arith.extui %sign3A_1118 : i1 to i32
      %sign3A_1120 = arith.subi %sign3A_1116, %sign3A_1119 : i32
      %sign3A_1121 = arith.constant 0 : i32
      %sign3A_1122 = arith.cmpi sgt, %jit3A_1112, %sign3A_1121 : i32
      %sign3A_1123 = arith.extui %sign3A_1122 : i1 to i32
      %sign3A_1124 = arith.constant 0 : i32
      %sign3A_1125 = arith.cmpi slt, %jit3A_1112, %sign3A_1124 : i32
      %sign3A_1126 = arith.extui %sign3A_1125 : i1 to i32
      %sign3A_1127 = arith.subi %sign3A_1123, %sign3A_1126 : i32
      %ne3A_1128 = arith.cmpi ne, %sign3A_1120, %sign3A_1127 : i32
      %rem3A_1129 = arith.remsi %add3A_1111, %jit3A_1112 : i32
      %ne3A_1130 = arith.constant 0 : i32
      %ne3A_1131 = arith.cmpi ne, %rem3A_1129, %ne3A_1130 : i32
      %and3A_1132 = arith.andi %ne3A_1128, %ne3A_1131 : i1
      %sub3A_1133 = arith.constant 1 : i32
      %sub3A_1134 = arith.subi %div3A_1113, %sub3A_1133 : i32
      %select_n3A_1135 = arith.select %and3A_1132, %sub3A_1134, %div3A_1113 : i32
      %jit3A_1136 = arith.constant 32 : i32
      %eq3A_1137 = arith.constant 0 : i32
      %eq3A_1138 = arith.cmpi eq, %jit3A_1136, %eq3A_1137 : i32
      %jit3A_1139 = arith.constant 1 : i32
      %select_n3A_1140 = arith.select %eq3A_1138, %jit3A_1139, %jit3A_1136 : i32
      %rem3A_1141 = arith.remsi %add3A_1111, %select_n3A_1140 : i32
      %ne3A_1142 = arith.constant 0 : i32
      %ne3A_1143 = arith.cmpi ne, %rem3A_1141, %ne3A_1142 : i32
      %lt3A_1144 = arith.constant 0 : i32
      %lt3A_1145 = arith.cmpi slt, %rem3A_1141, %lt3A_1144 : i32
      %lt3A_1146 = arith.constant 0 : i32
      %lt3A_1147 = arith.cmpi slt, %select_n3A_1140, %lt3A_1146 : i32
      %ne3A_1148 = arith.xori %lt3A_1145, %lt3A_1147 : i1
      %and3A_1149 = arith.andi %ne3A_1148, %ne3A_1143 : i1
      %add3A_1150 = arith.addi %rem3A_1141, %select_n3A_1140 : i32
      %select_n3A_1151 = arith.select %and3A_1149, %add3A_1150, %rem3A_1141 : i32
      %mul3A_1152 = arith.constant 4 : i32
      %mul3A_1153 = arith.muli %select_n3A_1135, %mul3A_1152 : i32
      %add3A_1154 = arith.constant 0 : i32
      %add3A_1155 = arith.addi %mul3A_1153, %add3A_1154 : i32
      %dma_start3A_1156 = arith.constant 2 : i32
      %dma_start3A_1157 = arith.constant 2 : i32
      %dma_start3A_1158 = arith.constant 0 : i32
      %dma_start3A_1159 = arith.constant 0 : i32
      %dma_start3A_1160 = tpu.memref_slice %arg8[%dma_start3A_1156, %dma_start3A_1158, %dma_start3A_1159] : memref<5x32x129xf32, #tpu.memory_space<vmem>> -> memref<1x32x129xf32, #tpu.memory_space<vmem>>
      %dma_start3A_1161 = tpu.memref_squeeze %dma_start3A_1160 : memref<1x32x129xf32, #tpu.memory_space<vmem>> -> memref<32x129xf32, #tpu.memory_space<vmem>>
      %dma_start3A_1162 = arith.constant 0 : i32
      %dma_start3A_1163 = arith.constant 0 : i32
      %dma_start3A_1164 = tpu.memref_slice %dma_start3A_1161[%dma_start3A_1162, %dma_start3A_1163] : memref<32x129xf32, #tpu.memory_space<vmem>> -> memref<8x128xf32, #tpu.memory_space<vmem>>
      %dma_start3A_1165 = arith.constant 0 : i32
      %dma_start3A_1166 = arith.constant 0 : i32
      %dma_start3A_1167 = tpu.memref_slice %arg5[%add3A_1155, %select_n3A_1151, %dma_start3A_1165, %dma_start3A_1166] : memref<800x32x8x128xf32, #tpu.memory_space<hbm>> -> memref<1x1x8x128xf32, #tpu.memory_space<hbm>>
      %dma_start3A_1168 = tpu.memref_squeeze %dma_start3A_1167 : memref<1x1x8x128xf32, #tpu.memory_space<hbm>> -> memref<8x128xf32, #tpu.memory_space<hbm>>
      %dma_start3A_1169 = tpu.memref_slice %arg11[%dma_start3A_1157] : memref<5x!tpu.dma_semaphore, #tpu.memory_space<semaphore_mem>> -> memref<1x!tpu.dma_semaphore, #tpu.memory_space<semaphore_mem>>
      %dma_start3A_1170 = tpu.memref_squeeze %dma_start3A_1169 : memref<1x!tpu.dma_semaphore, #tpu.memory_space<semaphore_mem>> -> memref<!tpu.dma_semaphore, #tpu.memory_space<semaphore_mem>>
      %dma_start3A_1171 = arith.constant 0 : i32
      %dma_start3A_1172 = arith.constant 0 : i32
      %dma_start3A_1173 = tpu.memref_slice %arg5[%add3A_1155, %select_n3A_1151, %dma_start3A_1171, %dma_start3A_1172] : memref<800x32x8x128xf32, #tpu.memory_space<hbm>> -> memref<1x1x8x128xf32, #tpu.memory_space<hbm>>
      %dma_start3A_1174 = tpu.memref_squeeze %dma_start3A_1173 : memref<1x1x8x128xf32, #tpu.memory_space<hbm>> -> memref<8x128xf32, #tpu.memory_space<hbm>>
      %dma_start3A_1175 = arith.constant 0 : i32
      %dma_start3A_1176 = arith.constant 0 : i32
      %dma_start3A_1177 = tpu.memref_slice %arg8[%dma_start3A_1156, %dma_start3A_1175, %dma_start3A_1176] : memref<5x32x129xf32, #tpu.memory_space<vmem>> -> memref<1x32x129xf32, #tpu.memory_space<vmem>>
      %dma_start3A_1178 = tpu.memref_squeeze %dma_start3A_1177 : memref<1x32x129xf32, #tpu.memory_space<vmem>> -> memref<32x129xf32, #tpu.memory_space<vmem>>
      %dma_start3A_1179 = arith.constant 0 : i32
      %dma_start3A_1180 = arith.constant 0 : i32
      %dma_start3A_1181 = tpu.memref_slice %dma_start3A_1178[%dma_start3A_1179, %dma_start3A_1180] : memref<32x129xf32, #tpu.memory_space<vmem>> -> memref<8x128xf32, #tpu.memory_space<vmem>>
      tpu.enqueue_dma source(%dma_start3A_1181 : memref<8x128xf32, #tpu.memory_space<vmem>>) target(%dma_start3A_1174 : memref<8x128xf32, #tpu.memory_space<hbm>>) target_semaphore(%dma_start3A_1170 : memref<!tpu.dma_semaphore, #tpu.memory_space<semaphore_mem>>)
      %mul3A_1182 = arith.constant 4 : i32
      %mul3A_1183 = arith.muli %select_n3A_1135, %mul3A_1182 : i32
      %add3A_1184 = arith.constant 1 : i32
      %add3A_1185 = arith.addi %mul3A_1183, %add3A_1184 : i32
      %dma_start3A_1186 = arith.constant 2 : i32
      %dma_start3A_1187 = arith.constant 2 : i32
      %dma_start3A_1188 = arith.constant 0 : i32
      %dma_start3A_1189 = arith.constant 0 : i32
      %dma_start3A_1190 = tpu.memref_slice %arg8[%dma_start3A_1186, %dma_start3A_1188, %dma_start3A_1189] : memref<5x32x129xf32, #tpu.memory_space<vmem>> -> memref<1x32x129xf32, #tpu.memory_space<vmem>>
      %dma_start3A_1191 = tpu.memref_squeeze %dma_start3A_1190 : memref<1x32x129xf32, #tpu.memory_space<vmem>> -> memref<32x129xf32, #tpu.memory_space<vmem>>
      %dma_start3A_1192 = arith.constant 8 : i32
      %dma_start3A_1193 = arith.constant 0 : i32
      %dma_start3A_1194 = tpu.memref_slice %dma_start3A_1191[%dma_start3A_1192, %dma_start3A_1193] : memref<32x129xf32, #tpu.memory_space<vmem>> -> memref<8x128xf32, #tpu.memory_space<vmem>>
      %dma_start3A_1195 = arith.constant 0 : i32
      %dma_start3A_1196 = arith.constant 0 : i32
      %dma_start3A_1197 = tpu.memref_slice %arg5[%add3A_1185, %select_n3A_1151, %dma_start3A_1195, %dma_start3A_1196] : memref<800x32x8x128xf32, #tpu.memory_space<hbm>> -> memref<1x1x8x128xf32, #tpu.memory_space<hbm>>
      %dma_start3A_1198 = tpu.memref_squeeze %dma_start3A_1197 : memref<1x1x8x128xf32, #tpu.memory_space<hbm>> -> memref<8x128xf32, #tpu.memory_space<hbm>>
      %dma_start3A_1199 = tpu.memref_slice %arg11[%dma_start3A_1187] : memref<5x!tpu.dma_semaphore, #tpu.memory_space<semaphore_mem>> -> memref<1x!tpu.dma_semaphore, #tpu.memory_space<semaphore_mem>>
      %dma_start3A_1200 = tpu.memref_squeeze %dma_start3A_1199 : memref<1x!tpu.dma_semaphore, #tpu.memory_space<semaphore_mem>> -> memref<!tpu.dma_semaphore, #tpu.memory_space<semaphore_mem>>
      %dma_start3A_1201 = arith.constant 0 : i32
      %dma_start3A_1202 = arith.constant 0 : i32
      %dma_start3A_1203 = tpu.memref_slice %arg5[%add3A_1185, %select_n3A_1151, %dma_start3A_1201, %dma_start3A_1202] : memref<800x32x8x128xf32, #tpu.memory_space<hbm>> -> memref<1x1x8x128xf32, #tpu.memory_space<hbm>>
      %dma_start3A_1204 = tpu.memref_squeeze %dma_start3A_1203 : memref<1x1x8x128xf32, #tpu.memory_space<hbm>> -> memref<8x128xf32, #tpu.memory_space<hbm>>
      %dma_start3A_1205 = arith.constant 0 : i32
      %dma_start3A_1206 = arith.constant 0 : i32
      %dma_start3A_1207 = tpu.memref_slice %arg8[%dma_start3A_1186, %dma_start3A_1205, %dma_start3A_1206] : memref<5x32x129xf32, #tpu.memory_space<vmem>> -> memref<1x32x129xf32, #tpu.memory_space<vmem>>
      %dma_start3A_1208 = tpu.memref_squeeze %dma_start3A_1207 : memref<1x32x129xf32, #tpu.memory_space<vmem>> -> memref<32x129xf32, #tpu.memory_space<vmem>>
      %dma_start3A_1209 = arith.constant 8 : i32
      %dma_start3A_1210 = arith.constant 0 : i32
      %dma_start3A_1211 = tpu.memref_slice %dma_start3A_1208[%dma_start3A_1209, %dma_start3A_1210] : memref<32x129xf32, #tpu.memory_space<vmem>> -> memref<8x128xf32, #tpu.memory_space<vmem>>
      tpu.enqueue_dma source(%dma_start3A_1211 : memref<8x128xf32, #tpu.memory_space<vmem>>) target(%dma_start3A_1204 : memref<8x128xf32, #tpu.memory_space<hbm>>) target_semaphore(%dma_start3A_1200 : memref<!tpu.dma_semaphore, #tpu.memory_space<semaphore_mem>>)
      %mul3A_1212 = arith.constant 4 : i32
      %mul3A_1213 = arith.muli %select_n3A_1135, %mul3A_1212 : i32
      %add3A_1214 = arith.constant 2 : i32
      %add3A_1215 = arith.addi %mul3A_1213, %add3A_1214 : i32
      %dma_start3A_1216 = arith.constant 2 : i32
      %dma_start3A_1217 = arith.constant 2 : i32
      %dma_start3A_1218 = arith.constant 0 : i32
      %dma_start3A_1219 = arith.constant 0 : i32
      %dma_start3A_1220 = tpu.memref_slice %arg8[%dma_start3A_1216, %dma_start3A_1218, %dma_start3A_1219] : memref<5x32x129xf32, #tpu.memory_space<vmem>> -> memref<1x32x129xf32, #tpu.memory_space<vmem>>
      %dma_start3A_1221 = tpu.memref_squeeze %dma_start3A_1220 : memref<1x32x129xf32, #tpu.memory_space<vmem>> -> memref<32x129xf32, #tpu.memory_space<vmem>>
      %dma_start3A_1222 = arith.constant 16 : i32
      %dma_start3A_1223 = arith.constant 0 : i32
      %dma_start3A_1224 = tpu.memref_slice %dma_start3A_1221[%dma_start3A_1222, %dma_start3A_1223] : memref<32x129xf32, #tpu.memory_space<vmem>> -> memref<8x128xf32, #tpu.memory_space<vmem>>
      %dma_start3A_1225 = arith.constant 0 : i32
      %dma_start3A_1226 = arith.constant 0 : i32
      %dma_start3A_1227 = tpu.memref_slice %arg5[%add3A_1215, %select_n3A_1151, %dma_start3A_1225, %dma_start3A_1226] : memref<800x32x8x128xf32, #tpu.memory_space<hbm>> -> memref<1x1x8x128xf32, #tpu.memory_space<hbm>>
      %dma_start3A_1228 = tpu.memref_squeeze %dma_start3A_1227 : memref<1x1x8x128xf32, #tpu.memory_space<hbm>> -> memref<8x128xf32, #tpu.memory_space<hbm>>
      %dma_start3A_1229 = tpu.memref_slice %arg11[%dma_start3A_1217] : memref<5x!tpu.dma_semaphore, #tpu.memory_space<semaphore_mem>> -> memref<1x!tpu.dma_semaphore, #tpu.memory_space<semaphore_mem>>
      %dma_start3A_1230 = tpu.memref_squeeze %dma_start3A_1229 : memref<1x!tpu.dma_semaphore, #tpu.memory_space<semaphore_mem>> -> memref<!tpu.dma_semaphore, #tpu.memory_space<semaphore_mem>>
      %dma_start3A_1231 = arith.constant 0 : i32
      %dma_start3A_1232 = arith.constant 0 : i32
      %dma_start3A_1233 = tpu.memref_slice %arg5[%add3A_1215, %select_n3A_1151, %dma_start3A_1231, %dma_start3A_1232] : memref<800x32x8x128xf32, #tpu.memory_space<hbm>> -> memref<1x1x8x128xf32, #tpu.memory_space<hbm>>
      %dma_start3A_1234 = tpu.memref_squeeze %dma_start3A_1233 : memref<1x1x8x128xf32, #tpu.memory_space<hbm>> -> memref<8x128xf32, #tpu.memory_space<hbm>>
      %dma_start3A_1235 = arith.constant 0 : i32
      %dma_start3A_1236 = arith.constant 0 : i32
      %dma_start3A_1237 = tpu.memref_slice %arg8[%dma_start3A_1216, %dma_start3A_1235, %dma_start3A_1236] : memref<5x32x129xf32, #tpu.memory_space<vmem>> -> memref<1x32x129xf32, #tpu.memory_space<vmem>>
      %dma_start3A_1238 = tpu.memref_squeeze %dma_start3A_1237 : memref<1x32x129xf32, #tpu.memory_space<vmem>> -> memref<32x129xf32, #tpu.memory_space<vmem>>
      %dma_start3A_1239 = arith.constant 16 : i32
      %dma_start3A_1240 = arith.constant 0 : i32
      %dma_start3A_1241 = tpu.memref_slice %dma_start3A_1238[%dma_start3A_1239, %dma_start3A_1240] : memref<32x129xf32, #tpu.memory_space<vmem>> -> memref<8x128xf32, #tpu.memory_space<vmem>>
      tpu.enqueue_dma source(%dma_start3A_1241 : memref<8x128xf32, #tpu.memory_space<vmem>>) target(%dma_start3A_1234 : memref<8x128xf32, #tpu.memory_space<hbm>>) target_semaphore(%dma_start3A_1230 : memref<!tpu.dma_semaphore, #tpu.memory_space<semaphore_mem>>)
      %mul3A_1242 = arith.constant 4 : i32
      %mul3A_1243 = arith.muli %select_n3A_1135, %mul3A_1242 : i32
      %add3A_1244 = arith.constant 3 : i32
      %add3A_1245 = arith.addi %mul3A_1243, %add3A_1244 : i32
      %dma_start3A_1246 = arith.constant 2 : i32
      %dma_start3A_1247 = arith.constant 2 : i32
      %dma_start3A_1248 = arith.constant 0 : i32
      %dma_start3A_1249 = arith.constant 0 : i32
      %dma_start3A_1250 = tpu.memref_slice %arg8[%dma_start3A_1246, %dma_start3A_1248, %dma_start3A_1249] : memref<5x32x129xf32, #tpu.memory_space<vmem>> -> memref<1x32x129xf32, #tpu.memory_space<vmem>>
      %dma_start3A_1251 = tpu.memref_squeeze %dma_start3A_1250 : memref<1x32x129xf32, #tpu.memory_space<vmem>> -> memref<32x129xf32, #tpu.memory_space<vmem>>
      %dma_start3A_1252 = arith.constant 24 : i32
      %dma_start3A_1253 = arith.constant 0 : i32
      %dma_start3A_1254 = tpu.memref_slice %dma_start3A_1251[%dma_start3A_1252, %dma_start3A_1253] : memref<32x129xf32, #tpu.memory_space<vmem>> -> memref<8x128xf32, #tpu.memory_space<vmem>>
      %dma_start3A_1255 = arith.constant 0 : i32
      %dma_start3A_1256 = arith.constant 0 : i32
      %dma_start3A_1257 = tpu.memref_slice %arg5[%add3A_1245, %select_n3A_1151, %dma_start3A_1255, %dma_start3A_1256] : memref<800x32x8x128xf32, #tpu.memory_space<hbm>> -> memref<1x1x8x128xf32, #tpu.memory_space<hbm>>
      %dma_start3A_1258 = tpu.memref_squeeze %dma_start3A_1257 : memref<1x1x8x128xf32, #tpu.memory_space<hbm>> -> memref<8x128xf32, #tpu.memory_space<hbm>>
      %dma_start3A_1259 = tpu.memref_slice %arg11[%dma_start3A_1247] : memref<5x!tpu.dma_semaphore, #tpu.memory_space<semaphore_mem>> -> memref<1x!tpu.dma_semaphore, #tpu.memory_space<semaphore_mem>>
      %dma_start3A_1260 = tpu.memref_squeeze %dma_start3A_1259 : memref<1x!tpu.dma_semaphore, #tpu.memory_space<semaphore_mem>> -> memref<!tpu.dma_semaphore, #tpu.memory_space<semaphore_mem>>
      %dma_start3A_1261 = arith.constant 0 : i32
      %dma_start3A_1262 = arith.constant 0 : i32
      %dma_start3A_1263 = tpu.memref_slice %arg5[%add3A_1245, %select_n3A_1151, %dma_start3A_1261, %dma_start3A_1262] : memref<800x32x8x128xf32, #tpu.memory_space<hbm>> -> memref<1x1x8x128xf32, #tpu.memory_space<hbm>>
      %dma_start3A_1264 = tpu.memref_squeeze %dma_start3A_1263 : memref<1x1x8x128xf32, #tpu.memory_space<hbm>> -> memref<8x128xf32, #tpu.memory_space<hbm>>
      %dma_start3A_1265 = arith.constant 0 : i32
      %dma_start3A_1266 = arith.constant 0 : i32
      %dma_start3A_1267 = tpu.memref_slice %arg8[%dma_start3A_1246, %dma_start3A_1265, %dma_start3A_1266] : memref<5x32x129xf32, #tpu.memory_space<vmem>> -> memref<1x32x129xf32, #tpu.memory_space<vmem>>
      %dma_start3A_1268 = tpu.memref_squeeze %dma_start3A_1267 : memref<1x32x129xf32, #tpu.memory_space<vmem>> -> memref<32x129xf32, #tpu.memory_space<vmem>>
      %dma_start3A_1269 = arith.constant 24 : i32
      %dma_start3A_1270 = arith.constant 0 : i32
      %dma_start3A_1271 = tpu.memref_slice %dma_start3A_1268[%dma_start3A_1269, %dma_start3A_1270] : memref<32x129xf32, #tpu.memory_space<vmem>> -> memref<8x128xf32, #tpu.memory_space<vmem>>
      tpu.enqueue_dma source(%dma_start3A_1271 : memref<8x128xf32, #tpu.memory_space<vmem>>) target(%dma_start3A_1264 : memref<8x128xf32, #tpu.memory_space<hbm>>) target_semaphore(%dma_start3A_1260 : memref<!tpu.dma_semaphore, #tpu.memory_space<semaphore_mem>>)
      %add3A_1272 = arith.constant 3 : i32
      %add3A_1273 = arith.addi %mul3A_609, %add3A_1272 : i32
      %add3A_1274 = arith.constant 3 : i32
      %add3A_1275 = arith.addi %add3A_1273, %add3A_1274 : i32
      %lt3A_1276 = arith.constant 200 : i32
      %lt3A_1277 = arith.cmpi slt, %add3A_1275, %lt3A_1276 : i32
      %convert_element_type3A_1278 = arith.extui %lt3A_1277 : i1 to i32
      %cond3A_1279 = arith.constant 0 : i32
      %cond3A_1280 = arith.cmpi ne, %convert_element_type3A_1278, %cond3A_1279 : i32
      scf.if %cond3A_1280 {
        %add3A_1722 = arith.constant 3 : i32
        %add3A_1723 = arith.addi %add3A_1273, %add3A_1722 : i32
        %ge3A = arith.constant 5 : i32
        %ge3A_1724 = arith.cmpi sge, %add3A_1723, %ge3A : i32
        %convert_element_type3A_1725 = arith.extui %ge3A_1724 : i1 to i32
        %cond3A_1726 = arith.constant 0 : i32
        %cond3A_1727 = arith.cmpi ne, %convert_element_type3A_1725, %cond3A_1726 : i32
        scf.if %cond3A_1727 {
          %dma_wait3A_1744 = arith.constant 1 : i32
          %dma_wait3A_1745 = arith.constant 0 : i32
          %dma_wait3A_1746 = arith.constant 0 : i32
          %dma_wait3A_1747 = arith.constant 1 : i32
          %dma_wait3A_1748 = arith.constant 0 : i32
          %dma_wait3A_1749 = arith.constant 0 : i32
          %dma_wait3A_1750 = tpu.memref_slice %arg8[%dma_wait3A_1744, %dma_wait3A_1748, %dma_wait3A_1749] : memref<5x32x129xf32, #tpu.memory_space<vmem>> -> memref<1x32x129xf32, #tpu.memory_space<vmem>>
          %dma_wait3A_1751 = tpu.memref_squeeze %dma_wait3A_1750 : memref<1x32x129xf32, #tpu.memory_space<vmem>> -> memref<32x129xf32, #tpu.memory_space<vmem>>
          %dma_wait3A_1752 = arith.constant 0 : i32
          %dma_wait3A_1753 = arith.constant 0 : i32
          %dma_wait3A_1754 = tpu.memref_slice %dma_wait3A_1751[%dma_wait3A_1752, %dma_wait3A_1753] : memref<32x129xf32, #tpu.memory_space<vmem>> -> memref<8x128xf32, #tpu.memory_space<vmem>>
          %dma_wait3A_1755 = arith.constant 0 : i32
          %dma_wait3A_1756 = arith.constant 0 : i32
          %dma_wait3A_1757 = tpu.memref_slice %arg5[%dma_wait3A_1745, %dma_wait3A_1746, %dma_wait3A_1755, %dma_wait3A_1756] : memref<800x32x8x128xf32, #tpu.memory_space<hbm>> -> memref<1x1x8x128xf32, #tpu.memory_space<hbm>>
          %dma_wait3A_1758 = tpu.memref_squeeze %dma_wait3A_1757 : memref<1x1x8x128xf32, #tpu.memory_space<hbm>> -> memref<8x128xf32, #tpu.memory_space<hbm>>
          %dma_wait3A_1759 = tpu.memref_slice %arg11[%dma_wait3A_1747] : memref<5x!tpu.dma_semaphore, #tpu.memory_space<semaphore_mem>> -> memref<1x!tpu.dma_semaphore, #tpu.memory_space<semaphore_mem>>
          %dma_wait3A_1760 = tpu.memref_squeeze %dma_wait3A_1759 : memref<1x!tpu.dma_semaphore, #tpu.memory_space<semaphore_mem>> -> memref<!tpu.dma_semaphore, #tpu.memory_space<semaphore_mem>>
          %dma_wait3A_1761 = arith.constant 0 : i32
          %dma_wait3A_1762 = arith.constant 0 : i32
          %dma_wait3A_1763 = tpu.memref_slice %arg5[%dma_wait3A_1745, %dma_wait3A_1746, %dma_wait3A_1761, %dma_wait3A_1762] : memref<800x32x8x128xf32, #tpu.memory_space<hbm>> -> memref<1x1x8x128xf32, #tpu.memory_space<hbm>>
          %dma_wait3A_1764 = tpu.memref_squeeze %dma_wait3A_1763 : memref<1x1x8x128xf32, #tpu.memory_space<hbm>> -> memref<8x128xf32, #tpu.memory_space<hbm>>
          %dma_wait3A_1765 = arith.constant 0 : i32
          %dma_wait3A_1766 = arith.constant 0 : i32
          %dma_wait3A_1767 = tpu.memref_slice %arg8[%dma_wait3A_1744, %dma_wait3A_1765, %dma_wait3A_1766] : memref<5x32x129xf32, #tpu.memory_space<vmem>> -> memref<1x32x129xf32, #tpu.memory_space<vmem>>
          %dma_wait3A_1768 = tpu.memref_squeeze %dma_wait3A_1767 : memref<1x32x129xf32, #tpu.memory_space<vmem>> -> memref<32x129xf32, #tpu.memory_space<vmem>>
          %dma_wait3A_1769 = arith.constant 0 : i32
          %dma_wait3A_1770 = arith.constant 0 : i32
          %dma_wait3A_1771 = tpu.memref_slice %dma_wait3A_1768[%dma_wait3A_1769, %dma_wait3A_1770] : memref<32x129xf32, #tpu.memory_space<vmem>> -> memref<8x128xf32, #tpu.memory_space<vmem>>
          tpu.wait_dma2 semaphore(%dma_wait3A_1760 : memref<!tpu.dma_semaphore, #tpu.memory_space<semaphore_mem>>) src(%dma_wait3A_1771 : memref<8x128xf32, #tpu.memory_space<vmem>>) dst(%dma_wait3A_1764 : memref<8x128xf32, #tpu.memory_space<hbm>>)
          %dma_wait3A_1772 = arith.constant 1 : i32
          %dma_wait3A_1773 = arith.constant 0 : i32
          %dma_wait3A_1774 = arith.constant 0 : i32
          %dma_wait3A_1775 = arith.constant 1 : i32
          %dma_wait3A_1776 = arith.constant 0 : i32
          %dma_wait3A_1777 = arith.constant 0 : i32
          %dma_wait3A_1778 = tpu.memref_slice %arg8[%dma_wait3A_1772, %dma_wait3A_1776, %dma_wait3A_1777] : memref<5x32x129xf32, #tpu.memory_space<vmem>> -> memref<1x32x129xf32, #tpu.memory_space<vmem>>
          %dma_wait3A_1779 = tpu.memref_squeeze %dma_wait3A_1778 : memref<1x32x129xf32, #tpu.memory_space<vmem>> -> memref<32x129xf32, #tpu.memory_space<vmem>>
          %dma_wait3A_1780 = arith.constant 8 : i32
          %dma_wait3A_1781 = arith.constant 0 : i32
          %dma_wait3A_1782 = tpu.memref_slice %dma_wait3A_1779[%dma_wait3A_1780, %dma_wait3A_1781] : memref<32x129xf32, #tpu.memory_space<vmem>> -> memref<8x128xf32, #tpu.memory_space<vmem>>
          %dma_wait3A_1783 = arith.constant 0 : i32
          %dma_wait3A_1784 = arith.constant 0 : i32
          %dma_wait3A_1785 = tpu.memref_slice %arg5[%dma_wait3A_1773, %dma_wait3A_1774, %dma_wait3A_1783, %dma_wait3A_1784] : memref<800x32x8x128xf32, #tpu.memory_space<hbm>> -> memref<1x1x8x128xf32, #tpu.memory_space<hbm>>
          %dma_wait3A_1786 = tpu.memref_squeeze %dma_wait3A_1785 : memref<1x1x8x128xf32, #tpu.memory_space<hbm>> -> memref<8x128xf32, #tpu.memory_space<hbm>>
          %dma_wait3A_1787 = tpu.memref_slice %arg11[%dma_wait3A_1775] : memref<5x!tpu.dma_semaphore, #tpu.memory_space<semaphore_mem>> -> memref<1x!tpu.dma_semaphore, #tpu.memory_space<semaphore_mem>>
          %dma_wait3A_1788 = tpu.memref_squeeze %dma_wait3A_1787 : memref<1x!tpu.dma_semaphore, #tpu.memory_space<semaphore_mem>> -> memref<!tpu.dma_semaphore, #tpu.memory_space<semaphore_mem>>
          %dma_wait3A_1789 = arith.constant 0 : i32
          %dma_wait3A_1790 = arith.constant 0 : i32
          %dma_wait3A_1791 = tpu.memref_slice %arg5[%dma_wait3A_1773, %dma_wait3A_1774, %dma_wait3A_1789, %dma_wait3A_1790] : memref<800x32x8x128xf32, #tpu.memory_space<hbm>> -> memref<1x1x8x128xf32, #tpu.memory_space<hbm>>
          %dma_wait3A_1792 = tpu.memref_squeeze %dma_wait3A_1791 : memref<1x1x8x128xf32, #tpu.memory_space<hbm>> -> memref<8x128xf32, #tpu.memory_space<hbm>>
          %dma_wait3A_1793 = arith.constant 0 : i32
          %dma_wait3A_1794 = arith.constant 0 : i32
          %dma_wait3A_1795 = tpu.memref_slice %arg8[%dma_wait3A_1772, %dma_wait3A_1793, %dma_wait3A_1794] : memref<5x32x129xf32, #tpu.memory_space<vmem>> -> memref<1x32x129xf32, #tpu.memory_space<vmem>>
          %dma_wait3A_1796 = tpu.memref_squeeze %dma_wait3A_1795 : memref<1x32x129xf32, #tpu.memory_space<vmem>> -> memref<32x129xf32, #tpu.memory_space<vmem>>
          %dma_wait3A_1797 = arith.constant 8 : i32
          %dma_wait3A_1798 = arith.constant 0 : i32
          %dma_wait3A_1799 = tpu.memref_slice %dma_wait3A_1796[%dma_wait3A_1797, %dma_wait3A_1798] : memref<32x129xf32, #tpu.memory_space<vmem>> -> memref<8x128xf32, #tpu.memory_space<vmem>>
          tpu.wait_dma2 semaphore(%dma_wait3A_1788 : memref<!tpu.dma_semaphore, #tpu.memory_space<semaphore_mem>>) src(%dma_wait3A_1799 : memref<8x128xf32, #tpu.memory_space<vmem>>) dst(%dma_wait3A_1792 : memref<8x128xf32, #tpu.memory_space<hbm>>)
          %dma_wait3A_1800 = arith.constant 1 : i32
          %dma_wait3A_1801 = arith.constant 0 : i32
          %dma_wait3A_1802 = arith.constant 0 : i32
          %dma_wait3A_1803 = arith.constant 1 : i32
          %dma_wait3A_1804 = arith.constant 0 : i32
          %dma_wait3A_1805 = arith.constant 0 : i32
          %dma_wait3A_1806 = tpu.memref_slice %arg8[%dma_wait3A_1800, %dma_wait3A_1804, %dma_wait3A_1805] : memref<5x32x129xf32, #tpu.memory_space<vmem>> -> memref<1x32x129xf32, #tpu.memory_space<vmem>>
          %dma_wait3A_1807 = tpu.memref_squeeze %dma_wait3A_1806 : memref<1x32x129xf32, #tpu.memory_space<vmem>> -> memref<32x129xf32, #tpu.memory_space<vmem>>
          %dma_wait3A_1808 = arith.constant 16 : i32
          %dma_wait3A_1809 = arith.constant 0 : i32
          %dma_wait3A_1810 = tpu.memref_slice %dma_wait3A_1807[%dma_wait3A_1808, %dma_wait3A_1809] : memref<32x129xf32, #tpu.memory_space<vmem>> -> memref<8x128xf32, #tpu.memory_space<vmem>>
          %dma_wait3A_1811 = arith.constant 0 : i32
          %dma_wait3A_1812 = arith.constant 0 : i32
          %dma_wait3A_1813 = tpu.memref_slice %arg5[%dma_wait3A_1801, %dma_wait3A_1802, %dma_wait3A_1811, %dma_wait3A_1812] : memref<800x32x8x128xf32, #tpu.memory_space<hbm>> -> memref<1x1x8x128xf32, #tpu.memory_space<hbm>>
          %dma_wait3A_1814 = tpu.memref_squeeze %dma_wait3A_1813 : memref<1x1x8x128xf32, #tpu.memory_space<hbm>> -> memref<8x128xf32, #tpu.memory_space<hbm>>
          %dma_wait3A_1815 = tpu.memref_slice %arg11[%dma_wait3A_1803] : memref<5x!tpu.dma_semaphore, #tpu.memory_space<semaphore_mem>> -> memref<1x!tpu.dma_semaphore, #tpu.memory_space<semaphore_mem>>
          %dma_wait3A_1816 = tpu.memref_squeeze %dma_wait3A_1815 : memref<1x!tpu.dma_semaphore, #tpu.memory_space<semaphore_mem>> -> memref<!tpu.dma_semaphore, #tpu.memory_space<semaphore_mem>>
          %dma_wait3A_1817 = arith.constant 0 : i32
          %dma_wait3A_1818 = arith.constant 0 : i32
          %dma_wait3A_1819 = tpu.memref_slice %arg5[%dma_wait3A_1801, %dma_wait3A_1802, %dma_wait3A_1817, %dma_wait3A_1818] : memref<800x32x8x128xf32, #tpu.memory_space<hbm>> -> memref<1x1x8x128xf32, #tpu.memory_space<hbm>>
          %dma_wait3A_1820 = tpu.memref_squeeze %dma_wait3A_1819 : memref<1x1x8x128xf32, #tpu.memory_space<hbm>> -> memref<8x128xf32, #tpu.memory_space<hbm>>
          %dma_wait3A_1821 = arith.constant 0 : i32
          %dma_wait3A_1822 = arith.constant 0 : i32
          %dma_wait3A_1823 = tpu.memref_slice %arg8[%dma_wait3A_1800, %dma_wait3A_1821, %dma_wait3A_1822] : memref<5x32x129xf32, #tpu.memory_space<vmem>> -> memref<1x32x129xf32, #tpu.memory_space<vmem>>
          %dma_wait3A_1824 = tpu.memref_squeeze %dma_wait3A_1823 : memref<1x32x129xf32, #tpu.memory_space<vmem>> -> memref<32x129xf32, #tpu.memory_space<vmem>>
          %dma_wait3A_1825 = arith.constant 16 : i32
          %dma_wait3A_1826 = arith.constant 0 : i32
          %dma_wait3A_1827 = tpu.memref_slice %dma_wait3A_1824[%dma_wait3A_1825, %dma_wait3A_1826] : memref<32x129xf32, #tpu.memory_space<vmem>> -> memref<8x128xf32, #tpu.memory_space<vmem>>
          tpu.wait_dma2 semaphore(%dma_wait3A_1816 : memref<!tpu.dma_semaphore, #tpu.memory_space<semaphore_mem>>) src(%dma_wait3A_1827 : memref<8x128xf32, #tpu.memory_space<vmem>>) dst(%dma_wait3A_1820 : memref<8x128xf32, #tpu.memory_space<hbm>>)
          %dma_wait3A_1828 = arith.constant 1 : i32
          %dma_wait3A_1829 = arith.constant 0 : i32
          %dma_wait3A_1830 = arith.constant 0 : i32
          %dma_wait3A_1831 = arith.constant 1 : i32
          %dma_wait3A_1832 = arith.constant 0 : i32
          %dma_wait3A_1833 = arith.constant 0 : i32
          %dma_wait3A_1834 = tpu.memref_slice %arg8[%dma_wait3A_1828, %dma_wait3A_1832, %dma_wait3A_1833] : memref<5x32x129xf32, #tpu.memory_space<vmem>> -> memref<1x32x129xf32, #tpu.memory_space<vmem>>
          %dma_wait3A_1835 = tpu.memref_squeeze %dma_wait3A_1834 : memref<1x32x129xf32, #tpu.memory_space<vmem>> -> memref<32x129xf32, #tpu.memory_space<vmem>>
          %dma_wait3A_1836 = arith.constant 24 : i32
          %dma_wait3A_1837 = arith.constant 0 : i32
          %dma_wait3A_1838 = tpu.memref_slice %dma_wait3A_1835[%dma_wait3A_1836, %dma_wait3A_1837] : memref<32x129xf32, #tpu.memory_space<vmem>> -> memref<8x128xf32, #tpu.memory_space<vmem>>
          %dma_wait3A_1839 = arith.constant 0 : i32
          %dma_wait3A_1840 = arith.constant 0 : i32
          %dma_wait3A_1841 = tpu.memref_slice %arg5[%dma_wait3A_1829, %dma_wait3A_1830, %dma_wait3A_1839, %dma_wait3A_1840] : memref<800x32x8x128xf32, #tpu.memory_space<hbm>> -> memref<1x1x8x128xf32, #tpu.memory_space<hbm>>
          %dma_wait3A_1842 = tpu.memref_squeeze %dma_wait3A_1841 : memref<1x1x8x128xf32, #tpu.memory_space<hbm>> -> memref<8x128xf32, #tpu.memory_space<hbm>>
          %dma_wait3A_1843 = tpu.memref_slice %arg11[%dma_wait3A_1831] : memref<5x!tpu.dma_semaphore, #tpu.memory_space<semaphore_mem>> -> memref<1x!tpu.dma_semaphore, #tpu.memory_space<semaphore_mem>>
          %dma_wait3A_1844 = tpu.memref_squeeze %dma_wait3A_1843 : memref<1x!tpu.dma_semaphore, #tpu.memory_space<semaphore_mem>> -> memref<!tpu.dma_semaphore, #tpu.memory_space<semaphore_mem>>
          %dma_wait3A_1845 = arith.constant 0 : i32
          %dma_wait3A_1846 = arith.constant 0 : i32
          %dma_wait3A_1847 = tpu.memref_slice %arg5[%dma_wait3A_1829, %dma_wait3A_1830, %dma_wait3A_1845, %dma_wait3A_1846] : memref<800x32x8x128xf32, #tpu.memory_space<hbm>> -> memref<1x1x8x128xf32, #tpu.memory_space<hbm>>
          %dma_wait3A_1848 = tpu.memref_squeeze %dma_wait3A_1847 : memref<1x1x8x128xf32, #tpu.memory_space<hbm>> -> memref<8x128xf32, #tpu.memory_space<hbm>>
          %dma_wait3A_1849 = arith.constant 0 : i32
          %dma_wait3A_1850 = arith.constant 0 : i32
          %dma_wait3A_1851 = tpu.memref_slice %arg8[%dma_wait3A_1828, %dma_wait3A_1849, %dma_wait3A_1850] : memref<5x32x129xf32, #tpu.memory_space<vmem>> -> memref<1x32x129xf32, #tpu.memory_space<vmem>>
          %dma_wait3A_1852 = tpu.memref_squeeze %dma_wait3A_1851 : memref<1x32x129xf32, #tpu.memory_space<vmem>> -> memref<32x129xf32, #tpu.memory_space<vmem>>
          %dma_wait3A_1853 = arith.constant 24 : i32
          %dma_wait3A_1854 = arith.constant 0 : i32
          %dma_wait3A_1855 = tpu.memref_slice %dma_wait3A_1852[%dma_wait3A_1853, %dma_wait3A_1854] : memref<32x129xf32, #tpu.memory_space<vmem>> -> memref<8x128xf32, #tpu.memory_space<vmem>>
          tpu.wait_dma2 semaphore(%dma_wait3A_1844 : memref<!tpu.dma_semaphore, #tpu.memory_space<semaphore_mem>>) src(%dma_wait3A_1855 : memref<8x128xf32, #tpu.memory_space<vmem>>) dst(%dma_wait3A_1848 : memref<8x128xf32, #tpu.memory_space<hbm>>)
        } else {
        }
        %add3A_1728 = arith.constant 3 : i32
        %add3A_1729 = arith.addi %add3A_1273, %add3A_1728 : i32
        %mul3A_1730 = arith.constant 128 : i32
        %mul3A_1731 = arith.muli %add3A_1729, %mul3A_1730 : i32
        %dma_start3A_1732 = arith.constant 1 : i32
        %dma_start3A_1733 = arith.constant 1 : i32
        %dma_start3A_1734 = arith.constant 0 : i32
        %dma_start3A_1735 = arith.constant 0 : i32
        %dma_start3A_1736 = tpu.memref_slice %arg7[%dma_start3A_1732, %dma_start3A_1734, %dma_start3A_1735] : memref<5x128x32xf32, #tpu.memory_space<vmem>> -> memref<1x128x32xf32, #tpu.memory_space<vmem>>
        %dma_start3A_1737 = tpu.memref_squeeze %dma_start3A_1736 : memref<1x128x32xf32, #tpu.memory_space<vmem>> -> memref<128x32xf32, #tpu.memory_space<vmem>>
        %dma_start3A_1738 = tpu.memref_slice %arg6[%mul3A_1731] : memref<25600xi32, #tpu.memory_space<vmem>> -> memref<128xi32, #tpu.memory_space<vmem>>
        %dma_start3A_1739 = arith.constant 0 : i32
        %dma_start3A_1740 = arith.constant 0 : i32
        %dma_start3A_1741 = tpu.memref_slice %arg3[%dma_start3A_1739, %dma_start3A_1740] : memref<1000000x32xf32, #tpu.memory_space<hbm>> -> memref<1000000x32xf32, #tpu.memory_space<hbm>>
        %dma_start3A_1742 = tpu.memref_slice %arg10[%dma_start3A_1733] : memref<5x!tpu.dma_semaphore, #tpu.memory_space<semaphore_mem>> -> memref<1x!tpu.dma_semaphore, #tpu.memory_space<semaphore_mem>>
        %dma_start3A_1743 = tpu.memref_squeeze %dma_start3A_1742 : memref<1x!tpu.dma_semaphore, #tpu.memory_space<semaphore_mem>> -> memref<!tpu.dma_semaphore, #tpu.memory_space<semaphore_mem>>
        tpu.enqueue_indirect_dma source(%dma_start3A_1741 : memref<1000000x32xf32, #tpu.memory_space<hbm>>) target(%dma_start3A_1737 : memref<128x32xf32, #tpu.memory_space<vmem>>) offsets(%dma_start3A_1738 : memref<128xi32, #tpu.memory_space<vmem>>) semaphore(%dma_start3A_1743 : memref<!tpu.dma_semaphore, #tpu.memory_space<semaphore_mem>>)
      } else {
      }
      %dma_wait3A_1281 = arith.constant 3 : i32
      %dma_wait3A_1282 = arith.constant 3 : i32
      %dma_wait3A_1283 = arith.constant 0 : i32
      %dma_wait3A_1284 = arith.constant 0 : i32
      %dma_wait3A_1285 = tpu.memref_slice %arg7[%dma_wait3A_1281, %dma_wait3A_1283, %dma_wait3A_1284] : memref<5x128x32xf32, #tpu.memory_space<vmem>> -> memref<1x128x32xf32, #tpu.memory_space<vmem>>
      %dma_wait3A_1286 = tpu.memref_squeeze %dma_wait3A_1285 : memref<1x128x32xf32, #tpu.memory_space<vmem>> -> memref<128x32xf32, #tpu.memory_space<vmem>>
      %dma_wait3A_1287 = arith.constant 0 : i32
      %dma_wait3A_1288 = arith.constant 0 : i32
      %dma_wait3A_1289 = tpu.memref_slice %arg3[%dma_wait3A_1287, %dma_wait3A_1288] : memref<1000000x32xf32, #tpu.memory_space<hbm>> -> memref<128x32xf32, #tpu.memory_space<hbm>>
      %dma_wait3A_1290 = tpu.memref_slice %arg10[%dma_wait3A_1282] : memref<5x!tpu.dma_semaphore, #tpu.memory_space<semaphore_mem>> -> memref<1x!tpu.dma_semaphore, #tpu.memory_space<semaphore_mem>>
      %dma_wait3A_1291 = tpu.memref_squeeze %dma_wait3A_1290 : memref<1x!tpu.dma_semaphore, #tpu.memory_space<semaphore_mem>> -> memref<!tpu.dma_semaphore, #tpu.memory_space<semaphore_mem>>
      %dma_wait3A_1292 = arith.constant 0 : i32
      %dma_wait3A_1293 = arith.constant 0 : i32
      %dma_wait3A_1294 = tpu.memref_slice %arg7[%dma_wait3A_1281, %dma_wait3A_1292, %dma_wait3A_1293] : memref<5x128x32xf32, #tpu.memory_space<vmem>> -> memref<1x128x32xf32, #tpu.memory_space<vmem>>
      %dma_wait3A_1295 = tpu.memref_squeeze %dma_wait3A_1294 : memref<1x128x32xf32, #tpu.memory_space<vmem>> -> memref<128x32xf32, #tpu.memory_space<vmem>>
      %dma_wait3A_1296 = arith.constant 0 : i32
      %dma_wait3A_1297 = arith.constant 0 : i32
      %dma_wait3A_1298 = tpu.memref_slice %arg3[%dma_wait3A_1296, %dma_wait3A_1297] : memref<1000000x32xf32, #tpu.memory_space<hbm>> -> memref<128x32xf32, #tpu.memory_space<hbm>>
      tpu.wait_dma2 semaphore(%dma_wait3A_1291 : memref<!tpu.dma_semaphore, #tpu.memory_space<semaphore_mem>>) src(%dma_wait3A_1298 : memref<128x32xf32, #tpu.memory_space<hbm>>) dst(%dma_wait3A_1295 : memref<128x32xf32, #tpu.memory_space<vmem>>)
      %add3A_1299 = arith.addi %mul3A_2, %add3A_1273 : i32
      %jit3A_1300 = arith.constant 32 : i32
      %div3A_1301 = arith.divsi %add3A_1299, %jit3A_1300 : i32
      %sign3A_1302 = arith.constant 0 : i32
      %sign3A_1303 = arith.cmpi sgt, %add3A_1299, %sign3A_1302 : i32
      %sign3A_1304 = arith.extui %sign3A_1303 : i1 to i32
      %sign3A_1305 = arith.constant 0 : i32
      %sign3A_1306 = arith.cmpi slt, %add3A_1299, %sign3A_1305 : i32
      %sign3A_1307 = arith.extui %sign3A_1306 : i1 to i32
      %sign3A_1308 = arith.subi %sign3A_1304, %sign3A_1307 : i32
      %sign3A_1309 = arith.constant 0 : i32
      %sign3A_1310 = arith.cmpi sgt, %jit3A_1300, %sign3A_1309 : i32
      %sign3A_1311 = arith.extui %sign3A_1310 : i1 to i32
      %sign3A_1312 = arith.constant 0 : i32
      %sign3A_1313 = arith.cmpi slt, %jit3A_1300, %sign3A_1312 : i32
      %sign3A_1314 = arith.extui %sign3A_1313 : i1 to i32
      %sign3A_1315 = arith.subi %sign3A_1311, %sign3A_1314 : i32
      %ne3A_1316 = arith.cmpi ne, %sign3A_1308, %sign3A_1315 : i32
      %rem3A_1317 = arith.remsi %add3A_1299, %jit3A_1300 : i32
      %ne3A_1318 = arith.constant 0 : i32
      %ne3A_1319 = arith.cmpi ne, %rem3A_1317, %ne3A_1318 : i32
      %and3A_1320 = arith.andi %ne3A_1316, %ne3A_1319 : i1
      %sub3A_1321 = arith.constant 1 : i32
      %sub3A_1322 = arith.subi %div3A_1301, %sub3A_1321 : i32
      %select_n3A_1323 = arith.select %and3A_1320, %sub3A_1322, %div3A_1301 : i32
      %get3A_1324 = arith.index_cast %select_n3A_1323 : i32 to index
      %get3A_1325 = arith.constant 0 : index
      %get3A_1326 = tpu.vector_load %arg9[%get3A_1324, %get3A_1325] {strides = array<i32>} : memref<200x32xf32, #tpu.memory_space<vmem>>, vector<16xf32>,
      %get3A_1327 = arith.index_cast %select_n3A_1323 : i32 to index
      %get3A_1328 = arith.constant 16 : index
      %get3A_1329 = tpu.vector_load %arg9[%get3A_1327, %get3A_1328] {strides = array<i32>} : memref<200x32xf32, #tpu.memory_space<vmem>>, vector<16xf32>,
      %scan3A_1330 = arith.constant 0 : i32
      %scan3A_1331 = arith.constant 0 : i32
      %scan3A_1332 = arith.constant 16 : i32
      %scan3A_1333 = arith.addi %scan3A_1331, %scan3A_1332 : i32
      %scan3A_1334 = arith.constant 1 : i32
      scf.for %scan3A_1722 = %scan3A_1331 to %scan3A_1333 step %scan3A_1334  : i32 {
        %mul3A_1723 = arith.constant 8 : i32
        %mul3A_1724 = arith.muli %scan3A_1722, %mul3A_1723 : i32
        %add3A_1725 = arith.constant 0 : i32
        %add3A_1726 = arith.addi %mul3A_1724, %add3A_1725 : i32
        %broadcast_in_dim3A = arith.constant 0 : i32
        %broadcast_in_dim3A_1727 = vector.broadcast %broadcast_in_dim3A : i32 to vector<16xi32>
        %add3A_1728 = vector.broadcast %add3A_1726 : i32 to vector<16xi32>
        %add3A_1729 = arith.addi %broadcast_in_dim3A_1727, %add3A_1728 : vector<16xi32>
        %get3A_1730 = arith.constant 3 : i32
        %get3A_1731 = arith.index_cast %get3A_1730 : i32 to index
        %get3A_1732 = arith.index_cast %add3A_1726 : i32 to index
        %get3A_1733 = arith.constant 0 : index
        %get3A_1734 = tpu.vector_load %arg7[%get3A_1731, %get3A_1732, %get3A_1733] {strides = array<i32>} : memref<5x128x32xf32, #tpu.memory_space<vmem>>, vector<16xf32>,
        %add3A_1735 = arith.addf %get3A_1734, %get3A_1326 : vector<16xf32>
        %get3A_1736 = arith.constant 3 : i32
        %get3A_1737 = arith.index_cast %get3A_1736 : i32 to index
        %get3A_1738 = arith.index_cast %add3A_1726 : i32 to index
        %get3A_1739 = arith.constant 16 : index
        %get3A_1740 = tpu.vector_load %arg7[%get3A_1737, %get3A_1738, %get3A_1739] {strides = array<i32>} : memref<5x128x32xf32, #tpu.memory_space<vmem>>, vector<16xf32>,
        %add3A_1741 = arith.addf %get3A_1740, %get3A_1329 : vector<16xf32>
        %scatter3A = arith.constant 3 : i32
        %scatter3A_1742 = arith.constant 0 : i32
        %scatter3A_1743 = arith.constant 0 : i32
        %scatter3A_1744 = tpu.memref_slice %arg8[%scatter3A, %scatter3A_1742, %scatter3A_1743] : memref<5x32x129xf32, #tpu.memory_space<vmem>> -> memref<1x32x129xf32, #tpu.memory_space<vmem>>
        %scatter3A_1745 = tpu.memref_squeeze %scatter3A_1744 : memref<1x32x129xf32, #tpu.memory_space<vmem>> -> memref<32x129xf32, #tpu.memory_space<vmem>>
        tpu.vector_store_idx %scatter3A_1745[%iota3A, %add3A_1729], %add3A_1735 : memref<32x129xf32, #tpu.memory_space<vmem>>[vector<16xi32>, vector<16xi32>], vector<16xf32>,
        %add3A_1746 = arith.constant 16 : i32
        %add3A_1747 = vector.broadcast %add3A_1746 : i32 to vector<16xi32>
        %add3A_1748 = arith.addi %iota3A, %add3A_1747 : vector<16xi32>
        %scatter3A_1749 = arith.constant 3 : i32
        %scatter3A_1750 = arith.constant 0 : i32
        %scatter3A_1751 = arith.constant 0 : i32
        %scatter3A_1752 = tpu.memref_slice %arg8[%scatter3A_1749, %scatter3A_1750, %scatter3A_1751] : memref<5x32x129xf32, #tpu.memory_space<vmem>> -> memref<1x32x129xf32, #tpu.memory_space<vmem>>
        %scatter3A_1753 = tpu.memref_squeeze %scatter3A_1752 : memref<1x32x129xf32, #tpu.memory_space<vmem>> -> memref<32x129xf32, #tpu.memory_space<vmem>>
        tpu.vector_store_idx %scatter3A_1753[%add3A_1748, %add3A_1729], %add3A_1741 : memref<32x129xf32, #tpu.memory_space<vmem>>[vector<16xi32>, vector<16xi32>], vector<16xf32>,
        %mul3A_1754 = arith.constant 8 : i32
        %mul3A_1755 = arith.muli %scan3A_1722, %mul3A_1754 : i32
        %add3A_1756 = arith.constant 1 : i32
        %add3A_1757 = arith.addi %mul3A_1755, %add3A_1756 : i32
        %broadcast_in_dim3A_1758 = arith.constant 0 : i32
        %broadcast_in_dim3A_1759 = vector.broadcast %broadcast_in_dim3A_1758 : i32 to vector<16xi32>
        %add3A_1760 = vector.broadcast %add3A_1757 : i32 to vector<16xi32>
        %add3A_1761 = arith.addi %broadcast_in_dim3A_1759, %add3A_1760 : vector<16xi32>
        %get3A_1762 = arith.constant 3 : i32
        %get3A_1763 = arith.index_cast %get3A_1762 : i32 to index
        %get3A_1764 = arith.index_cast %add3A_1757 : i32 to index
        %get3A_1765 = arith.constant 0 : index
        %get3A_1766 = tpu.vector_load %arg7[%get3A_1763, %get3A_1764, %get3A_1765] {strides = array<i32>} : memref<5x128x32xf32, #tpu.memory_space<vmem>>, vector<16xf32>,
        %add3A_1767 = arith.addf %get3A_1766, %get3A_1326 : vector<16xf32>
        %get3A_1768 = arith.constant 3 : i32
        %get3A_1769 = arith.index_cast %get3A_1768 : i32 to index
        %get3A_1770 = arith.index_cast %add3A_1757 : i32 to index
        %get3A_1771 = arith.constant 16 : index
        %get3A_1772 = tpu.vector_load %arg7[%get3A_1769, %get3A_1770, %get3A_1771] {strides = array<i32>} : memref<5x128x32xf32, #tpu.memory_space<vmem>>, vector<16xf32>,
        %add3A_1773 = arith.addf %get3A_1772, %get3A_1329 : vector<16xf32>
        %scatter3A_1774 = arith.constant 3 : i32
        %scatter3A_1775 = arith.constant 0 : i32
        %scatter3A_1776 = arith.constant 0 : i32
        %scatter3A_1777 = tpu.memref_slice %arg8[%scatter3A_1774, %scatter3A_1775, %scatter3A_1776] : memref<5x32x129xf32, #tpu.memory_space<vmem>> -> memref<1x32x129xf32, #tpu.memory_space<vmem>>
        %scatter3A_1778 = tpu.memref_squeeze %scatter3A_1777 : memref<1x32x129xf32, #tpu.memory_space<vmem>> -> memref<32x129xf32, #tpu.memory_space<vmem>>
        tpu.vector_store_idx %scatter3A_1778[%iota3A, %add3A_1761], %add3A_1767 : memref<32x129xf32, #tpu.memory_space<vmem>>[vector<16xi32>, vector<16xi32>], vector<16xf32>,
        %add3A_1779 = arith.constant 16 : i32
        %add3A_1780 = vector.broadcast %add3A_1779 : i32 to vector<16xi32>
        %add3A_1781 = arith.addi %iota3A, %add3A_1780 : vector<16xi32>
        %scatter3A_1782 = arith.constant 3 : i32
        %scatter3A_1783 = arith.constant 0 : i32
        %scatter3A_1784 = arith.constant 0 : i32
        %scatter3A_1785 = tpu.memref_slice %arg8[%scatter3A_1782, %scatter3A_1783, %scatter3A_1784] : memref<5x32x129xf32, #tpu.memory_space<vmem>> -> memref<1x32x129xf32, #tpu.memory_space<vmem>>
        %scatter3A_1786 = tpu.memref_squeeze %scatter3A_1785 : memref<1x32x129xf32, #tpu.memory_space<vmem>> -> memref<32x129xf32, #tpu.memory_space<vmem>>
        tpu.vector_store_idx %scatter3A_1786[%add3A_1781, %add3A_1761], %add3A_1773 : memref<32x129xf32, #tpu.memory_space<vmem>>[vector<16xi32>, vector<16xi32>], vector<16xf32>,
        %mul3A_1787 = arith.constant 8 : i32
        %mul3A_1788 = arith.muli %scan3A_1722, %mul3A_1787 : i32
        %add3A_1789 = arith.constant 2 : i32
        %add3A_1790 = arith.addi %mul3A_1788, %add3A_1789 : i32
        %broadcast_in_dim3A_1791 = arith.constant 0 : i32
        %broadcast_in_dim3A_1792 = vector.broadcast %broadcast_in_dim3A_1791 : i32 to vector<16xi32>
        %add3A_1793 = vector.broadcast %add3A_1790 : i32 to vector<16xi32>
        %add3A_1794 = arith.addi %broadcast_in_dim3A_1792, %add3A_1793 : vector<16xi32>
        %get3A_1795 = arith.constant 3 : i32
        %get3A_1796 = arith.index_cast %get3A_1795 : i32 to index
        %get3A_1797 = arith.index_cast %add3A_1790 : i32 to index
        %get3A_1798 = arith.constant 0 : index
        %get3A_1799 = tpu.vector_load %arg7[%get3A_1796, %get3A_1797, %get3A_1798] {strides = array<i32>} : memref<5x128x32xf32, #tpu.memory_space<vmem>>, vector<16xf32>,
        %add3A_1800 = arith.addf %get3A_1799, %get3A_1326 : vector<16xf32>
        %get3A_1801 = arith.constant 3 : i32
        %get3A_1802 = arith.index_cast %get3A_1801 : i32 to index
        %get3A_1803 = arith.index_cast %add3A_1790 : i32 to index
        %get3A_1804 = arith.constant 16 : index
        %get3A_1805 = tpu.vector_load %arg7[%get3A_1802, %get3A_1803, %get3A_1804] {strides = array<i32>} : memref<5x128x32xf32, #tpu.memory_space<vmem>>, vector<16xf32>,
        %add3A_1806 = arith.addf %get3A_1805, %get3A_1329 : vector<16xf32>
        %scatter3A_1807 = arith.constant 3 : i32
        %scatter3A_1808 = arith.constant 0 : i32
        %scatter3A_1809 = arith.constant 0 : i32
        %scatter3A_1810 = tpu.memref_slice %arg8[%scatter3A_1807, %scatter3A_1808, %scatter3A_1809] : memref<5x32x129xf32, #tpu.memory_space<vmem>> -> memref<1x32x129xf32, #tpu.memory_space<vmem>>
        %scatter3A_1811 = tpu.memref_squeeze %scatter3A_1810 : memref<1x32x129xf32, #tpu.memory_space<vmem>> -> memref<32x129xf32, #tpu.memory_space<vmem>>
        tpu.vector_store_idx %scatter3A_1811[%iota3A, %add3A_1794], %add3A_1800 : memref<32x129xf32, #tpu.memory_space<vmem>>[vector<16xi32>, vector<16xi32>], vector<16xf32>,
        %add3A_1812 = arith.constant 16 : i32
        %add3A_1813 = vector.broadcast %add3A_1812 : i32 to vector<16xi32>
        %add3A_1814 = arith.addi %iota3A, %add3A_1813 : vector<16xi32>
        %scatter3A_1815 = arith.constant 3 : i32
        %scatter3A_1816 = arith.constant 0 : i32
        %scatter3A_1817 = arith.constant 0 : i32
        %scatter3A_1818 = tpu.memref_slice %arg8[%scatter3A_1815, %scatter3A_1816, %scatter3A_1817] : memref<5x32x129xf32, #tpu.memory_space<vmem>> -> memref<1x32x129xf32, #tpu.memory_space<vmem>>
        %scatter3A_1819 = tpu.memref_squeeze %scatter3A_1818 : memref<1x32x129xf32, #tpu.memory_space<vmem>> -> memref<32x129xf32, #tpu.memory_space<vmem>>
        tpu.vector_store_idx %scatter3A_1819[%add3A_1814, %add3A_1794], %add3A_1806 : memref<32x129xf32, #tpu.memory_space<vmem>>[vector<16xi32>, vector<16xi32>], vector<16xf32>,
        %mul3A_1820 = arith.constant 8 : i32
        %mul3A_1821 = arith.muli %scan3A_1722, %mul3A_1820 : i32
        %add3A_1822 = arith.constant 3 : i32
        %add3A_1823 = arith.addi %mul3A_1821, %add3A_1822 : i32
        %broadcast_in_dim3A_1824 = arith.constant 0 : i32
        %broadcast_in_dim3A_1825 = vector.broadcast %broadcast_in_dim3A_1824 : i32 to vector<16xi32>
        %add3A_1826 = vector.broadcast %add3A_1823 : i32 to vector<16xi32>
        %add3A_1827 = arith.addi %broadcast_in_dim3A_1825, %add3A_1826 : vector<16xi32>
        %get3A_1828 = arith.constant 3 : i32
        %get3A_1829 = arith.index_cast %get3A_1828 : i32 to index
        %get3A_1830 = arith.index_cast %add3A_1823 : i32 to index
        %get3A_1831 = arith.constant 0 : index
        %get3A_1832 = tpu.vector_load %arg7[%get3A_1829, %get3A_1830, %get3A_1831] {strides = array<i32>} : memref<5x128x32xf32, #tpu.memory_space<vmem>>, vector<16xf32>,
        %add3A_1833 = arith.addf %get3A_1832, %get3A_1326 : vector<16xf32>
        %get3A_1834 = arith.constant 3 : i32
        %get3A_1835 = arith.index_cast %get3A_1834 : i32 to index
        %get3A_1836 = arith.index_cast %add3A_1823 : i32 to index
        %get3A_1837 = arith.constant 16 : index
        %get3A_1838 = tpu.vector_load %arg7[%get3A_1835, %get3A_1836, %get3A_1837] {strides = array<i32>} : memref<5x128x32xf32, #tpu.memory_space<vmem>>, vector<16xf32>,
        %add3A_1839 = arith.addf %get3A_1838, %get3A_1329 : vector<16xf32>
        %scatter3A_1840 = arith.constant 3 : i32
        %scatter3A_1841 = arith.constant 0 : i32
        %scatter3A_1842 = arith.constant 0 : i32
        %scatter3A_1843 = tpu.memref_slice %arg8[%scatter3A_1840, %scatter3A_1841, %scatter3A_1842] : memref<5x32x129xf32, #tpu.memory_space<vmem>> -> memref<1x32x129xf32, #tpu.memory_space<vmem>>
        %scatter3A_1844 = tpu.memref_squeeze %scatter3A_1843 : memref<1x32x129xf32, #tpu.memory_space<vmem>> -> memref<32x129xf32, #tpu.memory_space<vmem>>
        tpu.vector_store_idx %scatter3A_1844[%iota3A, %add3A_1827], %add3A_1833 : memref<32x129xf32, #tpu.memory_space<vmem>>[vector<16xi32>, vector<16xi32>], vector<16xf32>,
        %add3A_1845 = arith.constant 16 : i32
        %add3A_1846 = vector.broadcast %add3A_1845 : i32 to vector<16xi32>
        %add3A_1847 = arith.addi %iota3A, %add3A_1846 : vector<16xi32>
        %scatter3A_1848 = arith.constant 3 : i32
        %scatter3A_1849 = arith.constant 0 : i32
        %scatter3A_1850 = arith.constant 0 : i32
        %scatter3A_1851 = tpu.memref_slice %arg8[%scatter3A_1848, %scatter3A_1849, %scatter3A_1850] : memref<5x32x129xf32, #tpu.memory_space<vmem>> -> memref<1x32x129xf32, #tpu.memory_space<vmem>>
        %scatter3A_1852 = tpu.memref_squeeze %scatter3A_1851 : memref<1x32x129xf32, #tpu.memory_space<vmem>> -> memref<32x129xf32, #tpu.memory_space<vmem>>
        tpu.vector_store_idx %scatter3A_1852[%add3A_1847, %add3A_1827], %add3A_1839 : memref<32x129xf32, #tpu.memory_space<vmem>>[vector<16xi32>, vector<16xi32>], vector<16xf32>,
        %mul3A_1853 = arith.constant 8 : i32
        %mul3A_1854 = arith.muli %scan3A_1722, %mul3A_1853 : i32
        %add3A_1855 = arith.constant 4 : i32
        %add3A_1856 = arith.addi %mul3A_1854, %add3A_1855 : i32
        %broadcast_in_dim3A_1857 = arith.constant 0 : i32
        %broadcast_in_dim3A_1858 = vector.broadcast %broadcast_in_dim3A_1857 : i32 to vector<16xi32>
        %add3A_1859 = vector.broadcast %add3A_1856 : i32 to vector<16xi32>
        %add3A_1860 = arith.addi %broadcast_in_dim3A_1858, %add3A_1859 : vector<16xi32>
        %get3A_1861 = arith.constant 3 : i32
        %get3A_1862 = arith.index_cast %get3A_1861 : i32 to index
        %get3A_1863 = arith.index_cast %add3A_1856 : i32 to index
        %get3A_1864 = arith.constant 0 : index
        %get3A_1865 = tpu.vector_load %arg7[%get3A_1862, %get3A_1863, %get3A_1864] {strides = array<i32>} : memref<5x128x32xf32, #tpu.memory_space<vmem>>, vector<16xf32>,
        %add3A_1866 = arith.addf %get3A_1865, %get3A_1326 : vector<16xf32>
        %get3A_1867 = arith.constant 3 : i32
        %get3A_1868 = arith.index_cast %get3A_1867 : i32 to index
        %get3A_1869 = arith.index_cast %add3A_1856 : i32 to index
        %get3A_1870 = arith.constant 16 : index
        %get3A_1871 = tpu.vector_load %arg7[%get3A_1868, %get3A_1869, %get3A_1870] {strides = array<i32>} : memref<5x128x32xf32, #tpu.memory_space<vmem>>, vector<16xf32>,
        %add3A_1872 = arith.addf %get3A_1871, %get3A_1329 : vector<16xf32>
        %scatter3A_1873 = arith.constant 3 : i32
        %scatter3A_1874 = arith.constant 0 : i32
        %scatter3A_1875 = arith.constant 0 : i32
        %scatter3A_1876 = tpu.memref_slice %arg8[%scatter3A_1873, %scatter3A_1874, %scatter3A_1875] : memref<5x32x129xf32, #tpu.memory_space<vmem>> -> memref<1x32x129xf32, #tpu.memory_space<vmem>>
        %scatter3A_1877 = tpu.memref_squeeze %scatter3A_1876 : memref<1x32x129xf32, #tpu.memory_space<vmem>> -> memref<32x129xf32, #tpu.memory_space<vmem>>
        tpu.vector_store_idx %scatter3A_1877[%iota3A, %add3A_1860], %add3A_1866 : memref<32x129xf32, #tpu.memory_space<vmem>>[vector<16xi32>, vector<16xi32>], vector<16xf32>,
        %add3A_1878 = arith.constant 16 : i32
        %add3A_1879 = vector.broadcast %add3A_1878 : i32 to vector<16xi32>
        %add3A_1880 = arith.addi %iota3A, %add3A_1879 : vector<16xi32>
        %scatter3A_1881 = arith.constant 3 : i32
        %scatter3A_1882 = arith.constant 0 : i32
        %scatter3A_1883 = arith.constant 0 : i32
        %scatter3A_1884 = tpu.memref_slice %arg8[%scatter3A_1881, %scatter3A_1882, %scatter3A_1883] : memref<5x32x129xf32, #tpu.memory_space<vmem>> -> memref<1x32x129xf32, #tpu.memory_space<vmem>>
        %scatter3A_1885 = tpu.memref_squeeze %scatter3A_1884 : memref<1x32x129xf32, #tpu.memory_space<vmem>> -> memref<32x129xf32, #tpu.memory_space<vmem>>
        tpu.vector_store_idx %scatter3A_1885[%add3A_1880, %add3A_1860], %add3A_1872 : memref<32x129xf32, #tpu.memory_space<vmem>>[vector<16xi32>, vector<16xi32>], vector<16xf32>,
        %mul3A_1886 = arith.constant 8 : i32
        %mul3A_1887 = arith.muli %scan3A_1722, %mul3A_1886 : i32
        %add3A_1888 = arith.constant 5 : i32
        %add3A_1889 = arith.addi %mul3A_1887, %add3A_1888 : i32
        %broadcast_in_dim3A_1890 = arith.constant 0 : i32
        %broadcast_in_dim3A_1891 = vector.broadcast %broadcast_in_dim3A_1890 : i32 to vector<16xi32>
        %add3A_1892 = vector.broadcast %add3A_1889 : i32 to vector<16xi32>
        %add3A_1893 = arith.addi %broadcast_in_dim3A_1891, %add3A_1892 : vector<16xi32>
        %get3A_1894 = arith.constant 3 : i32
        %get3A_1895 = arith.index_cast %get3A_1894 : i32 to index
        %get3A_1896 = arith.index_cast %add3A_1889 : i32 to index
        %get3A_1897 = arith.constant 0 : index
        %get3A_1898 = tpu.vector_load %arg7[%get3A_1895, %get3A_1896, %get3A_1897] {strides = array<i32>} : memref<5x128x32xf32, #tpu.memory_space<vmem>>, vector<16xf32>,
        %add3A_1899 = arith.addf %get3A_1898, %get3A_1326 : vector<16xf32>
        %get3A_1900 = arith.constant 3 : i32
        %get3A_1901 = arith.index_cast %get3A_1900 : i32 to index
        %get3A_1902 = arith.index_cast %add3A_1889 : i32 to index
        %get3A_1903 = arith.constant 16 : index
        %get3A_1904 = tpu.vector_load %arg7[%get3A_1901, %get3A_1902, %get3A_1903] {strides = array<i32>} : memref<5x128x32xf32, #tpu.memory_space<vmem>>, vector<16xf32>,
        %add3A_1905 = arith.addf %get3A_1904, %get3A_1329 : vector<16xf32>
        %scatter3A_1906 = arith.constant 3 : i32
        %scatter3A_1907 = arith.constant 0 : i32
        %scatter3A_1908 = arith.constant 0 : i32
        %scatter3A_1909 = tpu.memref_slice %arg8[%scatter3A_1906, %scatter3A_1907, %scatter3A_1908] : memref<5x32x129xf32, #tpu.memory_space<vmem>> -> memref<1x32x129xf32, #tpu.memory_space<vmem>>
        %scatter3A_1910 = tpu.memref_squeeze %scatter3A_1909 : memref<1x32x129xf32, #tpu.memory_space<vmem>> -> memref<32x129xf32, #tpu.memory_space<vmem>>
        tpu.vector_store_idx %scatter3A_1910[%iota3A, %add3A_1893], %add3A_1899 : memref<32x129xf32, #tpu.memory_space<vmem>>[vector<16xi32>, vector<16xi32>], vector<16xf32>,
        %add3A_1911 = arith.constant 16 : i32
        %add3A_1912 = vector.broadcast %add3A_1911 : i32 to vector<16xi32>
        %add3A_1913 = arith.addi %iota3A, %add3A_1912 : vector<16xi32>
        %scatter3A_1914 = arith.constant 3 : i32
        %scatter3A_1915 = arith.constant 0 : i32
        %scatter3A_1916 = arith.constant 0 : i32
        %scatter3A_1917 = tpu.memref_slice %arg8[%scatter3A_1914, %scatter3A_1915, %scatter3A_1916] : memref<5x32x129xf32, #tpu.memory_space<vmem>> -> memref<1x32x129xf32, #tpu.memory_space<vmem>>
        %scatter3A_1918 = tpu.memref_squeeze %scatter3A_1917 : memref<1x32x129xf32, #tpu.memory_space<vmem>> -> memref<32x129xf32, #tpu.memory_space<vmem>>
        tpu.vector_store_idx %scatter3A_1918[%add3A_1913, %add3A_1893], %add3A_1905 : memref<32x129xf32, #tpu.memory_space<vmem>>[vector<16xi32>, vector<16xi32>], vector<16xf32>,
        %mul3A_1919 = arith.constant 8 : i32
        %mul3A_1920 = arith.muli %scan3A_1722, %mul3A_1919 : i32
        %add3A_1921 = arith.constant 6 : i32
        %add3A_1922 = arith.addi %mul3A_1920, %add3A_1921 : i32
        %broadcast_in_dim3A_1923 = arith.constant 0 : i32
        %broadcast_in_dim3A_1924 = vector.broadcast %broadcast_in_dim3A_1923 : i32 to vector<16xi32>
        %add3A_1925 = vector.broadcast %add3A_1922 : i32 to vector<16xi32>
        %add3A_1926 = arith.addi %broadcast_in_dim3A_1924, %add3A_1925 : vector<16xi32>
        %get3A_1927 = arith.constant 3 : i32
        %get3A_1928 = arith.index_cast %get3A_1927 : i32 to index
        %get3A_1929 = arith.index_cast %add3A_1922 : i32 to index
        %get3A_1930 = arith.constant 0 : index
        %get3A_1931 = tpu.vector_load %arg7[%get3A_1928, %get3A_1929, %get3A_1930] {strides = array<i32>} : memref<5x128x32xf32, #tpu.memory_space<vmem>>, vector<16xf32>,
        %add3A_1932 = arith.addf %get3A_1931, %get3A_1326 : vector<16xf32>
        %get3A_1933 = arith.constant 3 : i32
        %get3A_1934 = arith.index_cast %get3A_1933 : i32 to index
        %get3A_1935 = arith.index_cast %add3A_1922 : i32 to index
        %get3A_1936 = arith.constant 16 : index
        %get3A_1937 = tpu.vector_load %arg7[%get3A_1934, %get3A_1935, %get3A_1936] {strides = array<i32>} : memref<5x128x32xf32, #tpu.memory_space<vmem>>, vector<16xf32>,
        %add3A_1938 = arith.addf %get3A_1937, %get3A_1329 : vector<16xf32>
        %scatter3A_1939 = arith.constant 3 : i32
        %scatter3A_1940 = arith.constant 0 : i32
        %scatter3A_1941 = arith.constant 0 : i32
        %scatter3A_1942 = tpu.memref_slice %arg8[%scatter3A_1939, %scatter3A_1940, %scatter3A_1941] : memref<5x32x129xf32, #tpu.memory_space<vmem>> -> memref<1x32x129xf32, #tpu.memory_space<vmem>>
        %scatter3A_1943 = tpu.memref_squeeze %scatter3A_1942 : memref<1x32x129xf32, #tpu.memory_space<vmem>> -> memref<32x129xf32, #tpu.memory_space<vmem>>
        tpu.vector_store_idx %scatter3A_1943[%iota3A, %add3A_1926], %add3A_1932 : memref<32x129xf32, #tpu.memory_space<vmem>>[vector<16xi32>, vector<16xi32>], vector<16xf32>,
        %add3A_1944 = arith.constant 16 : i32
        %add3A_1945 = vector.broadcast %add3A_1944 : i32 to vector<16xi32>
        %add3A_1946 = arith.addi %iota3A, %add3A_1945 : vector<16xi32>
        %scatter3A_1947 = arith.constant 3 : i32
        %scatter3A_1948 = arith.constant 0 : i32
        %scatter3A_1949 = arith.constant 0 : i32
        %scatter3A_1950 = tpu.memref_slice %arg8[%scatter3A_1947, %scatter3A_1948, %scatter3A_1949] : memref<5x32x129xf32, #tpu.memory_space<vmem>> -> memref<1x32x129xf32, #tpu.memory_space<vmem>>
        %scatter3A_1951 = tpu.memref_squeeze %scatter3A_1950 : memref<1x32x129xf32, #tpu.memory_space<vmem>> -> memref<32x129xf32, #tpu.memory_space<vmem>>
        tpu.vector_store_idx %scatter3A_1951[%add3A_1946, %add3A_1926], %add3A_1938 : memref<32x129xf32, #tpu.memory_space<vmem>>[vector<16xi32>, vector<16xi32>], vector<16xf32>,
        %mul3A_1952 = arith.constant 8 : i32
        %mul3A_1953 = arith.muli %scan3A_1722, %mul3A_1952 : i32
        %add3A_1954 = arith.constant 7 : i32
        %add3A_1955 = arith.addi %mul3A_1953, %add3A_1954 : i32
        %broadcast_in_dim3A_1956 = arith.constant 0 : i32
        %broadcast_in_dim3A_1957 = vector.broadcast %broadcast_in_dim3A_1956 : i32 to vector<16xi32>
        %add3A_1958 = vector.broadcast %add3A_1955 : i32 to vector<16xi32>
        %add3A_1959 = arith.addi %broadcast_in_dim3A_1957, %add3A_1958 : vector<16xi32>
        %get3A_1960 = arith.constant 3 : i32
        %get3A_1961 = arith.index_cast %get3A_1960 : i32 to index
        %get3A_1962 = arith.index_cast %add3A_1955 : i32 to index
        %get3A_1963 = arith.constant 0 : index
        %get3A_1964 = tpu.vector_load %arg7[%get3A_1961, %get3A_1962, %get3A_1963] {strides = array<i32>} : memref<5x128x32xf32, #tpu.memory_space<vmem>>, vector<16xf32>,
        %add3A_1965 = arith.addf %get3A_1964, %get3A_1326 : vector<16xf32>
        %get3A_1966 = arith.constant 3 : i32
        %get3A_1967 = arith.index_cast %get3A_1966 : i32 to index
        %get3A_1968 = arith.index_cast %add3A_1955 : i32 to index
        %get3A_1969 = arith.constant 16 : index
        %get3A_1970 = tpu.vector_load %arg7[%get3A_1967, %get3A_1968, %get3A_1969] {strides = array<i32>} : memref<5x128x32xf32, #tpu.memory_space<vmem>>, vector<16xf32>,
        %add3A_1971 = arith.addf %get3A_1970, %get3A_1329 : vector<16xf32>
        %scatter3A_1972 = arith.constant 3 : i32
        %scatter3A_1973 = arith.constant 0 : i32
        %scatter3A_1974 = arith.constant 0 : i32
        %scatter3A_1975 = tpu.memref_slice %arg8[%scatter3A_1972, %scatter3A_1973, %scatter3A_1974] : memref<5x32x129xf32, #tpu.memory_space<vmem>> -> memref<1x32x129xf32, #tpu.memory_space<vmem>>
        %scatter3A_1976 = tpu.memref_squeeze %scatter3A_1975 : memref<1x32x129xf32, #tpu.memory_space<vmem>> -> memref<32x129xf32, #tpu.memory_space<vmem>>
        tpu.vector_store_idx %scatter3A_1976[%iota3A, %add3A_1959], %add3A_1965 : memref<32x129xf32, #tpu.memory_space<vmem>>[vector<16xi32>, vector<16xi32>], vector<16xf32>,
        %add3A_1977 = arith.constant 16 : i32
        %add3A_1978 = vector.broadcast %add3A_1977 : i32 to vector<16xi32>
        %add3A_1979 = arith.addi %iota3A, %add3A_1978 : vector<16xi32>
        %scatter3A_1980 = arith.constant 3 : i32
        %scatter3A_1981 = arith.constant 0 : i32
        %scatter3A_1982 = arith.constant 0 : i32
        %scatter3A_1983 = tpu.memref_slice %arg8[%scatter3A_1980, %scatter3A_1981, %scatter3A_1982] : memref<5x32x129xf32, #tpu.memory_space<vmem>> -> memref<1x32x129xf32, #tpu.memory_space<vmem>>
        %scatter3A_1984 = tpu.memref_squeeze %scatter3A_1983 : memref<1x32x129xf32, #tpu.memory_space<vmem>> -> memref<32x129xf32, #tpu.memory_space<vmem>>
        tpu.vector_store_idx %scatter3A_1984[%add3A_1979, %add3A_1959], %add3A_1971 : memref<32x129xf32, #tpu.memory_space<vmem>>[vector<16xi32>, vector<16xi32>], vector<16xf32>,
      }
      %scan3A_1335 = arith.constant 16 : i32
      %add3A_1336 = arith.addi %mul3A_2, %add3A_1273 : i32
      %jit3A_1337 = arith.constant 32 : i32
      %div3A_1338 = arith.divsi %add3A_1336, %jit3A_1337 : i32
      %sign3A_1339 = arith.constant 0 : i32
      %sign3A_1340 = arith.cmpi sgt, %add3A_1336, %sign3A_1339 : i32
      %sign3A_1341 = arith.extui %sign3A_1340 : i1 to i32
      %sign3A_1342 = arith.constant 0 : i32
      %sign3A_1343 = arith.cmpi slt, %add3A_1336, %sign3A_1342 : i32
      %sign3A_1344 = arith.extui %sign3A_1343 : i1 to i32
      %sign3A_1345 = arith.subi %sign3A_1341, %sign3A_1344 : i32
      %sign3A_1346 = arith.constant 0 : i32
      %sign3A_1347 = arith.cmpi sgt, %jit3A_1337, %sign3A_1346 : i32
      %sign3A_1348 = arith.extui %sign3A_1347 : i1 to i32
      %sign3A_1349 = arith.constant 0 : i32
      %sign3A_1350 = arith.cmpi slt, %jit3A_1337, %sign3A_1349 : i32
      %sign3A_1351 = arith.extui %sign3A_1350 : i1 to i32
      %sign3A_1352 = arith.subi %sign3A_1348, %sign3A_1351 : i32
      %ne3A_1353 = arith.cmpi ne, %sign3A_1345, %sign3A_1352 : i32
      %rem3A_1354 = arith.remsi %add3A_1336, %jit3A_1337 : i32
      %ne3A_1355 = arith.constant 0 : i32
      %ne3A_1356 = arith.cmpi ne, %rem3A_1354, %ne3A_1355 : i32
      %and3A_1357 = arith.andi %ne3A_1353, %ne3A_1356 : i1
      %sub3A_1358 = arith.constant 1 : i32
      %sub3A_1359 = arith.subi %div3A_1338, %sub3A_1358 : i32
      %select_n3A_1360 = arith.select %and3A_1357, %sub3A_1359, %div3A_1338 : i32
      %jit3A_1361 = arith.constant 32 : i32
      %eq3A_1362 = arith.constant 0 : i32
      %eq3A_1363 = arith.cmpi eq, %jit3A_1361, %eq3A_1362 : i32
      %jit3A_1364 = arith.constant 1 : i32
      %select_n3A_1365 = arith.select %eq3A_1363, %jit3A_1364, %jit3A_1361 : i32
      %rem3A_1366 = arith.remsi %add3A_1336, %select_n3A_1365 : i32
      %ne3A_1367 = arith.constant 0 : i32
      %ne3A_1368 = arith.cmpi ne, %rem3A_1366, %ne3A_1367 : i32
      %lt3A_1369 = arith.constant 0 : i32
      %lt3A_1370 = arith.cmpi slt, %rem3A_1366, %lt3A_1369 : i32
      %lt3A_1371 = arith.constant 0 : i32
      %lt3A_1372 = arith.cmpi slt, %select_n3A_1365, %lt3A_1371 : i32
      %ne3A_1373 = arith.xori %lt3A_1370, %lt3A_1372 : i1
      %and3A_1374 = arith.andi %ne3A_1373, %ne3A_1368 : i1
      %add3A_1375 = arith.addi %rem3A_1366, %select_n3A_1365 : i32
      %select_n3A_1376 = arith.select %and3A_1374, %add3A_1375, %rem3A_1366 : i32
      %mul3A_1377 = arith.constant 4 : i32
      %mul3A_1378 = arith.muli %select_n3A_1360, %mul3A_1377 : i32
      %add3A_1379 = arith.constant 0 : i32
      %add3A_1380 = arith.addi %mul3A_1378, %add3A_1379 : i32
      %dma_start3A_1381 = arith.constant 3 : i32
      %dma_start3A_1382 = arith.constant 3 : i32
      %dma_start3A_1383 = arith.constant 0 : i32
      %dma_start3A_1384 = arith.constant 0 : i32
      %dma_start3A_1385 = tpu.memref_slice %arg8[%dma_start3A_1381, %dma_start3A_1383, %dma_start3A_1384] : memref<5x32x129xf32, #tpu.memory_space<vmem>> -> memref<1x32x129xf32, #tpu.memory_space<vmem>>
      %dma_start3A_1386 = tpu.memref_squeeze %dma_start3A_1385 : memref<1x32x129xf32, #tpu.memory_space<vmem>> -> memref<32x129xf32, #tpu.memory_space<vmem>>
      %dma_start3A_1387 = arith.constant 0 : i32
      %dma_start3A_1388 = arith.constant 0 : i32
      %dma_start3A_1389 = tpu.memref_slice %dma_start3A_1386[%dma_start3A_1387, %dma_start3A_1388] : memref<32x129xf32, #tpu.memory_space<vmem>> -> memref<8x128xf32, #tpu.memory_space<vmem>>
      %dma_start3A_1390 = arith.constant 0 : i32
      %dma_start3A_1391 = arith.constant 0 : i32
      %dma_start3A_1392 = tpu.memref_slice %arg5[%add3A_1380, %select_n3A_1376, %dma_start3A_1390, %dma_start3A_1391] : memref<800x32x8x128xf32, #tpu.memory_space<hbm>> -> memref<1x1x8x128xf32, #tpu.memory_space<hbm>>
      %dma_start3A_1393 = tpu.memref_squeeze %dma_start3A_1392 : memref<1x1x8x128xf32, #tpu.memory_space<hbm>> -> memref<8x128xf32, #tpu.memory_space<hbm>>
      %dma_start3A_1394 = tpu.memref_slice %arg11[%dma_start3A_1382] : memref<5x!tpu.dma_semaphore, #tpu.memory_space<semaphore_mem>> -> memref<1x!tpu.dma_semaphore, #tpu.memory_space<semaphore_mem>>
      %dma_start3A_1395 = tpu.memref_squeeze %dma_start3A_1394 : memref<1x!tpu.dma_semaphore, #tpu.memory_space<semaphore_mem>> -> memref<!tpu.dma_semaphore, #tpu.memory_space<semaphore_mem>>
      %dma_start3A_1396 = arith.constant 0 : i32
      %dma_start3A_1397 = arith.constant 0 : i32
      %dma_start3A_1398 = tpu.memref_slice %arg5[%add3A_1380, %select_n3A_1376, %dma_start3A_1396, %dma_start3A_1397] : memref<800x32x8x128xf32, #tpu.memory_space<hbm>> -> memref<1x1x8x128xf32, #tpu.memory_space<hbm>>
      %dma_start3A_1399 = tpu.memref_squeeze %dma_start3A_1398 : memref<1x1x8x128xf32, #tpu.memory_space<hbm>> -> memref<8x128xf32, #tpu.memory_space<hbm>>
      %dma_start3A_1400 = arith.constant 0 : i32
      %dma_start3A_1401 = arith.constant 0 : i32
      %dma_start3A_1402 = tpu.memref_slice %arg8[%dma_start3A_1381, %dma_start3A_1400, %dma_start3A_1401] : memref<5x32x129xf32, #tpu.memory_space<vmem>> -> memref<1x32x129xf32, #tpu.memory_space<vmem>>
      %dma_start3A_1403 = tpu.memref_squeeze %dma_start3A_1402 : memref<1x32x129xf32, #tpu.memory_space<vmem>> -> memref<32x129xf32, #tpu.memory_space<vmem>>
      %dma_start3A_1404 = arith.constant 0 : i32
      %dma_start3A_1405 = arith.constant 0 : i32
      %dma_start3A_1406 = tpu.memref_slice %dma_start3A_1403[%dma_start3A_1404, %dma_start3A_1405] : memref<32x129xf32, #tpu.memory_space<vmem>> -> memref<8x128xf32, #tpu.memory_space<vmem>>
      tpu.enqueue_dma source(%dma_start3A_1406 : memref<8x128xf32, #tpu.memory_space<vmem>>) target(%dma_start3A_1399 : memref<8x128xf32, #tpu.memory_space<hbm>>) target_semaphore(%dma_start3A_1395 : memref<!tpu.dma_semaphore, #tpu.memory_space<semaphore_mem>>)
      %mul3A_1407 = arith.constant 4 : i32
      %mul3A_1408 = arith.muli %select_n3A_1360, %mul3A_1407 : i32
      %add3A_1409 = arith.constant 1 : i32
      %add3A_1410 = arith.addi %mul3A_1408, %add3A_1409 : i32
      %dma_start3A_1411 = arith.constant 3 : i32
      %dma_start3A_1412 = arith.constant 3 : i32
      %dma_start3A_1413 = arith.constant 0 : i32
      %dma_start3A_1414 = arith.constant 0 : i32
      %dma_start3A_1415 = tpu.memref_slice %arg8[%dma_start3A_1411, %dma_start3A_1413, %dma_start3A_1414] : memref<5x32x129xf32, #tpu.memory_space<vmem>> -> memref<1x32x129xf32, #tpu.memory_space<vmem>>
      %dma_start3A_1416 = tpu.memref_squeeze %dma_start3A_1415 : memref<1x32x129xf32, #tpu.memory_space<vmem>> -> memref<32x129xf32, #tpu.memory_space<vmem>>
      %dma_start3A_1417 = arith.constant 8 : i32
      %dma_start3A_1418 = arith.constant 0 : i32
      %dma_start3A_1419 = tpu.memref_slice %dma_start3A_1416[%dma_start3A_1417, %dma_start3A_1418] : memref<32x129xf32, #tpu.memory_space<vmem>> -> memref<8x128xf32, #tpu.memory_space<vmem>>
      %dma_start3A_1420 = arith.constant 0 : i32
      %dma_start3A_1421 = arith.constant 0 : i32
      %dma_start3A_1422 = tpu.memref_slice %arg5[%add3A_1410, %select_n3A_1376, %dma_start3A_1420, %dma_start3A_1421] : memref<800x32x8x128xf32, #tpu.memory_space<hbm>> -> memref<1x1x8x128xf32, #tpu.memory_space<hbm>>
      %dma_start3A_1423 = tpu.memref_squeeze %dma_start3A_1422 : memref<1x1x8x128xf32, #tpu.memory_space<hbm>> -> memref<8x128xf32, #tpu.memory_space<hbm>>
      %dma_start3A_1424 = tpu.memref_slice %arg11[%dma_start3A_1412] : memref<5x!tpu.dma_semaphore, #tpu.memory_space<semaphore_mem>> -> memref<1x!tpu.dma_semaphore, #tpu.memory_space<semaphore_mem>>
      %dma_start3A_1425 = tpu.memref_squeeze %dma_start3A_1424 : memref<1x!tpu.dma_semaphore, #tpu.memory_space<semaphore_mem>> -> memref<!tpu.dma_semaphore, #tpu.memory_space<semaphore_mem>>
      %dma_start3A_1426 = arith.constant 0 : i32
      %dma_start3A_1427 = arith.constant 0 : i32
      %dma_start3A_1428 = tpu.memref_slice %arg5[%add3A_1410, %select_n3A_1376, %dma_start3A_1426, %dma_start3A_1427] : memref<800x32x8x128xf32, #tpu.memory_space<hbm>> -> memref<1x1x8x128xf32, #tpu.memory_space<hbm>>
      %dma_start3A_1429 = tpu.memref_squeeze %dma_start3A_1428 : memref<1x1x8x128xf32, #tpu.memory_space<hbm>> -> memref<8x128xf32, #tpu.memory_space<hbm>>
      %dma_start3A_1430 = arith.constant 0 : i32
      %dma_start3A_1431 = arith.constant 0 : i32
      %dma_start3A_1432 = tpu.memref_slice %arg8[%dma_start3A_1411, %dma_start3A_1430, %dma_start3A_1431] : memref<5x32x129xf32, #tpu.memory_space<vmem>> -> memref<1x32x129xf32, #tpu.memory_space<vmem>>
      %dma_start3A_1433 = tpu.memref_squeeze %dma_start3A_1432 : memref<1x32x129xf32, #tpu.memory_space<vmem>> -> memref<32x129xf32, #tpu.memory_space<vmem>>
      %dma_start3A_1434 = arith.constant 8 : i32
      %dma_start3A_1435 = arith.constant 0 : i32
      %dma_start3A_1436 = tpu.memref_slice %dma_start3A_1433[%dma_start3A_1434, %dma_start3A_1435] : memref<32x129xf32, #tpu.memory_space<vmem>> -> memref<8x128xf32, #tpu.memory_space<vmem>>
      tpu.enqueue_dma source(%dma_start3A_1436 : memref<8x128xf32, #tpu.memory_space<vmem>>) target(%dma_start3A_1429 : memref<8x128xf32, #tpu.memory_space<hbm>>) target_semaphore(%dma_start3A_1425 : memref<!tpu.dma_semaphore, #tpu.memory_space<semaphore_mem>>)
      %mul3A_1437 = arith.constant 4 : i32
      %mul3A_1438 = arith.muli %select_n3A_1360, %mul3A_1437 : i32
      %add3A_1439 = arith.constant 2 : i32
      %add3A_1440 = arith.addi %mul3A_1438, %add3A_1439 : i32
      %dma_start3A_1441 = arith.constant 3 : i32
      %dma_start3A_1442 = arith.constant 3 : i32
      %dma_start3A_1443 = arith.constant 0 : i32
      %dma_start3A_1444 = arith.constant 0 : i32
      %dma_start3A_1445 = tpu.memref_slice %arg8[%dma_start3A_1441, %dma_start3A_1443, %dma_start3A_1444] : memref<5x32x129xf32, #tpu.memory_space<vmem>> -> memref<1x32x129xf32, #tpu.memory_space<vmem>>
      %dma_start3A_1446 = tpu.memref_squeeze %dma_start3A_1445 : memref<1x32x129xf32, #tpu.memory_space<vmem>> -> memref<32x129xf32, #tpu.memory_space<vmem>>
      %dma_start3A_1447 = arith.constant 16 : i32
      %dma_start3A_1448 = arith.constant 0 : i32
      %dma_start3A_1449 = tpu.memref_slice %dma_start3A_1446[%dma_start3A_1447, %dma_start3A_1448] : memref<32x129xf32, #tpu.memory_space<vmem>> -> memref<8x128xf32, #tpu.memory_space<vmem>>
      %dma_start3A_1450 = arith.constant 0 : i32
      %dma_start3A_1451 = arith.constant 0 : i32
      %dma_start3A_1452 = tpu.memref_slice %arg5[%add3A_1440, %select_n3A_1376, %dma_start3A_1450, %dma_start3A_1451] : memref<800x32x8x128xf32, #tpu.memory_space<hbm>> -> memref<1x1x8x128xf32, #tpu.memory_space<hbm>>
      %dma_start3A_1453 = tpu.memref_squeeze %dma_start3A_1452 : memref<1x1x8x128xf32, #tpu.memory_space<hbm>> -> memref<8x128xf32, #tpu.memory_space<hbm>>
      %dma_start3A_1454 = tpu.memref_slice %arg11[%dma_start3A_1442] : memref<5x!tpu.dma_semaphore, #tpu.memory_space<semaphore_mem>> -> memref<1x!tpu.dma_semaphore, #tpu.memory_space<semaphore_mem>>
      %dma_start3A_1455 = tpu.memref_squeeze %dma_start3A_1454 : memref<1x!tpu.dma_semaphore, #tpu.memory_space<semaphore_mem>> -> memref<!tpu.dma_semaphore, #tpu.memory_space<semaphore_mem>>
      %dma_start3A_1456 = arith.constant 0 : i32
      %dma_start3A_1457 = arith.constant 0 : i32
      %dma_start3A_1458 = tpu.memref_slice %arg5[%add3A_1440, %select_n3A_1376, %dma_start3A_1456, %dma_start3A_1457] : memref<800x32x8x128xf32, #tpu.memory_space<hbm>> -> memref<1x1x8x128xf32, #tpu.memory_space<hbm>>
      %dma_start3A_1459 = tpu.memref_squeeze %dma_start3A_1458 : memref<1x1x8x128xf32, #tpu.memory_space<hbm>> -> memref<8x128xf32, #tpu.memory_space<hbm>>
      %dma_start3A_1460 = arith.constant 0 : i32
      %dma_start3A_1461 = arith.constant 0 : i32
      %dma_start3A_1462 = tpu.memref_slice %arg8[%dma_start3A_1441, %dma_start3A_1460, %dma_start3A_1461] : memref<5x32x129xf32, #tpu.memory_space<vmem>> -> memref<1x32x129xf32, #tpu.memory_space<vmem>>
      %dma_start3A_1463 = tpu.memref_squeeze %dma_start3A_1462 : memref<1x32x129xf32, #tpu.memory_space<vmem>> -> memref<32x129xf32, #tpu.memory_space<vmem>>
      %dma_start3A_1464 = arith.constant 16 : i32
      %dma_start3A_1465 = arith.constant 0 : i32
      %dma_start3A_1466 = tpu.memref_slice %dma_start3A_1463[%dma_start3A_1464, %dma_start3A_1465] : memref<32x129xf32, #tpu.memory_space<vmem>> -> memref<8x128xf32, #tpu.memory_space<vmem>>
      tpu.enqueue_dma source(%dma_start3A_1466 : memref<8x128xf32, #tpu.memory_space<vmem>>) target(%dma_start3A_1459 : memref<8x128xf32, #tpu.memory_space<hbm>>) target_semaphore(%dma_start3A_1455 : memref<!tpu.dma_semaphore, #tpu.memory_space<semaphore_mem>>)
      %mul3A_1467 = arith.constant 4 : i32
      %mul3A_1468 = arith.muli %select_n3A_1360, %mul3A_1467 : i32
      %add3A_1469 = arith.constant 3 : i32
      %add3A_1470 = arith.addi %mul3A_1468, %add3A_1469 : i32
      %dma_start3A_1471 = arith.constant 3 : i32
      %dma_start3A_1472 = arith.constant 3 : i32
      %dma_start3A_1473 = arith.constant 0 : i32
      %dma_start3A_1474 = arith.constant 0 : i32
      %dma_start3A_1475 = tpu.memref_slice %arg8[%dma_start3A_1471, %dma_start3A_1473, %dma_start3A_1474] : memref<5x32x129xf32, #tpu.memory_space<vmem>> -> memref<1x32x129xf32, #tpu.memory_space<vmem>>
      %dma_start3A_1476 = tpu.memref_squeeze %dma_start3A_1475 : memref<1x32x129xf32, #tpu.memory_space<vmem>> -> memref<32x129xf32, #tpu.memory_space<vmem>>
      %dma_start3A_1477 = arith.constant 24 : i32
      %dma_start3A_1478 = arith.constant 0 : i32
      %dma_start3A_1479 = tpu.memref_slice %dma_start3A_1476[%dma_start3A_1477, %dma_start3A_1478] : memref<32x129xf32, #tpu.memory_space<vmem>> -> memref<8x128xf32, #tpu.memory_space<vmem>>
      %dma_start3A_1480 = arith.constant 0 : i32
      %dma_start3A_1481 = arith.constant 0 : i32
      %dma_start3A_1482 = tpu.memref_slice %arg5[%add3A_1470, %select_n3A_1376, %dma_start3A_1480, %dma_start3A_1481] : memref<800x32x8x128xf32, #tpu.memory_space<hbm>> -> memref<1x1x8x128xf32, #tpu.memory_space<hbm>>
      %dma_start3A_1483 = tpu.memref_squeeze %dma_start3A_1482 : memref<1x1x8x128xf32, #tpu.memory_space<hbm>> -> memref<8x128xf32, #tpu.memory_space<hbm>>
      %dma_start3A_1484 = tpu.memref_slice %arg11[%dma_start3A_1472] : memref<5x!tpu.dma_semaphore, #tpu.memory_space<semaphore_mem>> -> memref<1x!tpu.dma_semaphore, #tpu.memory_space<semaphore_mem>>
      %dma_start3A_1485 = tpu.memref_squeeze %dma_start3A_1484 : memref<1x!tpu.dma_semaphore, #tpu.memory_space<semaphore_mem>> -> memref<!tpu.dma_semaphore, #tpu.memory_space<semaphore_mem>>
      %dma_start3A_1486 = arith.constant 0 : i32
      %dma_start3A_1487 = arith.constant 0 : i32
      %dma_start3A_1488 = tpu.memref_slice %arg5[%add3A_1470, %select_n3A_1376, %dma_start3A_1486, %dma_start3A_1487] : memref<800x32x8x128xf32, #tpu.memory_space<hbm>> -> memref<1x1x8x128xf32, #tpu.memory_space<hbm>>
      %dma_start3A_1489 = tpu.memref_squeeze %dma_start3A_1488 : memref<1x1x8x128xf32, #tpu.memory_space<hbm>> -> memref<8x128xf32, #tpu.memory_space<hbm>>
      %dma_start3A_1490 = arith.constant 0 : i32
      %dma_start3A_1491 = arith.constant 0 : i32
      %dma_start3A_1492 = tpu.memref_slice %arg8[%dma_start3A_1471, %dma_start3A_1490, %dma_start3A_1491] : memref<5x32x129xf32, #tpu.memory_space<vmem>> -> memref<1x32x129xf32, #tpu.memory_space<vmem>>
      %dma_start3A_1493 = tpu.memref_squeeze %dma_start3A_1492 : memref<1x32x129xf32, #tpu.memory_space<vmem>> -> memref<32x129xf32, #tpu.memory_space<vmem>>
      %dma_start3A_1494 = arith.constant 24 : i32
      %dma_start3A_1495 = arith.constant 0 : i32
      %dma_start3A_1496 = tpu.memref_slice %dma_start3A_1493[%dma_start3A_1494, %dma_start3A_1495] : memref<32x129xf32, #tpu.memory_space<vmem>> -> memref<8x128xf32, #tpu.memory_space<vmem>>
      tpu.enqueue_dma source(%dma_start3A_1496 : memref<8x128xf32, #tpu.memory_space<vmem>>) target(%dma_start3A_1489 : memref<8x128xf32, #tpu.memory_space<hbm>>) target_semaphore(%dma_start3A_1485 : memref<!tpu.dma_semaphore, #tpu.memory_space<semaphore_mem>>)
      %add3A_1497 = arith.constant 4 : i32
      %add3A_1498 = arith.addi %mul3A_609, %add3A_1497 : i32
      %add3A_1499 = arith.constant 3 : i32
      %add3A_1500 = arith.addi %add3A_1498, %add3A_1499 : i32
      %lt3A_1501 = arith.constant 200 : i32
      %lt3A_1502 = arith.cmpi slt, %add3A_1500, %lt3A_1501 : i32
      %convert_element_type3A_1503 = arith.extui %lt3A_1502 : i1 to i32
      %cond3A_1504 = arith.constant 0 : i32
      %cond3A_1505 = arith.cmpi ne, %convert_element_type3A_1503, %cond3A_1504 : i32
      scf.if %cond3A_1505 {
        %add3A_1722 = arith.constant 3 : i32
        %add3A_1723 = arith.addi %add3A_1498, %add3A_1722 : i32
        %ge3A = arith.constant 5 : i32
        %ge3A_1724 = arith.cmpi sge, %add3A_1723, %ge3A : i32
        %convert_element_type3A_1725 = arith.extui %ge3A_1724 : i1 to i32
        %cond3A_1726 = arith.constant 0 : i32
        %cond3A_1727 = arith.cmpi ne, %convert_element_type3A_1725, %cond3A_1726 : i32
        scf.if %cond3A_1727 {
          %dma_wait3A_1744 = arith.constant 2 : i32
          %dma_wait3A_1745 = arith.constant 0 : i32
          %dma_wait3A_1746 = arith.constant 0 : i32
          %dma_wait3A_1747 = arith.constant 2 : i32
          %dma_wait3A_1748 = arith.constant 0 : i32
          %dma_wait3A_1749 = arith.constant 0 : i32
          %dma_wait3A_1750 = tpu.memref_slice %arg8[%dma_wait3A_1744, %dma_wait3A_1748, %dma_wait3A_1749] : memref<5x32x129xf32, #tpu.memory_space<vmem>> -> memref<1x32x129xf32, #tpu.memory_space<vmem>>
          %dma_wait3A_1751 = tpu.memref_squeeze %dma_wait3A_1750 : memref<1x32x129xf32, #tpu.memory_space<vmem>> -> memref<32x129xf32, #tpu.memory_space<vmem>>
          %dma_wait3A_1752 = arith.constant 0 : i32
          %dma_wait3A_1753 = arith.constant 0 : i32
          %dma_wait3A_1754 = tpu.memref_slice %dma_wait3A_1751[%dma_wait3A_1752, %dma_wait3A_1753] : memref<32x129xf32, #tpu.memory_space<vmem>> -> memref<8x128xf32, #tpu.memory_space<vmem>>
          %dma_wait3A_1755 = arith.constant 0 : i32
          %dma_wait3A_1756 = arith.constant 0 : i32
          %dma_wait3A_1757 = tpu.memref_slice %arg5[%dma_wait3A_1745, %dma_wait3A_1746, %dma_wait3A_1755, %dma_wait3A_1756] : memref<800x32x8x128xf32, #tpu.memory_space<hbm>> -> memref<1x1x8x128xf32, #tpu.memory_space<hbm>>
          %dma_wait3A_1758 = tpu.memref_squeeze %dma_wait3A_1757 : memref<1x1x8x128xf32, #tpu.memory_space<hbm>> -> memref<8x128xf32, #tpu.memory_space<hbm>>
          %dma_wait3A_1759 = tpu.memref_slice %arg11[%dma_wait3A_1747] : memref<5x!tpu.dma_semaphore, #tpu.memory_space<semaphore_mem>> -> memref<1x!tpu.dma_semaphore, #tpu.memory_space<semaphore_mem>>
          %dma_wait3A_1760 = tpu.memref_squeeze %dma_wait3A_1759 : memref<1x!tpu.dma_semaphore, #tpu.memory_space<semaphore_mem>> -> memref<!tpu.dma_semaphore, #tpu.memory_space<semaphore_mem>>
          %dma_wait3A_1761 = arith.constant 0 : i32
          %dma_wait3A_1762 = arith.constant 0 : i32
          %dma_wait3A_1763 = tpu.memref_slice %arg5[%dma_wait3A_1745, %dma_wait3A_1746, %dma_wait3A_1761, %dma_wait3A_1762] : memref<800x32x8x128xf32, #tpu.memory_space<hbm>> -> memref<1x1x8x128xf32, #tpu.memory_space<hbm>>
          %dma_wait3A_1764 = tpu.memref_squeeze %dma_wait3A_1763 : memref<1x1x8x128xf32, #tpu.memory_space<hbm>> -> memref<8x128xf32, #tpu.memory_space<hbm>>
          %dma_wait3A_1765 = arith.constant 0 : i32
          %dma_wait3A_1766 = arith.constant 0 : i32
          %dma_wait3A_1767 = tpu.memref_slice %arg8[%dma_wait3A_1744, %dma_wait3A_1765, %dma_wait3A_1766] : memref<5x32x129xf32, #tpu.memory_space<vmem>> -> memref<1x32x129xf32, #tpu.memory_space<vmem>>
          %dma_wait3A_1768 = tpu.memref_squeeze %dma_wait3A_1767 : memref<1x32x129xf32, #tpu.memory_space<vmem>> -> memref<32x129xf32, #tpu.memory_space<vmem>>
          %dma_wait3A_1769 = arith.constant 0 : i32
          %dma_wait3A_1770 = arith.constant 0 : i32
          %dma_wait3A_1771 = tpu.memref_slice %dma_wait3A_1768[%dma_wait3A_1769, %dma_wait3A_1770] : memref<32x129xf32, #tpu.memory_space<vmem>> -> memref<8x128xf32, #tpu.memory_space<vmem>>
          tpu.wait_dma2 semaphore(%dma_wait3A_1760 : memref<!tpu.dma_semaphore, #tpu.memory_space<semaphore_mem>>) src(%dma_wait3A_1771 : memref<8x128xf32, #tpu.memory_space<vmem>>) dst(%dma_wait3A_1764 : memref<8x128xf32, #tpu.memory_space<hbm>>)
          %dma_wait3A_1772 = arith.constant 2 : i32
          %dma_wait3A_1773 = arith.constant 0 : i32
          %dma_wait3A_1774 = arith.constant 0 : i32
          %dma_wait3A_1775 = arith.constant 2 : i32
          %dma_wait3A_1776 = arith.constant 0 : i32
          %dma_wait3A_1777 = arith.constant 0 : i32
          %dma_wait3A_1778 = tpu.memref_slice %arg8[%dma_wait3A_1772, %dma_wait3A_1776, %dma_wait3A_1777] : memref<5x32x129xf32, #tpu.memory_space<vmem>> -> memref<1x32x129xf32, #tpu.memory_space<vmem>>
          %dma_wait3A_1779 = tpu.memref_squeeze %dma_wait3A_1778 : memref<1x32x129xf32, #tpu.memory_space<vmem>> -> memref<32x129xf32, #tpu.memory_space<vmem>>
          %dma_wait3A_1780 = arith.constant 8 : i32
          %dma_wait3A_1781 = arith.constant 0 : i32
          %dma_wait3A_1782 = tpu.memref_slice %dma_wait3A_1779[%dma_wait3A_1780, %dma_wait3A_1781] : memref<32x129xf32, #tpu.memory_space<vmem>> -> memref<8x128xf32, #tpu.memory_space<vmem>>
          %dma_wait3A_1783 = arith.constant 0 : i32
          %dma_wait3A_1784 = arith.constant 0 : i32
          %dma_wait3A_1785 = tpu.memref_slice %arg5[%dma_wait3A_1773, %dma_wait3A_1774, %dma_wait3A_1783, %dma_wait3A_1784] : memref<800x32x8x128xf32, #tpu.memory_space<hbm>> -> memref<1x1x8x128xf32, #tpu.memory_space<hbm>>
          %dma_wait3A_1786 = tpu.memref_squeeze %dma_wait3A_1785 : memref<1x1x8x128xf32, #tpu.memory_space<hbm>> -> memref<8x128xf32, #tpu.memory_space<hbm>>
          %dma_wait3A_1787 = tpu.memref_slice %arg11[%dma_wait3A_1775] : memref<5x!tpu.dma_semaphore, #tpu.memory_space<semaphore_mem>> -> memref<1x!tpu.dma_semaphore, #tpu.memory_space<semaphore_mem>>
          %dma_wait3A_1788 = tpu.memref_squeeze %dma_wait3A_1787 : memref<1x!tpu.dma_semaphore, #tpu.memory_space<semaphore_mem>> -> memref<!tpu.dma_semaphore, #tpu.memory_space<semaphore_mem>>
          %dma_wait3A_1789 = arith.constant 0 : i32
          %dma_wait3A_1790 = arith.constant 0 : i32
          %dma_wait3A_1791 = tpu.memref_slice %arg5[%dma_wait3A_1773, %dma_wait3A_1774, %dma_wait3A_1789, %dma_wait3A_1790] : memref<800x32x8x128xf32, #tpu.memory_space<hbm>> -> memref<1x1x8x128xf32, #tpu.memory_space<hbm>>
          %dma_wait3A_1792 = tpu.memref_squeeze %dma_wait3A_1791 : memref<1x1x8x128xf32, #tpu.memory_space<hbm>> -> memref<8x128xf32, #tpu.memory_space<hbm>>
          %dma_wait3A_1793 = arith.constant 0 : i32
          %dma_wait3A_1794 = arith.constant 0 : i32
          %dma_wait3A_1795 = tpu.memref_slice %arg8[%dma_wait3A_1772, %dma_wait3A_1793, %dma_wait3A_1794] : memref<5x32x129xf32, #tpu.memory_space<vmem>> -> memref<1x32x129xf32, #tpu.memory_space<vmem>>
          %dma_wait3A_1796 = tpu.memref_squeeze %dma_wait3A_1795 : memref<1x32x129xf32, #tpu.memory_space<vmem>> -> memref<32x129xf32, #tpu.memory_space<vmem>>
          %dma_wait3A_1797 = arith.constant 8 : i32
          %dma_wait3A_1798 = arith.constant 0 : i32
          %dma_wait3A_1799 = tpu.memref_slice %dma_wait3A_1796[%dma_wait3A_1797, %dma_wait3A_1798] : memref<32x129xf32, #tpu.memory_space<vmem>> -> memref<8x128xf32, #tpu.memory_space<vmem>>
          tpu.wait_dma2 semaphore(%dma_wait3A_1788 : memref<!tpu.dma_semaphore, #tpu.memory_space<semaphore_mem>>) src(%dma_wait3A_1799 : memref<8x128xf32, #tpu.memory_space<vmem>>) dst(%dma_wait3A_1792 : memref<8x128xf32, #tpu.memory_space<hbm>>)
          %dma_wait3A_1800 = arith.constant 2 : i32
          %dma_wait3A_1801 = arith.constant 0 : i32
          %dma_wait3A_1802 = arith.constant 0 : i32
          %dma_wait3A_1803 = arith.constant 2 : i32
          %dma_wait3A_1804 = arith.constant 0 : i32
          %dma_wait3A_1805 = arith.constant 0 : i32
          %dma_wait3A_1806 = tpu.memref_slice %arg8[%dma_wait3A_1800, %dma_wait3A_1804, %dma_wait3A_1805] : memref<5x32x129xf32, #tpu.memory_space<vmem>> -> memref<1x32x129xf32, #tpu.memory_space<vmem>>
          %dma_wait3A_1807 = tpu.memref_squeeze %dma_wait3A_1806 : memref<1x32x129xf32, #tpu.memory_space<vmem>> -> memref<32x129xf32, #tpu.memory_space<vmem>>
          %dma_wait3A_1808 = arith.constant 16 : i32
          %dma_wait3A_1809 = arith.constant 0 : i32
          %dma_wait3A_1810 = tpu.memref_slice %dma_wait3A_1807[%dma_wait3A_1808, %dma_wait3A_1809] : memref<32x129xf32, #tpu.memory_space<vmem>> -> memref<8x128xf32, #tpu.memory_space<vmem>>
          %dma_wait3A_1811 = arith.constant 0 : i32
          %dma_wait3A_1812 = arith.constant 0 : i32
          %dma_wait3A_1813 = tpu.memref_slice %arg5[%dma_wait3A_1801, %dma_wait3A_1802, %dma_wait3A_1811, %dma_wait3A_1812] : memref<800x32x8x128xf32, #tpu.memory_space<hbm>> -> memref<1x1x8x128xf32, #tpu.memory_space<hbm>>
          %dma_wait3A_1814 = tpu.memref_squeeze %dma_wait3A_1813 : memref<1x1x8x128xf32, #tpu.memory_space<hbm>> -> memref<8x128xf32, #tpu.memory_space<hbm>>
          %dma_wait3A_1815 = tpu.memref_slice %arg11[%dma_wait3A_1803] : memref<5x!tpu.dma_semaphore, #tpu.memory_space<semaphore_mem>> -> memref<1x!tpu.dma_semaphore, #tpu.memory_space<semaphore_mem>>
          %dma_wait3A_1816 = tpu.memref_squeeze %dma_wait3A_1815 : memref<1x!tpu.dma_semaphore, #tpu.memory_space<semaphore_mem>> -> memref<!tpu.dma_semaphore, #tpu.memory_space<semaphore_mem>>
          %dma_wait3A_1817 = arith.constant 0 : i32
          %dma_wait3A_1818 = arith.constant 0 : i32
          %dma_wait3A_1819 = tpu.memref_slice %arg5[%dma_wait3A_1801, %dma_wait3A_1802, %dma_wait3A_1817, %dma_wait3A_1818] : memref<800x32x8x128xf32, #tpu.memory_space<hbm>> -> memref<1x1x8x128xf32, #tpu.memory_space<hbm>>
          %dma_wait3A_1820 = tpu.memref_squeeze %dma_wait3A_1819 : memref<1x1x8x128xf32, #tpu.memory_space<hbm>> -> memref<8x128xf32, #tpu.memory_space<hbm>>
          %dma_wait3A_1821 = arith.constant 0 : i32
          %dma_wait3A_1822 = arith.constant 0 : i32
          %dma_wait3A_1823 = tpu.memref_slice %arg8[%dma_wait3A_1800, %dma_wait3A_1821, %dma_wait3A_1822] : memref<5x32x129xf32, #tpu.memory_space<vmem>> -> memref<1x32x129xf32, #tpu.memory_space<vmem>>
          %dma_wait3A_1824 = tpu.memref_squeeze %dma_wait3A_1823 : memref<1x32x129xf32, #tpu.memory_space<vmem>> -> memref<32x129xf32, #tpu.memory_space<vmem>>
          %dma_wait3A_1825 = arith.constant 16 : i32
          %dma_wait3A_1826 = arith.constant 0 : i32
          %dma_wait3A_1827 = tpu.memref_slice %dma_wait3A_1824[%dma_wait3A_1825, %dma_wait3A_1826] : memref<32x129xf32, #tpu.memory_space<vmem>> -> memref<8x128xf32, #tpu.memory_space<vmem>>
          tpu.wait_dma2 semaphore(%dma_wait3A_1816 : memref<!tpu.dma_semaphore, #tpu.memory_space<semaphore_mem>>) src(%dma_wait3A_1827 : memref<8x128xf32, #tpu.memory_space<vmem>>) dst(%dma_wait3A_1820 : memref<8x128xf32, #tpu.memory_space<hbm>>)
          %dma_wait3A_1828 = arith.constant 2 : i32
          %dma_wait3A_1829 = arith.constant 0 : i32
          %dma_wait3A_1830 = arith.constant 0 : i32
          %dma_wait3A_1831 = arith.constant 2 : i32
          %dma_wait3A_1832 = arith.constant 0 : i32
          %dma_wait3A_1833 = arith.constant 0 : i32
          %dma_wait3A_1834 = tpu.memref_slice %arg8[%dma_wait3A_1828, %dma_wait3A_1832, %dma_wait3A_1833] : memref<5x32x129xf32, #tpu.memory_space<vmem>> -> memref<1x32x129xf32, #tpu.memory_space<vmem>>
          %dma_wait3A_1835 = tpu.memref_squeeze %dma_wait3A_1834 : memref<1x32x129xf32, #tpu.memory_space<vmem>> -> memref<32x129xf32, #tpu.memory_space<vmem>>
          %dma_wait3A_1836 = arith.constant 24 : i32
          %dma_wait3A_1837 = arith.constant 0 : i32
          %dma_wait3A_1838 = tpu.memref_slice %dma_wait3A_1835[%dma_wait3A_1836, %dma_wait3A_1837] : memref<32x129xf32, #tpu.memory_space<vmem>> -> memref<8x128xf32, #tpu.memory_space<vmem>>
          %dma_wait3A_1839 = arith.constant 0 : i32
          %dma_wait3A_1840 = arith.constant 0 : i32
          %dma_wait3A_1841 = tpu.memref_slice %arg5[%dma_wait3A_1829, %dma_wait3A_1830, %dma_wait3A_1839, %dma_wait3A_1840] : memref<800x32x8x128xf32, #tpu.memory_space<hbm>> -> memref<1x1x8x128xf32, #tpu.memory_space<hbm>>
          %dma_wait3A_1842 = tpu.memref_squeeze %dma_wait3A_1841 : memref<1x1x8x128xf32, #tpu.memory_space<hbm>> -> memref<8x128xf32, #tpu.memory_space<hbm>>
          %dma_wait3A_1843 = tpu.memref_slice %arg11[%dma_wait3A_1831] : memref<5x!tpu.dma_semaphore, #tpu.memory_space<semaphore_mem>> -> memref<1x!tpu.dma_semaphore, #tpu.memory_space<semaphore_mem>>
          %dma_wait3A_1844 = tpu.memref_squeeze %dma_wait3A_1843 : memref<1x!tpu.dma_semaphore, #tpu.memory_space<semaphore_mem>> -> memref<!tpu.dma_semaphore, #tpu.memory_space<semaphore_mem>>
          %dma_wait3A_1845 = arith.constant 0 : i32
          %dma_wait3A_1846 = arith.constant 0 : i32
          %dma_wait3A_1847 = tpu.memref_slice %arg5[%dma_wait3A_1829, %dma_wait3A_1830, %dma_wait3A_1845, %dma_wait3A_1846] : memref<800x32x8x128xf32, #tpu.memory_space<hbm>> -> memref<1x1x8x128xf32, #tpu.memory_space<hbm>>
          %dma_wait3A_1848 = tpu.memref_squeeze %dma_wait3A_1847 : memref<1x1x8x128xf32, #tpu.memory_space<hbm>> -> memref<8x128xf32, #tpu.memory_space<hbm>>
          %dma_wait3A_1849 = arith.constant 0 : i32
          %dma_wait3A_1850 = arith.constant 0 : i32
          %dma_wait3A_1851 = tpu.memref_slice %arg8[%dma_wait3A_1828, %dma_wait3A_1849, %dma_wait3A_1850] : memref<5x32x129xf32, #tpu.memory_space<vmem>> -> memref<1x32x129xf32, #tpu.memory_space<vmem>>
          %dma_wait3A_1852 = tpu.memref_squeeze %dma_wait3A_1851 : memref<1x32x129xf32, #tpu.memory_space<vmem>> -> memref<32x129xf32, #tpu.memory_space<vmem>>
          %dma_wait3A_1853 = arith.constant 24 : i32
          %dma_wait3A_1854 = arith.constant 0 : i32
          %dma_wait3A_1855 = tpu.memref_slice %dma_wait3A_1852[%dma_wait3A_1853, %dma_wait3A_1854] : memref<32x129xf32, #tpu.memory_space<vmem>> -> memref<8x128xf32, #tpu.memory_space<vmem>>
          tpu.wait_dma2 semaphore(%dma_wait3A_1844 : memref<!tpu.dma_semaphore, #tpu.memory_space<semaphore_mem>>) src(%dma_wait3A_1855 : memref<8x128xf32, #tpu.memory_space<vmem>>) dst(%dma_wait3A_1848 : memref<8x128xf32, #tpu.memory_space<hbm>>)
        } else {
        }
        %add3A_1728 = arith.constant 3 : i32
        %add3A_1729 = arith.addi %add3A_1498, %add3A_1728 : i32
        %mul3A_1730 = arith.constant 128 : i32
        %mul3A_1731 = arith.muli %add3A_1729, %mul3A_1730 : i32
        %dma_start3A_1732 = arith.constant 2 : i32
        %dma_start3A_1733 = arith.constant 2 : i32
        %dma_start3A_1734 = arith.constant 0 : i32
        %dma_start3A_1735 = arith.constant 0 : i32
        %dma_start3A_1736 = tpu.memref_slice %arg7[%dma_start3A_1732, %dma_start3A_1734, %dma_start3A_1735] : memref<5x128x32xf32, #tpu.memory_space<vmem>> -> memref<1x128x32xf32, #tpu.memory_space<vmem>>
        %dma_start3A_1737 = tpu.memref_squeeze %dma_start3A_1736 : memref<1x128x32xf32, #tpu.memory_space<vmem>> -> memref<128x32xf32, #tpu.memory_space<vmem>>
        %dma_start3A_1738 = tpu.memref_slice %arg6[%mul3A_1731] : memref<25600xi32, #tpu.memory_space<vmem>> -> memref<128xi32, #tpu.memory_space<vmem>>
        %dma_start3A_1739 = arith.constant 0 : i32
        %dma_start3A_1740 = arith.constant 0 : i32
        %dma_start3A_1741 = tpu.memref_slice %arg3[%dma_start3A_1739, %dma_start3A_1740] : memref<1000000x32xf32, #tpu.memory_space<hbm>> -> memref<1000000x32xf32, #tpu.memory_space<hbm>>
        %dma_start3A_1742 = tpu.memref_slice %arg10[%dma_start3A_1733] : memref<5x!tpu.dma_semaphore, #tpu.memory_space<semaphore_mem>> -> memref<1x!tpu.dma_semaphore, #tpu.memory_space<semaphore_mem>>
        %dma_start3A_1743 = tpu.memref_squeeze %dma_start3A_1742 : memref<1x!tpu.dma_semaphore, #tpu.memory_space<semaphore_mem>> -> memref<!tpu.dma_semaphore, #tpu.memory_space<semaphore_mem>>
        tpu.enqueue_indirect_dma source(%dma_start3A_1741 : memref<1000000x32xf32, #tpu.memory_space<hbm>>) target(%dma_start3A_1737 : memref<128x32xf32, #tpu.memory_space<vmem>>) offsets(%dma_start3A_1738 : memref<128xi32, #tpu.memory_space<vmem>>) semaphore(%dma_start3A_1743 : memref<!tpu.dma_semaphore, #tpu.memory_space<semaphore_mem>>)
      } else {
      }
      %dma_wait3A_1506 = arith.constant 4 : i32
      %dma_wait3A_1507 = arith.constant 4 : i32
      %dma_wait3A_1508 = arith.constant 0 : i32
      %dma_wait3A_1509 = arith.constant 0 : i32
      %dma_wait3A_1510 = tpu.memref_slice %arg7[%dma_wait3A_1506, %dma_wait3A_1508, %dma_wait3A_1509] : memref<5x128x32xf32, #tpu.memory_space<vmem>> -> memref<1x128x32xf32, #tpu.memory_space<vmem>>
      %dma_wait3A_1511 = tpu.memref_squeeze %dma_wait3A_1510 : memref<1x128x32xf32, #tpu.memory_space<vmem>> -> memref<128x32xf32, #tpu.memory_space<vmem>>
      %dma_wait3A_1512 = arith.constant 0 : i32
      %dma_wait3A_1513 = arith.constant 0 : i32
      %dma_wait3A_1514 = tpu.memref_slice %arg3[%dma_wait3A_1512, %dma_wait3A_1513] : memref<1000000x32xf32, #tpu.memory_space<hbm>> -> memref<128x32xf32, #tpu.memory_space<hbm>>
      %dma_wait3A_1515 = tpu.memref_slice %arg10[%dma_wait3A_1507] : memref<5x!tpu.dma_semaphore, #tpu.memory_space<semaphore_mem>> -> memref<1x!tpu.dma_semaphore, #tpu.memory_space<semaphore_mem>>
      %dma_wait3A_1516 = tpu.memref_squeeze %dma_wait3A_1515 : memref<1x!tpu.dma_semaphore, #tpu.memory_space<semaphore_mem>> -> memref<!tpu.dma_semaphore, #tpu.memory_space<semaphore_mem>>
      %dma_wait3A_1517 = arith.constant 0 : i32
      %dma_wait3A_1518 = arith.constant 0 : i32
      %dma_wait3A_1519 = tpu.memref_slice %arg7[%dma_wait3A_1506, %dma_wait3A_1517, %dma_wait3A_1518] : memref<5x128x32xf32, #tpu.memory_space<vmem>> -> memref<1x128x32xf32, #tpu.memory_space<vmem>>
      %dma_wait3A_1520 = tpu.memref_squeeze %dma_wait3A_1519 : memref<1x128x32xf32, #tpu.memory_space<vmem>> -> memref<128x32xf32, #tpu.memory_space<vmem>>
      %dma_wait3A_1521 = arith.constant 0 : i32
      %dma_wait3A_1522 = arith.constant 0 : i32
      %dma_wait3A_1523 = tpu.memref_slice %arg3[%dma_wait3A_1521, %dma_wait3A_1522] : memref<1000000x32xf32, #tpu.memory_space<hbm>> -> memref<128x32xf32, #tpu.memory_space<hbm>>
      tpu.wait_dma2 semaphore(%dma_wait3A_1516 : memref<!tpu.dma_semaphore, #tpu.memory_space<semaphore_mem>>) src(%dma_wait3A_1523 : memref<128x32xf32, #tpu.memory_space<hbm>>) dst(%dma_wait3A_1520 : memref<128x32xf32, #tpu.memory_space<vmem>>)
      %add3A_1524 = arith.addi %mul3A_2, %add3A_1498 : i32
      %jit3A_1525 = arith.constant 32 : i32
      %div3A_1526 = arith.divsi %add3A_1524, %jit3A_1525 : i32
      %sign3A_1527 = arith.constant 0 : i32
      %sign3A_1528 = arith.cmpi sgt, %add3A_1524, %sign3A_1527 : i32
      %sign3A_1529 = arith.extui %sign3A_1528 : i1 to i32
      %sign3A_1530 = arith.constant 0 : i32
      %sign3A_1531 = arith.cmpi slt, %add3A_1524, %sign3A_1530 : i32
      %sign3A_1532 = arith.extui %sign3A_1531 : i1 to i32
      %sign3A_1533 = arith.subi %sign3A_1529, %sign3A_1532 : i32
      %sign3A_1534 = arith.constant 0 : i32
      %sign3A_1535 = arith.cmpi sgt, %jit3A_1525, %sign3A_1534 : i32
      %sign3A_1536 = arith.extui %sign3A_1535 : i1 to i32
      %sign3A_1537 = arith.constant 0 : i32
      %sign3A_1538 = arith.cmpi slt, %jit3A_1525, %sign3A_1537 : i32
      %sign3A_1539 = arith.extui %sign3A_1538 : i1 to i32
      %sign3A_1540 = arith.subi %sign3A_1536, %sign3A_1539 : i32
      %ne3A_1541 = arith.cmpi ne, %sign3A_1533, %sign3A_1540 : i32
      %rem3A_1542 = arith.remsi %add3A_1524, %jit3A_1525 : i32
      %ne3A_1543 = arith.constant 0 : i32
      %ne3A_1544 = arith.cmpi ne, %rem3A_1542, %ne3A_1543 : i32
      %and3A_1545 = arith.andi %ne3A_1541, %ne3A_1544 : i1
      %sub3A_1546 = arith.constant 1 : i32
      %sub3A_1547 = arith.subi %div3A_1526, %sub3A_1546 : i32
      %select_n3A_1548 = arith.select %and3A_1545, %sub3A_1547, %div3A_1526 : i32
      %get3A_1549 = arith.index_cast %select_n3A_1548 : i32 to index
      %get3A_1550 = arith.constant 0 : index
      %get3A_1551 = tpu.vector_load %arg9[%get3A_1549, %get3A_1550] {strides = array<i32>} : memref<200x32xf32, #tpu.memory_space<vmem>>, vector<16xf32>,
      %get3A_1552 = arith.index_cast %select_n3A_1548 : i32 to index
      %get3A_1553 = arith.constant 16 : index
      %get3A_1554 = tpu.vector_load %arg9[%get3A_1552, %get3A_1553] {strides = array<i32>} : memref<200x32xf32, #tpu.memory_space<vmem>>, vector<16xf32>,
      %scan3A_1555 = arith.constant 0 : i32
      %scan3A_1556 = arith.constant 0 : i32
      %scan3A_1557 = arith.constant 16 : i32
      %scan3A_1558 = arith.addi %scan3A_1556, %scan3A_1557 : i32
      %scan3A_1559 = arith.constant 1 : i32
      scf.for %scan3A_1722 = %scan3A_1556 to %scan3A_1558 step %scan3A_1559  : i32 {
        %mul3A_1723 = arith.constant 8 : i32
        %mul3A_1724 = arith.muli %scan3A_1722, %mul3A_1723 : i32
        %add3A_1725 = arith.constant 0 : i32
        %add3A_1726 = arith.addi %mul3A_1724, %add3A_1725 : i32
        %broadcast_in_dim3A = arith.constant 0 : i32
        %broadcast_in_dim3A_1727 = vector.broadcast %broadcast_in_dim3A : i32 to vector<16xi32>
        %add3A_1728 = vector.broadcast %add3A_1726 : i32 to vector<16xi32>
        %add3A_1729 = arith.addi %broadcast_in_dim3A_1727, %add3A_1728 : vector<16xi32>
        %get3A_1730 = arith.constant 4 : i32
        %get3A_1731 = arith.index_cast %get3A_1730 : i32 to index
        %get3A_1732 = arith.index_cast %add3A_1726 : i32 to index
        %get3A_1733 = arith.constant 0 : index
        %get3A_1734 = tpu.vector_load %arg7[%get3A_1731, %get3A_1732, %get3A_1733] {strides = array<i32>} : memref<5x128x32xf32, #tpu.memory_space<vmem>>, vector<16xf32>,
        %add3A_1735 = arith.addf %get3A_1734, %get3A_1551 : vector<16xf32>
        %get3A_1736 = arith.constant 4 : i32
        %get3A_1737 = arith.index_cast %get3A_1736 : i32 to index
        %get3A_1738 = arith.index_cast %add3A_1726 : i32 to index
        %get3A_1739 = arith.constant 16 : index
        %get3A_1740 = tpu.vector_load %arg7[%get3A_1737, %get3A_1738, %get3A_1739] {strides = array<i32>} : memref<5x128x32xf32, #tpu.memory_space<vmem>>, vector<16xf32>,
        %add3A_1741 = arith.addf %get3A_1740, %get3A_1554 : vector<16xf32>
        %scatter3A = arith.constant 4 : i32
        %scatter3A_1742 = arith.constant 0 : i32
        %scatter3A_1743 = arith.constant 0 : i32
        %scatter3A_1744 = tpu.memref_slice %arg8[%scatter3A, %scatter3A_1742, %scatter3A_1743] : memref<5x32x129xf32, #tpu.memory_space<vmem>> -> memref<1x32x129xf32, #tpu.memory_space<vmem>>
        %scatter3A_1745 = tpu.memref_squeeze %scatter3A_1744 : memref<1x32x129xf32, #tpu.memory_space<vmem>> -> memref<32x129xf32, #tpu.memory_space<vmem>>
        tpu.vector_store_idx %scatter3A_1745[%iota3A, %add3A_1729], %add3A_1735 : memref<32x129xf32, #tpu.memory_space<vmem>>[vector<16xi32>, vector<16xi32>], vector<16xf32>,
        %add3A_1746 = arith.constant 16 : i32
        %add3A_1747 = vector.broadcast %add3A_1746 : i32 to vector<16xi32>
        %add3A_1748 = arith.addi %iota3A, %add3A_1747 : vector<16xi32>
        %scatter3A_1749 = arith.constant 4 : i32
        %scatter3A_1750 = arith.constant 0 : i32
        %scatter3A_1751 = arith.constant 0 : i32
        %scatter3A_1752 = tpu.memref_slice %arg8[%scatter3A_1749, %scatter3A_1750, %scatter3A_1751] : memref<5x32x129xf32, #tpu.memory_space<vmem>> -> memref<1x32x129xf32, #tpu.memory_space<vmem>>
        %scatter3A_1753 = tpu.memref_squeeze %scatter3A_1752 : memref<1x32x129xf32, #tpu.memory_space<vmem>> -> memref<32x129xf32, #tpu.memory_space<vmem>>
        tpu.vector_store_idx %scatter3A_1753[%add3A_1748, %add3A_1729], %add3A_1741 : memref<32x129xf32, #tpu.memory_space<vmem>>[vector<16xi32>, vector<16xi32>], vector<16xf32>,
        %mul3A_1754 = arith.constant 8 : i32
        %mul3A_1755 = arith.muli %scan3A_1722, %mul3A_1754 : i32
        %add3A_1756 = arith.constant 1 : i32
        %add3A_1757 = arith.addi %mul3A_1755, %add3A_1756 : i32
        %broadcast_in_dim3A_1758 = arith.constant 0 : i32
        %broadcast_in_dim3A_1759 = vector.broadcast %broadcast_in_dim3A_1758 : i32 to vector<16xi32>
        %add3A_1760 = vector.broadcast %add3A_1757 : i32 to vector<16xi32>
        %add3A_1761 = arith.addi %broadcast_in_dim3A_1759, %add3A_1760 : vector<16xi32>
        %get3A_1762 = arith.constant 4 : i32
        %get3A_1763 = arith.index_cast %get3A_1762 : i32 to index
        %get3A_1764 = arith.index_cast %add3A_1757 : i32 to index
        %get3A_1765 = arith.constant 0 : index
        %get3A_1766 = tpu.vector_load %arg7[%get3A_1763, %get3A_1764, %get3A_1765] {strides = array<i32>} : memref<5x128x32xf32, #tpu.memory_space<vmem>>, vector<16xf32>,
        %add3A_1767 = arith.addf %get3A_1766, %get3A_1551 : vector<16xf32>
        %get3A_1768 = arith.constant 4 : i32
        %get3A_1769 = arith.index_cast %get3A_1768 : i32 to index
        %get3A_1770 = arith.index_cast %add3A_1757 : i32 to index
        %get3A_1771 = arith.constant 16 : index
        %get3A_1772 = tpu.vector_load %arg7[%get3A_1769, %get3A_1770, %get3A_1771] {strides = array<i32>} : memref<5x128x32xf32, #tpu.memory_space<vmem>>, vector<16xf32>,
        %add3A_1773 = arith.addf %get3A_1772, %get3A_1554 : vector<16xf32>
        %scatter3A_1774 = arith.constant 4 : i32
        %scatter3A_1775 = arith.constant 0 : i32
        %scatter3A_1776 = arith.constant 0 : i32
        %scatter3A_1777 = tpu.memref_slice %arg8[%scatter3A_1774, %scatter3A_1775, %scatter3A_1776] : memref<5x32x129xf32, #tpu.memory_space<vmem>> -> memref<1x32x129xf32, #tpu.memory_space<vmem>>
        %scatter3A_1778 = tpu.memref_squeeze %scatter3A_1777 : memref<1x32x129xf32, #tpu.memory_space<vmem>> -> memref<32x129xf32, #tpu.memory_space<vmem>>
        tpu.vector_store_idx %scatter3A_1778[%iota3A, %add3A_1761], %add3A_1767 : memref<32x129xf32, #tpu.memory_space<vmem>>[vector<16xi32>, vector<16xi32>], vector<16xf32>,
        %add3A_1779 = arith.constant 16 : i32
        %add3A_1780 = vector.broadcast %add3A_1779 : i32 to vector<16xi32>
        %add3A_1781 = arith.addi %iota3A, %add3A_1780 : vector<16xi32>
        %scatter3A_1782 = arith.constant 4 : i32
        %scatter3A_1783 = arith.constant 0 : i32
        %scatter3A_1784 = arith.constant 0 : i32
        %scatter3A_1785 = tpu.memref_slice %arg8[%scatter3A_1782, %scatter3A_1783, %scatter3A_1784] : memref<5x32x129xf32, #tpu.memory_space<vmem>> -> memref<1x32x129xf32, #tpu.memory_space<vmem>>
        %scatter3A_1786 = tpu.memref_squeeze %scatter3A_1785 : memref<1x32x129xf32, #tpu.memory_space<vmem>> -> memref<32x129xf32, #tpu.memory_space<vmem>>
        tpu.vector_store_idx %scatter3A_1786[%add3A_1781, %add3A_1761], %add3A_1773 : memref<32x129xf32, #tpu.memory_space<vmem>>[vector<16xi32>, vector<16xi32>], vector<16xf32>,
        %mul3A_1787 = arith.constant 8 : i32
        %mul3A_1788 = arith.muli %scan3A_1722, %mul3A_1787 : i32
        %add3A_1789 = arith.constant 2 : i32
        %add3A_1790 = arith.addi %mul3A_1788, %add3A_1789 : i32
        %broadcast_in_dim3A_1791 = arith.constant 0 : i32
        %broadcast_in_dim3A_1792 = vector.broadcast %broadcast_in_dim3A_1791 : i32 to vector<16xi32>
        %add3A_1793 = vector.broadcast %add3A_1790 : i32 to vector<16xi32>
        %add3A_1794 = arith.addi %broadcast_in_dim3A_1792, %add3A_1793 : vector<16xi32>
        %get3A_1795 = arith.constant 4 : i32
        %get3A_1796 = arith.index_cast %get3A_1795 : i32 to index
        %get3A_1797 = arith.index_cast %add3A_1790 : i32 to index
        %get3A_1798 = arith.constant 0 : index
        %get3A_1799 = tpu.vector_load %arg7[%get3A_1796, %get3A_1797, %get3A_1798] {strides = array<i32>} : memref<5x128x32xf32, #tpu.memory_space<vmem>>, vector<16xf32>,
        %add3A_1800 = arith.addf %get3A_1799, %get3A_1551 : vector<16xf32>
        %get3A_1801 = arith.constant 4 : i32
        %get3A_1802 = arith.index_cast %get3A_1801 : i32 to index
        %get3A_1803 = arith.index_cast %add3A_1790 : i32 to index
        %get3A_1804 = arith.constant 16 : index
        %get3A_1805 = tpu.vector_load %arg7[%get3A_1802, %get3A_1803, %get3A_1804] {strides = array<i32>} : memref<5x128x32xf32, #tpu.memory_space<vmem>>, vector<16xf32>,
        %add3A_1806 = arith.addf %get3A_1805, %get3A_1554 : vector<16xf32>
        %scatter3A_1807 = arith.constant 4 : i32
        %scatter3A_1808 = arith.constant 0 : i32
        %scatter3A_1809 = arith.constant 0 : i32
        %scatter3A_1810 = tpu.memref_slice %arg8[%scatter3A_1807, %scatter3A_1808, %scatter3A_1809] : memref<5x32x129xf32, #tpu.memory_space<vmem>> -> memref<1x32x129xf32, #tpu.memory_space<vmem>>
        %scatter3A_1811 = tpu.memref_squeeze %scatter3A_1810 : memref<1x32x129xf32, #tpu.memory_space<vmem>> -> memref<32x129xf32, #tpu.memory_space<vmem>>
        tpu.vector_store_idx %scatter3A_1811[%iota3A, %add3A_1794], %add3A_1800 : memref<32x129xf32, #tpu.memory_space<vmem>>[vector<16xi32>, vector<16xi32>], vector<16xf32>,
        %add3A_1812 = arith.constant 16 : i32
        %add3A_1813 = vector.broadcast %add3A_1812 : i32 to vector<16xi32>
        %add3A_1814 = arith.addi %iota3A, %add3A_1813 : vector<16xi32>
        %scatter3A_1815 = arith.constant 4 : i32
        %scatter3A_1816 = arith.constant 0 : i32
        %scatter3A_1817 = arith.constant 0 : i32
        %scatter3A_1818 = tpu.memref_slice %arg8[%scatter3A_1815, %scatter3A_1816, %scatter3A_1817] : memref<5x32x129xf32, #tpu.memory_space<vmem>> -> memref<1x32x129xf32, #tpu.memory_space<vmem>>
        %scatter3A_1819 = tpu.memref_squeeze %scatter3A_1818 : memref<1x32x129xf32, #tpu.memory_space<vmem>> -> memref<32x129xf32, #tpu.memory_space<vmem>>
        tpu.vector_store_idx %scatter3A_1819[%add3A_1814, %add3A_1794], %add3A_1806 : memref<32x129xf32, #tpu.memory_space<vmem>>[vector<16xi32>, vector<16xi32>], vector<16xf32>,
        %mul3A_1820 = arith.constant 8 : i32
        %mul3A_1821 = arith.muli %scan3A_1722, %mul3A_1820 : i32
        %add3A_1822 = arith.constant 3 : i32
        %add3A_1823 = arith.addi %mul3A_1821, %add3A_1822 : i32
        %broadcast_in_dim3A_1824 = arith.constant 0 : i32
        %broadcast_in_dim3A_1825 = vector.broadcast %broadcast_in_dim3A_1824 : i32 to vector<16xi32>
        %add3A_1826 = vector.broadcast %add3A_1823 : i32 to vector<16xi32>
        %add3A_1827 = arith.addi %broadcast_in_dim3A_1825, %add3A_1826 : vector<16xi32>
        %get3A_1828 = arith.constant 4 : i32
        %get3A_1829 = arith.index_cast %get3A_1828 : i32 to index
        %get3A_1830 = arith.index_cast %add3A_1823 : i32 to index
        %get3A_1831 = arith.constant 0 : index
        %get3A_1832 = tpu.vector_load %arg7[%get3A_1829, %get3A_1830, %get3A_1831] {strides = array<i32>} : memref<5x128x32xf32, #tpu.memory_space<vmem>>, vector<16xf32>,
        %add3A_1833 = arith.addf %get3A_1832, %get3A_1551 : vector<16xf32>
        %get3A_1834 = arith.constant 4 : i32
        %get3A_1835 = arith.index_cast %get3A_1834 : i32 to index
        %get3A_1836 = arith.index_cast %add3A_1823 : i32 to index
        %get3A_1837 = arith.constant 16 : index
        %get3A_1838 = tpu.vector_load %arg7[%get3A_1835, %get3A_1836, %get3A_1837] {strides = array<i32>} : memref<5x128x32xf32, #tpu.memory_space<vmem>>, vector<16xf32>,
        %add3A_1839 = arith.addf %get3A_1838, %get3A_1554 : vector<16xf32>
        %scatter3A_1840 = arith.constant 4 : i32
        %scatter3A_1841 = arith.constant 0 : i32
        %scatter3A_1842 = arith.constant 0 : i32
        %scatter3A_1843 = tpu.memref_slice %arg8[%scatter3A_1840, %scatter3A_1841, %scatter3A_1842] : memref<5x32x129xf32, #tpu.memory_space<vmem>> -> memref<1x32x129xf32, #tpu.memory_space<vmem>>
        %scatter3A_1844 = tpu.memref_squeeze %scatter3A_1843 : memref<1x32x129xf32, #tpu.memory_space<vmem>> -> memref<32x129xf32, #tpu.memory_space<vmem>>
        tpu.vector_store_idx %scatter3A_1844[%iota3A, %add3A_1827], %add3A_1833 : memref<32x129xf32, #tpu.memory_space<vmem>>[vector<16xi32>, vector<16xi32>], vector<16xf32>,
        %add3A_1845 = arith.constant 16 : i32
        %add3A_1846 = vector.broadcast %add3A_1845 : i32 to vector<16xi32>
        %add3A_1847 = arith.addi %iota3A, %add3A_1846 : vector<16xi32>
        %scatter3A_1848 = arith.constant 4 : i32
        %scatter3A_1849 = arith.constant 0 : i32
        %scatter3A_1850 = arith.constant 0 : i32
        %scatter3A_1851 = tpu.memref_slice %arg8[%scatter3A_1848, %scatter3A_1849, %scatter3A_1850] : memref<5x32x129xf32, #tpu.memory_space<vmem>> -> memref<1x32x129xf32, #tpu.memory_space<vmem>>
        %scatter3A_1852 = tpu.memref_squeeze %scatter3A_1851 : memref<1x32x129xf32, #tpu.memory_space<vmem>> -> memref<32x129xf32, #tpu.memory_space<vmem>>
        tpu.vector_store_idx %scatter3A_1852[%add3A_1847, %add3A_1827], %add3A_1839 : memref<32x129xf32, #tpu.memory_space<vmem>>[vector<16xi32>, vector<16xi32>], vector<16xf32>,
        %mul3A_1853 = arith.constant 8 : i32
        %mul3A_1854 = arith.muli %scan3A_1722, %mul3A_1853 : i32
        %add3A_1855 = arith.constant 4 : i32
        %add3A_1856 = arith.addi %mul3A_1854, %add3A_1855 : i32
        %broadcast_in_dim3A_1857 = arith.constant 0 : i32
        %broadcast_in_dim3A_1858 = vector.broadcast %broadcast_in_dim3A_1857 : i32 to vector<16xi32>
        %add3A_1859 = vector.broadcast %add3A_1856 : i32 to vector<16xi32>
        %add3A_1860 = arith.addi %broadcast_in_dim3A_1858, %add3A_1859 : vector<16xi32>
        %get3A_1861 = arith.constant 4 : i32
        %get3A_1862 = arith.index_cast %get3A_1861 : i32 to index
        %get3A_1863 = arith.index_cast %add3A_1856 : i32 to index
        %get3A_1864 = arith.constant 0 : index
        %get3A_1865 = tpu.vector_load %arg7[%get3A_1862, %get3A_1863, %get3A_1864] {strides = array<i32>} : memref<5x128x32xf32, #tpu.memory_space<vmem>>, vector<16xf32>,
        %add3A_1866 = arith.addf %get3A_1865, %get3A_1551 : vector<16xf32>
        %get3A_1867 = arith.constant 4 : i32
        %get3A_1868 = arith.index_cast %get3A_1867 : i32 to index
        %get3A_1869 = arith.index_cast %add3A_1856 : i32 to index
        %get3A_1870 = arith.constant 16 : index
        %get3A_1871 = tpu.vector_load %arg7[%get3A_1868, %get3A_1869, %get3A_1870] {strides = array<i32>} : memref<5x128x32xf32, #tpu.memory_space<vmem>>, vector<16xf32>,
        %add3A_1872 = arith.addf %get3A_1871, %get3A_1554 : vector<16xf32>
        %scatter3A_1873 = arith.constant 4 : i32
        %scatter3A_1874 = arith.constant 0 : i32
        %scatter3A_1875 = arith.constant 0 : i32
        %scatter3A_1876 = tpu.memref_slice %arg8[%scatter3A_1873, %scatter3A_1874, %scatter3A_1875] : memref<5x32x129xf32, #tpu.memory_space<vmem>> -> memref<1x32x129xf32, #tpu.memory_space<vmem>>
        %scatter3A_1877 = tpu.memref_squeeze %scatter3A_1876 : memref<1x32x129xf32, #tpu.memory_space<vmem>> -> memref<32x129xf32, #tpu.memory_space<vmem>>
        tpu.vector_store_idx %scatter3A_1877[%iota3A, %add3A_1860], %add3A_1866 : memref<32x129xf32, #tpu.memory_space<vmem>>[vector<16xi32>, vector<16xi32>], vector<16xf32>,
        %add3A_1878 = arith.constant 16 : i32
        %add3A_1879 = vector.broadcast %add3A_1878 : i32 to vector<16xi32>
        %add3A_1880 = arith.addi %iota3A, %add3A_1879 : vector<16xi32>
        %scatter3A_1881 = arith.constant 4 : i32
        %scatter3A_1882 = arith.constant 0 : i32
        %scatter3A_1883 = arith.constant 0 : i32
        %scatter3A_1884 = tpu.memref_slice %arg8[%scatter3A_1881, %scatter3A_1882, %scatter3A_1883] : memref<5x32x129xf32, #tpu.memory_space<vmem>> -> memref<1x32x129xf32, #tpu.memory_space<vmem>>
        %scatter3A_1885 = tpu.memref_squeeze %scatter3A_1884 : memref<1x32x129xf32, #tpu.memory_space<vmem>> -> memref<32x129xf32, #tpu.memory_space<vmem>>
        tpu.vector_store_idx %scatter3A_1885[%add3A_1880, %add3A_1860], %add3A_1872 : memref<32x129xf32, #tpu.memory_space<vmem>>[vector<16xi32>, vector<16xi32>], vector<16xf32>,
        %mul3A_1886 = arith.constant 8 : i32
        %mul3A_1887 = arith.muli %scan3A_1722, %mul3A_1886 : i32
        %add3A_1888 = arith.constant 5 : i32
        %add3A_1889 = arith.addi %mul3A_1887, %add3A_1888 : i32
        %broadcast_in_dim3A_1890 = arith.constant 0 : i32
        %broadcast_in_dim3A_1891 = vector.broadcast %broadcast_in_dim3A_1890 : i32 to vector<16xi32>
        %add3A_1892 = vector.broadcast %add3A_1889 : i32 to vector<16xi32>
        %add3A_1893 = arith.addi %broadcast_in_dim3A_1891, %add3A_1892 : vector<16xi32>
        %get3A_1894 = arith.constant 4 : i32
        %get3A_1895 = arith.index_cast %get3A_1894 : i32 to index
        %get3A_1896 = arith.index_cast %add3A_1889 : i32 to index
        %get3A_1897 = arith.constant 0 : index
        %get3A_1898 = tpu.vector_load %arg7[%get3A_1895, %get3A_1896, %get3A_1897] {strides = array<i32>} : memref<5x128x32xf32, #tpu.memory_space<vmem>>, vector<16xf32>,
        %add3A_1899 = arith.addf %get3A_1898, %get3A_1551 : vector<16xf32>
        %get3A_1900 = arith.constant 4 : i32
        %get3A_1901 = arith.index_cast %get3A_1900 : i32 to index
        %get3A_1902 = arith.index_cast %add3A_1889 : i32 to index
        %get3A_1903 = arith.constant 16 : index
        %get3A_1904 = tpu.vector_load %arg7[%get3A_1901, %get3A_1902, %get3A_1903] {strides = array<i32>} : memref<5x128x32xf32, #tpu.memory_space<vmem>>, vector<16xf32>,
        %add3A_1905 = arith.addf %get3A_1904, %get3A_1554 : vector<16xf32>
        %scatter3A_1906 = arith.constant 4 : i32
        %scatter3A_1907 = arith.constant 0 : i32
        %scatter3A_1908 = arith.constant 0 : i32
        %scatter3A_1909 = tpu.memref_slice %arg8[%scatter3A_1906, %scatter3A_1907, %scatter3A_1908] : memref<5x32x129xf32, #tpu.memory_space<vmem>> -> memref<1x32x129xf32, #tpu.memory_space<vmem>>
        %scatter3A_1910 = tpu.memref_squeeze %scatter3A_1909 : memref<1x32x129xf32, #tpu.memory_space<vmem>> -> memref<32x129xf32, #tpu.memory_space<vmem>>
        tpu.vector_store_idx %scatter3A_1910[%iota3A, %add3A_1893], %add3A_1899 : memref<32x129xf32, #tpu.memory_space<vmem>>[vector<16xi32>, vector<16xi32>], vector<16xf32>,
        %add3A_1911 = arith.constant 16 : i32
        %add3A_1912 = vector.broadcast %add3A_1911 : i32 to vector<16xi32>
        %add3A_1913 = arith.addi %iota3A, %add3A_1912 : vector<16xi32>
        %scatter3A_1914 = arith.constant 4 : i32
        %scatter3A_1915 = arith.constant 0 : i32
        %scatter3A_1916 = arith.constant 0 : i32
        %scatter3A_1917 = tpu.memref_slice %arg8[%scatter3A_1914, %scatter3A_1915, %scatter3A_1916] : memref<5x32x129xf32, #tpu.memory_space<vmem>> -> memref<1x32x129xf32, #tpu.memory_space<vmem>>
        %scatter3A_1918 = tpu.memref_squeeze %scatter3A_1917 : memref<1x32x129xf32, #tpu.memory_space<vmem>> -> memref<32x129xf32, #tpu.memory_space<vmem>>
        tpu.vector_store_idx %scatter3A_1918[%add3A_1913, %add3A_1893], %add3A_1905 : memref<32x129xf32, #tpu.memory_space<vmem>>[vector<16xi32>, vector<16xi32>], vector<16xf32>,
        %mul3A_1919 = arith.constant 8 : i32
        %mul3A_1920 = arith.muli %scan3A_1722, %mul3A_1919 : i32
        %add3A_1921 = arith.constant 6 : i32
        %add3A_1922 = arith.addi %mul3A_1920, %add3A_1921 : i32
        %broadcast_in_dim3A_1923 = arith.constant 0 : i32
        %broadcast_in_dim3A_1924 = vector.broadcast %broadcast_in_dim3A_1923 : i32 to vector<16xi32>
        %add3A_1925 = vector.broadcast %add3A_1922 : i32 to vector<16xi32>
        %add3A_1926 = arith.addi %broadcast_in_dim3A_1924, %add3A_1925 : vector<16xi32>
        %get3A_1927 = arith.constant 4 : i32
        %get3A_1928 = arith.index_cast %get3A_1927 : i32 to index
        %get3A_1929 = arith.index_cast %add3A_1922 : i32 to index
        %get3A_1930 = arith.constant 0 : index
        %get3A_1931 = tpu.vector_load %arg7[%get3A_1928, %get3A_1929, %get3A_1930] {strides = array<i32>} : memref<5x128x32xf32, #tpu.memory_space<vmem>>, vector<16xf32>,
        %add3A_1932 = arith.addf %get3A_1931, %get3A_1551 : vector<16xf32>
        %get3A_1933 = arith.constant 4 : i32
        %get3A_1934 = arith.index_cast %get3A_1933 : i32 to index
        %get3A_1935 = arith.index_cast %add3A_1922 : i32 to index
        %get3A_1936 = arith.constant 16 : index
        %get3A_1937 = tpu.vector_load %arg7[%get3A_1934, %get3A_1935, %get3A_1936] {strides = array<i32>} : memref<5x128x32xf32, #tpu.memory_space<vmem>>, vector<16xf32>,
        %add3A_1938 = arith.addf %get3A_1937, %get3A_1554 : vector<16xf32>
        %scatter3A_1939 = arith.constant 4 : i32
        %scatter3A_1940 = arith.constant 0 : i32
        %scatter3A_1941 = arith.constant 0 : i32
        %scatter3A_1942 = tpu.memref_slice %arg8[%scatter3A_1939, %scatter3A_1940, %scatter3A_1941] : memref<5x32x129xf32, #tpu.memory_space<vmem>> -> memref<1x32x129xf32, #tpu.memory_space<vmem>>
        %scatter3A_1943 = tpu.memref_squeeze %scatter3A_1942 : memref<1x32x129xf32, #tpu.memory_space<vmem>> -> memref<32x129xf32, #tpu.memory_space<vmem>>
        tpu.vector_store_idx %scatter3A_1943[%iota3A, %add3A_1926], %add3A_1932 : memref<32x129xf32, #tpu.memory_space<vmem>>[vector<16xi32>, vector<16xi32>], vector<16xf32>,
        %add3A_1944 = arith.constant 16 : i32
        %add3A_1945 = vector.broadcast %add3A_1944 : i32 to vector<16xi32>
        %add3A_1946 = arith.addi %iota3A, %add3A_1945 : vector<16xi32>
        %scatter3A_1947 = arith.constant 4 : i32
        %scatter3A_1948 = arith.constant 0 : i32
        %scatter3A_1949 = arith.constant 0 : i32
        %scatter3A_1950 = tpu.memref_slice %arg8[%scatter3A_1947, %scatter3A_1948, %scatter3A_1949] : memref<5x32x129xf32, #tpu.memory_space<vmem>> -> memref<1x32x129xf32, #tpu.memory_space<vmem>>
        %scatter3A_1951 = tpu.memref_squeeze %scatter3A_1950 : memref<1x32x129xf32, #tpu.memory_space<vmem>> -> memref<32x129xf32, #tpu.memory_space<vmem>>
        tpu.vector_store_idx %scatter3A_1951[%add3A_1946, %add3A_1926], %add3A_1938 : memref<32x129xf32, #tpu.memory_space<vmem>>[vector<16xi32>, vector<16xi32>], vector<16xf32>,
        %mul3A_1952 = arith.constant 8 : i32
        %mul3A_1953 = arith.muli %scan3A_1722, %mul3A_1952 : i32
        %add3A_1954 = arith.constant 7 : i32
        %add3A_1955 = arith.addi %mul3A_1953, %add3A_1954 : i32
        %broadcast_in_dim3A_1956 = arith.constant 0 : i32
        %broadcast_in_dim3A_1957 = vector.broadcast %broadcast_in_dim3A_1956 : i32 to vector<16xi32>
        %add3A_1958 = vector.broadcast %add3A_1955 : i32 to vector<16xi32>
        %add3A_1959 = arith.addi %broadcast_in_dim3A_1957, %add3A_1958 : vector<16xi32>
        %get3A_1960 = arith.constant 4 : i32
        %get3A_1961 = arith.index_cast %get3A_1960 : i32 to index
        %get3A_1962 = arith.index_cast %add3A_1955 : i32 to index
        %get3A_1963 = arith.constant 0 : index
        %get3A_1964 = tpu.vector_load %arg7[%get3A_1961, %get3A_1962, %get3A_1963] {strides = array<i32>} : memref<5x128x32xf32, #tpu.memory_space<vmem>>, vector<16xf32>,
        %add3A_1965 = arith.addf %get3A_1964, %get3A_1551 : vector<16xf32>
        %get3A_1966 = arith.constant 4 : i32
        %get3A_1967 = arith.index_cast %get3A_1966 : i32 to index
        %get3A_1968 = arith.index_cast %add3A_1955 : i32 to index
        %get3A_1969 = arith.constant 16 : index
        %get3A_1970 = tpu.vector_load %arg7[%get3A_1967, %get3A_1968, %get3A_1969] {strides = array<i32>} : memref<5x128x32xf32, #tpu.memory_space<vmem>>, vector<16xf32>,
        %add3A_1971 = arith.addf %get3A_1970, %get3A_1554 : vector<16xf32>
        %scatter3A_1972 = arith.constant 4 : i32
        %scatter3A_1973 = arith.constant 0 : i32
        %scatter3A_1974 = arith.constant 0 : i32
        %scatter3A_1975 = tpu.memref_slice %arg8[%scatter3A_1972, %scatter3A_1973, %scatter3A_1974] : memref<5x32x129xf32, #tpu.memory_space<vmem>> -> memref<1x32x129xf32, #tpu.memory_space<vmem>>
        %scatter3A_1976 = tpu.memref_squeeze %scatter3A_1975 : memref<1x32x129xf32, #tpu.memory_space<vmem>> -> memref<32x129xf32, #tpu.memory_space<vmem>>
        tpu.vector_store_idx %scatter3A_1976[%iota3A, %add3A_1959], %add3A_1965 : memref<32x129xf32, #tpu.memory_space<vmem>>[vector<16xi32>, vector<16xi32>], vector<16xf32>,
        %add3A_1977 = arith.constant 16 : i32
        %add3A_1978 = vector.broadcast %add3A_1977 : i32 to vector<16xi32>
        %add3A_1979 = arith.addi %iota3A, %add3A_1978 : vector<16xi32>
        %scatter3A_1980 = arith.constant 4 : i32
        %scatter3A_1981 = arith.constant 0 : i32
        %scatter3A_1982 = arith.constant 0 : i32
        %scatter3A_1983 = tpu.memref_slice %arg8[%scatter3A_1980, %scatter3A_1981, %scatter3A_1982] : memref<5x32x129xf32, #tpu.memory_space<vmem>> -> memref<1x32x129xf32, #tpu.memory_space<vmem>>
        %scatter3A_1984 = tpu.memref_squeeze %scatter3A_1983 : memref<1x32x129xf32, #tpu.memory_space<vmem>> -> memref<32x129xf32, #tpu.memory_space<vmem>>
        tpu.vector_store_idx %scatter3A_1984[%add3A_1979, %add3A_1959], %add3A_1971 : memref<32x129xf32, #tpu.memory_space<vmem>>[vector<16xi32>, vector<16xi32>], vector<16xf32>,
      }
      %scan3A_1560 = arith.constant 16 : i32
      %add3A_1561 = arith.addi %mul3A_2, %add3A_1498 : i32
      %jit3A_1562 = arith.constant 32 : i32
      %div3A_1563 = arith.divsi %add3A_1561, %jit3A_1562 : i32
      %sign3A_1564 = arith.constant 0 : i32
      %sign3A_1565 = arith.cmpi sgt, %add3A_1561, %sign3A_1564 : i32
      %sign3A_1566 = arith.extui %sign3A_1565 : i1 to i32
      %sign3A_1567 = arith.constant 0 : i32
      %sign3A_1568 = arith.cmpi slt, %add3A_1561, %sign3A_1567 : i32
      %sign3A_1569 = arith.extui %sign3A_1568 : i1 to i32
      %sign3A_1570 = arith.subi %sign3A_1566, %sign3A_1569 : i32
      %sign3A_1571 = arith.constant 0 : i32
      %sign3A_1572 = arith.cmpi sgt, %jit3A_1562, %sign3A_1571 : i32
      %sign3A_1573 = arith.extui %sign3A_1572 : i1 to i32
      %sign3A_1574 = arith.constant 0 : i32
      %sign3A_1575 = arith.cmpi slt, %jit3A_1562, %sign3A_1574 : i32
      %sign3A_1576 = arith.extui %sign3A_1575 : i1 to i32
      %sign3A_1577 = arith.subi %sign3A_1573, %sign3A_1576 : i32
      %ne3A_1578 = arith.cmpi ne, %sign3A_1570, %sign3A_1577 : i32
      %rem3A_1579 = arith.remsi %add3A_1561, %jit3A_1562 : i32
      %ne3A_1580 = arith.constant 0 : i32
      %ne3A_1581 = arith.cmpi ne, %rem3A_1579, %ne3A_1580 : i32
      %and3A_1582 = arith.andi %ne3A_1578, %ne3A_1581 : i1
      %sub3A_1583 = arith.constant 1 : i32
      %sub3A_1584 = arith.subi %div3A_1563, %sub3A_1583 : i32
      %select_n3A_1585 = arith.select %and3A_1582, %sub3A_1584, %div3A_1563 : i32
      %jit3A_1586 = arith.constant 32 : i32
      %eq3A_1587 = arith.constant 0 : i32
      %eq3A_1588 = arith.cmpi eq, %jit3A_1586, %eq3A_1587 : i32
      %jit3A_1589 = arith.constant 1 : i32
      %select_n3A_1590 = arith.select %eq3A_1588, %jit3A_1589, %jit3A_1586 : i32
      %rem3A_1591 = arith.remsi %add3A_1561, %select_n3A_1590 : i32
      %ne3A_1592 = arith.constant 0 : i32
      %ne3A_1593 = arith.cmpi ne, %rem3A_1591, %ne3A_1592 : i32
      %lt3A_1594 = arith.constant 0 : i32
      %lt3A_1595 = arith.cmpi slt, %rem3A_1591, %lt3A_1594 : i32
      %lt3A_1596 = arith.constant 0 : i32
      %lt3A_1597 = arith.cmpi slt, %select_n3A_1590, %lt3A_1596 : i32
      %ne3A_1598 = arith.xori %lt3A_1595, %lt3A_1597 : i1
      %and3A_1599 = arith.andi %ne3A_1598, %ne3A_1593 : i1
      %add3A_1600 = arith.addi %rem3A_1591, %select_n3A_1590 : i32
      %select_n3A_1601 = arith.select %and3A_1599, %add3A_1600, %rem3A_1591 : i32
      %mul3A_1602 = arith.constant 4 : i32
      %mul3A_1603 = arith.muli %select_n3A_1585, %mul3A_1602 : i32
      %add3A_1604 = arith.constant 0 : i32
      %add3A_1605 = arith.addi %mul3A_1603, %add3A_1604 : i32
      %dma_start3A_1606 = arith.constant 4 : i32
      %dma_start3A_1607 = arith.constant 4 : i32
      %dma_start3A_1608 = arith.constant 0 : i32
      %dma_start3A_1609 = arith.constant 0 : i32
      %dma_start3A_1610 = tpu.memref_slice %arg8[%dma_start3A_1606, %dma_start3A_1608, %dma_start3A_1609] : memref<5x32x129xf32, #tpu.memory_space<vmem>> -> memref<1x32x129xf32, #tpu.memory_space<vmem>>
      %dma_start3A_1611 = tpu.memref_squeeze %dma_start3A_1610 : memref<1x32x129xf32, #tpu.memory_space<vmem>> -> memref<32x129xf32, #tpu.memory_space<vmem>>
      %dma_start3A_1612 = arith.constant 0 : i32
      %dma_start3A_1613 = arith.constant 0 : i32
      %dma_start3A_1614 = tpu.memref_slice %dma_start3A_1611[%dma_start3A_1612, %dma_start3A_1613] : memref<32x129xf32, #tpu.memory_space<vmem>> -> memref<8x128xf32, #tpu.memory_space<vmem>>
      %dma_start3A_1615 = arith.constant 0 : i32
      %dma_start3A_1616 = arith.constant 0 : i32
      %dma_start3A_1617 = tpu.memref_slice %arg5[%add3A_1605, %select_n3A_1601, %dma_start3A_1615, %dma_start3A_1616] : memref<800x32x8x128xf32, #tpu.memory_space<hbm>> -> memref<1x1x8x128xf32, #tpu.memory_space<hbm>>
      %dma_start3A_1618 = tpu.memref_squeeze %dma_start3A_1617 : memref<1x1x8x128xf32, #tpu.memory_space<hbm>> -> memref<8x128xf32, #tpu.memory_space<hbm>>
      %dma_start3A_1619 = tpu.memref_slice %arg11[%dma_start3A_1607] : memref<5x!tpu.dma_semaphore, #tpu.memory_space<semaphore_mem>> -> memref<1x!tpu.dma_semaphore, #tpu.memory_space<semaphore_mem>>
      %dma_start3A_1620 = tpu.memref_squeeze %dma_start3A_1619 : memref<1x!tpu.dma_semaphore, #tpu.memory_space<semaphore_mem>> -> memref<!tpu.dma_semaphore, #tpu.memory_space<semaphore_mem>>
      %dma_start3A_1621 = arith.constant 0 : i32
      %dma_start3A_1622 = arith.constant 0 : i32
      %dma_start3A_1623 = tpu.memref_slice %arg5[%add3A_1605, %select_n3A_1601, %dma_start3A_1621, %dma_start3A_1622] : memref<800x32x8x128xf32, #tpu.memory_space<hbm>> -> memref<1x1x8x128xf32, #tpu.memory_space<hbm>>
      %dma_start3A_1624 = tpu.memref_squeeze %dma_start3A_1623 : memref<1x1x8x128xf32, #tpu.memory_space<hbm>> -> memref<8x128xf32, #tpu.memory_space<hbm>>
      %dma_start3A_1625 = arith.constant 0 : i32
      %dma_start3A_1626 = arith.constant 0 : i32
      %dma_start3A_1627 = tpu.memref_slice %arg8[%dma_start3A_1606, %dma_start3A_1625, %dma_start3A_1626] : memref<5x32x129xf32, #tpu.memory_space<vmem>> -> memref<1x32x129xf32, #tpu.memory_space<vmem>>
      %dma_start3A_1628 = tpu.memref_squeeze %dma_start3A_1627 : memref<1x32x129xf32, #tpu.memory_space<vmem>> -> memref<32x129xf32, #tpu.memory_space<vmem>>
      %dma_start3A_1629 = arith.constant 0 : i32
      %dma_start3A_1630 = arith.constant 0 : i32
      %dma_start3A_1631 = tpu.memref_slice %dma_start3A_1628[%dma_start3A_1629, %dma_start3A_1630] : memref<32x129xf32, #tpu.memory_space<vmem>> -> memref<8x128xf32, #tpu.memory_space<vmem>>
      tpu.enqueue_dma source(%dma_start3A_1631 : memref<8x128xf32, #tpu.memory_space<vmem>>) target(%dma_start3A_1624 : memref<8x128xf32, #tpu.memory_space<hbm>>) target_semaphore(%dma_start3A_1620 : memref<!tpu.dma_semaphore, #tpu.memory_space<semaphore_mem>>)
      %mul3A_1632 = arith.constant 4 : i32
      %mul3A_1633 = arith.muli %select_n3A_1585, %mul3A_1632 : i32
      %add3A_1634 = arith.constant 1 : i32
      %add3A_1635 = arith.addi %mul3A_1633, %add3A_1634 : i32
      %dma_start3A_1636 = arith.constant 4 : i32
      %dma_start3A_1637 = arith.constant 4 : i32
      %dma_start3A_1638 = arith.constant 0 : i32
      %dma_start3A_1639 = arith.constant 0 : i32
      %dma_start3A_1640 = tpu.memref_slice %arg8[%dma_start3A_1636, %dma_start3A_1638, %dma_start3A_1639] : memref<5x32x129xf32, #tpu.memory_space<vmem>> -> memref<1x32x129xf32, #tpu.memory_space<vmem>>
      %dma_start3A_1641 = tpu.memref_squeeze %dma_start3A_1640 : memref<1x32x129xf32, #tpu.memory_space<vmem>> -> memref<32x129xf32, #tpu.memory_space<vmem>>
      %dma_start3A_1642 = arith.constant 8 : i32
      %dma_start3A_1643 = arith.constant 0 : i32
      %dma_start3A_1644 = tpu.memref_slice %dma_start3A_1641[%dma_start3A_1642, %dma_start3A_1643] : memref<32x129xf32, #tpu.memory_space<vmem>> -> memref<8x128xf32, #tpu.memory_space<vmem>>
      %dma_start3A_1645 = arith.constant 0 : i32
      %dma_start3A_1646 = arith.constant 0 : i32
      %dma_start3A_1647 = tpu.memref_slice %arg5[%add3A_1635, %select_n3A_1601, %dma_start3A_1645, %dma_start3A_1646] : memref<800x32x8x128xf32, #tpu.memory_space<hbm>> -> memref<1x1x8x128xf32, #tpu.memory_space<hbm>>
      %dma_start3A_1648 = tpu.memref_squeeze %dma_start3A_1647 : memref<1x1x8x128xf32, #tpu.memory_space<hbm>> -> memref<8x128xf32, #tpu.memory_space<hbm>>
      %dma_start3A_1649 = tpu.memref_slice %arg11[%dma_start3A_1637] : memref<5x!tpu.dma_semaphore, #tpu.memory_space<semaphore_mem>> -> memref<1x!tpu.dma_semaphore, #tpu.memory_space<semaphore_mem>>
      %dma_start3A_1650 = tpu.memref_squeeze %dma_start3A_1649 : memref<1x!tpu.dma_semaphore, #tpu.memory_space<semaphore_mem>> -> memref<!tpu.dma_semaphore, #tpu.memory_space<semaphore_mem>>
      %dma_start3A_1651 = arith.constant 0 : i32
      %dma_start3A_1652 = arith.constant 0 : i32
      %dma_start3A_1653 = tpu.memref_slice %arg5[%add3A_1635, %select_n3A_1601, %dma_start3A_1651, %dma_start3A_1652] : memref<800x32x8x128xf32, #tpu.memory_space<hbm>> -> memref<1x1x8x128xf32, #tpu.memory_space<hbm>>
      %dma_start3A_1654 = tpu.memref_squeeze %dma_start3A_1653 : memref<1x1x8x128xf32, #tpu.memory_space<hbm>> -> memref<8x128xf32, #tpu.memory_space<hbm>>
      %dma_start3A_1655 = arith.constant 0 : i32
      %dma_start3A_1656 = arith.constant 0 : i32
      %dma_start3A_1657 = tpu.memref_slice %arg8[%dma_start3A_1636, %dma_start3A_1655, %dma_start3A_1656] : memref<5x32x129xf32, #tpu.memory_space<vmem>> -> memref<1x32x129xf32, #tpu.memory_space<vmem>>
      %dma_start3A_1658 = tpu.memref_squeeze %dma_start3A_1657 : memref<1x32x129xf32, #tpu.memory_space<vmem>> -> memref<32x129xf32, #tpu.memory_space<vmem>>
      %dma_start3A_1659 = arith.constant 8 : i32
      %dma_start3A_1660 = arith.constant 0 : i32
      %dma_start3A_1661 = tpu.memref_slice %dma_start3A_1658[%dma_start3A_1659, %dma_start3A_1660] : memref<32x129xf32, #tpu.memory_space<vmem>> -> memref<8x128xf32, #tpu.memory_space<vmem>>
      tpu.enqueue_dma source(%dma_start3A_1661 : memref<8x128xf32, #tpu.memory_space<vmem>>) target(%dma_start3A_1654 : memref<8x128xf32, #tpu.memory_space<hbm>>) target_semaphore(%dma_start3A_1650 : memref<!tpu.dma_semaphore, #tpu.memory_space<semaphore_mem>>)
      %mul3A_1662 = arith.constant 4 : i32
      %mul3A_1663 = arith.muli %select_n3A_1585, %mul3A_1662 : i32
      %add3A_1664 = arith.constant 2 : i32
      %add3A_1665 = arith.addi %mul3A_1663, %add3A_1664 : i32
      %dma_start3A_1666 = arith.constant 4 : i32
      %dma_start3A_1667 = arith.constant 4 : i32
      %dma_start3A_1668 = arith.constant 0 : i32
      %dma_start3A_1669 = arith.constant 0 : i32
      %dma_start3A_1670 = tpu.memref_slice %arg8[%dma_start3A_1666, %dma_start3A_1668, %dma_start3A_1669] : memref<5x32x129xf32, #tpu.memory_space<vmem>> -> memref<1x32x129xf32, #tpu.memory_space<vmem>>
      %dma_start3A_1671 = tpu.memref_squeeze %dma_start3A_1670 : memref<1x32x129xf32, #tpu.memory_space<vmem>> -> memref<32x129xf32, #tpu.memory_space<vmem>>
      %dma_start3A_1672 = arith.constant 16 : i32
      %dma_start3A_1673 = arith.constant 0 : i32
      %dma_start3A_1674 = tpu.memref_slice %dma_start3A_1671[%dma_start3A_1672, %dma_start3A_1673] : memref<32x129xf32, #tpu.memory_space<vmem>> -> memref<8x128xf32, #tpu.memory_space<vmem>>
      %dma_start3A_1675 = arith.constant 0 : i32
      %dma_start3A_1676 = arith.constant 0 : i32
      %dma_start3A_1677 = tpu.memref_slice %arg5[%add3A_1665, %select_n3A_1601, %dma_start3A_1675, %dma_start3A_1676] : memref<800x32x8x128xf32, #tpu.memory_space<hbm>> -> memref<1x1x8x128xf32, #tpu.memory_space<hbm>>
      %dma_start3A_1678 = tpu.memref_squeeze %dma_start3A_1677 : memref<1x1x8x128xf32, #tpu.memory_space<hbm>> -> memref<8x128xf32, #tpu.memory_space<hbm>>
      %dma_start3A_1679 = tpu.memref_slice %arg11[%dma_start3A_1667] : memref<5x!tpu.dma_semaphore, #tpu.memory_space<semaphore_mem>> -> memref<1x!tpu.dma_semaphore, #tpu.memory_space<semaphore_mem>>
      %dma_start3A_1680 = tpu.memref_squeeze %dma_start3A_1679 : memref<1x!tpu.dma_semaphore, #tpu.memory_space<semaphore_mem>> -> memref<!tpu.dma_semaphore, #tpu.memory_space<semaphore_mem>>
      %dma_start3A_1681 = arith.constant 0 : i32
      %dma_start3A_1682 = arith.constant 0 : i32
      %dma_start3A_1683 = tpu.memref_slice %arg5[%add3A_1665, %select_n3A_1601, %dma_start3A_1681, %dma_start3A_1682] : memref<800x32x8x128xf32, #tpu.memory_space<hbm>> -> memref<1x1x8x128xf32, #tpu.memory_space<hbm>>
      %dma_start3A_1684 = tpu.memref_squeeze %dma_start3A_1683 : memref<1x1x8x128xf32, #tpu.memory_space<hbm>> -> memref<8x128xf32, #tpu.memory_space<hbm>>
      %dma_start3A_1685 = arith.constant 0 : i32
      %dma_start3A_1686 = arith.constant 0 : i32
      %dma_start3A_1687 = tpu.memref_slice %arg8[%dma_start3A_1666, %dma_start3A_1685, %dma_start3A_1686] : memref<5x32x129xf32, #tpu.memory_space<vmem>> -> memref<1x32x129xf32, #tpu.memory_space<vmem>>
      %dma_start3A_1688 = tpu.memref_squeeze %dma_start3A_1687 : memref<1x32x129xf32, #tpu.memory_space<vmem>> -> memref<32x129xf32, #tpu.memory_space<vmem>>
      %dma_start3A_1689 = arith.constant 16 : i32
      %dma_start3A_1690 = arith.constant 0 : i32
      %dma_start3A_1691 = tpu.memref_slice %dma_start3A_1688[%dma_start3A_1689, %dma_start3A_1690] : memref<32x129xf32, #tpu.memory_space<vmem>> -> memref<8x128xf32, #tpu.memory_space<vmem>>
      tpu.enqueue_dma source(%dma_start3A_1691 : memref<8x128xf32, #tpu.memory_space<vmem>>) target(%dma_start3A_1684 : memref<8x128xf32, #tpu.memory_space<hbm>>) target_semaphore(%dma_start3A_1680 : memref<!tpu.dma_semaphore, #tpu.memory_space<semaphore_mem>>)
      %mul3A_1692 = arith.constant 4 : i32
      %mul3A_1693 = arith.muli %select_n3A_1585, %mul3A_1692 : i32
      %add3A_1694 = arith.constant 3 : i32
      %add3A_1695 = arith.addi %mul3A_1693, %add3A_1694 : i32
      %dma_start3A_1696 = arith.constant 4 : i32
      %dma_start3A_1697 = arith.constant 4 : i32
      %dma_start3A_1698 = arith.constant 0 : i32
      %dma_start3A_1699 = arith.constant 0 : i32
      %dma_start3A_1700 = tpu.memref_slice %arg8[%dma_start3A_1696, %dma_start3A_1698, %dma_start3A_1699] : memref<5x32x129xf32, #tpu.memory_space<vmem>> -> memref<1x32x129xf32, #tpu.memory_space<vmem>>
      %dma_start3A_1701 = tpu.memref_squeeze %dma_start3A_1700 : memref<1x32x129xf32, #tpu.memory_space<vmem>> -> memref<32x129xf32, #tpu.memory_space<vmem>>
      %dma_start3A_1702 = arith.constant 24 : i32
      %dma_start3A_1703 = arith.constant 0 : i32
      %dma_start3A_1704 = tpu.memref_slice %dma_start3A_1701[%dma_start3A_1702, %dma_start3A_1703] : memref<32x129xf32, #tpu.memory_space<vmem>> -> memref<8x128xf32, #tpu.memory_space<vmem>>
      %dma_start3A_1705 = arith.constant 0 : i32
      %dma_start3A_1706 = arith.constant 0 : i32
      %dma_start3A_1707 = tpu.memref_slice %arg5[%add3A_1695, %select_n3A_1601, %dma_start3A_1705, %dma_start3A_1706] : memref<800x32x8x128xf32, #tpu.memory_space<hbm>> -> memref<1x1x8x128xf32, #tpu.memory_space<hbm>>
      %dma_start3A_1708 = tpu.memref_squeeze %dma_start3A_1707 : memref<1x1x8x128xf32, #tpu.memory_space<hbm>> -> memref<8x128xf32, #tpu.memory_space<hbm>>
      %dma_start3A_1709 = tpu.memref_slice %arg11[%dma_start3A_1697] : memref<5x!tpu.dma_semaphore, #tpu.memory_space<semaphore_mem>> -> memref<1x!tpu.dma_semaphore, #tpu.memory_space<semaphore_mem>>
      %dma_start3A_1710 = tpu.memref_squeeze %dma_start3A_1709 : memref<1x!tpu.dma_semaphore, #tpu.memory_space<semaphore_mem>> -> memref<!tpu.dma_semaphore, #tpu.memory_space<semaphore_mem>>
      %dma_start3A_1711 = arith.constant 0 : i32
      %dma_start3A_1712 = arith.constant 0 : i32
      %dma_start3A_1713 = tpu.memref_slice %arg5[%add3A_1695, %select_n3A_1601, %dma_start3A_1711, %dma_start3A_1712] : memref<800x32x8x128xf32, #tpu.memory_space<hbm>> -> memref<1x1x8x128xf32, #tpu.memory_space<hbm>>
      %dma_start3A_1714 = tpu.memref_squeeze %dma_start3A_1713 : memref<1x1x8x128xf32, #tpu.memory_space<hbm>> -> memref<8x128xf32, #tpu.memory_space<hbm>>
      %dma_start3A_1715 = arith.constant 0 : i32
      %dma_start3A_1716 = arith.constant 0 : i32
      %dma_start3A_1717 = tpu.memref_slice %arg8[%dma_start3A_1696, %dma_start3A_1715, %dma_start3A_1716] : memref<5x32x129xf32, #tpu.memory_space<vmem>> -> memref<1x32x129xf32, #tpu.memory_space<vmem>>
      %dma_start3A_1718 = tpu.memref_squeeze %dma_start3A_1717 : memref<1x32x129xf32, #tpu.memory_space<vmem>> -> memref<32x129xf32, #tpu.memory_space<vmem>>
      %dma_start3A_1719 = arith.constant 24 : i32
      %dma_start3A_1720 = arith.constant 0 : i32
      %dma_start3A_1721 = tpu.memref_slice %dma_start3A_1718[%dma_start3A_1719, %dma_start3A_1720] : memref<32x129xf32, #tpu.memory_space<vmem>> -> memref<8x128xf32, #tpu.memory_space<vmem>>
      tpu.enqueue_dma source(%dma_start3A_1721 : memref<8x128xf32, #tpu.memory_space<vmem>>) target(%dma_start3A_1714 : memref<8x128xf32, #tpu.memory_space<hbm>>) target_semaphore(%dma_start3A_1710 : memref<!tpu.dma_semaphore, #tpu.memory_space<semaphore_mem>>)
    }
    %scan3A_47 = arith.constant 40 : i32
    %dma_wait3A = arith.constant 0 : i32
    %dma_wait3A_48 = arith.constant 0 : i32
    %dma_wait3A_49 = arith.constant 0 : i32
    %dma_wait3A_50 = arith.constant 0 : i32
    %dma_wait3A_51 = arith.constant 0 : i32
    %dma_wait3A_52 = arith.constant 0 : i32
    %dma_wait3A_53 = tpu.memref_slice %arg8[%dma_wait3A, %dma_wait3A_51, %dma_wait3A_52] : memref<5x32x129xf32, #tpu.memory_space<vmem>> -> memref<1x32x129xf32, #tpu.memory_space<vmem>>
    %dma_wait3A_54 = tpu.memref_squeeze %dma_wait3A_53 : memref<1x32x129xf32, #tpu.memory_space<vmem>> -> memref<32x129xf32, #tpu.memory_space<vmem>>
    %dma_wait3A_55 = arith.constant 0 : i32
    %dma_wait3A_56 = arith.constant 0 : i32
    %dma_wait3A_57 = tpu.memref_slice %dma_wait3A_54[%dma_wait3A_55, %dma_wait3A_56] : memref<32x129xf32, #tpu.memory_space<vmem>> -> memref<8x128xf32, #tpu.memory_space<vmem>>
    %dma_wait3A_58 = arith.constant 0 : i32
    %dma_wait3A_59 = arith.constant 0 : i32
    %dma_wait3A_60 = tpu.memref_slice %arg5[%dma_wait3A_48, %dma_wait3A_49, %dma_wait3A_58, %dma_wait3A_59] : memref<800x32x8x128xf32, #tpu.memory_space<hbm>> -> memref<1x1x8x128xf32, #tpu.memory_space<hbm>>
    %dma_wait3A_61 = tpu.memref_squeeze %dma_wait3A_60 : memref<1x1x8x128xf32, #tpu.memory_space<hbm>> -> memref<8x128xf32, #tpu.memory_space<hbm>>
    %dma_wait3A_62 = tpu.memref_slice %arg11[%dma_wait3A_50] : memref<5x!tpu.dma_semaphore, #tpu.memory_space<semaphore_mem>> -> memref<1x!tpu.dma_semaphore, #tpu.memory_space<semaphore_mem>>
    %dma_wait3A_63 = tpu.memref_squeeze %dma_wait3A_62 : memref<1x!tpu.dma_semaphore, #tpu.memory_space<semaphore_mem>> -> memref<!tpu.dma_semaphore, #tpu.memory_space<semaphore_mem>>
    %dma_wait3A_64 = arith.constant 0 : i32
    %dma_wait3A_65 = arith.constant 0 : i32
    %dma_wait3A_66 = tpu.memref_slice %arg5[%dma_wait3A_48, %dma_wait3A_49, %dma_wait3A_64, %dma_wait3A_65] : memref<800x32x8x128xf32, #tpu.memory_space<hbm>> -> memref<1x1x8x128xf32, #tpu.memory_space<hbm>>
    %dma_wait3A_67 = tpu.memref_squeeze %dma_wait3A_66 : memref<1x1x8x128xf32, #tpu.memory_space<hbm>> -> memref<8x128xf32, #tpu.memory_space<hbm>>
    %dma_wait3A_68 = arith.constant 0 : i32
    %dma_wait3A_69 = arith.constant 0 : i32
    %dma_wait3A_70 = tpu.memref_slice %arg8[%dma_wait3A, %dma_wait3A_68, %dma_wait3A_69] : memref<5x32x129xf32, #tpu.memory_space<vmem>> -> memref<1x32x129xf32, #tpu.memory_space<vmem>>
    %dma_wait3A_71 = tpu.memref_squeeze %dma_wait3A_70 : memref<1x32x129xf32, #tpu.memory_space<vmem>> -> memref<32x129xf32, #tpu.memory_space<vmem>>
    %dma_wait3A_72 = arith.constant 0 : i32
    %dma_wait3A_73 = arith.constant 0 : i32
    %dma_wait3A_74 = tpu.memref_slice %dma_wait3A_71[%dma_wait3A_72, %dma_wait3A_73] : memref<32x129xf32, #tpu.memory_space<vmem>> -> memref<8x128xf32, #tpu.memory_space<vmem>>
    tpu.wait_dma2 semaphore(%dma_wait3A_63 : memref<!tpu.dma_semaphore, #tpu.memory_space<semaphore_mem>>) src(%dma_wait3A_74 : memref<8x128xf32, #tpu.memory_space<vmem>>) dst(%dma_wait3A_67 : memref<8x128xf32, #tpu.memory_space<hbm>>)
    %dma_wait3A_75 = arith.constant 0 : i32
    %dma_wait3A_76 = arith.constant 0 : i32
    %dma_wait3A_77 = arith.constant 0 : i32
    %dma_wait3A_78 = arith.constant 0 : i32
    %dma_wait3A_79 = arith.constant 0 : i32
    %dma_wait3A_80 = arith.constant 0 : i32
    %dma_wait3A_81 = tpu.memref_slice %arg8[%dma_wait3A_75, %dma_wait3A_79, %dma_wait3A_80] : memref<5x32x129xf32, #tpu.memory_space<vmem>> -> memref<1x32x129xf32, #tpu.memory_space<vmem>>
    %dma_wait3A_82 = tpu.memref_squeeze %dma_wait3A_81 : memref<1x32x129xf32, #tpu.memory_space<vmem>> -> memref<32x129xf32, #tpu.memory_space<vmem>>
    %dma_wait3A_83 = arith.constant 8 : i32
    %dma_wait3A_84 = arith.constant 0 : i32
    %dma_wait3A_85 = tpu.memref_slice %dma_wait3A_82[%dma_wait3A_83, %dma_wait3A_84] : memref<32x129xf32, #tpu.memory_space<vmem>> -> memref<8x128xf32, #tpu.memory_space<vmem>>
    %dma_wait3A_86 = arith.constant 0 : i32
    %dma_wait3A_87 = arith.constant 0 : i32
    %dma_wait3A_88 = tpu.memref_slice %arg5[%dma_wait3A_76, %dma_wait3A_77, %dma_wait3A_86, %dma_wait3A_87] : memref<800x32x8x128xf32, #tpu.memory_space<hbm>> -> memref<1x1x8x128xf32, #tpu.memory_space<hbm>>
    %dma_wait3A_89 = tpu.memref_squeeze %dma_wait3A_88 : memref<1x1x8x128xf32, #tpu.memory_space<hbm>> -> memref<8x128xf32, #tpu.memory_space<hbm>>
    %dma_wait3A_90 = tpu.memref_slice %arg11[%dma_wait3A_78] : memref<5x!tpu.dma_semaphore, #tpu.memory_space<semaphore_mem>> -> memref<1x!tpu.dma_semaphore, #tpu.memory_space<semaphore_mem>>
    %dma_wait3A_91 = tpu.memref_squeeze %dma_wait3A_90 : memref<1x!tpu.dma_semaphore, #tpu.memory_space<semaphore_mem>> -> memref<!tpu.dma_semaphore, #tpu.memory_space<semaphore_mem>>
    %dma_wait3A_92 = arith.constant 0 : i32
    %dma_wait3A_93 = arith.constant 0 : i32
    %dma_wait3A_94 = tpu.memref_slice %arg5[%dma_wait3A_76, %dma_wait3A_77, %dma_wait3A_92, %dma_wait3A_93] : memref<800x32x8x128xf32, #tpu.memory_space<hbm>> -> memref<1x1x8x128xf32, #tpu.memory_space<hbm>>
    %dma_wait3A_95 = tpu.memref_squeeze %dma_wait3A_94 : memref<1x1x8x128xf32, #tpu.memory_space<hbm>> -> memref<8x128xf32, #tpu.memory_space<hbm>>
    %dma_wait3A_96 = arith.constant 0 : i32
    %dma_wait3A_97 = arith.constant 0 : i32
    %dma_wait3A_98 = tpu.memref_slice %arg8[%dma_wait3A_75, %dma_wait3A_96, %dma_wait3A_97] : memref<5x32x129xf32, #tpu.memory_space<vmem>> -> memref<1x32x129xf32, #tpu.memory_space<vmem>>
    %dma_wait3A_99 = tpu.memref_squeeze %dma_wait3A_98 : memref<1x32x129xf32, #tpu.memory_space<vmem>> -> memref<32x129xf32, #tpu.memory_space<vmem>>
    %dma_wait3A_100 = arith.constant 8 : i32
    %dma_wait3A_101 = arith.constant 0 : i32
    %dma_wait3A_102 = tpu.memref_slice %dma_wait3A_99[%dma_wait3A_100, %dma_wait3A_101] : memref<32x129xf32, #tpu.memory_space<vmem>> -> memref<8x128xf32, #tpu.memory_space<vmem>>
    tpu.wait_dma2 semaphore(%dma_wait3A_91 : memref<!tpu.dma_semaphore, #tpu.memory_space<semaphore_mem>>) src(%dma_wait3A_102 : memref<8x128xf32, #tpu.memory_space<vmem>>) dst(%dma_wait3A_95 : memref<8x128xf32, #tpu.memory_space<hbm>>)
    %dma_wait3A_103 = arith.constant 0 : i32
    %dma_wait3A_104 = arith.constant 0 : i32
    %dma_wait3A_105 = arith.constant 0 : i32
    %dma_wait3A_106 = arith.constant 0 : i32
    %dma_wait3A_107 = arith.constant 0 : i32
    %dma_wait3A_108 = arith.constant 0 : i32
    %dma_wait3A_109 = tpu.memref_slice %arg8[%dma_wait3A_103, %dma_wait3A_107, %dma_wait3A_108] : memref<5x32x129xf32, #tpu.memory_space<vmem>> -> memref<1x32x129xf32, #tpu.memory_space<vmem>>
    %dma_wait3A_110 = tpu.memref_squeeze %dma_wait3A_109 : memref<1x32x129xf32, #tpu.memory_space<vmem>> -> memref<32x129xf32, #tpu.memory_space<vmem>>
    %dma_wait3A_111 = arith.constant 16 : i32
    %dma_wait3A_112 = arith.constant 0 : i32
    %dma_wait3A_113 = tpu.memref_slice %dma_wait3A_110[%dma_wait3A_111, %dma_wait3A_112] : memref<32x129xf32, #tpu.memory_space<vmem>> -> memref<8x128xf32, #tpu.memory_space<vmem>>
    %dma_wait3A_114 = arith.constant 0 : i32
    %dma_wait3A_115 = arith.constant 0 : i32
    %dma_wait3A_116 = tpu.memref_slice %arg5[%dma_wait3A_104, %dma_wait3A_105, %dma_wait3A_114, %dma_wait3A_115] : memref<800x32x8x128xf32, #tpu.memory_space<hbm>> -> memref<1x1x8x128xf32, #tpu.memory_space<hbm>>
    %dma_wait3A_117 = tpu.memref_squeeze %dma_wait3A_116 : memref<1x1x8x128xf32, #tpu.memory_space<hbm>> -> memref<8x128xf32, #tpu.memory_space<hbm>>
    %dma_wait3A_118 = tpu.memref_slice %arg11[%dma_wait3A_106] : memref<5x!tpu.dma_semaphore, #tpu.memory_space<semaphore_mem>> -> memref<1x!tpu.dma_semaphore, #tpu.memory_space<semaphore_mem>>
    %dma_wait3A_119 = tpu.memref_squeeze %dma_wait3A_118 : memref<1x!tpu.dma_semaphore, #tpu.memory_space<semaphore_mem>> -> memref<!tpu.dma_semaphore, #tpu.memory_space<semaphore_mem>>
    %dma_wait3A_120 = arith.constant 0 : i32
    %dma_wait3A_121 = arith.constant 0 : i32
    %dma_wait3A_122 = tpu.memref_slice %arg5[%dma_wait3A_104, %dma_wait3A_105, %dma_wait3A_120, %dma_wait3A_121] : memref<800x32x8x128xf32, #tpu.memory_space<hbm>> -> memref<1x1x8x128xf32, #tpu.memory_space<hbm>>
    %dma_wait3A_123 = tpu.memref_squeeze %dma_wait3A_122 : memref<1x1x8x128xf32, #tpu.memory_space<hbm>> -> memref<8x128xf32, #tpu.memory_space<hbm>>
    %dma_wait3A_124 = arith.constant 0 : i32
    %dma_wait3A_125 = arith.constant 0 : i32
    %dma_wait3A_126 = tpu.memref_slice %arg8[%dma_wait3A_103, %dma_wait3A_124, %dma_wait3A_125] : memref<5x32x129xf32, #tpu.memory_space<vmem>> -> memref<1x32x129xf32, #tpu.memory_space<vmem>>
    %dma_wait3A_127 = tpu.memref_squeeze %dma_wait3A_126 : memref<1x32x129xf32, #tpu.memory_space<vmem>> -> memref<32x129xf32, #tpu.memory_space<vmem>>
    %dma_wait3A_128 = arith.constant 16 : i32
    %dma_wait3A_129 = arith.constant 0 : i32
    %dma_wait3A_130 = tpu.memref_slice %dma_wait3A_127[%dma_wait3A_128, %dma_wait3A_129] : memref<32x129xf32, #tpu.memory_space<vmem>> -> memref<8x128xf32, #tpu.memory_space<vmem>>
    tpu.wait_dma2 semaphore(%dma_wait3A_119 : memref<!tpu.dma_semaphore, #tpu.memory_space<semaphore_mem>>) src(%dma_wait3A_130 : memref<8x128xf32, #tpu.memory_space<vmem>>) dst(%dma_wait3A_123 : memref<8x128xf32, #tpu.memory_space<hbm>>)
    %dma_wait3A_131 = arith.constant 0 : i32
    %dma_wait3A_132 = arith.constant 0 : i32
    %dma_wait3A_133 = arith.constant 0 : i32
    %dma_wait3A_134 = arith.constant 0 : i32
    %dma_wait3A_135 = arith.constant 0 : i32
    %dma_wait3A_136 = arith.constant 0 : i32
    %dma_wait3A_137 = tpu.memref_slice %arg8[%dma_wait3A_131, %dma_wait3A_135, %dma_wait3A_136] : memref<5x32x129xf32, #tpu.memory_space<vmem>> -> memref<1x32x129xf32, #tpu.memory_space<vmem>>
    %dma_wait3A_138 = tpu.memref_squeeze %dma_wait3A_137 : memref<1x32x129xf32, #tpu.memory_space<vmem>> -> memref<32x129xf32, #tpu.memory_space<vmem>>
    %dma_wait3A_139 = arith.constant 24 : i32
    %dma_wait3A_140 = arith.constant 0 : i32
    %dma_wait3A_141 = tpu.memref_slice %dma_wait3A_138[%dma_wait3A_139, %dma_wait3A_140] : memref<32x129xf32, #tpu.memory_space<vmem>> -> memref<8x128xf32, #tpu.memory_space<vmem>>
    %dma_wait3A_142 = arith.constant 0 : i32
    %dma_wait3A_143 = arith.constant 0 : i32
    %dma_wait3A_144 = tpu.memref_slice %arg5[%dma_wait3A_132, %dma_wait3A_133, %dma_wait3A_142, %dma_wait3A_143] : memref<800x32x8x128xf32, #tpu.memory_space<hbm>> -> memref<1x1x8x128xf32, #tpu.memory_space<hbm>>
    %dma_wait3A_145 = tpu.memref_squeeze %dma_wait3A_144 : memref<1x1x8x128xf32, #tpu.memory_space<hbm>> -> memref<8x128xf32, #tpu.memory_space<hbm>>
    %dma_wait3A_146 = tpu.memref_slice %arg11[%dma_wait3A_134] : memref<5x!tpu.dma_semaphore, #tpu.memory_space<semaphore_mem>> -> memref<1x!tpu.dma_semaphore, #tpu.memory_space<semaphore_mem>>
    %dma_wait3A_147 = tpu.memref_squeeze %dma_wait3A_146 : memref<1x!tpu.dma_semaphore, #tpu.memory_space<semaphore_mem>> -> memref<!tpu.dma_semaphore, #tpu.memory_space<semaphore_mem>>
    %dma_wait3A_148 = arith.constant 0 : i32
    %dma_wait3A_149 = arith.constant 0 : i32
    %dma_wait3A_150 = tpu.memref_slice %arg5[%dma_wait3A_132, %dma_wait3A_133, %dma_wait3A_148, %dma_wait3A_149] : memref<800x32x8x128xf32, #tpu.memory_space<hbm>> -> memref<1x1x8x128xf32, #tpu.memory_space<hbm>>
    %dma_wait3A_151 = tpu.memref_squeeze %dma_wait3A_150 : memref<1x1x8x128xf32, #tpu.memory_space<hbm>> -> memref<8x128xf32, #tpu.memory_space<hbm>>
    %dma_wait3A_152 = arith.constant 0 : i32
    %dma_wait3A_153 = arith.constant 0 : i32
    %dma_wait3A_154 = tpu.memref_slice %arg8[%dma_wait3A_131, %dma_wait3A_152, %dma_wait3A_153] : memref<5x32x129xf32, #tpu.memory_space<vmem>> -> memref<1x32x129xf32, #tpu.memory_space<vmem>>
    %dma_wait3A_155 = tpu.memref_squeeze %dma_wait3A_154 : memref<1x32x129xf32, #tpu.memory_space<vmem>> -> memref<32x129xf32, #tpu.memory_space<vmem>>
    %dma_wait3A_156 = arith.constant 24 : i32
    %dma_wait3A_157 = arith.constant 0 : i32
    %dma_wait3A_158 = tpu.memref_slice %dma_wait3A_155[%dma_wait3A_156, %dma_wait3A_157] : memref<32x129xf32, #tpu.memory_space<vmem>> -> memref<8x128xf32, #tpu.memory_space<vmem>>
    tpu.wait_dma2 semaphore(%dma_wait3A_147 : memref<!tpu.dma_semaphore, #tpu.memory_space<semaphore_mem>>) src(%dma_wait3A_158 : memref<8x128xf32, #tpu.memory_space<vmem>>) dst(%dma_wait3A_151 : memref<8x128xf32, #tpu.memory_space<hbm>>)
    %dma_wait3A_159 = arith.constant 1 : i32
    %dma_wait3A_160 = arith.constant 0 : i32
    %dma_wait3A_161 = arith.constant 0 : i32
    %dma_wait3A_162 = arith.constant 1 : i32
    %dma_wait3A_163 = arith.constant 0 : i32
    %dma_wait3A_164 = arith.constant 0 : i32
    %dma_wait3A_165 = tpu.memref_slice %arg8[%dma_wait3A_159, %dma_wait3A_163, %dma_wait3A_164] : memref<5x32x129xf32, #tpu.memory_space<vmem>> -> memref<1x32x129xf32, #tpu.memory_space<vmem>>
    %dma_wait3A_166 = tpu.memref_squeeze %dma_wait3A_165 : memref<1x32x129xf32, #tpu.memory_space<vmem>> -> memref<32x129xf32, #tpu.memory_space<vmem>>
    %dma_wait3A_167 = arith.constant 0 : i32
    %dma_wait3A_168 = arith.constant 0 : i32
    %dma_wait3A_169 = tpu.memref_slice %dma_wait3A_166[%dma_wait3A_167, %dma_wait3A_168] : memref<32x129xf32, #tpu.memory_space<vmem>> -> memref<8x128xf32, #tpu.memory_space<vmem>>
    %dma_wait3A_170 = arith.constant 0 : i32
    %dma_wait3A_171 = arith.constant 0 : i32
    %dma_wait3A_172 = tpu.memref_slice %arg5[%dma_wait3A_160, %dma_wait3A_161, %dma_wait3A_170, %dma_wait3A_171] : memref<800x32x8x128xf32, #tpu.memory_space<hbm>> -> memref<1x1x8x128xf32, #tpu.memory_space<hbm>>
    %dma_wait3A_173 = tpu.memref_squeeze %dma_wait3A_172 : memref<1x1x8x128xf32, #tpu.memory_space<hbm>> -> memref<8x128xf32, #tpu.memory_space<hbm>>
    %dma_wait3A_174 = tpu.memref_slice %arg11[%dma_wait3A_162] : memref<5x!tpu.dma_semaphore, #tpu.memory_space<semaphore_mem>> -> memref<1x!tpu.dma_semaphore, #tpu.memory_space<semaphore_mem>>
    %dma_wait3A_175 = tpu.memref_squeeze %dma_wait3A_174 : memref<1x!tpu.dma_semaphore, #tpu.memory_space<semaphore_mem>> -> memref<!tpu.dma_semaphore, #tpu.memory_space<semaphore_mem>>
    %dma_wait3A_176 = arith.constant 0 : i32
    %dma_wait3A_177 = arith.constant 0 : i32
    %dma_wait3A_178 = tpu.memref_slice %arg5[%dma_wait3A_160, %dma_wait3A_161, %dma_wait3A_176, %dma_wait3A_177] : memref<800x32x8x128xf32, #tpu.memory_space<hbm>> -> memref<1x1x8x128xf32, #tpu.memory_space<hbm>>
    %dma_wait3A_179 = tpu.memref_squeeze %dma_wait3A_178 : memref<1x1x8x128xf32, #tpu.memory_space<hbm>> -> memref<8x128xf32, #tpu.memory_space<hbm>>
    %dma_wait3A_180 = arith.constant 0 : i32
    %dma_wait3A_181 = arith.constant 0 : i32
    %dma_wait3A_182 = tpu.memref_slice %arg8[%dma_wait3A_159, %dma_wait3A_180, %dma_wait3A_181] : memref<5x32x129xf32, #tpu.memory_space<vmem>> -> memref<1x32x129xf32, #tpu.memory_space<vmem>>
    %dma_wait3A_183 = tpu.memref_squeeze %dma_wait3A_182 : memref<1x32x129xf32, #tpu.memory_space<vmem>> -> memref<32x129xf32, #tpu.memory_space<vmem>>
    %dma_wait3A_184 = arith.constant 0 : i32
    %dma_wait3A_185 = arith.constant 0 : i32
    %dma_wait3A_186 = tpu.memref_slice %dma_wait3A_183[%dma_wait3A_184, %dma_wait3A_185] : memref<32x129xf32, #tpu.memory_space<vmem>> -> memref<8x128xf32, #tpu.memory_space<vmem>>
    tpu.wait_dma2 semaphore(%dma_wait3A_175 : memref<!tpu.dma_semaphore, #tpu.memory_space<semaphore_mem>>) src(%dma_wait3A_186 : memref<8x128xf32, #tpu.memory_space<vmem>>) dst(%dma_wait3A_179 : memref<8x128xf32, #tpu.memory_space<hbm>>)
    %dma_wait3A_187 = arith.constant 1 : i32
    %dma_wait3A_188 = arith.constant 0 : i32
    %dma_wait3A_189 = arith.constant 0 : i32
    %dma_wait3A_190 = arith.constant 1 : i32
    %dma_wait3A_191 = arith.constant 0 : i32
    %dma_wait3A_192 = arith.constant 0 : i32
    %dma_wait3A_193 = tpu.memref_slice %arg8[%dma_wait3A_187, %dma_wait3A_191, %dma_wait3A_192] : memref<5x32x129xf32, #tpu.memory_space<vmem>> -> memref<1x32x129xf32, #tpu.memory_space<vmem>>
    %dma_wait3A_194 = tpu.memref_squeeze %dma_wait3A_193 : memref<1x32x129xf32, #tpu.memory_space<vmem>> -> memref<32x129xf32, #tpu.memory_space<vmem>>
    %dma_wait3A_195 = arith.constant 8 : i32
    %dma_wait3A_196 = arith.constant 0 : i32
    %dma_wait3A_197 = tpu.memref_slice %dma_wait3A_194[%dma_wait3A_195, %dma_wait3A_196] : memref<32x129xf32, #tpu.memory_space<vmem>> -> memref<8x128xf32, #tpu.memory_space<vmem>>
    %dma_wait3A_198 = arith.constant 0 : i32
    %dma_wait3A_199 = arith.constant 0 : i32
    %dma_wait3A_200 = tpu.memref_slice %arg5[%dma_wait3A_188, %dma_wait3A_189, %dma_wait3A_198, %dma_wait3A_199] : memref<800x32x8x128xf32, #tpu.memory_space<hbm>> -> memref<1x1x8x128xf32, #tpu.memory_space<hbm>>
    %dma_wait3A_201 = tpu.memref_squeeze %dma_wait3A_200 : memref<1x1x8x128xf32, #tpu.memory_space<hbm>> -> memref<8x128xf32, #tpu.memory_space<hbm>>
    %dma_wait3A_202 = tpu.memref_slice %arg11[%dma_wait3A_190] : memref<5x!tpu.dma_semaphore, #tpu.memory_space<semaphore_mem>> -> memref<1x!tpu.dma_semaphore, #tpu.memory_space<semaphore_mem>>
    %dma_wait3A_203 = tpu.memref_squeeze %dma_wait3A_202 : memref<1x!tpu.dma_semaphore, #tpu.memory_space<semaphore_mem>> -> memref<!tpu.dma_semaphore, #tpu.memory_space<semaphore_mem>>
    %dma_wait3A_204 = arith.constant 0 : i32
    %dma_wait3A_205 = arith.constant 0 : i32
    %dma_wait3A_206 = tpu.memref_slice %arg5[%dma_wait3A_188, %dma_wait3A_189, %dma_wait3A_204, %dma_wait3A_205] : memref<800x32x8x128xf32, #tpu.memory_space<hbm>> -> memref<1x1x8x128xf32, #tpu.memory_space<hbm>>
    %dma_wait3A_207 = tpu.memref_squeeze %dma_wait3A_206 : memref<1x1x8x128xf32, #tpu.memory_space<hbm>> -> memref<8x128xf32, #tpu.memory_space<hbm>>
    %dma_wait3A_208 = arith.constant 0 : i32
    %dma_wait3A_209 = arith.constant 0 : i32
    %dma_wait3A_210 = tpu.memref_slice %arg8[%dma_wait3A_187, %dma_wait3A_208, %dma_wait3A_209] : memref<5x32x129xf32, #tpu.memory_space<vmem>> -> memref<1x32x129xf32, #tpu.memory_space<vmem>>
    %dma_wait3A_211 = tpu.memref_squeeze %dma_wait3A_210 : memref<1x32x129xf32, #tpu.memory_space<vmem>> -> memref<32x129xf32, #tpu.memory_space<vmem>>
    %dma_wait3A_212 = arith.constant 8 : i32
    %dma_wait3A_213 = arith.constant 0 : i32
    %dma_wait3A_214 = tpu.memref_slice %dma_wait3A_211[%dma_wait3A_212, %dma_wait3A_213] : memref<32x129xf32, #tpu.memory_space<vmem>> -> memref<8x128xf32, #tpu.memory_space<vmem>>
    tpu.wait_dma2 semaphore(%dma_wait3A_203 : memref<!tpu.dma_semaphore, #tpu.memory_space<semaphore_mem>>) src(%dma_wait3A_214 : memref<8x128xf32, #tpu.memory_space<vmem>>) dst(%dma_wait3A_207 : memref<8x128xf32, #tpu.memory_space<hbm>>)
    %dma_wait3A_215 = arith.constant 1 : i32
    %dma_wait3A_216 = arith.constant 0 : i32
    %dma_wait3A_217 = arith.constant 0 : i32
    %dma_wait3A_218 = arith.constant 1 : i32
    %dma_wait3A_219 = arith.constant 0 : i32
    %dma_wait3A_220 = arith.constant 0 : i32
    %dma_wait3A_221 = tpu.memref_slice %arg8[%dma_wait3A_215, %dma_wait3A_219, %dma_wait3A_220] : memref<5x32x129xf32, #tpu.memory_space<vmem>> -> memref<1x32x129xf32, #tpu.memory_space<vmem>>
    %dma_wait3A_222 = tpu.memref_squeeze %dma_wait3A_221 : memref<1x32x129xf32, #tpu.memory_space<vmem>> -> memref<32x129xf32, #tpu.memory_space<vmem>>
    %dma_wait3A_223 = arith.constant 16 : i32
    %dma_wait3A_224 = arith.constant 0 : i32
    %dma_wait3A_225 = tpu.memref_slice %dma_wait3A_222[%dma_wait3A_223, %dma_wait3A_224] : memref<32x129xf32, #tpu.memory_space<vmem>> -> memref<8x128xf32, #tpu.memory_space<vmem>>
    %dma_wait3A_226 = arith.constant 0 : i32
    %dma_wait3A_227 = arith.constant 0 : i32
    %dma_wait3A_228 = tpu.memref_slice %arg5[%dma_wait3A_216, %dma_wait3A_217, %dma_wait3A_226, %dma_wait3A_227] : memref<800x32x8x128xf32, #tpu.memory_space<hbm>> -> memref<1x1x8x128xf32, #tpu.memory_space<hbm>>
    %dma_wait3A_229 = tpu.memref_squeeze %dma_wait3A_228 : memref<1x1x8x128xf32, #tpu.memory_space<hbm>> -> memref<8x128xf32, #tpu.memory_space<hbm>>
    %dma_wait3A_230 = tpu.memref_slice %arg11[%dma_wait3A_218] : memref<5x!tpu.dma_semaphore, #tpu.memory_space<semaphore_mem>> -> memref<1x!tpu.dma_semaphore, #tpu.memory_space<semaphore_mem>>
    %dma_wait3A_231 = tpu.memref_squeeze %dma_wait3A_230 : memref<1x!tpu.dma_semaphore, #tpu.memory_space<semaphore_mem>> -> memref<!tpu.dma_semaphore, #tpu.memory_space<semaphore_mem>>
    %dma_wait3A_232 = arith.constant 0 : i32
    %dma_wait3A_233 = arith.constant 0 : i32
    %dma_wait3A_234 = tpu.memref_slice %arg5[%dma_wait3A_216, %dma_wait3A_217, %dma_wait3A_232, %dma_wait3A_233] : memref<800x32x8x128xf32, #tpu.memory_space<hbm>> -> memref<1x1x8x128xf32, #tpu.memory_space<hbm>>
    %dma_wait3A_235 = tpu.memref_squeeze %dma_wait3A_234 : memref<1x1x8x128xf32, #tpu.memory_space<hbm>> -> memref<8x128xf32, #tpu.memory_space<hbm>>
    %dma_wait3A_236 = arith.constant 0 : i32
    %dma_wait3A_237 = arith.constant 0 : i32
    %dma_wait3A_238 = tpu.memref_slice %arg8[%dma_wait3A_215, %dma_wait3A_236, %dma_wait3A_237] : memref<5x32x129xf32, #tpu.memory_space<vmem>> -> memref<1x32x129xf32, #tpu.memory_space<vmem>>
    %dma_wait3A_239 = tpu.memref_squeeze %dma_wait3A_238 : memref<1x32x129xf32, #tpu.memory_space<vmem>> -> memref<32x129xf32, #tpu.memory_space<vmem>>
    %dma_wait3A_240 = arith.constant 16 : i32
    %dma_wait3A_241 = arith.constant 0 : i32
    %dma_wait3A_242 = tpu.memref_slice %dma_wait3A_239[%dma_wait3A_240, %dma_wait3A_241] : memref<32x129xf32, #tpu.memory_space<vmem>> -> memref<8x128xf32, #tpu.memory_space<vmem>>
    tpu.wait_dma2 semaphore(%dma_wait3A_231 : memref<!tpu.dma_semaphore, #tpu.memory_space<semaphore_mem>>) src(%dma_wait3A_242 : memref<8x128xf32, #tpu.memory_space<vmem>>) dst(%dma_wait3A_235 : memref<8x128xf32, #tpu.memory_space<hbm>>)
    %dma_wait3A_243 = arith.constant 1 : i32
    %dma_wait3A_244 = arith.constant 0 : i32
    %dma_wait3A_245 = arith.constant 0 : i32
    %dma_wait3A_246 = arith.constant 1 : i32
    %dma_wait3A_247 = arith.constant 0 : i32
    %dma_wait3A_248 = arith.constant 0 : i32
    %dma_wait3A_249 = tpu.memref_slice %arg8[%dma_wait3A_243, %dma_wait3A_247, %dma_wait3A_248] : memref<5x32x129xf32, #tpu.memory_space<vmem>> -> memref<1x32x129xf32, #tpu.memory_space<vmem>>
    %dma_wait3A_250 = tpu.memref_squeeze %dma_wait3A_249 : memref<1x32x129xf32, #tpu.memory_space<vmem>> -> memref<32x129xf32, #tpu.memory_space<vmem>>
    %dma_wait3A_251 = arith.constant 24 : i32
    %dma_wait3A_252 = arith.constant 0 : i32
    %dma_wait3A_253 = tpu.memref_slice %dma_wait3A_250[%dma_wait3A_251, %dma_wait3A_252] : memref<32x129xf32, #tpu.memory_space<vmem>> -> memref<8x128xf32, #tpu.memory_space<vmem>>
    %dma_wait3A_254 = arith.constant 0 : i32
    %dma_wait3A_255 = arith.constant 0 : i32
    %dma_wait3A_256 = tpu.memref_slice %arg5[%dma_wait3A_244, %dma_wait3A_245, %dma_wait3A_254, %dma_wait3A_255] : memref<800x32x8x128xf32, #tpu.memory_space<hbm>> -> memref<1x1x8x128xf32, #tpu.memory_space<hbm>>
    %dma_wait3A_257 = tpu.memref_squeeze %dma_wait3A_256 : memref<1x1x8x128xf32, #tpu.memory_space<hbm>> -> memref<8x128xf32, #tpu.memory_space<hbm>>
    %dma_wait3A_258 = tpu.memref_slice %arg11[%dma_wait3A_246] : memref<5x!tpu.dma_semaphore, #tpu.memory_space<semaphore_mem>> -> memref<1x!tpu.dma_semaphore, #tpu.memory_space<semaphore_mem>>
    %dma_wait3A_259 = tpu.memref_squeeze %dma_wait3A_258 : memref<1x!tpu.dma_semaphore, #tpu.memory_space<semaphore_mem>> -> memref<!tpu.dma_semaphore, #tpu.memory_space<semaphore_mem>>
    %dma_wait3A_260 = arith.constant 0 : i32
    %dma_wait3A_261 = arith.constant 0 : i32
    %dma_wait3A_262 = tpu.memref_slice %arg5[%dma_wait3A_244, %dma_wait3A_245, %dma_wait3A_260, %dma_wait3A_261] : memref<800x32x8x128xf32, #tpu.memory_space<hbm>> -> memref<1x1x8x128xf32, #tpu.memory_space<hbm>>
    %dma_wait3A_263 = tpu.memref_squeeze %dma_wait3A_262 : memref<1x1x8x128xf32, #tpu.memory_space<hbm>> -> memref<8x128xf32, #tpu.memory_space<hbm>>
    %dma_wait3A_264 = arith.constant 0 : i32
    %dma_wait3A_265 = arith.constant 0 : i32
    %dma_wait3A_266 = tpu.memref_slice %arg8[%dma_wait3A_243, %dma_wait3A_264, %dma_wait3A_265] : memref<5x32x129xf32, #tpu.memory_space<vmem>> -> memref<1x32x129xf32, #tpu.memory_space<vmem>>
    %dma_wait3A_267 = tpu.memref_squeeze %dma_wait3A_266 : memref<1x32x129xf32, #tpu.memory_space<vmem>> -> memref<32x129xf32, #tpu.memory_space<vmem>>
    %dma_wait3A_268 = arith.constant 24 : i32
    %dma_wait3A_269 = arith.constant 0 : i32
    %dma_wait3A_270 = tpu.memref_slice %dma_wait3A_267[%dma_wait3A_268, %dma_wait3A_269] : memref<32x129xf32, #tpu.memory_space<vmem>> -> memref<8x128xf32, #tpu.memory_space<vmem>>
    tpu.wait_dma2 semaphore(%dma_wait3A_259 : memref<!tpu.dma_semaphore, #tpu.memory_space<semaphore_mem>>) src(%dma_wait3A_270 : memref<8x128xf32, #tpu.memory_space<vmem>>) dst(%dma_wait3A_263 : memref<8x128xf32, #tpu.memory_space<hbm>>)
    %dma_wait3A_271 = arith.constant 2 : i32
    %dma_wait3A_272 = arith.constant 0 : i32
    %dma_wait3A_273 = arith.constant 0 : i32
    %dma_wait3A_274 = arith.constant 2 : i32
    %dma_wait3A_275 = arith.constant 0 : i32
    %dma_wait3A_276 = arith.constant 0 : i32
    %dma_wait3A_277 = tpu.memref_slice %arg8[%dma_wait3A_271, %dma_wait3A_275, %dma_wait3A_276] : memref<5x32x129xf32, #tpu.memory_space<vmem>> -> memref<1x32x129xf32, #tpu.memory_space<vmem>>
    %dma_wait3A_278 = tpu.memref_squeeze %dma_wait3A_277 : memref<1x32x129xf32, #tpu.memory_space<vmem>> -> memref<32x129xf32, #tpu.memory_space<vmem>>
    %dma_wait3A_279 = arith.constant 0 : i32
    %dma_wait3A_280 = arith.constant 0 : i32
    %dma_wait3A_281 = tpu.memref_slice %dma_wait3A_278[%dma_wait3A_279, %dma_wait3A_280] : memref<32x129xf32, #tpu.memory_space<vmem>> -> memref<8x128xf32, #tpu.memory_space<vmem>>
    %dma_wait3A_282 = arith.constant 0 : i32
    %dma_wait3A_283 = arith.constant 0 : i32
    %dma_wait3A_284 = tpu.memref_slice %arg5[%dma_wait3A_272, %dma_wait3A_273, %dma_wait3A_282, %dma_wait3A_283] : memref<800x32x8x128xf32, #tpu.memory_space<hbm>> -> memref<1x1x8x128xf32, #tpu.memory_space<hbm>>
    %dma_wait3A_285 = tpu.memref_squeeze %dma_wait3A_284 : memref<1x1x8x128xf32, #tpu.memory_space<hbm>> -> memref<8x128xf32, #tpu.memory_space<hbm>>
    %dma_wait3A_286 = tpu.memref_slice %arg11[%dma_wait3A_274] : memref<5x!tpu.dma_semaphore, #tpu.memory_space<semaphore_mem>> -> memref<1x!tpu.dma_semaphore, #tpu.memory_space<semaphore_mem>>
    %dma_wait3A_287 = tpu.memref_squeeze %dma_wait3A_286 : memref<1x!tpu.dma_semaphore, #tpu.memory_space<semaphore_mem>> -> memref<!tpu.dma_semaphore, #tpu.memory_space<semaphore_mem>>
    %dma_wait3A_288 = arith.constant 0 : i32
    %dma_wait3A_289 = arith.constant 0 : i32
    %dma_wait3A_290 = tpu.memref_slice %arg5[%dma_wait3A_272, %dma_wait3A_273, %dma_wait3A_288, %dma_wait3A_289] : memref<800x32x8x128xf32, #tpu.memory_space<hbm>> -> memref<1x1x8x128xf32, #tpu.memory_space<hbm>>
    %dma_wait3A_291 = tpu.memref_squeeze %dma_wait3A_290 : memref<1x1x8x128xf32, #tpu.memory_space<hbm>> -> memref<8x128xf32, #tpu.memory_space<hbm>>
    %dma_wait3A_292 = arith.constant 0 : i32
    %dma_wait3A_293 = arith.constant 0 : i32
    %dma_wait3A_294 = tpu.memref_slice %arg8[%dma_wait3A_271, %dma_wait3A_292, %dma_wait3A_293] : memref<5x32x129xf32, #tpu.memory_space<vmem>> -> memref<1x32x129xf32, #tpu.memory_space<vmem>>
    %dma_wait3A_295 = tpu.memref_squeeze %dma_wait3A_294 : memref<1x32x129xf32, #tpu.memory_space<vmem>> -> memref<32x129xf32, #tpu.memory_space<vmem>>
    %dma_wait3A_296 = arith.constant 0 : i32
    %dma_wait3A_297 = arith.constant 0 : i32
    %dma_wait3A_298 = tpu.memref_slice %dma_wait3A_295[%dma_wait3A_296, %dma_wait3A_297] : memref<32x129xf32, #tpu.memory_space<vmem>> -> memref<8x128xf32, #tpu.memory_space<vmem>>
    tpu.wait_dma2 semaphore(%dma_wait3A_287 : memref<!tpu.dma_semaphore, #tpu.memory_space<semaphore_mem>>) src(%dma_wait3A_298 : memref<8x128xf32, #tpu.memory_space<vmem>>) dst(%dma_wait3A_291 : memref<8x128xf32, #tpu.memory_space<hbm>>)
    %dma_wait3A_299 = arith.constant 2 : i32
    %dma_wait3A_300 = arith.constant 0 : i32
    %dma_wait3A_301 = arith.constant 0 : i32
    %dma_wait3A_302 = arith.constant 2 : i32
    %dma_wait3A_303 = arith.constant 0 : i32
    %dma_wait3A_304 = arith.constant 0 : i32
    %dma_wait3A_305 = tpu.memref_slice %arg8[%dma_wait3A_299, %dma_wait3A_303, %dma_wait3A_304] : memref<5x32x129xf32, #tpu.memory_space<vmem>> -> memref<1x32x129xf32, #tpu.memory_space<vmem>>
    %dma_wait3A_306 = tpu.memref_squeeze %dma_wait3A_305 : memref<1x32x129xf32, #tpu.memory_space<vmem>> -> memref<32x129xf32, #tpu.memory_space<vmem>>
    %dma_wait3A_307 = arith.constant 8 : i32
    %dma_wait3A_308 = arith.constant 0 : i32
    %dma_wait3A_309 = tpu.memref_slice %dma_wait3A_306[%dma_wait3A_307, %dma_wait3A_308] : memref<32x129xf32, #tpu.memory_space<vmem>> -> memref<8x128xf32, #tpu.memory_space<vmem>>
    %dma_wait3A_310 = arith.constant 0 : i32
    %dma_wait3A_311 = arith.constant 0 : i32
    %dma_wait3A_312 = tpu.memref_slice %arg5[%dma_wait3A_300, %dma_wait3A_301, %dma_wait3A_310, %dma_wait3A_311] : memref<800x32x8x128xf32, #tpu.memory_space<hbm>> -> memref<1x1x8x128xf32, #tpu.memory_space<hbm>>
    %dma_wait3A_313 = tpu.memref_squeeze %dma_wait3A_312 : memref<1x1x8x128xf32, #tpu.memory_space<hbm>> -> memref<8x128xf32, #tpu.memory_space<hbm>>
    %dma_wait3A_314 = tpu.memref_slice %arg11[%dma_wait3A_302] : memref<5x!tpu.dma_semaphore, #tpu.memory_space<semaphore_mem>> -> memref<1x!tpu.dma_semaphore, #tpu.memory_space<semaphore_mem>>
    %dma_wait3A_315 = tpu.memref_squeeze %dma_wait3A_314 : memref<1x!tpu.dma_semaphore, #tpu.memory_space<semaphore_mem>> -> memref<!tpu.dma_semaphore, #tpu.memory_space<semaphore_mem>>
    %dma_wait3A_316 = arith.constant 0 : i32
    %dma_wait3A_317 = arith.constant 0 : i32
    %dma_wait3A_318 = tpu.memref_slice %arg5[%dma_wait3A_300, %dma_wait3A_301, %dma_wait3A_316, %dma_wait3A_317] : memref<800x32x8x128xf32, #tpu.memory_space<hbm>> -> memref<1x1x8x128xf32, #tpu.memory_space<hbm>>
    %dma_wait3A_319 = tpu.memref_squeeze %dma_wait3A_318 : memref<1x1x8x128xf32, #tpu.memory_space<hbm>> -> memref<8x128xf32, #tpu.memory_space<hbm>>
    %dma_wait3A_320 = arith.constant 0 : i32
    %dma_wait3A_321 = arith.constant 0 : i32
    %dma_wait3A_322 = tpu.memref_slice %arg8[%dma_wait3A_299, %dma_wait3A_320, %dma_wait3A_321] : memref<5x32x129xf32, #tpu.memory_space<vmem>> -> memref<1x32x129xf32, #tpu.memory_space<vmem>>
    %dma_wait3A_323 = tpu.memref_squeeze %dma_wait3A_322 : memref<1x32x129xf32, #tpu.memory_space<vmem>> -> memref<32x129xf32, #tpu.memory_space<vmem>>
    %dma_wait3A_324 = arith.constant 8 : i32
    %dma_wait3A_325 = arith.constant 0 : i32
    %dma_wait3A_326 = tpu.memref_slice %dma_wait3A_323[%dma_wait3A_324, %dma_wait3A_325] : memref<32x129xf32, #tpu.memory_space<vmem>> -> memref<8x128xf32, #tpu.memory_space<vmem>>
    tpu.wait_dma2 semaphore(%dma_wait3A_315 : memref<!tpu.dma_semaphore, #tpu.memory_space<semaphore_mem>>) src(%dma_wait3A_326 : memref<8x128xf32, #tpu.memory_space<vmem>>) dst(%dma_wait3A_319 : memref<8x128xf32, #tpu.memory_space<hbm>>)
    %dma_wait3A_327 = arith.constant 2 : i32
    %dma_wait3A_328 = arith.constant 0 : i32
    %dma_wait3A_329 = arith.constant 0 : i32
    %dma_wait3A_330 = arith.constant 2 : i32
    %dma_wait3A_331 = arith.constant 0 : i32
    %dma_wait3A_332 = arith.constant 0 : i32
    %dma_wait3A_333 = tpu.memref_slice %arg8[%dma_wait3A_327, %dma_wait3A_331, %dma_wait3A_332] : memref<5x32x129xf32, #tpu.memory_space<vmem>> -> memref<1x32x129xf32, #tpu.memory_space<vmem>>
    %dma_wait3A_334 = tpu.memref_squeeze %dma_wait3A_333 : memref<1x32x129xf32, #tpu.memory_space<vmem>> -> memref<32x129xf32, #tpu.memory_space<vmem>>
    %dma_wait3A_335 = arith.constant 16 : i32
    %dma_wait3A_336 = arith.constant 0 : i32
    %dma_wait3A_337 = tpu.memref_slice %dma_wait3A_334[%dma_wait3A_335, %dma_wait3A_336] : memref<32x129xf32, #tpu.memory_space<vmem>> -> memref<8x128xf32, #tpu.memory_space<vmem>>
    %dma_wait3A_338 = arith.constant 0 : i32
    %dma_wait3A_339 = arith.constant 0 : i32
    %dma_wait3A_340 = tpu.memref_slice %arg5[%dma_wait3A_328, %dma_wait3A_329, %dma_wait3A_338, %dma_wait3A_339] : memref<800x32x8x128xf32, #tpu.memory_space<hbm>> -> memref<1x1x8x128xf32, #tpu.memory_space<hbm>>
    %dma_wait3A_341 = tpu.memref_squeeze %dma_wait3A_340 : memref<1x1x8x128xf32, #tpu.memory_space<hbm>> -> memref<8x128xf32, #tpu.memory_space<hbm>>
    %dma_wait3A_342 = tpu.memref_slice %arg11[%dma_wait3A_330] : memref<5x!tpu.dma_semaphore, #tpu.memory_space<semaphore_mem>> -> memref<1x!tpu.dma_semaphore, #tpu.memory_space<semaphore_mem>>
    %dma_wait3A_343 = tpu.memref_squeeze %dma_wait3A_342 : memref<1x!tpu.dma_semaphore, #tpu.memory_space<semaphore_mem>> -> memref<!tpu.dma_semaphore, #tpu.memory_space<semaphore_mem>>
    %dma_wait3A_344 = arith.constant 0 : i32
    %dma_wait3A_345 = arith.constant 0 : i32
    %dma_wait3A_346 = tpu.memref_slice %arg5[%dma_wait3A_328, %dma_wait3A_329, %dma_wait3A_344, %dma_wait3A_345] : memref<800x32x8x128xf32, #tpu.memory_space<hbm>> -> memref<1x1x8x128xf32, #tpu.memory_space<hbm>>
    %dma_wait3A_347 = tpu.memref_squeeze %dma_wait3A_346 : memref<1x1x8x128xf32, #tpu.memory_space<hbm>> -> memref<8x128xf32, #tpu.memory_space<hbm>>
    %dma_wait3A_348 = arith.constant 0 : i32
    %dma_wait3A_349 = arith.constant 0 : i32
    %dma_wait3A_350 = tpu.memref_slice %arg8[%dma_wait3A_327, %dma_wait3A_348, %dma_wait3A_349] : memref<5x32x129xf32, #tpu.memory_space<vmem>> -> memref<1x32x129xf32, #tpu.memory_space<vmem>>
    %dma_wait3A_351 = tpu.memref_squeeze %dma_wait3A_350 : memref<1x32x129xf32, #tpu.memory_space<vmem>> -> memref<32x129xf32, #tpu.memory_space<vmem>>
    %dma_wait3A_352 = arith.constant 16 : i32
    %dma_wait3A_353 = arith.constant 0 : i32
    %dma_wait3A_354 = tpu.memref_slice %dma_wait3A_351[%dma_wait3A_352, %dma_wait3A_353] : memref<32x129xf32, #tpu.memory_space<vmem>> -> memref<8x128xf32, #tpu.memory_space<vmem>>
    tpu.wait_dma2 semaphore(%dma_wait3A_343 : memref<!tpu.dma_semaphore, #tpu.memory_space<semaphore_mem>>) src(%dma_wait3A_354 : memref<8x128xf32, #tpu.memory_space<vmem>>) dst(%dma_wait3A_347 : memref<8x128xf32, #tpu.memory_space<hbm>>)
    %dma_wait3A_355 = arith.constant 2 : i32
    %dma_wait3A_356 = arith.constant 0 : i32
    %dma_wait3A_357 = arith.constant 0 : i32
    %dma_wait3A_358 = arith.constant 2 : i32
    %dma_wait3A_359 = arith.constant 0 : i32
    %dma_wait3A_360 = arith.constant 0 : i32
    %dma_wait3A_361 = tpu.memref_slice %arg8[%dma_wait3A_355, %dma_wait3A_359, %dma_wait3A_360] : memref<5x32x129xf32, #tpu.memory_space<vmem>> -> memref<1x32x129xf32, #tpu.memory_space<vmem>>
    %dma_wait3A_362 = tpu.memref_squeeze %dma_wait3A_361 : memref<1x32x129xf32, #tpu.memory_space<vmem>> -> memref<32x129xf32, #tpu.memory_space<vmem>>
    %dma_wait3A_363 = arith.constant 24 : i32
    %dma_wait3A_364 = arith.constant 0 : i32
    %dma_wait3A_365 = tpu.memref_slice %dma_wait3A_362[%dma_wait3A_363, %dma_wait3A_364] : memref<32x129xf32, #tpu.memory_space<vmem>> -> memref<8x128xf32, #tpu.memory_space<vmem>>
    %dma_wait3A_366 = arith.constant 0 : i32
    %dma_wait3A_367 = arith.constant 0 : i32
    %dma_wait3A_368 = tpu.memref_slice %arg5[%dma_wait3A_356, %dma_wait3A_357, %dma_wait3A_366, %dma_wait3A_367] : memref<800x32x8x128xf32, #tpu.memory_space<hbm>> -> memref<1x1x8x128xf32, #tpu.memory_space<hbm>>
    %dma_wait3A_369 = tpu.memref_squeeze %dma_wait3A_368 : memref<1x1x8x128xf32, #tpu.memory_space<hbm>> -> memref<8x128xf32, #tpu.memory_space<hbm>>
    %dma_wait3A_370 = tpu.memref_slice %arg11[%dma_wait3A_358] : memref<5x!tpu.dma_semaphore, #tpu.memory_space<semaphore_mem>> -> memref<1x!tpu.dma_semaphore, #tpu.memory_space<semaphore_mem>>
    %dma_wait3A_371 = tpu.memref_squeeze %dma_wait3A_370 : memref<1x!tpu.dma_semaphore, #tpu.memory_space<semaphore_mem>> -> memref<!tpu.dma_semaphore, #tpu.memory_space<semaphore_mem>>
    %dma_wait3A_372 = arith.constant 0 : i32
    %dma_wait3A_373 = arith.constant 0 : i32
    %dma_wait3A_374 = tpu.memref_slice %arg5[%dma_wait3A_356, %dma_wait3A_357, %dma_wait3A_372, %dma_wait3A_373] : memref<800x32x8x128xf32, #tpu.memory_space<hbm>> -> memref<1x1x8x128xf32, #tpu.memory_space<hbm>>
    %dma_wait3A_375 = tpu.memref_squeeze %dma_wait3A_374 : memref<1x1x8x128xf32, #tpu.memory_space<hbm>> -> memref<8x128xf32, #tpu.memory_space<hbm>>
    %dma_wait3A_376 = arith.constant 0 : i32
    %dma_wait3A_377 = arith.constant 0 : i32
    %dma_wait3A_378 = tpu.memref_slice %arg8[%dma_wait3A_355, %dma_wait3A_376, %dma_wait3A_377] : memref<5x32x129xf32, #tpu.memory_space<vmem>> -> memref<1x32x129xf32, #tpu.memory_space<vmem>>
    %dma_wait3A_379 = tpu.memref_squeeze %dma_wait3A_378 : memref<1x32x129xf32, #tpu.memory_space<vmem>> -> memref<32x129xf32, #tpu.memory_space<vmem>>
    %dma_wait3A_380 = arith.constant 24 : i32
    %dma_wait3A_381 = arith.constant 0 : i32
    %dma_wait3A_382 = tpu.memref_slice %dma_wait3A_379[%dma_wait3A_380, %dma_wait3A_381] : memref<32x129xf32, #tpu.memory_space<vmem>> -> memref<8x128xf32, #tpu.memory_space<vmem>>
    tpu.wait_dma2 semaphore(%dma_wait3A_371 : memref<!tpu.dma_semaphore, #tpu.memory_space<semaphore_mem>>) src(%dma_wait3A_382 : memref<8x128xf32, #tpu.memory_space<vmem>>) dst(%dma_wait3A_375 : memref<8x128xf32, #tpu.memory_space<hbm>>)
    %dma_wait3A_383 = arith.constant 3 : i32
    %dma_wait3A_384 = arith.constant 0 : i32
    %dma_wait3A_385 = arith.constant 0 : i32
    %dma_wait3A_386 = arith.constant 3 : i32
    %dma_wait3A_387 = arith.constant 0 : i32
    %dma_wait3A_388 = arith.constant 0 : i32
    %dma_wait3A_389 = tpu.memref_slice %arg8[%dma_wait3A_383, %dma_wait3A_387, %dma_wait3A_388] : memref<5x32x129xf32, #tpu.memory_space<vmem>> -> memref<1x32x129xf32, #tpu.memory_space<vmem>>
    %dma_wait3A_390 = tpu.memref_squeeze %dma_wait3A_389 : memref<1x32x129xf32, #tpu.memory_space<vmem>> -> memref<32x129xf32, #tpu.memory_space<vmem>>
    %dma_wait3A_391 = arith.constant 0 : i32
    %dma_wait3A_392 = arith.constant 0 : i32
    %dma_wait3A_393 = tpu.memref_slice %dma_wait3A_390[%dma_wait3A_391, %dma_wait3A_392] : memref<32x129xf32, #tpu.memory_space<vmem>> -> memref<8x128xf32, #tpu.memory_space<vmem>>
    %dma_wait3A_394 = arith.constant 0 : i32
    %dma_wait3A_395 = arith.constant 0 : i32
    %dma_wait3A_396 = tpu.memref_slice %arg5[%dma_wait3A_384, %dma_wait3A_385, %dma_wait3A_394, %dma_wait3A_395] : memref<800x32x8x128xf32, #tpu.memory_space<hbm>> -> memref<1x1x8x128xf32, #tpu.memory_space<hbm>>
    %dma_wait3A_397 = tpu.memref_squeeze %dma_wait3A_396 : memref<1x1x8x128xf32, #tpu.memory_space<hbm>> -> memref<8x128xf32, #tpu.memory_space<hbm>>
    %dma_wait3A_398 = tpu.memref_slice %arg11[%dma_wait3A_386] : memref<5x!tpu.dma_semaphore, #tpu.memory_space<semaphore_mem>> -> memref<1x!tpu.dma_semaphore, #tpu.memory_space<semaphore_mem>>
    %dma_wait3A_399 = tpu.memref_squeeze %dma_wait3A_398 : memref<1x!tpu.dma_semaphore, #tpu.memory_space<semaphore_mem>> -> memref<!tpu.dma_semaphore, #tpu.memory_space<semaphore_mem>>
    %dma_wait3A_400 = arith.constant 0 : i32
    %dma_wait3A_401 = arith.constant 0 : i32
    %dma_wait3A_402 = tpu.memref_slice %arg5[%dma_wait3A_384, %dma_wait3A_385, %dma_wait3A_400, %dma_wait3A_401] : memref<800x32x8x128xf32, #tpu.memory_space<hbm>> -> memref<1x1x8x128xf32, #tpu.memory_space<hbm>>
    %dma_wait3A_403 = tpu.memref_squeeze %dma_wait3A_402 : memref<1x1x8x128xf32, #tpu.memory_space<hbm>> -> memref<8x128xf32, #tpu.memory_space<hbm>>
    %dma_wait3A_404 = arith.constant 0 : i32
    %dma_wait3A_405 = arith.constant 0 : i32
    %dma_wait3A_406 = tpu.memref_slice %arg8[%dma_wait3A_383, %dma_wait3A_404, %dma_wait3A_405] : memref<5x32x129xf32, #tpu.memory_space<vmem>> -> memref<1x32x129xf32, #tpu.memory_space<vmem>>
    %dma_wait3A_407 = tpu.memref_squeeze %dma_wait3A_406 : memref<1x32x129xf32, #tpu.memory_space<vmem>> -> memref<32x129xf32, #tpu.memory_space<vmem>>
    %dma_wait3A_408 = arith.constant 0 : i32
    %dma_wait3A_409 = arith.constant 0 : i32
    %dma_wait3A_410 = tpu.memref_slice %dma_wait3A_407[%dma_wait3A_408, %dma_wait3A_409] : memref<32x129xf32, #tpu.memory_space<vmem>> -> memref<8x128xf32, #tpu.memory_space<vmem>>
    tpu.wait_dma2 semaphore(%dma_wait3A_399 : memref<!tpu.dma_semaphore, #tpu.memory_space<semaphore_mem>>) src(%dma_wait3A_410 : memref<8x128xf32, #tpu.memory_space<vmem>>) dst(%dma_wait3A_403 : memref<8x128xf32, #tpu.memory_space<hbm>>)
    %dma_wait3A_411 = arith.constant 3 : i32
    %dma_wait3A_412 = arith.constant 0 : i32
    %dma_wait3A_413 = arith.constant 0 : i32
    %dma_wait3A_414 = arith.constant 3 : i32
    %dma_wait3A_415 = arith.constant 0 : i32
    %dma_wait3A_416 = arith.constant 0 : i32
    %dma_wait3A_417 = tpu.memref_slice %arg8[%dma_wait3A_411, %dma_wait3A_415, %dma_wait3A_416] : memref<5x32x129xf32, #tpu.memory_space<vmem>> -> memref<1x32x129xf32, #tpu.memory_space<vmem>>
    %dma_wait3A_418 = tpu.memref_squeeze %dma_wait3A_417 : memref<1x32x129xf32, #tpu.memory_space<vmem>> -> memref<32x129xf32, #tpu.memory_space<vmem>>
    %dma_wait3A_419 = arith.constant 8 : i32
    %dma_wait3A_420 = arith.constant 0 : i32
    %dma_wait3A_421 = tpu.memref_slice %dma_wait3A_418[%dma_wait3A_419, %dma_wait3A_420] : memref<32x129xf32, #tpu.memory_space<vmem>> -> memref<8x128xf32, #tpu.memory_space<vmem>>
    %dma_wait3A_422 = arith.constant 0 : i32
    %dma_wait3A_423 = arith.constant 0 : i32
    %dma_wait3A_424 = tpu.memref_slice %arg5[%dma_wait3A_412, %dma_wait3A_413, %dma_wait3A_422, %dma_wait3A_423] : memref<800x32x8x128xf32, #tpu.memory_space<hbm>> -> memref<1x1x8x128xf32, #tpu.memory_space<hbm>>
    %dma_wait3A_425 = tpu.memref_squeeze %dma_wait3A_424 : memref<1x1x8x128xf32, #tpu.memory_space<hbm>> -> memref<8x128xf32, #tpu.memory_space<hbm>>
    %dma_wait3A_426 = tpu.memref_slice %arg11[%dma_wait3A_414] : memref<5x!tpu.dma_semaphore, #tpu.memory_space<semaphore_mem>> -> memref<1x!tpu.dma_semaphore, #tpu.memory_space<semaphore_mem>>
    %dma_wait3A_427 = tpu.memref_squeeze %dma_wait3A_426 : memref<1x!tpu.dma_semaphore, #tpu.memory_space<semaphore_mem>> -> memref<!tpu.dma_semaphore, #tpu.memory_space<semaphore_mem>>
    %dma_wait3A_428 = arith.constant 0 : i32
    %dma_wait3A_429 = arith.constant 0 : i32
    %dma_wait3A_430 = tpu.memref_slice %arg5[%dma_wait3A_412, %dma_wait3A_413, %dma_wait3A_428, %dma_wait3A_429] : memref<800x32x8x128xf32, #tpu.memory_space<hbm>> -> memref<1x1x8x128xf32, #tpu.memory_space<hbm>>
    %dma_wait3A_431 = tpu.memref_squeeze %dma_wait3A_430 : memref<1x1x8x128xf32, #tpu.memory_space<hbm>> -> memref<8x128xf32, #tpu.memory_space<hbm>>
    %dma_wait3A_432 = arith.constant 0 : i32
    %dma_wait3A_433 = arith.constant 0 : i32
    %dma_wait3A_434 = tpu.memref_slice %arg8[%dma_wait3A_411, %dma_wait3A_432, %dma_wait3A_433] : memref<5x32x129xf32, #tpu.memory_space<vmem>> -> memref<1x32x129xf32, #tpu.memory_space<vmem>>
    %dma_wait3A_435 = tpu.memref_squeeze %dma_wait3A_434 : memref<1x32x129xf32, #tpu.memory_space<vmem>> -> memref<32x129xf32, #tpu.memory_space<vmem>>
    %dma_wait3A_436 = arith.constant 8 : i32
    %dma_wait3A_437 = arith.constant 0 : i32
    %dma_wait3A_438 = tpu.memref_slice %dma_wait3A_435[%dma_wait3A_436, %dma_wait3A_437] : memref<32x129xf32, #tpu.memory_space<vmem>> -> memref<8x128xf32, #tpu.memory_space<vmem>>
    tpu.wait_dma2 semaphore(%dma_wait3A_427 : memref<!tpu.dma_semaphore, #tpu.memory_space<semaphore_mem>>) src(%dma_wait3A_438 : memref<8x128xf32, #tpu.memory_space<vmem>>) dst(%dma_wait3A_431 : memref<8x128xf32, #tpu.memory_space<hbm>>)
    %dma_wait3A_439 = arith.constant 3 : i32
    %dma_wait3A_440 = arith.constant 0 : i32
    %dma_wait3A_441 = arith.constant 0 : i32
    %dma_wait3A_442 = arith.constant 3 : i32
    %dma_wait3A_443 = arith.constant 0 : i32
    %dma_wait3A_444 = arith.constant 0 : i32
    %dma_wait3A_445 = tpu.memref_slice %arg8[%dma_wait3A_439, %dma_wait3A_443, %dma_wait3A_444] : memref<5x32x129xf32, #tpu.memory_space<vmem>> -> memref<1x32x129xf32, #tpu.memory_space<vmem>>
    %dma_wait3A_446 = tpu.memref_squeeze %dma_wait3A_445 : memref<1x32x129xf32, #tpu.memory_space<vmem>> -> memref<32x129xf32, #tpu.memory_space<vmem>>
    %dma_wait3A_447 = arith.constant 16 : i32
    %dma_wait3A_448 = arith.constant 0 : i32
    %dma_wait3A_449 = tpu.memref_slice %dma_wait3A_446[%dma_wait3A_447, %dma_wait3A_448] : memref<32x129xf32, #tpu.memory_space<vmem>> -> memref<8x128xf32, #tpu.memory_space<vmem>>
    %dma_wait3A_450 = arith.constant 0 : i32
    %dma_wait3A_451 = arith.constant 0 : i32
    %dma_wait3A_452 = tpu.memref_slice %arg5[%dma_wait3A_440, %dma_wait3A_441, %dma_wait3A_450, %dma_wait3A_451] : memref<800x32x8x128xf32, #tpu.memory_space<hbm>> -> memref<1x1x8x128xf32, #tpu.memory_space<hbm>>
    %dma_wait3A_453 = tpu.memref_squeeze %dma_wait3A_452 : memref<1x1x8x128xf32, #tpu.memory_space<hbm>> -> memref<8x128xf32, #tpu.memory_space<hbm>>
    %dma_wait3A_454 = tpu.memref_slice %arg11[%dma_wait3A_442] : memref<5x!tpu.dma_semaphore, #tpu.memory_space<semaphore_mem>> -> memref<1x!tpu.dma_semaphore, #tpu.memory_space<semaphore_mem>>
    %dma_wait3A_455 = tpu.memref_squeeze %dma_wait3A_454 : memref<1x!tpu.dma_semaphore, #tpu.memory_space<semaphore_mem>> -> memref<!tpu.dma_semaphore, #tpu.memory_space<semaphore_mem>>
    %dma_wait3A_456 = arith.constant 0 : i32
    %dma_wait3A_457 = arith.constant 0 : i32
    %dma_wait3A_458 = tpu.memref_slice %arg5[%dma_wait3A_440, %dma_wait3A_441, %dma_wait3A_456, %dma_wait3A_457] : memref<800x32x8x128xf32, #tpu.memory_space<hbm>> -> memref<1x1x8x128xf32, #tpu.memory_space<hbm>>
    %dma_wait3A_459 = tpu.memref_squeeze %dma_wait3A_458 : memref<1x1x8x128xf32, #tpu.memory_space<hbm>> -> memref<8x128xf32, #tpu.memory_space<hbm>>
    %dma_wait3A_460 = arith.constant 0 : i32
    %dma_wait3A_461 = arith.constant 0 : i32
    %dma_wait3A_462 = tpu.memref_slice %arg8[%dma_wait3A_439, %dma_wait3A_460, %dma_wait3A_461] : memref<5x32x129xf32, #tpu.memory_space<vmem>> -> memref<1x32x129xf32, #tpu.memory_space<vmem>>
    %dma_wait3A_463 = tpu.memref_squeeze %dma_wait3A_462 : memref<1x32x129xf32, #tpu.memory_space<vmem>> -> memref<32x129xf32, #tpu.memory_space<vmem>>
    %dma_wait3A_464 = arith.constant 16 : i32
    %dma_wait3A_465 = arith.constant 0 : i32
    %dma_wait3A_466 = tpu.memref_slice %dma_wait3A_463[%dma_wait3A_464, %dma_wait3A_465] : memref<32x129xf32, #tpu.memory_space<vmem>> -> memref<8x128xf32, #tpu.memory_space<vmem>>
    tpu.wait_dma2 semaphore(%dma_wait3A_455 : memref<!tpu.dma_semaphore, #tpu.memory_space<semaphore_mem>>) src(%dma_wait3A_466 : memref<8x128xf32, #tpu.memory_space<vmem>>) dst(%dma_wait3A_459 : memref<8x128xf32, #tpu.memory_space<hbm>>)
    %dma_wait3A_467 = arith.constant 3 : i32
    %dma_wait3A_468 = arith.constant 0 : i32
    %dma_wait3A_469 = arith.constant 0 : i32
    %dma_wait3A_470 = arith.constant 3 : i32
    %dma_wait3A_471 = arith.constant 0 : i32
    %dma_wait3A_472 = arith.constant 0 : i32
    %dma_wait3A_473 = tpu.memref_slice %arg8[%dma_wait3A_467, %dma_wait3A_471, %dma_wait3A_472] : memref<5x32x129xf32, #tpu.memory_space<vmem>> -> memref<1x32x129xf32, #tpu.memory_space<vmem>>
    %dma_wait3A_474 = tpu.memref_squeeze %dma_wait3A_473 : memref<1x32x129xf32, #tpu.memory_space<vmem>> -> memref<32x129xf32, #tpu.memory_space<vmem>>
    %dma_wait3A_475 = arith.constant 24 : i32
    %dma_wait3A_476 = arith.constant 0 : i32
    %dma_wait3A_477 = tpu.memref_slice %dma_wait3A_474[%dma_wait3A_475, %dma_wait3A_476] : memref<32x129xf32, #tpu.memory_space<vmem>> -> memref<8x128xf32, #tpu.memory_space<vmem>>
    %dma_wait3A_478 = arith.constant 0 : i32
    %dma_wait3A_479 = arith.constant 0 : i32
    %dma_wait3A_480 = tpu.memref_slice %arg5[%dma_wait3A_468, %dma_wait3A_469, %dma_wait3A_478, %dma_wait3A_479] : memref<800x32x8x128xf32, #tpu.memory_space<hbm>> -> memref<1x1x8x128xf32, #tpu.memory_space<hbm>>
    %dma_wait3A_481 = tpu.memref_squeeze %dma_wait3A_480 : memref<1x1x8x128xf32, #tpu.memory_space<hbm>> -> memref<8x128xf32, #tpu.memory_space<hbm>>
    %dma_wait3A_482 = tpu.memref_slice %arg11[%dma_wait3A_470] : memref<5x!tpu.dma_semaphore, #tpu.memory_space<semaphore_mem>> -> memref<1x!tpu.dma_semaphore, #tpu.memory_space<semaphore_mem>>
    %dma_wait3A_483 = tpu.memref_squeeze %dma_wait3A_482 : memref<1x!tpu.dma_semaphore, #tpu.memory_space<semaphore_mem>> -> memref<!tpu.dma_semaphore, #tpu.memory_space<semaphore_mem>>
    %dma_wait3A_484 = arith.constant 0 : i32
    %dma_wait3A_485 = arith.constant 0 : i32
    %dma_wait3A_486 = tpu.memref_slice %arg5[%dma_wait3A_468, %dma_wait3A_469, %dma_wait3A_484, %dma_wait3A_485] : memref<800x32x8x128xf32, #tpu.memory_space<hbm>> -> memref<1x1x8x128xf32, #tpu.memory_space<hbm>>
    %dma_wait3A_487 = tpu.memref_squeeze %dma_wait3A_486 : memref<1x1x8x128xf32, #tpu.memory_space<hbm>> -> memref<8x128xf32, #tpu.memory_space<hbm>>
    %dma_wait3A_488 = arith.constant 0 : i32
    %dma_wait3A_489 = arith.constant 0 : i32
    %dma_wait3A_490 = tpu.memref_slice %arg8[%dma_wait3A_467, %dma_wait3A_488, %dma_wait3A_489] : memref<5x32x129xf32, #tpu.memory_space<vmem>> -> memref<1x32x129xf32, #tpu.memory_space<vmem>>
    %dma_wait3A_491 = tpu.memref_squeeze %dma_wait3A_490 : memref<1x32x129xf32, #tpu.memory_space<vmem>> -> memref<32x129xf32, #tpu.memory_space<vmem>>
    %dma_wait3A_492 = arith.constant 24 : i32
    %dma_wait3A_493 = arith.constant 0 : i32
    %dma_wait3A_494 = tpu.memref_slice %dma_wait3A_491[%dma_wait3A_492, %dma_wait3A_493] : memref<32x129xf32, #tpu.memory_space<vmem>> -> memref<8x128xf32, #tpu.memory_space<vmem>>
    tpu.wait_dma2 semaphore(%dma_wait3A_483 : memref<!tpu.dma_semaphore, #tpu.memory_space<semaphore_mem>>) src(%dma_wait3A_494 : memref<8x128xf32, #tpu.memory_space<vmem>>) dst(%dma_wait3A_487 : memref<8x128xf32, #tpu.memory_space<hbm>>)
    %dma_wait3A_495 = arith.constant 4 : i32
    %dma_wait3A_496 = arith.constant 0 : i32
    %dma_wait3A_497 = arith.constant 0 : i32
    %dma_wait3A_498 = arith.constant 4 : i32
    %dma_wait3A_499 = arith.constant 0 : i32
    %dma_wait3A_500 = arith.constant 0 : i32
    %dma_wait3A_501 = tpu.memref_slice %arg8[%dma_wait3A_495, %dma_wait3A_499, %dma_wait3A_500] : memref<5x32x129xf32, #tpu.memory_space<vmem>> -> memref<1x32x129xf32, #tpu.memory_space<vmem>>
    %dma_wait3A_502 = tpu.memref_squeeze %dma_wait3A_501 : memref<1x32x129xf32, #tpu.memory_space<vmem>> -> memref<32x129xf32, #tpu.memory_space<vmem>>
    %dma_wait3A_503 = arith.constant 0 : i32
    %dma_wait3A_504 = arith.constant 0 : i32
    %dma_wait3A_505 = tpu.memref_slice %dma_wait3A_502[%dma_wait3A_503, %dma_wait3A_504] : memref<32x129xf32, #tpu.memory_space<vmem>> -> memref<8x128xf32, #tpu.memory_space<vmem>>
    %dma_wait3A_506 = arith.constant 0 : i32
    %dma_wait3A_507 = arith.constant 0 : i32
    %dma_wait3A_508 = tpu.memref_slice %arg5[%dma_wait3A_496, %dma_wait3A_497, %dma_wait3A_506, %dma_wait3A_507] : memref<800x32x8x128xf32, #tpu.memory_space<hbm>> -> memref<1x1x8x128xf32, #tpu.memory_space<hbm>>
    %dma_wait3A_509 = tpu.memref_squeeze %dma_wait3A_508 : memref<1x1x8x128xf32, #tpu.memory_space<hbm>> -> memref<8x128xf32, #tpu.memory_space<hbm>>
    %dma_wait3A_510 = tpu.memref_slice %arg11[%dma_wait3A_498] : memref<5x!tpu.dma_semaphore, #tpu.memory_space<semaphore_mem>> -> memref<1x!tpu.dma_semaphore, #tpu.memory_space<semaphore_mem>>
    %dma_wait3A_511 = tpu.memref_squeeze %dma_wait3A_510 : memref<1x!tpu.dma_semaphore, #tpu.memory_space<semaphore_mem>> -> memref<!tpu.dma_semaphore, #tpu.memory_space<semaphore_mem>>
    %dma_wait3A_512 = arith.constant 0 : i32
    %dma_wait3A_513 = arith.constant 0 : i32
    %dma_wait3A_514 = tpu.memref_slice %arg5[%dma_wait3A_496, %dma_wait3A_497, %dma_wait3A_512, %dma_wait3A_513] : memref<800x32x8x128xf32, #tpu.memory_space<hbm>> -> memref<1x1x8x128xf32, #tpu.memory_space<hbm>>
    %dma_wait3A_515 = tpu.memref_squeeze %dma_wait3A_514 : memref<1x1x8x128xf32, #tpu.memory_space<hbm>> -> memref<8x128xf32, #tpu.memory_space<hbm>>
    %dma_wait3A_516 = arith.constant 0 : i32
    %dma_wait3A_517 = arith.constant 0 : i32
    %dma_wait3A_518 = tpu.memref_slice %arg8[%dma_wait3A_495, %dma_wait3A_516, %dma_wait3A_517] : memref<5x32x129xf32, #tpu.memory_space<vmem>> -> memref<1x32x129xf32, #tpu.memory_space<vmem>>
    %dma_wait3A_519 = tpu.memref_squeeze %dma_wait3A_518 : memref<1x32x129xf32, #tpu.memory_space<vmem>> -> memref<32x129xf32, #tpu.memory_space<vmem>>
    %dma_wait3A_520 = arith.constant 0 : i32
    %dma_wait3A_521 = arith.constant 0 : i32
    %dma_wait3A_522 = tpu.memref_slice %dma_wait3A_519[%dma_wait3A_520, %dma_wait3A_521] : memref<32x129xf32, #tpu.memory_space<vmem>> -> memref<8x128xf32, #tpu.memory_space<vmem>>
    tpu.wait_dma2 semaphore(%dma_wait3A_511 : memref<!tpu.dma_semaphore, #tpu.memory_space<semaphore_mem>>) src(%dma_wait3A_522 : memref<8x128xf32, #tpu.memory_space<vmem>>) dst(%dma_wait3A_515 : memref<8x128xf32, #tpu.memory_space<hbm>>)
    %dma_wait3A_523 = arith.constant 4 : i32
    %dma_wait3A_524 = arith.constant 0 : i32
    %dma_wait3A_525 = arith.constant 0 : i32
    %dma_wait3A_526 = arith.constant 4 : i32
    %dma_wait3A_527 = arith.constant 0 : i32
    %dma_wait3A_528 = arith.constant 0 : i32
    %dma_wait3A_529 = tpu.memref_slice %arg8[%dma_wait3A_523, %dma_wait3A_527, %dma_wait3A_528] : memref<5x32x129xf32, #tpu.memory_space<vmem>> -> memref<1x32x129xf32, #tpu.memory_space<vmem>>
    %dma_wait3A_530 = tpu.memref_squeeze %dma_wait3A_529 : memref<1x32x129xf32, #tpu.memory_space<vmem>> -> memref<32x129xf32, #tpu.memory_space<vmem>>
    %dma_wait3A_531 = arith.constant 8 : i32
    %dma_wait3A_532 = arith.constant 0 : i32
    %dma_wait3A_533 = tpu.memref_slice %dma_wait3A_530[%dma_wait3A_531, %dma_wait3A_532] : memref<32x129xf32, #tpu.memory_space<vmem>> -> memref<8x128xf32, #tpu.memory_space<vmem>>
    %dma_wait3A_534 = arith.constant 0 : i32
    %dma_wait3A_535 = arith.constant 0 : i32
    %dma_wait3A_536 = tpu.memref_slice %arg5[%dma_wait3A_524, %dma_wait3A_525, %dma_wait3A_534, %dma_wait3A_535] : memref<800x32x8x128xf32, #tpu.memory_space<hbm>> -> memref<1x1x8x128xf32, #tpu.memory_space<hbm>>
    %dma_wait3A_537 = tpu.memref_squeeze %dma_wait3A_536 : memref<1x1x8x128xf32, #tpu.memory_space<hbm>> -> memref<8x128xf32, #tpu.memory_space<hbm>>
    %dma_wait3A_538 = tpu.memref_slice %arg11[%dma_wait3A_526] : memref<5x!tpu.dma_semaphore, #tpu.memory_space<semaphore_mem>> -> memref<1x!tpu.dma_semaphore, #tpu.memory_space<semaphore_mem>>
    %dma_wait3A_539 = tpu.memref_squeeze %dma_wait3A_538 : memref<1x!tpu.dma_semaphore, #tpu.memory_space<semaphore_mem>> -> memref<!tpu.dma_semaphore, #tpu.memory_space<semaphore_mem>>
    %dma_wait3A_540 = arith.constant 0 : i32
    %dma_wait3A_541 = arith.constant 0 : i32
    %dma_wait3A_542 = tpu.memref_slice %arg5[%dma_wait3A_524, %dma_wait3A_525, %dma_wait3A_540, %dma_wait3A_541] : memref<800x32x8x128xf32, #tpu.memory_space<hbm>> -> memref<1x1x8x128xf32, #tpu.memory_space<hbm>>
    %dma_wait3A_543 = tpu.memref_squeeze %dma_wait3A_542 : memref<1x1x8x128xf32, #tpu.memory_space<hbm>> -> memref<8x128xf32, #tpu.memory_space<hbm>>
    %dma_wait3A_544 = arith.constant 0 : i32
    %dma_wait3A_545 = arith.constant 0 : i32
    %dma_wait3A_546 = tpu.memref_slice %arg8[%dma_wait3A_523, %dma_wait3A_544, %dma_wait3A_545] : memref<5x32x129xf32, #tpu.memory_space<vmem>> -> memref<1x32x129xf32, #tpu.memory_space<vmem>>
    %dma_wait3A_547 = tpu.memref_squeeze %dma_wait3A_546 : memref<1x32x129xf32, #tpu.memory_space<vmem>> -> memref<32x129xf32, #tpu.memory_space<vmem>>
    %dma_wait3A_548 = arith.constant 8 : i32
    %dma_wait3A_549 = arith.constant 0 : i32
    %dma_wait3A_550 = tpu.memref_slice %dma_wait3A_547[%dma_wait3A_548, %dma_wait3A_549] : memref<32x129xf32, #tpu.memory_space<vmem>> -> memref<8x128xf32, #tpu.memory_space<vmem>>
    tpu.wait_dma2 semaphore(%dma_wait3A_539 : memref<!tpu.dma_semaphore, #tpu.memory_space<semaphore_mem>>) src(%dma_wait3A_550 : memref<8x128xf32, #tpu.memory_space<vmem>>) dst(%dma_wait3A_543 : memref<8x128xf32, #tpu.memory_space<hbm>>)
    %dma_wait3A_551 = arith.constant 4 : i32
    %dma_wait3A_552 = arith.constant 0 : i32
    %dma_wait3A_553 = arith.constant 0 : i32
    %dma_wait3A_554 = arith.constant 4 : i32
    %dma_wait3A_555 = arith.constant 0 : i32
    %dma_wait3A_556 = arith.constant 0 : i32
    %dma_wait3A_557 = tpu.memref_slice %arg8[%dma_wait3A_551, %dma_wait3A_555, %dma_wait3A_556] : memref<5x32x129xf32, #tpu.memory_space<vmem>> -> memref<1x32x129xf32, #tpu.memory_space<vmem>>
    %dma_wait3A_558 = tpu.memref_squeeze %dma_wait3A_557 : memref<1x32x129xf32, #tpu.memory_space<vmem>> -> memref<32x129xf32, #tpu.memory_space<vmem>>
    %dma_wait3A_559 = arith.constant 16 : i32
    %dma_wait3A_560 = arith.constant 0 : i32
    %dma_wait3A_561 = tpu.memref_slice %dma_wait3A_558[%dma_wait3A_559, %dma_wait3A_560] : memref<32x129xf32, #tpu.memory_space<vmem>> -> memref<8x128xf32, #tpu.memory_space<vmem>>
    %dma_wait3A_562 = arith.constant 0 : i32
    %dma_wait3A_563 = arith.constant 0 : i32
    %dma_wait3A_564 = tpu.memref_slice %arg5[%dma_wait3A_552, %dma_wait3A_553, %dma_wait3A_562, %dma_wait3A_563] : memref<800x32x8x128xf32, #tpu.memory_space<hbm>> -> memref<1x1x8x128xf32, #tpu.memory_space<hbm>>
    %dma_wait3A_565 = tpu.memref_squeeze %dma_wait3A_564 : memref<1x1x8x128xf32, #tpu.memory_space<hbm>> -> memref<8x128xf32, #tpu.memory_space<hbm>>
    %dma_wait3A_566 = tpu.memref_slice %arg11[%dma_wait3A_554] : memref<5x!tpu.dma_semaphore, #tpu.memory_space<semaphore_mem>> -> memref<1x!tpu.dma_semaphore, #tpu.memory_space<semaphore_mem>>
    %dma_wait3A_567 = tpu.memref_squeeze %dma_wait3A_566 : memref<1x!tpu.dma_semaphore, #tpu.memory_space<semaphore_mem>> -> memref<!tpu.dma_semaphore, #tpu.memory_space<semaphore_mem>>
    %dma_wait3A_568 = arith.constant 0 : i32
    %dma_wait3A_569 = arith.constant 0 : i32
    %dma_wait3A_570 = tpu.memref_slice %arg5[%dma_wait3A_552, %dma_wait3A_553, %dma_wait3A_568, %dma_wait3A_569] : memref<800x32x8x128xf32, #tpu.memory_space<hbm>> -> memref<1x1x8x128xf32, #tpu.memory_space<hbm>>
    %dma_wait3A_571 = tpu.memref_squeeze %dma_wait3A_570 : memref<1x1x8x128xf32, #tpu.memory_space<hbm>> -> memref<8x128xf32, #tpu.memory_space<hbm>>
    %dma_wait3A_572 = arith.constant 0 : i32
    %dma_wait3A_573 = arith.constant 0 : i32
    %dma_wait3A_574 = tpu.memref_slice %arg8[%dma_wait3A_551, %dma_wait3A_572, %dma_wait3A_573] : memref<5x32x129xf32, #tpu.memory_space<vmem>> -> memref<1x32x129xf32, #tpu.memory_space<vmem>>
    %dma_wait3A_575 = tpu.memref_squeeze %dma_wait3A_574 : memref<1x32x129xf32, #tpu.memory_space<vmem>> -> memref<32x129xf32, #tpu.memory_space<vmem>>
    %dma_wait3A_576 = arith.constant 16 : i32
    %dma_wait3A_577 = arith.constant 0 : i32
    %dma_wait3A_578 = tpu.memref_slice %dma_wait3A_575[%dma_wait3A_576, %dma_wait3A_577] : memref<32x129xf32, #tpu.memory_space<vmem>> -> memref<8x128xf32, #tpu.memory_space<vmem>>
    tpu.wait_dma2 semaphore(%dma_wait3A_567 : memref<!tpu.dma_semaphore, #tpu.memory_space<semaphore_mem>>) src(%dma_wait3A_578 : memref<8x128xf32, #tpu.memory_space<vmem>>) dst(%dma_wait3A_571 : memref<8x128xf32, #tpu.memory_space<hbm>>)
    %dma_wait3A_579 = arith.constant 4 : i32
    %dma_wait3A_580 = arith.constant 0 : i32
    %dma_wait3A_581 = arith.constant 0 : i32
    %dma_wait3A_582 = arith.constant 4 : i32
    %dma_wait3A_583 = arith.constant 0 : i32
    %dma_wait3A_584 = arith.constant 0 : i32
    %dma_wait3A_585 = tpu.memref_slice %arg8[%dma_wait3A_579, %dma_wait3A_583, %dma_wait3A_584] : memref<5x32x129xf32, #tpu.memory_space<vmem>> -> memref<1x32x129xf32, #tpu.memory_space<vmem>>
    %dma_wait3A_586 = tpu.memref_squeeze %dma_wait3A_585 : memref<1x32x129xf32, #tpu.memory_space<vmem>> -> memref<32x129xf32, #tpu.memory_space<vmem>>
    %dma_wait3A_587 = arith.constant 24 : i32
    %dma_wait3A_588 = arith.constant 0 : i32
    %dma_wait3A_589 = tpu.memref_slice %dma_wait3A_586[%dma_wait3A_587, %dma_wait3A_588] : memref<32x129xf32, #tpu.memory_space<vmem>> -> memref<8x128xf32, #tpu.memory_space<vmem>>
    %dma_wait3A_590 = arith.constant 0 : i32
    %dma_wait3A_591 = arith.constant 0 : i32
    %dma_wait3A_592 = tpu.memref_slice %arg5[%dma_wait3A_580, %dma_wait3A_581, %dma_wait3A_590, %dma_wait3A_591] : memref<800x32x8x128xf32, #tpu.memory_space<hbm>> -> memref<1x1x8x128xf32, #tpu.memory_space<hbm>>
    %dma_wait3A_593 = tpu.memref_squeeze %dma_wait3A_592 : memref<1x1x8x128xf32, #tpu.memory_space<hbm>> -> memref<8x128xf32, #tpu.memory_space<hbm>>
    %dma_wait3A_594 = tpu.memref_slice %arg11[%dma_wait3A_582] : memref<5x!tpu.dma_semaphore, #tpu.memory_space<semaphore_mem>> -> memref<1x!tpu.dma_semaphore, #tpu.memory_space<semaphore_mem>>
    %dma_wait3A_595 = tpu.memref_squeeze %dma_wait3A_594 : memref<1x!tpu.dma_semaphore, #tpu.memory_space<semaphore_mem>> -> memref<!tpu.dma_semaphore, #tpu.memory_space<semaphore_mem>>
    %dma_wait3A_596 = arith.constant 0 : i32
    %dma_wait3A_597 = arith.constant 0 : i32
    %dma_wait3A_598 = tpu.memref_slice %arg5[%dma_wait3A_580, %dma_wait3A_581, %dma_wait3A_596, %dma_wait3A_597] : memref<800x32x8x128xf32, #tpu.memory_space<hbm>> -> memref<1x1x8x128xf32, #tpu.memory_space<hbm>>
    %dma_wait3A_599 = tpu.memref_squeeze %dma_wait3A_598 : memref<1x1x8x128xf32, #tpu.memory_space<hbm>> -> memref<8x128xf32, #tpu.memory_space<hbm>>
    %dma_wait3A_600 = arith.constant 0 : i32
    %dma_wait3A_601 = arith.constant 0 : i32
    %dma_wait3A_602 = tpu.memref_slice %arg8[%dma_wait3A_579, %dma_wait3A_600, %dma_wait3A_601] : memref<5x32x129xf32, #tpu.memory_space<vmem>> -> memref<1x32x129xf32, #tpu.memory_space<vmem>>
    %dma_wait3A_603 = tpu.memref_squeeze %dma_wait3A_602 : memref<1x32x129xf32, #tpu.memory_space<vmem>> -> memref<32x129xf32, #tpu.memory_space<vmem>>
    %dma_wait3A_604 = arith.constant 24 : i32
    %dma_wait3A_605 = arith.constant 0 : i32
    %dma_wait3A_606 = tpu.memref_slice %dma_wait3A_603[%dma_wait3A_604, %dma_wait3A_605] : memref<32x129xf32, #tpu.memory_space<vmem>> -> memref<8x128xf32, #tpu.memory_space<vmem>>
    tpu.wait_dma2 semaphore(%dma_wait3A_595 : memref<!tpu.dma_semaphore, #tpu.memory_space<semaphore_mem>>) src(%dma_wait3A_606 : memref<8x128xf32, #tpu.memory_space<vmem>>) dst(%dma_wait3A_599 : memref<8x128xf32, #tpu.memory_space<hbm>>)
    return
  }
}

</mosaic_0001>

<sc_bundles>
// kernel: kernel.3.cloned.1.call-start
scs
__scs_entry_jumppad:
0x0: {  	(pc) =	sbr.rel $0x88, $3  }
0x1: {  	(tag) =	ssettag $0x0;
	lr =	simm.s32 $0x1  }
0x2: {  	[smem:$0x3F9E] =	sst lr;
	_ =	strace $0xD0000000  }
0x3: {  	_ = 	snop  }
0x4: {  	_ = 	snop  }
0x5: {  	_ = 	snop  }
0x6: {  	_ = 	snop  }
0x7: {  	_ = 	snop  }
__scs_overlays_trampoline_lowered:
0x8: {  	[smem:$0x3FAD] =	sst s0  }
0x9: {  	[smem:$0x3FAE] =	sst s1  }
0xa: {  	[smem:$0x3FAF] =	sst s2  }
0xb: {  	[smem:$0x3FB0] =	sst s3  }
0xc: {  	[smem:$0x3FB1] =	sst s4  }
0xd: {  	[smem:$0x3FB2] =	sst s5  }
0xe: {  	[smem:$0x3FB3] =	sst s6  }
0xf: {  	[smem:$0x3FB4] =	sst s7  }
0x10: {  	[smem:$0x3FB5] =	sst s8  }
0x11: {  	[smem:$0x3FB6] =	sst s9;
	s0 =	simm.s32 @!p0 $0x0  }
0x12: {  	s1 =	sld [smem:$0x3F9C];
	s0 =	simm.s32 @p0 $0x1  }
0x13: {  	[smem:$0x3FB7] =	sst s0;
	s0 =	simm.s32 @!p1 $0x0  }
0x14: {  	s2 =	sld [smem:$0x3F9B];
	s0 =	simm.s32 @p1 $0x1  }
0x15: {  	[smem:$0x3FB8] =	sst s0;
	s0 =	simm.s32 @!p2 $0x0  }
0x16: {  	s3 =	sld [smem:$0x3FDB];
	s0 =	simm.s32 @p2 $0x1  }
0x17: {  	s4 =	simm.s32 $0x1BF5;
	[smem:$0x3FBA] =	sst s0  }
0x18: {  	s0 =	sld [smem:$0x3F9D];
	_ =	swait.ge [sflag:s4], $0x0  }
0x19: {  	s7 =	sld [smem:$0x3F9E]  }
0x1a: {  	s8 =	sadd.s32 $0xFFFFE003, lr  }
0x1b: {  	s9 =	sadd.s32 $0xFFFFFEF7, lr;
	s5 =	simm.s32 $0xFFFFFFFF;
	p2 =	slt.u32 s8, $0xFFFFF086  }
0x1c: {  	p1 =	slt.u32 s9, $0xF7A;
	s5 =	simm.s32 @!p2 $0x0  }
0x1d: {  	s5 =	simm.s32 @p1 $0x1;
	p0 =	seq.s32 s7, s2  }
0x1e: {  	s7 =	smul.u32 @!p0 $0xF7A, s2;
	p2 =	seq.s32 @!p0 s5, $0x0  }
0x1f: {  	s9 =	smul.u32 $0xF7A, s1;
	s8 =	simm.s32 @!p0 $0x1BF5;
	p2 =	por !p2, p0  }
0x20: {  	[sflag:s8] =	ssyncset.s32 @!p0 $0xFFFFF086;
	s6 =	sadd.s32 @!p0 s3, s7;
	s7 =	simm.s32 @!p0 $0x108  }
0x21: {  	s3 =	sadd.s32 s3, s9;
	s6 =	sadd.s32 @!p0 $0x88, s6;
	s7 =	simm.s32 @p2 $0x1082  }
0x22: {  	[simem:s7], [sflag:s8] =	dma.local @!p0 [hbm:s6], $0xF7A  }
0x23: {  	s9 =	sor.u32 $0xD0000000, s2;
	s6 =	simm.s32 $0x108;
	_ =	swait.ge @!p0 [sflag:s8], $0x0  }
0x24: {  	s3 =	sadd.s32 $0x88, s3;
	s6 =	simm.s32 @!p1 $0x1082;
	[sflag:s4] =	ssyncset.s32 $0xFFFFF086  }
0x25: {  	[simem:s6], [sflag:s4] =	dma.local [hbm:s3], $0xF7A  }
0x26: {  	[smem:$0x3F9E] =	sst s1;
	(tag) =	ssettag s2;
	_ =	strace s9  }
0x27: {  	s1 =	sld [smem:$0x3FAE]  }
0x28: {  	s2 =	sld [smem:$0x3FAF]  }
0x29: {  	s4 =	sld [smem:$0x3FB1]  }
0x2a: {  	p0 =	seq.s32 s5, $0x0;
	s5 =	sld [smem:$0x3FB2]  }
0x2b: {  	s6 =	sld [smem:$0x3FB3]  }
0x2c: {  	s7 =	sld [smem:$0x3FB4]  }
0x2d: {  	s3 =	simm.s32 $0x108;
	s8 =	sld [smem:$0x3FB5]  }
0x2e: {  	s3 =	simm.s32 @!p0 $0x1082;
	s9 =	sld [smem:$0x3FB6]  }
0x2f: {  	lr =	sadd.s32 s0, s3;
	s0 =	sld [smem:$0x3FAD]  }
0x30: {  	s3 =	sld [smem:$0x3FB0]  }
0x31: {  	[smem:$0x3FB9] =	sst s10  }
0x32: {  	s10 =	sld [smem:$0x3FB7];
	_ =	sdelay $0x3  }
0x33: {  	p0 =	seq.s32 s10, $0x1;
	s10 =	sld [smem:$0x3FB9];
	_ =	sdelay $0x3  }
0x34: {  	[smem:$0x3FB9] =	sst s10  }
0x35: {  	s10 =	sld [smem:$0x3FB8];
	_ =	sdelay $0x3  }
0x36: {  	p1 =	seq.s32 s10, $0x1;
	s10 =	sld [smem:$0x3FB9];
	_ =	sdelay $0x3  }
0x37: {  	[smem:$0x3FB9] =	sst s10  }
0x38: {  	s10 =	sld [smem:$0x3FBA]  }
0x39: {  	_ = 	snop;
	(pc) =	sbr.ind lr, $3  }
0x3a: {  	_ = 	snop  }
0x3b: {  	_ = 	snop  }
0x3c: {  	p2 =	seq.s32 s10, $0x1;
	s10 =	sld [smem:$0x3FB9]  }
0x3d: {  	_ =	shalt  }
0x3e: {  	_ =	shalt  }
0x3f: {  	_ =	shalt  }
0x40: {  	_ =	shalt  }
0x41: {  	_ =	shalt  }
0x42: {  	_ =	shalt  }
0x43: {  	_ =	shalt  }
0x44: {  	_ =	shalt  }
0x45: {  	_ =	shalt  }
0x46: {  	_ =	shalt  }
0x47: {  	_ =	shalt  }
0x48: {  	_ =	shalt  }
0x49: {  	_ =	shalt  }
0x4a: {  	_ =	shalt  }
0x4b: {  	_ =	shalt  }
0x4c: {  	_ =	shalt  }
0x4d: {  	_ =	shalt  }
0x4e: {  	_ =	shalt  }
0x4f: {  	_ =	shalt  }
0x50: {  	_ =	shalt  }
0x51: {  	_ =	shalt  }
0x52: {  	_ =	shalt  }
0x53: {  	_ =	shalt  }
0x54: {  	_ =	shalt  }
0x55: {  	_ =	shalt  }
0x56: {  	_ =	shalt  }
0x57: {  	_ =	shalt  }
0x58: {  	_ =	shalt  }
0x59: {  	_ =	shalt  }
0x5a: {  	_ =	shalt  }
0x5b: {  	_ =	shalt  }
0x5c: {  	_ =	shalt  }
0x5d: {  	_ =	shalt  }
0x5e: {  	_ =	shalt  }
0x5f: {  	_ =	shalt  }
0x60: {  	_ =	shalt  }
0x61: {  	_ =	shalt  }
0x62: {  	_ =	shalt  }
0x63: {  	_ =	shalt  }
0x64: {  	_ =	shalt  }
0x65: {  	_ =	shalt  }
0x66: {  	_ =	shalt  }
0x67: {  	_ =	shalt  }
0x68: {  	_ =	shalt  }
0x69: {  	_ =	shalt  }
0x6a: {  	_ =	shalt  }
0x6b: {  	_ =	shalt  }
0x6c: {  	_ =	shalt  }
0x6d: {  	_ =	shalt  }
0x6e: {  	_ =	shalt  }
0x6f: {  	_ =	shalt  }
0x70: {  	_ =	shalt  }
0x71: {  	_ =	shalt  }
0x72: {  	_ =	shalt  }
0x73: {  	_ =	shalt  }
0x74: {  	_ =	shalt  }
0x75: {  	_ =	shalt  }
0x76: {  	_ =	shalt  }
0x77: {  	_ =	shalt  }
0x78: {  	_ =	shalt  }
0x79: {  	_ =	shalt  }
0x7a: {  	_ =	shalt  }
0x7b: {  	_ =	shalt  }
0x7c: {  	_ =	shalt  }
0x7d: {  	_ =	shalt  }
0x7e: {  	_ =	shalt  }
0x7f: {  	_ =	shalt  }
0x80: {  	_ =	shalt  }
0x81: {  	_ =	shalt  }
0x82: {  	_ =	shalt  }
0x83: {  	_ =	shalt  }
0x84: {  	_ =	shalt  }
0x85: {  	_ =	shalt  }
0x86: {  	_ =	shalt  }
0x87: {  	_ =	shalt  }
.Lfunc_end0:
.L_simem_size_0:
called_computation_lowered:
.L_overlay_start_0:
0x88: {  	s2 =	sld [smem:$0x3FD9]  }
0x89: {  	s3 =	sld [smem:$0x3FFE];
	_ =	sdelay $0x1  }
0x8a: {  	s1 =	srdreg.scid  }
0x8b: {  	s0 =	sand.u32 $0x1, s1  }
0x8c: {  	s17 =	sshll.u32 s0, $0xA;
	s2 =	sadd.s32 s3, s2  }
0x8d: {  	s2 =	sadd.s32 s2, s17  }
0x8e: {  	[smem:$0x3FC5] =	sst s2  }
0x8f: {  	_ = 	snop  }
0x90: {  	s2 =	sld [smem:$0x3FD0];
	(tm) =	ssettm $0x1  }
0x91: {  	s18 =	sld [smem:$0x3FFB];
	_ =	sdelay $0x3  }
0x92: {  	_ =	strace s18  }
0x93: {  	s3 =	sld [smem:$0x3FFC];
	_ =	sdelay $0x3  }
0x94: {  	_ =	strace s3  }
0x95: {  	s3 =	sld [smem:$0x3FFD];
	_ =	sdelay $0x3  }
0x96: {  	_ =	strace s3  }
0x97: {  	_ =	strace $0x8FFFFFFF  }
0x98: {  	s19 =	sld [smem:$0x3FDB];
	_ =	sdelay $0x1  }
0x99: {  	s4 =	simm.s32 $_scs_section_size  }
0x9a: {  	s5 =	simm.s32 $_size__tile_overlayer_lowered;
	s6 =	simm.s32 $_tile_overlayer_lowered  }
0x9b: {  	s22 =	simm.s32 $0x1BFF;
	s21 =	sshll.u32 s6, $0x1;
	s3 =	sadd.s32 s4, s19  }
0x9c: {  	s7 =	simm.s32 $0x0;
	s20 =	sshll.u32 s5, $0x1;
	s5 =	sadd.s32 s21, s3  }
0x9d: {  	[timem:s7], [sflag:s22] =	dma.local [hbm:s5], s20  }
0x9e: {  	_ =	swait.ge [sflag:s22], s20  }
0x9f: {  	s4 =	ssub.s32 $0x0, s20;
	[sflag:s22] =	ssyncset.done $0x0  }
0xa0: {  	[sflag:s22] =	ssyncadd.s32 s4;
	_ =	sdelay $0x1  }
0xa1: {  	s23 =	simm.s32 $0x1B8B  }
0xa2: {  	_ =	swait.ge [sflag:s23], $0x1  }
0xa3: {  	[sflag:s23] =	ssyncset.done $0x0  }
0xa4: {  	s25 =	simm.s32 $0x1B8E;
	s24 =	sld [smem:$0x3FFE];
	[sflag:s23] =	ssyncadd.s32 $0xFFFFFFFF  }
0xa5: {  	s26 =	simm.s32 $execute0_lowered;
	[smem:$0x3FD2] =	sst s25  }
0xa6: {  	s5 =	sshll.u32 s26, $0x1;
	_ =	strace $0x80000046;
	[dreg:$0x1] =	wrdreg $0xFFFFFFFF  }
0xa7: {  	s28 =	simm.s32 $_size_execute0_lowered;
	s3 =	sadd.s32 s3, s5;
	[dreg:$0x0] =	wrdreg $0x0  }
0xa8: {  	s5 =	sshll.u32 s28, $0x1;
	[dreg:$0x2] =	wrdreg s3  }
0xa9: {  	[dreg:$0x3] =	wrdreg s5  }
0xaa: {  	[dreg:$0x4] =	wrdreg $0xC0  }
0xab: {  	_ =	task [dreg:s7], $0x5FFFF  }
0xac: {  	[dreg:$0x1] =	wrdreg $0xFFFFFFFF  }
0xad: {  	[dreg:$0x0] =	wrdreg $0x60  }
0xae: {  	[dreg:$0x2] =	wrdreg s24  }
0xaf: {  	[dreg:$0x3] =	wrdreg s2  }
0xb0: {  	[dreg:$0x4] =	wrdreg $0x9  }
0xb1: {  	_ =	task.clear_ibuf [dreg:s7], $0x5FFFF;
	_ =	strace $0x90000046  }
0xb2: {  	s29 =	simm.s32 $0x9;
	_ =	strace $0x80000048  }
0xb3: {  	_ =	swait.ge [sflag:s29], $0x1  }
0xb4: {  	[sflag:s29] =	ssyncadd.s32 $0xFFFFFFFF  }
0xb5: {  	_ =	strace $0x90000048  }
0xb6: {  	_ =	sfence  }
0xb7: {  	s30 =	sld [smem:$0x0];
	_ =	sdelay $0x2  }
0xb8: {  	s31 =	sshll.u32 s1, $0xD;
	s1 =	sshrl.u32 s1, $0x2  }
0xb9: {  	s3 =	sand.u32 $0x4000, s31;
	s1 =	sadd.s32 s1, s30  }
0xba: {  	s0 =	sor.u32 s3, s0;
	s1 =	sshll.u32 s1, $0x11  }
0xbb: {  	s0 =	sor.u32 s1, s0  }
0xbc: {  	s0 =	sadd.s32 $0x8F2B, s0  }
0xbd: {  	[sflag:s0] =	ssyncadd.remote.s32 $0x1  }
0xbe: {  	_ =	sfence.sel $0xFFFF  }
0xbf: {  	[dreg:$0x0] =	wrdreg $0xFFFFFFFF;
	(pc) =	sbr.abs _section_cstart, $3  }
0xc0: {  	[dreg:$0x1] =	wrdreg $0xFFFFFFFF  }
0xc1: {  	_ =	task.clear_ibuf [dreg:s7], $0x2FFFF;
	_ =	strace $0x9FFFFFFF  }
0xc2: {  	(tm) =	ssettm $0x7FFFFFFF  }
0xc3: {  	_ =	shalt  }
tec
execute0_lowered:
.L_overlay_start_1:
0x0: {  	(tag) =	ssettag $0x1  }
0x1: {  	s0 =	srdreg.scid;
	s2 =	stileid.u32  }
0x2: {  	s1 =	rddreg [dreg:$0x0];
	s16 =	simm.s32 $0x80;
	s22 =	simm.s32 $0x1  }
0x3: {  	s23 =	simm.s32 $0xB400;
	s20 =	simm.s32 $0x2;
	s17 =	simm.s32 $0x3  }
0x4: {  	s18 =	simm.s32 $0xD600;
	s13 =	simm.s32 $0xE700;
	s28 =	simm.s32 $0x5  }
0x5: {  	s29 =	simm.s32 $0xF800;
	s24 =	simm.s32 $0x10878;
	s14 =	simm.s32 $0x0  }
0x6: {  	s0 =	sand.u32 $0x1, s0;
	s3 =	sshll.u32 s2, $0x1;
	s2 =	rddreg [dreg:$0x1]  }
0x7: {  	v0 =	vlaneseq.u32;
	s5 =	sor.u32 s0, s3;
	s3 =	simm.s32 $0x0;
	s0 =	ssub.s32 $0x2, s0  }
0x8: {  	v1 =	vimm.s32 $0x0;
	vm0 =	vcmask $0x300;
	v0 =	vmul.u32 $0x88, v0;
	s8 =	sadd.s32 $0x1000, s2;
	s9 =	sadd.s32 $0x2000, s2;
	s10 =	sadd.s32 $0x3000, s2  }
0x9: {  	v1 =	vsel vm0, $0x3, v1;
	s4 =	smul.u32 $0xC80, s5;
	[smem:$0x7FF] =	sst s3;
	s30 =	sshrl.u32 s0, $0x1  }
0xa: {  	s6 =	smul.u32 $0xC8, s5;
	s5 =	simm.s32 $0xC500;
	v2 =	vadd.s32 $0x880, v0;
	v3 =	vor.u32 $0x1, v0;
	v4 =	vadd.s32 $0x881, v0;
	s0 =	ssub.s32 s0, s30  }
0xb: {  	v5 =	vor.u32 $0x2, v0;
	v6 =	vadd.s32 $0x882, v0;
	v7 =	vor.u32 $0x3, v0;
	s7 =	sadd.s32 s4, s1;
	s4 =	sadd.s32 $0xF42C00, s1;
	s1 =	sadd.s32 $0x19800, s1  }
0xc: {  	v8 =	vadd.s32 $0x883, v0;
	v9 =	vor.u32 $0x4, v0;
	v10 =	vadd.s32 $0x884, v0;
	_ =	strace $0x80000047;
	s0 =	smax.u32 s0, $0x1;
	[dreg:$0x3] =	wrdreg s1  }
0xd: {  	v11 =	vor.u32 $0x5, v0;
	v12 =	vadd.s32 $0x885, v0;
	v13 =	vor.u32 $0x6, v0;
	s11 =	sor.u32 $0x1, s6;
	s31 =	sadd.s32 $0x800, s7;
	[dreg:$0x5] =	wrdreg s0  }
0xe: {  	v14 =	vadd.s32 $0x886, v0;
	v15 =	vor.u32 $0x7, v0;
	v16 =	vadd.s32 $0x887, v0;
	s12 =	sor.u32 $0x2, s6;
	s7 =	simm.s32 $0x4;
	[dreg:$0x4] =	wrdreg s31  }
.LBB2_1:
0xf: {  	[dreg:$0x6] =	wrdreg s14  }
0x10: {  	s0 =	rddreg [dreg:$0x4];
	s1 =	simm.s32 $0xB  }
0x11: {  	[tilespmem:s3], [sflag:$0xB] =	stream.linear.gather [hbm4b:s0+s3], $0x6400, $0x38;
	[tilespmem:$0x12200] =	vst v63  }
0x12: {  	_ =	swait.ge [sflag:s1], $0x6400  }
0x13: {  	[sflag:s1] =	ssyncset.done $0x0  }
0x14: {  	s21 =	simm.s32 $0x10900;
	s19 =	rddreg [dreg:$0x3];
	[sflag:s1] =	ssyncadd.s32 $0xFFFF9C00  }
0x15: {  	[tilespmem:s21], [sflag:$0xB] =	stream.linear.gather [hbm4b:s19+s3], $0x1900, $0x38;
	[tilespmem:$0x12200] =	vst v63  }
0x16: {  	_ =	swait.ge [sflag:s1], $0x1900  }
0x17: {  	[sflag:s1] =	ssyncset.done $0x0  }
0x18: {  	s25 =	simm.s32 $0x6400;
	[sflag:s1] =	ssyncadd.s32 $0xFFFFE700  }
0x19: {  	[tilespmem:s25], [sflag:$0x1] =	stream.indirect.gather [hbm4b:s4+s16], $0x20, s3, s16, $0xb8;
	[tilespmem:$0x12200] =	vst v63  }
0x1a: {  	s26 =	simm.s32 $0x7400  }
0x1b: {  	[tilespmem:s26], [sflag:$0x2] =	stream.indirect.gather [hbm4b:s4+s16], $0x20, s16, s16, $0xb8;
	[tilespmem:$0x12200] =	vst v63  }
0x1c: {  	s30 =	simm.s32 $0x100;
	s31 =	simm.s32 $0x8400;
	s25 =	simm.s32 $0x0  }
0x1d: {  	[tilespmem:s31], [sflag:$0x3] =	stream.indirect.gather [hbm4b:s4+s16], $0x20, s30, s16, $0xb8;
	[tilespmem:$0x12200] =	vst v63  }
.LBB2_2:
0x1e: {  	p0 =	seq.s32 s25, $0x0  }
0x1f: {  	s0 =	simm.s32 @!p0 $0x9  }
0x20: {  	_ =	swait.ge @!p0 [sflag:s0], $0x400  }
0x21: {  	[sflag:s0] =	ssyncset.done @!p0 $0x0  }
0x22: {  	[sflag:s0] =	ssyncadd.s32 @!p0 $0xFFFFFC00  }
0x23: {  	_ =	swait.ge @!p0 [sflag:s0], $0x400  }
0x24: {  	[sflag:s0] =	ssyncset.done @!p0 $0x0  }
0x25: {  	[sflag:s0] =	ssyncadd.s32 @!p0 $0xFFFFFC00  }
0x26: {  	_ =	swait.ge @!p0 [sflag:s0], $0x400  }
0x27: {  	s31 =	smul.u32 $0x5, s25;
	[sflag:s0] =	ssyncset.done @!p0 $0x0  }
0x28: {  	[sflag:s0] =	ssyncadd.s32 @!p0 $0xFFFFFC00  }
0x29: {  	s26 =	sadd.s32 $0x3, s31;
	_ =	swait.ge @!p0 [sflag:s0], $0x400  }
0x2a: {  	s1 =	sshll.u32 s26, $0x7;
	[sflag:s0] =	ssyncset.done @!p0 $0x0  }
0x2b: {  	s19 =	simm.s32 $0x9400;
	s15 =	sand.u32 $0x3FFFFF80, s1;
	[sflag:s0] =	ssyncadd.s32 @!p0 $0xFFFFFC00  }
0x2c: {  	[tilespmem:s19], [sflag:$0x4] =	stream.indirect.gather [hbm4b:s4+s16], $0x20, s15, s16, $0xb8;
	[tilespmem:$0x12200] =	vst v63  }
0x2d: {  	_ =	swait.ge [sflag:s22], $0x1000  }
0x2e: {  	s21 =	simm.s32 $0x0;
	s1 =	sadd.s32 s6, s31;
	[sflag:s22] =	ssyncset.done $0x0  }
0x2f: {  	v17 =	vmov s21;
	s14 =	sand.u32 $0x3FE0, s1;
	[sflag:s22] =	ssyncadd.s32 $0xFFFFF000  }
0x30: {  	v19 =	vshrl.u32 v17, $0x3;
	v18 =	vld [tilespmem:s14+$0x10900]  }
0x31: {  	s30 =	simm.s32 $0x6480;
	v19 =	vshll.u32 v19, v1;
	v17 =	vld [tilespmem:s14+$0x10910]  }
0x32: {  	v19 =	vbroadcast v19, $0x0;
	v20 =	vld [tilespmem:s30+$0xFFFFFF80]  }
0x33: {  	v21 =	vld [tilespmem:s30+$0xFFFFFF90]  }
0x34: {  	v22 =	vadd.s32 v0, v19  }
0x35: {  	v19 =	vadd.s32 v2, v19;
	_ =	sdelay $0x1  }
0x36: {  	s14 =	simm.s32 $0x1;
	v20 =	vadd.f32 v20, v18  }
0x37: {  	v23 =	vmov s14;
	v21 =	vadd.f32 v21, v17  }
0x38: {  	[tilespmem:v22+s23+$0x0] =	vst.idx.msk $0xffff, v20;
	v20 =	vshrl.u32 v23, $0x3  }
0x39: {  	[tilespmem:v19+s23+$0x0] =	vst.idx.msk $0xffff, v21;
	v19 =	vshll.u32 v20, v1  }
0x3a: {  	v20 =	vld [tilespmem:s30+$0xFFFFFFA0];
	v19 =	vbroadcast v19, $0x0  }
0x3b: {  	v21 =	vld [tilespmem:s30+$0xFFFFFFB0]  }
0x3c: {  	v22 =	vadd.s32 v3, v19  }
0x3d: {  	v19 =	vadd.s32 v4, v19;
	_ =	sdelay $0x1  }
0x3e: {  	s15 =	simm.s32 $0x2;
	v20 =	vadd.f32 v20, v18  }
0x3f: {  	v23 =	vmov s15;
	v21 =	vadd.f32 v21, v17  }
0x40: {  	[tilespmem:v22+s23+$0x0] =	vst.idx.msk $0xffff, v20;
	v20 =	vshrl.u32 v23, $0x3  }
0x41: {  	[tilespmem:v19+s23+$0x0] =	vst.idx.msk $0xffff, v21;
	v19 =	vshll.u32 v20, v1  }
0x42: {  	v20 =	vld [tilespmem:s30+$0xFFFFFFC0];
	v19 =	vbroadcast v19, $0x0  }
0x43: {  	v21 =	vld [tilespmem:s30+$0xFFFFFFD0]  }
0x44: {  	v22 =	vadd.s32 v5, v19  }
0x45: {  	v19 =	vadd.s32 v6, v19;
	_ =	sdelay $0x1  }
0x46: {  	s19 =	simm.s32 $0x3;
	v20 =	vadd.f32 v20, v18  }
0x47: {  	v23 =	vmov s19;
	v21 =	vadd.f32 v21, v17  }
0x48: {  	[tilespmem:v22+s23+$0x0] =	vst.idx.msk $0xffff, v20;
	v20 =	vshrl.u32 v23, $0x3  }
0x49: {  	[tilespmem:v19+s23+$0x0] =	vst.idx.msk $0xffff, v21;
	v19 =	vshll.u32 v20, v1  }
0x4a: {  	v20 =	vld [tilespmem:s30+$0xFFFFFFE0];
	v19 =	vbroadcast v19, $0x0  }
0x4b: {  	v21 =	vld [tilespmem:s30+$0xFFFFFFF0]  }
0x4c: {  	v22 =	vadd.s32 v7, v19  }
0x4d: {  	v19 =	vadd.s32 v8, v19;
	_ =	sdelay $0x1  }
0x4e: {  	s21 =	simm.s32 $0x4;
	v20 =	vadd.f32 v20, v18  }
0x4f: {  	v23 =	vmov s21;
	v21 =	vadd.f32 v21, v17  }
0x50: {  	[tilespmem:v22+s23+$0x0] =	vst.idx.msk $0xffff, v20;
	v20 =	vshrl.u32 v23, $0x3  }
0x51: {  	[tilespmem:v19+s23+$0x0] =	vst.idx.msk $0xffff, v21;
	v19 =	vshll.u32 v20, v1  }
0x52: {  	v20 =	vld [tilespmem:s30+$0x0];
	v19 =	vbroadcast v19, $0x0  }
0x53: {  	v21 =	vld [tilespmem:s30+$0x10]  }
0x54: {  	v22 =	vadd.s32 v9, v19  }
0x55: {  	v19 =	vadd.s32 v10, v19;
	_ =	sdelay $0x1  }
0x56: {  	s14 =	simm.s32 $0x5;
	v20 =	vadd.f32 v20, v18  }
0x57: {  	v23 =	vmov s14;
	v21 =	vadd.f32 v21, v17  }
0x58: {  	[tilespmem:v22+s23+$0x0] =	vst.idx.msk $0xffff, v20;
	v20 =	vshrl.u32 v23, $0x3  }
0x59: {  	[tilespmem:v19+s23+$0x0] =	vst.idx.msk $0xffff, v21;
	v19 =	vshll.u32 v20, v1  }
0x5a: {  	v20 =	vld [tilespmem:s30+$0x20];
	v19 =	vbroadcast v19, $0x0  }
0x5b: {  	v21 =	vld [tilespmem:s30+$0x30]  }
0x5c: {  	v22 =	vadd.s32 v11, v19  }
0x5d: {  	v19 =	vadd.s32 v12, v19;
	_ =	sdelay $0x1  }
0x5e: {  	s15 =	simm.s32 $0x6;
	v20 =	vadd.f32 v20, v18  }
0x5f: {  	v23 =	vmov s15;
	v21 =	vadd.f32 v21, v17  }
0x60: {  	[tilespmem:v22+s23+$0x0] =	vst.idx.msk $0xffff, v20;
	v20 =	vshrl.u32 v23, $0x3  }
0x61: {  	[tilespmem:v19+s23+$0x0] =	vst.idx.msk $0xffff, v21;
	v19 =	vshll.u32 v20, v1  }
0x62: {  	v20 =	vld [tilespmem:s30+$0x40];
	v19 =	vbroadcast v19, $0x0  }
0x63: {  	v21 =	vld [tilespmem:s30+$0x50]  }
0x64: {  	v22 =	vadd.s32 v13, v19  }
0x65: {  	v19 =	vadd.s32 v14, v19;
	_ =	sdelay $0x1  }
0x66: {  	s19 =	simm.s32 $0x7;
	v20 =	vadd.f32 v20, v18  }
0x67: {  	v23 =	vmov s19;
	v21 =	vadd.f32 v21, v17  }
0x68: {  	[tilespmem:v22+s23+$0x0] =	vst.idx.msk $0xffff, v20;
	v20 =	vshrl.u32 v23, $0x3  }
0x69: {  	[tilespmem:v19+s23+$0x0] =	vst.idx.msk $0xffff, v21;
	v19 =	vshll.u32 v20, v1  }
0x6a: {  	v20 =	vld [tilespmem:s30+$0x60];
	v19 =	vbroadcast v19, $0x0;
	_ =	sdelay $0x1  }
0x6b: {  	v21 =	vld [tilespmem:s30+$0x70];
	v22 =	vadd.s32 v15, v19;
	_ =	sdelay $0x1  }
0x6c: {  	v19 =	vadd.s32 v16, v19  }
0x6d: {  	s21 =	simm.s32 $0x8;
	v23 =	vadd.f32 v20, v18  }
0x6e: {  	v24 =	vmov s21  }
0x6f: {  	s0 =	simm.s32 $0xF;
	s15 =	simm.s32 $0x17;
	v20 =	vadd.f32 v21, v17;
	v21 =	vshrl.u32 v24, $0x3;
	[tilespmem:v22+s23+$0x0] =	vst.idx.msk $0xffff, v23  }
.LBB2_3:
0x70: {  	p1 =	sne.s32 s15, $0x7F  }
0x71: {  	v21 =	vshll.u32 v21, v1;
	[tilespmem:v19+s23+$0x0] =	vst.idx.msk $0xffff, v20;
	s30 =	sadd.s32 $0x100, s30;
	s19 =	smov.u32 s15;
	s15 =	sadd.s32 $0x8, s15  }
0x72: {  	v19 =	vld [tilespmem:s30+$0xFFFFFF80];
	v20 =	vbroadcast v21, $0x0  }
0x73: {  	v21 =	vld [tilespmem:s30+$0xFFFFFF90]  }
0x74: {  	v22 =	vadd.s32 v0, v20  }
0x75: {  	v20 =	vadd.s32 v2, v20;
	_ =	sdelay $0x1  }
0x76: {  	s14 =	sadd.s32 $0xFFFFFFFA, s0;
	v19 =	vadd.f32 v19, v18  }
0x77: {  	v23 =	vmov s14;
	v21 =	vadd.f32 v21, v17  }
0x78: {  	[tilespmem:v22+s23+$0x0] =	vst.idx.msk $0xffff, v19;
	v19 =	vshrl.u32 v23, $0x3  }
0x79: {  	[tilespmem:v20+s23+$0x0] =	vst.idx.msk $0xffff, v21;
	v19 =	vshll.u32 v19, v1  }
0x7a: {  	v20 =	vld [tilespmem:s30+$0xFFFFFFA0];
	v19 =	vbroadcast v19, $0x0  }
0x7b: {  	v21 =	vld [tilespmem:s30+$0xFFFFFFB0]  }
0x7c: {  	v22 =	vadd.s32 v3, v19  }
0x7d: {  	v19 =	vadd.s32 v4, v19;
	_ =	sdelay $0x1  }
0x7e: {  	s14 =	sadd.s32 $0xFFFFFFFB, s0;
	v20 =	vadd.f32 v20, v18  }
0x7f: {  	v23 =	vmov s14;
	v21 =	vadd.f32 v21, v17  }
0x80: {  	[tilespmem:v22+s23+$0x0] =	vst.idx.msk $0xffff, v20;
	v20 =	vshrl.u32 v23, $0x3  }
0x81: {  	[tilespmem:v19+s23+$0x0] =	vst.idx.msk $0xffff, v21;
	v19 =	vshll.u32 v20, v1  }
0x82: {  	v20 =	vld [tilespmem:s30+$0xFFFFFFC0];
	v19 =	vbroadcast v19, $0x0  }
0x83: {  	v21 =	vld [tilespmem:s30+$0xFFFFFFD0]  }
0x84: {  	v22 =	vadd.s32 v5, v19  }
0x85: {  	v19 =	vadd.s32 v6, v19;
	_ =	sdelay $0x1  }
0x86: {  	s14 =	sadd.s32 $0xFFFFFFFC, s0;
	v20 =	vadd.f32 v20, v18  }
0x87: {  	v23 =	vmov s14;
	v21 =	vadd.f32 v21, v17  }
0x88: {  	[tilespmem:v22+s23+$0x0] =	vst.idx.msk $0xffff, v20;
	v20 =	vshrl.u32 v23, $0x3  }
0x89: {  	[tilespmem:v19+s23+$0x0] =	vst.idx.msk $0xffff, v21;
	v19 =	vshll.u32 v20, v1  }
0x8a: {  	v20 =	vld [tilespmem:s30+$0xFFFFFFE0];
	v19 =	vbroadcast v19, $0x0  }
0x8b: {  	v21 =	vld [tilespmem:s30+$0xFFFFFFF0]  }
0x8c: {  	v22 =	vadd.s32 v7, v19  }
0x8d: {  	v19 =	vadd.s32 v8, v19;
	_ =	sdelay $0x1  }
0x8e: {  	s14 =	sadd.s32 $0xFFFFFFFD, s0;
	v20 =	vadd.f32 v20, v18  }
0x8f: {  	v23 =	vmov s14;
	v21 =	vadd.f32 v21, v17  }
0x90: {  	[tilespmem:v22+s23+$0x0] =	vst.idx.msk $0xffff, v20;
	v20 =	vshrl.u32 v23, $0x3  }
0x91: {  	[tilespmem:v19+s23+$0x0] =	vst.idx.msk $0xffff, v21;
	v19 =	vshll.u32 v20, v1  }
0x92: {  	v20 =	vld [tilespmem:s30+$0x0];
	v19 =	vbroadcast v19, $0x0  }
0x93: {  	v21 =	vld [tilespmem:s30+$0x10]  }
0x94: {  	v22 =	vadd.s32 v9, v19  }
0x95: {  	v19 =	vadd.s32 v10, v19;
	_ =	sdelay $0x1  }
0x96: {  	s14 =	sadd.s32 $0xFFFFFFFE, s0;
	v20 =	vadd.f32 v20, v18  }
0x97: {  	v23 =	vmov s14;
	v21 =	vadd.f32 v21, v17  }
0x98: {  	[tilespmem:v22+s23+$0x0] =	vst.idx.msk $0xffff, v20;
	v20 =	vshrl.u32 v23, $0x3  }
0x99: {  	[tilespmem:v19+s23+$0x0] =	vst.idx.msk $0xffff, v21;
	v19 =	vshll.u32 v20, v1  }
0x9a: {  	v20 =	vld [tilespmem:s30+$0x20];
	v19 =	vbroadcast v19, $0x0  }
0x9b: {  	v21 =	vld [tilespmem:s30+$0x30]  }
0x9c: {  	v22 =	vadd.s32 v11, v19  }
0x9d: {  	v19 =	vadd.s32 v12, v19;
	_ =	sdelay $0x1  }
0x9e: {  	s14 =	sadd.s32 $0xFFFFFFFF, s0;
	v20 =	vadd.f32 v20, v18  }
0x9f: {  	v23 =	vmov s14;
	v21 =	vadd.f32 v21, v17  }
0xa0: {  	[tilespmem:v22+s23+$0x0] =	vst.idx.msk $0xffff, v20;
	v20 =	vshrl.u32 v23, $0x3  }
0xa1: {  	[tilespmem:v19+s23+$0x0] =	vst.idx.msk $0xffff, v21;
	v19 =	vshll.u32 v20, v1  }
0xa2: {  	v20 =	vld [tilespmem:s30+$0x40];
	v19 =	vbroadcast v19, $0x0  }
0xa3: {  	v21 =	vld [tilespmem:s30+$0x50]  }
0xa4: {  	v22 =	vadd.s32 v13, v19  }
0xa5: {  	v19 =	vadd.s32 v14, v19;
	_ =	sdelay $0x1  }
0xa6: {  	v20 =	vadd.f32 v20, v18  }
0xa7: {  	v23 =	vmov s0;
	s0 =	smov.u32 s19;
	v21 =	vadd.f32 v21, v17  }
0xa8: {  	[tilespmem:v22+s23+$0x0] =	vst.idx.msk $0xffff, v20;
	v20 =	vshrl.u32 v23, $0x3  }
0xa9: {  	[tilespmem:v19+s23+$0x0] =	vst.idx.msk $0xffff, v21;
	v19 =	vshll.u32 v20, v1  }
0xaa: {  	v20 =	vld [tilespmem:s30+$0x60];
	v19 =	vbroadcast v19, $0x0  }
0xab: {  	v21 =	vld [tilespmem:s30+$0x70]  }
0xac: {  	v22 =	vadd.s32 v15, v19  }
.Ltmp0:
0xad: {  	v19 =	vadd.s32 v16, v19;
	(pc) =	sbr.rel @p1 .LBB2_3-.Ltmp0, $4  }
0xae: {  	_ = 	snop  }
0xaf: {  	s14 =	sadd.s32 $0xFFFFFFF9, s0;
	v23 =	vadd.f32 v20, v18  }
0xb0: {  	v24 =	vmov s14;
	v20 =	vadd.f32 v21, v17  }
0xb1: {  	v21 =	vshrl.u32 v24, $0x3;
	[tilespmem:v22+s23+$0x0] =	vst.idx.msk $0xffff, v23  }
0xb2: {  	_ =	sdelay $0x3  }
0xb3: {  	v21 =	vshll.u32 v21, v1;
	[tilespmem:v19+s23+$0x0] =	vst.idx.msk $0xffff, v20;
	s14 =	sadd.s32 $0x100, s30  }
0xb4: {  	v19 =	vld [tilespmem:s14+$0xFFFFFF80];
	v20 =	vbroadcast v21, $0x0  }
0xb5: {  	v21 =	vld [tilespmem:s14+$0xFFFFFF90]  }
0xb6: {  	v22 =	vadd.s32 v0, v20  }
0xb7: {  	v20 =	vadd.s32 v2, v20;
	_ =	sdelay $0x1  }
0xb8: {  	s15 =	sadd.s32 $0xFFFFFFFA, s0;
	v19 =	vadd.f32 v19, v18  }
0xb9: {  	v23 =	vmov s15;
	v21 =	vadd.f32 v21, v17  }
0xba: {  	[tilespmem:v22+s23+$0x0] =	vst.idx.msk $0xffff, v19;
	v19 =	vshrl.u32 v23, $0x3  }
0xbb: {  	[tilespmem:v20+s23+$0x0] =	vst.idx.msk $0xffff, v21;
	v19 =	vshll.u32 v19, v1  }
0xbc: {  	v20 =	vld [tilespmem:s14+$0xFFFFFFA0];
	v19 =	vbroadcast v19, $0x0  }
0xbd: {  	v21 =	vld [tilespmem:s14+$0xFFFFFFB0]  }
0xbe: {  	v22 =	vadd.s32 v3, v19  }
0xbf: {  	v19 =	vadd.s32 v4, v19;
	_ =	sdelay $0x1  }
0xc0: {  	s21 =	sadd.s32 $0xFFFFFFFB, s0;
	v20 =	vadd.f32 v20, v18  }
0xc1: {  	v23 =	vmov s21;
	v21 =	vadd.f32 v21, v17  }
0xc2: {  	[tilespmem:v22+s23+$0x0] =	vst.idx.msk $0xffff, v20;
	v20 =	vshrl.u32 v23, $0x3  }
0xc3: {  	[tilespmem:v19+s23+$0x0] =	vst.idx.msk $0xffff, v21;
	v19 =	vshll.u32 v20, v1  }
0xc4: {  	v20 =	vld [tilespmem:s14+$0xFFFFFFC0];
	v19 =	vbroadcast v19, $0x0  }
0xc5: {  	v21 =	vld [tilespmem:s14+$0xFFFFFFD0]  }
0xc6: {  	v22 =	vadd.s32 v5, v19  }
0xc7: {  	v19 =	vadd.s32 v6, v19;
	_ =	sdelay $0x1  }
0xc8: {  	s19 =	sadd.s32 $0xFFFFFFFC, s0;
	v20 =	vadd.f32 v20, v18  }
0xc9: {  	v23 =	vmov s19;
	v21 =	vadd.f32 v21, v17  }
0xca: {  	[tilespmem:v22+s23+$0x0] =	vst.idx.msk $0xffff, v20;
	v20 =	vshrl.u32 v23, $0x3  }
0xcb: {  	[tilespmem:v19+s23+$0x0] =	vst.idx.msk $0xffff, v21;
	v19 =	vshll.u32 v20, v1  }
0xcc: {  	v20 =	vld [tilespmem:s14+$0xFFFFFFE0];
	v19 =	vbroadcast v19, $0x0  }
0xcd: {  	v21 =	vld [tilespmem:s14+$0xFFFFFFF0]  }
0xce: {  	v22 =	vadd.s32 v7, v19  }
0xcf: {  	v19 =	vadd.s32 v8, v19;
	_ =	sdelay $0x1  }
0xd0: {  	s21 =	sadd.s32 $0xFFFFFFFD, s0;
	v20 =	vadd.f32 v20, v18  }
0xd1: {  	v23 =	vmov s21;
	v21 =	vadd.f32 v21, v17  }
0xd2: {  	[tilespmem:v22+s23+$0x0] =	vst.idx.msk $0xffff, v20;
	v20 =	vshrl.u32 v23, $0x3  }
0xd3: {  	[tilespmem:v19+s23+$0x0] =	vst.idx.msk $0xffff, v21;
	v19 =	vshll.u32 v20, v1  }
0xd4: {  	v20 =	vld [tilespmem:s14+$0x0];
	v19 =	vbroadcast v19, $0x0  }
0xd5: {  	v21 =	vld [tilespmem:s14+$0x10]  }
0xd6: {  	v22 =	vadd.s32 v9, v19  }
0xd7: {  	v19 =	vadd.s32 v10, v19;
	_ =	sdelay $0x1  }
0xd8: {  	s19 =	sadd.s32 $0xFFFFFFFE, s0;
	v20 =	vadd.f32 v20, v18  }
0xd9: {  	v23 =	vmov s19;
	v21 =	vadd.f32 v21, v17  }
0xda: {  	[tilespmem:v22+s23+$0x0] =	vst.idx.msk $0xffff, v20;
	v20 =	vshrl.u32 v23, $0x3  }
0xdb: {  	[tilespmem:v19+s23+$0x0] =	vst.idx.msk $0xffff, v21;
	v19 =	vshll.u32 v20, v1  }
0xdc: {  	v20 =	vld [tilespmem:s14+$0x20];
	v19 =	vbroadcast v19, $0x0  }
0xdd: {  	v21 =	vld [tilespmem:s14+$0x30]  }
0xde: {  	v22 =	vadd.s32 v11, v19  }
0xdf: {  	v19 =	vadd.s32 v12, v19;
	_ =	sdelay $0x1  }
0xe0: {  	s21 =	sadd.s32 $0xFFFFFFFF, s0;
	v20 =	vadd.f32 v20, v18  }
0xe1: {  	v23 =	vmov s21;
	v21 =	vadd.f32 v21, v17  }
0xe2: {  	[tilespmem:v22+s23+$0x0] =	vst.idx.msk $0xffff, v20;
	v20 =	vshrl.u32 v23, $0x3  }
0xe3: {  	[tilespmem:v19+s23+$0x0] =	vst.idx.msk $0xffff, v21;
	v19 =	vshll.u32 v20, v1  }
0xe4: {  	v20 =	vld [tilespmem:s14+$0x40];
	v19 =	vbroadcast v19, $0x0  }
0xe5: {  	v21 =	vld [tilespmem:s14+$0x50]  }
0xe6: {  	v22 =	vadd.s32 v13, v19  }
0xe7: {  	v19 =	vadd.s32 v14, v19;
	_ =	sdelay $0x1  }
0xe8: {  	v20 =	vadd.f32 v20, v18  }
0xe9: {  	v23 =	vmov s0;
	v21 =	vadd.f32 v21, v17  }
0xea: {  	[tilespmem:v22+s23+$0x0] =	vst.idx.msk $0xffff, v20;
	v20 =	vshrl.u32 v23, $0x3  }
0xeb: {  	[tilespmem:v19+s23+$0x0] =	vst.idx.msk $0xffff, v21;
	v19 =	vshll.u32 v20, v1  }
0xec: {  	v20 =	vld [tilespmem:s14+$0x60];
	v19 =	vbroadcast v19, $0x0  }
0xed: {  	v21 =	vld [tilespmem:s14+$0x70]  }
0xee: {  	v22 =	vadd.s32 v15, v19  }
0xef: {  	v19 =	vadd.s32 v16, v19;
	_ =	sdelay $0x1  }
0xf0: {  	s15 =	sshll.u32 s1, $0x7;
	s14 =	sshll.u32 s1, $0x9;
	v18 =	vadd.f32 v20, v18  }
0xf1: {  	s1 =	sand.u32 $0xF80, s15;
	s0 =	sand.u32 $0xFFFC000, s14;
	v17 =	vadd.f32 v21, v17  }
0xf2: {  	s0 =	sor.u32 s1, s0;
	[tilespmem:v22+s23+$0x0] =	vst.idx.msk $0xffff, v18  }
0xf3: {  	s1 =	sadd.s32 s2, s0;
	[tilespmem:v19+s23+$0x0] =	vst.idx.msk $0xffff, v17  }
0xf4: {  	[hbm4b:s1+s3] =	stream.linear.scatter [tilespmem:s23], [sflag:$0x6], $0x80, $0x38;
	[tilespmem:$0x12200] =	vst v63  }
0xf5: {  	s21 =	simm.s32 $0xB488;
	s19 =	sadd.s32 $0x10, s1  }
0xf6: {  	[hbm4b:s19+s3] =	stream.linear.scatter [tilespmem:s21], [sflag:$0x6], $0x80, $0x38;
	[tilespmem:$0x12200] =	vst v63  }
0xf7: {  	s19 =	sadd.s32 $0x20, s1;
	s21 =	simm.s32 $0xB510  }
0xf8: {  	[hbm4b:s19+s3] =	stream.linear.scatter [tilespmem:s21], [sflag:$0x6], $0x80, $0x38;
	[tilespmem:$0x12200] =	vst v63  }
0xf9: {  	s19 =	sadd.s32 $0x30, s1;
	s21 =	simm.s32 $0xB598  }
0xfa: {  	[hbm4b:s19+s3] =	stream.linear.scatter [tilespmem:s21], [sflag:$0x6], $0x80, $0x38;
	[tilespmem:$0x12200] =	vst v63  }
0xfb: {  	s19 =	sadd.s32 $0x40, s1;
	s21 =	simm.s32 $0xB620  }
0xfc: {  	[hbm4b:s19+s3] =	stream.linear.scatter [tilespmem:s21], [sflag:$0x6], $0x80, $0x38;
	[tilespmem:$0x12200] =	vst v63  }
0xfd: {  	s19 =	sadd.s32 $0x50, s1;
	s21 =	simm.s32 $0xB6A8  }
0xfe: {  	[hbm4b:s19+s3] =	stream.linear.scatter [tilespmem:s21], [sflag:$0x6], $0x80, $0x38;
	[tilespmem:$0x12200] =	vst v63  }
0xff: {  	s15 =	sadd.s32 $0x60, s1;
	s19 =	simm.s32 $0xB730  }
0x100: {  	[hbm4b:s15+s3] =	stream.linear.scatter [tilespmem:s19], [sflag:$0x6], $0x80, $0x38;
	[tilespmem:$0x12200] =	vst v63  }
0x101: {  	s1 =	sadd.s32 $0x70, s1;
	s21 =	simm.s32 $0xB7B8  }
0x102: {  	[hbm4b:s1+s3] =	stream.linear.scatter [tilespmem:s21], [sflag:$0x6], $0x80, $0x38;
	[tilespmem:$0x12200] =	vst v63  }
0x103: {  	s15 =	simm.s32 $0xB840;
	s1 =	sadd.s32 s0, s8  }
0x104: {  	[hbm4b:s1+s3] =	stream.linear.scatter [tilespmem:s15], [sflag:$0x6], $0x80, $0x38;
	[tilespmem:$0x12200] =	vst v63  }
0x105: {  	s21 =	simm.s32 $0xB8C8;
	s19 =	sadd.s32 $0x10, s1  }
0x106: {  	[hbm4b:s19+s3] =	stream.linear.scatter [tilespmem:s21], [sflag:$0x6], $0x80, $0x38;
	[tilespmem:$0x12200] =	vst v63  }
0x107: {  	s19 =	sadd.s32 $0x20, s1;
	s21 =	simm.s32 $0xB950  }
0x108: {  	[hbm4b:s19+s3] =	stream.linear.scatter [tilespmem:s21], [sflag:$0x6], $0x80, $0x38;
	[tilespmem:$0x12200] =	vst v63  }
0x109: {  	s19 =	sadd.s32 $0x30, s1;
	s21 =	simm.s32 $0xB9D8  }
0x10a: {  	[hbm4b:s19+s3] =	stream.linear.scatter [tilespmem:s21], [sflag:$0x6], $0x80, $0x38;
	[tilespmem:$0x12200] =	vst v63  }
0x10b: {  	s19 =	sadd.s32 $0x40, s1;
	s21 =	simm.s32 $0xBA60  }
0x10c: {  	[hbm4b:s19+s3] =	stream.linear.scatter [tilespmem:s21], [sflag:$0x6], $0x80, $0x38;
	[tilespmem:$0x12200] =	vst v63  }
0x10d: {  	s19 =	sadd.s32 $0x50, s1;
	s21 =	simm.s32 $0xBAE8  }
0x10e: {  	[hbm4b:s19+s3] =	stream.linear.scatter [tilespmem:s21], [sflag:$0x6], $0x80, $0x38;
	[tilespmem:$0x12200] =	vst v63  }
0x10f: {  	s15 =	sadd.s32 $0x60, s1;
	s19 =	simm.s32 $0xBB70  }
0x110: {  	[hbm4b:s15+s3] =	stream.linear.scatter [tilespmem:s19], [sflag:$0x6], $0x80, $0x38;
	[tilespmem:$0x12200] =	vst v63  }
0x111: {  	s1 =	sadd.s32 $0x70, s1;
	s21 =	simm.s32 $0xBBF8  }
0x112: {  	[hbm4b:s1+s3] =	stream.linear.scatter [tilespmem:s21], [sflag:$0x6], $0x80, $0x38;
	[tilespmem:$0x12200] =	vst v63  }
0x113: {  	s15 =	simm.s32 $0xBC80;
	s1 =	sadd.s32 s0, s9  }
0x114: {  	[hbm4b:s1+s3] =	stream.linear.scatter [tilespmem:s15], [sflag:$0x6], $0x80, $0x38;
	[tilespmem:$0x12200] =	vst v63  }
0x115: {  	s21 =	simm.s32 $0xBD08;
	s19 =	sadd.s32 $0x10, s1  }
0x116: {  	[hbm4b:s19+s3] =	stream.linear.scatter [tilespmem:s21], [sflag:$0x6], $0x80, $0x38;
	[tilespmem:$0x12200] =	vst v63  }
0x117: {  	s19 =	sadd.s32 $0x20, s1;
	s21 =	simm.s32 $0xBD90  }
0x118: {  	[hbm4b:s19+s3] =	stream.linear.scatter [tilespmem:s21], [sflag:$0x6], $0x80, $0x38;
	[tilespmem:$0x12200] =	vst v63  }
0x119: {  	s19 =	sadd.s32 $0x30, s1;
	s21 =	simm.s32 $0xBE18  }
0x11a: {  	[hbm4b:s19+s3] =	stream.linear.scatter [tilespmem:s21], [sflag:$0x6], $0x80, $0x38;
	[tilespmem:$0x12200] =	vst v63  }
0x11b: {  	s19 =	sadd.s32 $0x40, s1;
	s21 =	simm.s32 $0xBEA0  }
0x11c: {  	[hbm4b:s19+s3] =	stream.linear.scatter [tilespmem:s21], [sflag:$0x6], $0x80, $0x38;
	[tilespmem:$0x12200] =	vst v63  }
0x11d: {  	s19 =	sadd.s32 $0x50, s1;
	s21 =	simm.s32 $0xBF28  }
0x11e: {  	[hbm4b:s19+s3] =	stream.linear.scatter [tilespmem:s21], [sflag:$0x6], $0x80, $0x38;
	[tilespmem:$0x12200] =	vst v63  }
0x11f: {  	s19 =	sadd.s32 $0x60, s1;
	s21 =	simm.s32 $0xBFB0  }
0x120: {  	[hbm4b:s19+s3] =	stream.linear.scatter [tilespmem:s21], [sflag:$0x6], $0x80, $0x38;
	[tilespmem:$0x12200] =	vst v63  }
0x121: {  	s1 =	sadd.s32 $0x70, s1;
	s19 =	simm.s32 $0xC038  }
0x122: {  	[hbm4b:s1+s3] =	stream.linear.scatter [tilespmem:s19], [sflag:$0x6], $0x80, $0x38;
	[tilespmem:$0x12200] =	vst v63  }
0x123: {  	s0 =	sadd.s32 s0, s10;
	s21 =	simm.s32 $0xC0C0  }
0x124: {  	[hbm4b:s0+s3] =	stream.linear.scatter [tilespmem:s21], [sflag:$0x6], $0x80, $0x38;
	[tilespmem:$0x12200] =	vst v63  }
0x125: {  	s14 =	sadd.s32 $0x10, s0;
	s15 =	simm.s32 $0xC148  }
0x126: {  	[hbm4b:s14+s3] =	stream.linear.scatter [tilespmem:s15], [sflag:$0x6], $0x80, $0x38;
	[tilespmem:$0x12200] =	vst v63  }
0x127: {  	s19 =	sadd.s32 $0x20, s0;
	s21 =	simm.s32 $0xC1D0  }
0x128: {  	[hbm4b:s19+s3] =	stream.linear.scatter [tilespmem:s21], [sflag:$0x6], $0x80, $0x38;
	[tilespmem:$0x12200] =	vst v63  }
0x129: {  	s14 =	sadd.s32 $0x30, s0;
	s15 =	simm.s32 $0xC258  }
0x12a: {  	[hbm4b:s14+s3] =	stream.linear.scatter [tilespmem:s15], [sflag:$0x6], $0x80, $0x38;
	[tilespmem:$0x12200] =	vst v63  }
0x12b: {  	s19 =	sadd.s32 $0x40, s0;
	s21 =	simm.s32 $0xC2E0  }
0x12c: {  	[hbm4b:s19+s3] =	stream.linear.scatter [tilespmem:s21], [sflag:$0x6], $0x80, $0x38;
	[tilespmem:$0x12200] =	vst v63  }
0x12d: {  	s14 =	sadd.s32 $0x50, s0;
	s15 =	simm.s32 $0xC368  }
0x12e: {  	[hbm4b:s14+s3] =	stream.linear.scatter [tilespmem:s15], [sflag:$0x6], $0x80, $0x38;
	[tilespmem:$0x12200] =	vst v63  }
0x12f: {  	s19 =	sadd.s32 $0x60, s0;
	s21 =	simm.s32 $0xC3F0  }
0x130: {  	[hbm4b:s19+s3] =	stream.linear.scatter [tilespmem:s21], [sflag:$0x6], $0x80, $0x38;
	[tilespmem:$0x12200] =	vst v63  }
0x131: {  	s0 =	sadd.s32 $0x70, s0;
	s14 =	simm.s32 $0xC478  }
0x132: {  	[hbm4b:s0+s3] =	stream.linear.scatter [tilespmem:s14], [sflag:$0x6], $0x80, $0x38;
	[tilespmem:$0x12200] =	vst v63  }
0x133: {  	s0 =	simm.s32 @!p0 $0xA  }
0x134: {  	_ =	swait.ge @!p0 [sflag:s0], $0x400  }
0x135: {  	[sflag:s0] =	ssyncset.done @!p0 $0x0  }
0x136: {  	[sflag:s0] =	ssyncadd.s32 @!p0 $0xFFFFFC00  }
0x137: {  	_ =	swait.ge @!p0 [sflag:s0], $0x400  }
0x138: {  	[sflag:s0] =	ssyncset.done @!p0 $0x0  }
0x139: {  	[sflag:s0] =	ssyncadd.s32 @!p0 $0xFFFFFC00  }
0x13a: {  	_ =	swait.ge @!p0 [sflag:s0], $0x400  }
0x13b: {  	[sflag:s0] =	ssyncset.done @!p0 $0x0  }
0x13c: {  	[sflag:s0] =	ssyncadd.s32 @!p0 $0xFFFFFC00  }
0x13d: {  	s30 =	sadd.s32 $0x4, s31;
	_ =	swait.ge @!p0 [sflag:s0], $0x400  }
0x13e: {  	s15 =	sshll.u32 s30, $0x7;
	[sflag:s0] =	ssyncset.done @!p0 $0x0  }
0x13f: {  	s19 =	sand.u32 $0x3FFFFF80, s15;
	s21 =	simm.s32 $0xA400;
	[sflag:s0] =	ssyncadd.s32 @!p0 $0xFFFFFC00  }
0x140: {  	[tilespmem:s21], [sflag:$0x5] =	stream.indirect.gather [hbm4b:s4+s16], $0x20, s19, s16, $0xb8;
	[tilespmem:$0x12200] =	vst v63  }
0x141: {  	_ =	swait.ge [sflag:s20], $0x1000  }
0x142: {  	s1 =	sadd.s32 s31, s11;
	s14 =	simm.s32 $0x0;
	[sflag:s20] =	ssyncset.done $0x0  }
0x143: {  	s15 =	sand.u32 $0x3FE0, s1;
	v17 =	vmov s14;
	[sflag:s20] =	ssyncadd.s32 $0xFFFFF000  }
0x144: {  	v19 =	vshrl.u32 v17, $0x3;
	v18 =	vld [tilespmem:s15+$0x10900]  }
0x145: {  	v19 =	vshll.u32 v19, v1;
	s0 =	simm.s32 $0x74F0;
	v17 =	vld [tilespmem:s15+$0x10910]  }
0x146: {  	v19 =	vbroadcast v19, $0x0;
	v20 =	vld [tilespmem:s0+$0xFFFFFF10]  }
0x147: {  	v21 =	vld [tilespmem:s0+$0xFFFFFF20]  }
0x148: {  	v22 =	vadd.s32 v0, v19  }
0x149: {  	v19 =	vadd.s32 v2, v19;
	_ =	sdelay $0x1  }
0x14a: {  	s19 =	simm.s32 $0x1;
	v20 =	vadd.f32 v20, v18  }
0x14b: {  	v23 =	vmov s19;
	v21 =	vadd.f32 v21, v17  }
0x14c: {  	[tilespmem:v22+s5+$0x0] =	vst.idx.msk $0xffff, v20;
	v20 =	vshrl.u32 v23, $0x3  }
0x14d: {  	[tilespmem:v19+s5+$0x0] =	vst.idx.msk $0xffff, v21;
	v19 =	vshll.u32 v20, v1  }
0x14e: {  	v20 =	vld [tilespmem:s0+$0xFFFFFF30];
	v19 =	vbroadcast v19, $0x0  }
0x14f: {  	v21 =	vld [tilespmem:s0+$0xFFFFFF40]  }
0x150: {  	v22 =	vadd.s32 v3, v19  }
0x151: {  	v19 =	vadd.s32 v4, v19;
	_ =	sdelay $0x1  }
0x152: {  	s21 =	simm.s32 $0x2;
	v20 =	vadd.f32 v20, v18  }
0x153: {  	v23 =	vmov s21;
	v21 =	vadd.f32 v21, v17  }
0x154: {  	[tilespmem:v22+s5+$0x0] =	vst.idx.msk $0xffff, v20;
	v20 =	vshrl.u32 v23, $0x3  }
0x155: {  	[tilespmem:v19+s5+$0x0] =	vst.idx.msk $0xffff, v21;
	v19 =	vshll.u32 v20, v1  }
0x156: {  	v20 =	vld [tilespmem:s0+$0xFFFFFF50];
	v19 =	vbroadcast v19, $0x0  }
0x157: {  	v21 =	vld [tilespmem:s0+$0xFFFFFF60]  }
0x158: {  	v22 =	vadd.s32 v5, v19  }
0x159: {  	v19 =	vadd.s32 v6, v19;
	_ =	sdelay $0x1  }
0x15a: {  	s15 =	simm.s32 $0x3;
	v20 =	vadd.f32 v20, v18  }
0x15b: {  	v23 =	vmov s15;
	v21 =	vadd.f32 v21, v17  }
0x15c: {  	[tilespmem:v22+s5+$0x0] =	vst.idx.msk $0xffff, v20;
	v20 =	vshrl.u32 v23, $0x3  }
0x15d: {  	[tilespmem:v19+s5+$0x0] =	vst.idx.msk $0xffff, v21;
	v19 =	vshll.u32 v20, v1  }
0x15e: {  	v20 =	vld [tilespmem:s0+$0xFFFFFF70];
	v19 =	vbroadcast v19, $0x0  }
0x15f: {  	v21 =	vld [tilespmem:s0+$0xFFFFFF80]  }
0x160: {  	v22 =	vadd.s32 v7, v19  }
0x161: {  	v19 =	vadd.s32 v8, v19;
	_ =	sdelay $0x1  }
0x162: {  	s19 =	simm.s32 $0x4;
	v20 =	vadd.f32 v20, v18  }
0x163: {  	v23 =	vmov s19;
	v21 =	vadd.f32 v21, v17  }
0x164: {  	[tilespmem:v22+s5+$0x0] =	vst.idx.msk $0xffff, v20;
	v20 =	vshrl.u32 v23, $0x3  }
0x165: {  	[tilespmem:v19+s5+$0x0] =	vst.idx.msk $0xffff, v21;
	v19 =	vshll.u32 v20, v1  }
0x166: {  	v20 =	vld [tilespmem:s0+$0xFFFFFF90];
	v19 =	vbroadcast v19, $0x0  }
0x167: {  	v21 =	vld [tilespmem:s0+$0xFFFFFFA0]  }
0x168: {  	v22 =	vadd.s32 v9, v19  }
0x169: {  	v19 =	vadd.s32 v10, v19;
	_ =	sdelay $0x1  }
0x16a: {  	s21 =	simm.s32 $0x5;
	v20 =	vadd.f32 v20, v18  }
0x16b: {  	v23 =	vmov s21;
	v21 =	vadd.f32 v21, v17  }
0x16c: {  	[tilespmem:v22+s5+$0x0] =	vst.idx.msk $0xffff, v20;
	v20 =	vshrl.u32 v23, $0x3  }
0x16d: {  	[tilespmem:v19+s5+$0x0] =	vst.idx.msk $0xffff, v21;
	v19 =	vshll.u32 v20, v1  }
0x16e: {  	v20 =	vld [tilespmem:s0+$0xFFFFFFB0];
	v19 =	vbroadcast v19, $0x0  }
0x16f: {  	v21 =	vld [tilespmem:s0+$0xFFFFFFC0]  }
0x170: {  	v22 =	vadd.s32 v11, v19  }
0x171: {  	v19 =	vadd.s32 v12, v19;
	_ =	sdelay $0x1  }
0x172: {  	s15 =	simm.s32 $0x6;
	v20 =	vadd.f32 v20, v18  }
0x173: {  	v23 =	vmov s15;
	v21 =	vadd.f32 v21, v17  }
0x174: {  	[tilespmem:v22+s5+$0x0] =	vst.idx.msk $0xffff, v20;
	v20 =	vshrl.u32 v23, $0x3  }
0x175: {  	[tilespmem:v19+s5+$0x0] =	vst.idx.msk $0xffff, v21;
	v19 =	vshll.u32 v20, v1  }
0x176: {  	v20 =	vld [tilespmem:s0+$0xFFFFFFD0];
	v19 =	vbroadcast v19, $0x0  }
0x177: {  	v21 =	vld [tilespmem:s0+$0xFFFFFFE0]  }
0x178: {  	v22 =	vadd.s32 v13, v19  }
0x179: {  	v19 =	vadd.s32 v14, v19;
	_ =	sdelay $0x1  }
0x17a: {  	s19 =	simm.s32 $0x7;
	v20 =	vadd.f32 v20, v18  }
0x17b: {  	v23 =	vmov s19;
	v21 =	vadd.f32 v21, v17  }
0x17c: {  	[tilespmem:v22+s5+$0x0] =	vst.idx.msk $0xffff, v20;
	v20 =	vshrl.u32 v23, $0x3  }
0x17d: {  	[tilespmem:v19+s5+$0x0] =	vst.idx.msk $0xffff, v21;
	v19 =	vshll.u32 v20, v1  }
0x17e: {  	v20 =	vld [tilespmem:s0+$0xFFFFFFF0];
	v19 =	vbroadcast v19, $0x0;
	_ =	sdelay $0x1  }
0x17f: {  	v21 =	vld [tilespmem:s0+$0x0];
	v22 =	vadd.s32 v15, v19;
	_ =	sdelay $0x1  }
0x180: {  	v19 =	vadd.s32 v16, v19  }
0x181: {  	s21 =	simm.s32 $0x8;
	v23 =	vadd.f32 v20, v18  }
0x182: {  	v24 =	vmov s21  }
0x183: {  	s15 =	simm.s32 $0xF;
	s19 =	simm.s32 $0x17;
	v20 =	vadd.f32 v21, v17;
	v21 =	vshrl.u32 v24, $0x3;
	[tilespmem:v22+s5+$0x0] =	vst.idx.msk $0xffff, v23  }
.LBB2_5:
0x184: {  	p0 =	sne.s32 s19, $0x7F  }
0x185: {  	v21 =	vshll.u32 v21, v1;
	[tilespmem:v19+s5+$0x0] =	vst.idx.msk $0xffff, v20;
	s0 =	sadd.s32 $0x100, s0;
	s14 =	smov.u32 s19;
	s19 =	sadd.s32 $0x8, s19  }
0x186: {  	v19 =	vld [tilespmem:s0+$0xFFFFFF10];
	v20 =	vbroadcast v21, $0x0  }
0x187: {  	v21 =	vld [tilespmem:s0+$0xFFFFFF20]  }
0x188: {  	v22 =	vadd.s32 v0, v20  }
0x189: {  	v20 =	vadd.s32 v2, v20;
	_ =	sdelay $0x1  }
0x18a: {  	s21 =	sadd.s32 $0xFFFFFFFA, s15;
	v19 =	vadd.f32 v19, v18  }
0x18b: {  	v23 =	vmov s21;
	v21 =	vadd.f32 v21, v17  }
0x18c: {  	[tilespmem:v22+s5+$0x0] =	vst.idx.msk $0xffff, v19;
	v19 =	vshrl.u32 v23, $0x3  }
0x18d: {  	[tilespmem:v20+s5+$0x0] =	vst.idx.msk $0xffff, v21;
	v19 =	vshll.u32 v19, v1  }
0x18e: {  	v20 =	vld [tilespmem:s0+$0xFFFFFF30];
	v19 =	vbroadcast v19, $0x0  }
0x18f: {  	v21 =	vld [tilespmem:s0+$0xFFFFFF40]  }
0x190: {  	v22 =	vadd.s32 v3, v19  }
0x191: {  	v19 =	vadd.s32 v4, v19;
	_ =	sdelay $0x1  }
0x192: {  	s21 =	sadd.s32 $0xFFFFFFFB, s15;
	v20 =	vadd.f32 v20, v18  }
0x193: {  	v23 =	vmov s21;
	v21 =	vadd.f32 v21, v17  }
0x194: {  	[tilespmem:v22+s5+$0x0] =	vst.idx.msk $0xffff, v20;
	v20 =	vshrl.u32 v23, $0x3  }
0x195: {  	[tilespmem:v19+s5+$0x0] =	vst.idx.msk $0xffff, v21;
	v19 =	vshll.u32 v20, v1  }
0x196: {  	v20 =	vld [tilespmem:s0+$0xFFFFFF50];
	v19 =	vbroadcast v19, $0x0  }
0x197: {  	v21 =	vld [tilespmem:s0+$0xFFFFFF60]  }
0x198: {  	v22 =	vadd.s32 v5, v19  }
0x199: {  	v19 =	vadd.s32 v6, v19;
	_ =	sdelay $0x1  }
0x19a: {  	s21 =	sadd.s32 $0xFFFFFFFC, s15;
	v20 =	vadd.f32 v20, v18  }
0x19b: {  	v23 =	vmov s21;
	v21 =	vadd.f32 v21, v17  }
0x19c: {  	[tilespmem:v22+s5+$0x0] =	vst.idx.msk $0xffff, v20;
	v20 =	vshrl.u32 v23, $0x3  }
0x19d: {  	[tilespmem:v19+s5+$0x0] =	vst.idx.msk $0xffff, v21;
	v19 =	vshll.u32 v20, v1  }
0x19e: {  	v20 =	vld [tilespmem:s0+$0xFFFFFF70];
	v19 =	vbroadcast v19, $0x0  }
0x19f: {  	v21 =	vld [tilespmem:s0+$0xFFFFFF80]  }
0x1a0: {  	v22 =	vadd.s32 v7, v19  }
0x1a1: {  	v19 =	vadd.s32 v8, v19;
	_ =	sdelay $0x1  }
0x1a2: {  	s21 =	sadd.s32 $0xFFFFFFFD, s15;
	v20 =	vadd.f32 v20, v18  }
0x1a3: {  	v23 =	vmov s21;
	v21 =	vadd.f32 v21, v17  }
0x1a4: {  	[tilespmem:v22+s5+$0x0] =	vst.idx.msk $0xffff, v20;
	v20 =	vshrl.u32 v23, $0x3  }
0x1a5: {  	[tilespmem:v19+s5+$0x0] =	vst.idx.msk $0xffff, v21;
	v19 =	vshll.u32 v20, v1  }
0x1a6: {  	v20 =	vld [tilespmem:s0+$0xFFFFFF90];
	v19 =	vbroadcast v19, $0x0  }
0x1a7: {  	v21 =	vld [tilespmem:s0+$0xFFFFFFA0]  }
0x1a8: {  	v22 =	vadd.s32 v9, v19  }
0x1a9: {  	v19 =	vadd.s32 v10, v19;
	_ =	sdelay $0x1  }
0x1aa: {  	s21 =	sadd.s32 $0xFFFFFFFE, s15;
	v20 =	vadd.f32 v20, v18  }
0x1ab: {  	v23 =	vmov s21;
	v21 =	vadd.f32 v21, v17  }
0x1ac: {  	[tilespmem:v22+s5+$0x0] =	vst.idx.msk $0xffff, v20;
	v20 =	vshrl.u32 v23, $0x3  }
0x1ad: {  	[tilespmem:v19+s5+$0x0] =	vst.idx.msk $0xffff, v21;
	v19 =	vshll.u32 v20, v1  }
0x1ae: {  	v20 =	vld [tilespmem:s0+$0xFFFFFFB0];
	v19 =	vbroadcast v19, $0x0  }
0x1af: {  	v21 =	vld [tilespmem:s0+$0xFFFFFFC0]  }
0x1b0: {  	v22 =	vadd.s32 v11, v19  }
0x1b1: {  	v19 =	vadd.s32 v12, v19;
	_ =	sdelay $0x1  }
0x1b2: {  	s21 =	sadd.s32 $0xFFFFFFFF, s15;
	v20 =	vadd.f32 v20, v18  }
0x1b3: {  	v23 =	vmov s21;
	v21 =	vadd.f32 v21, v17  }
0x1b4: {  	[tilespmem:v22+s5+$0x0] =	vst.idx.msk $0xffff, v20;
	v20 =	vshrl.u32 v23, $0x3  }
0x1b5: {  	[tilespmem:v19+s5+$0x0] =	vst.idx.msk $0xffff, v21;
	v19 =	vshll.u32 v20, v1  }
0x1b6: {  	v20 =	vld [tilespmem:s0+$0xFFFFFFD0];
	v19 =	vbroadcast v19, $0x0  }
0x1b7: {  	v21 =	vld [tilespmem:s0+$0xFFFFFFE0]  }
0x1b8: {  	v22 =	vadd.s32 v13, v19  }
0x1b9: {  	v19 =	vadd.s32 v14, v19;
	_ =	sdelay $0x1  }
0x1ba: {  	v20 =	vadd.f32 v20, v18  }
0x1bb: {  	v23 =	vmov s15;
	s15 =	smov.u32 s14;
	v21 =	vadd.f32 v21, v17  }
0x1bc: {  	[tilespmem:v22+s5+$0x0] =	vst.idx.msk $0xffff, v20;
	v20 =	vshrl.u32 v23, $0x3  }
0x1bd: {  	[tilespmem:v19+s5+$0x0] =	vst.idx.msk $0xffff, v21;
	v19 =	vshll.u32 v20, v1  }
0x1be: {  	v20 =	vld [tilespmem:s0+$0xFFFFFFF0];
	v19 =	vbroadcast v19, $0x0  }
0x1bf: {  	v21 =	vld [tilespmem:s0+$0x0]  }
0x1c0: {  	v22 =	vadd.s32 v15, v19  }
.Ltmp1:
0x1c1: {  	v19 =	vadd.s32 v16, v19;
	(pc) =	sbr.rel @p0 .LBB2_5-.Ltmp1, $4  }
0x1c2: {  	_ = 	snop  }
0x1c3: {  	s14 =	sadd.s32 $0xFFFFFFF9, s15;
	v23 =	vadd.f32 v20, v18  }
0x1c4: {  	v24 =	vmov s14;
	v20 =	vadd.f32 v21, v17  }
0x1c5: {  	v21 =	vshrl.u32 v24, $0x3;
	[tilespmem:v22+s5+$0x0] =	vst.idx.msk $0xffff, v23  }
0x1c6: {  	_ =	sdelay $0x3  }
0x1c7: {  	v21 =	vshll.u32 v21, v1;
	[tilespmem:v19+s5+$0x0] =	vst.idx.msk $0xffff, v20;
	s0 =	sadd.s32 $0x100, s0  }
0x1c8: {  	v19 =	vld [tilespmem:s0+$0xFFFFFF10];
	v20 =	vbroadcast v21, $0x0  }
0x1c9: {  	v21 =	vld [tilespmem:s0+$0xFFFFFF20]  }
0x1ca: {  	v22 =	vadd.s32 v0, v20  }
0x1cb: {  	v20 =	vadd.s32 v2, v20;
	_ =	sdelay $0x1  }
0x1cc: {  	s14 =	sadd.s32 $0xFFFFFFFA, s15;
	v19 =	vadd.f32 v19, v18  }
0x1cd: {  	v23 =	vmov s14;
	v21 =	vadd.f32 v21, v17  }
0x1ce: {  	[tilespmem:v22+s5+$0x0] =	vst.idx.msk $0xffff, v19;
	v19 =	vshrl.u32 v23, $0x3  }
0x1cf: {  	[tilespmem:v20+s5+$0x0] =	vst.idx.msk $0xffff, v21;
	v19 =	vshll.u32 v19, v1  }
0x1d0: {  	v20 =	vld [tilespmem:s0+$0xFFFFFF30];
	v19 =	vbroadcast v19, $0x0  }
0x1d1: {  	v21 =	vld [tilespmem:s0+$0xFFFFFF40]  }
0x1d2: {  	v22 =	vadd.s32 v3, v19  }
0x1d3: {  	v19 =	vadd.s32 v4, v19;
	_ =	sdelay $0x1  }
0x1d4: {  	s21 =	sadd.s32 $0xFFFFFFFB, s15;
	v20 =	vadd.f32 v20, v18  }
0x1d5: {  	v23 =	vmov s21;
	v21 =	vadd.f32 v21, v17  }
0x1d6: {  	[tilespmem:v22+s5+$0x0] =	vst.idx.msk $0xffff, v20;
	v20 =	vshrl.u32 v23, $0x3  }
0x1d7: {  	[tilespmem:v19+s5+$0x0] =	vst.idx.msk $0xffff, v21;
	v19 =	vshll.u32 v20, v1  }
0x1d8: {  	v20 =	vld [tilespmem:s0+$0xFFFFFF50];
	v19 =	vbroadcast v19, $0x0  }
0x1d9: {  	v21 =	vld [tilespmem:s0+$0xFFFFFF60]  }
0x1da: {  	v22 =	vadd.s32 v5, v19  }
0x1db: {  	v19 =	vadd.s32 v6, v19;
	_ =	sdelay $0x1  }
0x1dc: {  	s19 =	sadd.s32 $0xFFFFFFFC, s15;
	v20 =	vadd.f32 v20, v18  }
0x1dd: {  	v23 =	vmov s19;
	v21 =	vadd.f32 v21, v17  }
0x1de: {  	[tilespmem:v22+s5+$0x0] =	vst.idx.msk $0xffff, v20;
	v20 =	vshrl.u32 v23, $0x3  }
0x1df: {  	[tilespmem:v19+s5+$0x0] =	vst.idx.msk $0xffff, v21;
	v19 =	vshll.u32 v20, v1  }
0x1e0: {  	v20 =	vld [tilespmem:s0+$0xFFFFFF70];
	v19 =	vbroadcast v19, $0x0  }
0x1e1: {  	v21 =	vld [tilespmem:s0+$0xFFFFFF80]  }
0x1e2: {  	v22 =	vadd.s32 v7, v19  }
0x1e3: {  	v19 =	vadd.s32 v8, v19;
	_ =	sdelay $0x1  }
0x1e4: {  	s21 =	sadd.s32 $0xFFFFFFFD, s15;
	v20 =	vadd.f32 v20, v18  }
0x1e5: {  	v23 =	vmov s21;
	v21 =	vadd.f32 v21, v17  }
0x1e6: {  	[tilespmem:v22+s5+$0x0] =	vst.idx.msk $0xffff, v20;
	v20 =	vshrl.u32 v23, $0x3  }
0x1e7: {  	[tilespmem:v19+s5+$0x0] =	vst.idx.msk $0xffff, v21;
	v19 =	vshll.u32 v20, v1  }
0x1e8: {  	v20 =	vld [tilespmem:s0+$0xFFFFFF90];
	v19 =	vbroadcast v19, $0x0  }
0x1e9: {  	v21 =	vld [tilespmem:s0+$0xFFFFFFA0]  }
0x1ea: {  	v22 =	vadd.s32 v9, v19  }
0x1eb: {  	v19 =	vadd.s32 v10, v19;
	_ =	sdelay $0x1  }
0x1ec: {  	s19 =	sadd.s32 $0xFFFFFFFE, s15;
	v20 =	vadd.f32 v20, v18  }
0x1ed: {  	v23 =	vmov s19;
	v21 =	vadd.f32 v21, v17  }
0x1ee: {  	[tilespmem:v22+s5+$0x0] =	vst.idx.msk $0xffff, v20;
	v20 =	vshrl.u32 v23, $0x3  }
0x1ef: {  	[tilespmem:v19+s5+$0x0] =	vst.idx.msk $0xffff, v21;
	v19 =	vshll.u32 v20, v1  }
0x1f0: {  	v20 =	vld [tilespmem:s0+$0xFFFFFFB0];
	v19 =	vbroadcast v19, $0x0  }
0x1f1: {  	v21 =	vld [tilespmem:s0+$0xFFFFFFC0]  }
0x1f2: {  	v22 =	vadd.s32 v11, v19  }
0x1f3: {  	v19 =	vadd.s32 v12, v19;
	_ =	sdelay $0x1  }
0x1f4: {  	s21 =	sadd.s32 $0xFFFFFFFF, s15;
	v20 =	vadd.f32 v20, v18  }
0x1f5: {  	v23 =	vmov s21;
	v21 =	vadd.f32 v21, v17  }
0x1f6: {  	[tilespmem:v22+s5+$0x0] =	vst.idx.msk $0xffff, v20;
	v20 =	vshrl.u32 v23, $0x3  }
0x1f7: {  	[tilespmem:v19+s5+$0x0] =	vst.idx.msk $0xffff, v21;
	v19 =	vshll.u32 v20, v1  }
0x1f8: {  	v20 =	vld [tilespmem:s0+$0xFFFFFFD0];
	v19 =	vbroadcast v19, $0x0  }
0x1f9: {  	v21 =	vld [tilespmem:s0+$0xFFFFFFE0]  }
0x1fa: {  	v22 =	vadd.s32 v13, v19  }
0x1fb: {  	v19 =	vadd.s32 v14, v19;
	_ =	sdelay $0x1  }
0x1fc: {  	v20 =	vadd.f32 v20, v18  }
0x1fd: {  	v23 =	vmov s15;
	v21 =	vadd.f32 v21, v17  }
0x1fe: {  	[tilespmem:v22+s5+$0x0] =	vst.idx.msk $0xffff, v20;
	v20 =	vshrl.u32 v23, $0x3  }
0x1ff: {  	[tilespmem:v19+s5+$0x0] =	vst.idx.msk $0xffff, v21;
	v19 =	vshll.u32 v20, v1  }
0x200: {  	v20 =	vld [tilespmem:s0+$0xFFFFFFF0];
	v19 =	vbroadcast v19, $0x0  }
0x201: {  	v21 =	vld [tilespmem:s0+$0x0]  }
0x202: {  	v22 =	vadd.s32 v15, v19  }
0x203: {  	v19 =	vadd.s32 v16, v19;
	_ =	sdelay $0x1  }
0x204: {  	s14 =	sshll.u32 s1, $0x9;
	s15 =	sshll.u32 s1, $0x7;
	v18 =	vadd.f32 v20, v18  }
0x205: {  	s1 =	sand.u32 $0xF80, s15;
	s0 =	sand.u32 $0xFFFC000, s14;
	v17 =	vadd.f32 v21, v17  }
0x206: {  	s0 =	sor.u32 s1, s0;
	[tilespmem:v22+s5+$0x0] =	vst.idx.msk $0xffff, v18  }
0x207: {  	s1 =	sadd.s32 s2, s0;
	[tilespmem:v19+s5+$0x0] =	vst.idx.msk $0xffff, v17  }
0x208: {  	[hbm4b:s1+s3] =	stream.linear.scatter [tilespmem:s5], [sflag:$0x7], $0x80, $0x38;
	[tilespmem:$0x12200] =	vst v63  }
0x209: {  	s21 =	simm.s32 $0xC588;
	s19 =	sadd.s32 $0x10, s1  }
0x20a: {  	[hbm4b:s19+s3] =	stream.linear.scatter [tilespmem:s21], [sflag:$0x7], $0x80, $0x38;
	[tilespmem:$0x12200] =	vst v63  }
0x20b: {  	s19 =	sadd.s32 $0x20, s1;
	s21 =	simm.s32 $0xC610  }
0x20c: {  	[hbm4b:s19+s3] =	stream.linear.scatter [tilespmem:s21], [sflag:$0x7], $0x80, $0x38;
	[tilespmem:$0x12200] =	vst v63  }
0x20d: {  	s19 =	sadd.s32 $0x30, s1;
	s21 =	simm.s32 $0xC698  }
0x20e: {  	[hbm4b:s19+s3] =	stream.linear.scatter [tilespmem:s21], [sflag:$0x7], $0x80, $0x38;
	[tilespmem:$0x12200] =	vst v63  }
0x20f: {  	s19 =	sadd.s32 $0x40, s1;
	s21 =	simm.s32 $0xC720  }
0x210: {  	[hbm4b:s19+s3] =	stream.linear.scatter [tilespmem:s21], [sflag:$0x7], $0x80, $0x38;
	[tilespmem:$0x12200] =	vst v63  }
0x211: {  	s19 =	sadd.s32 $0x50, s1;
	s21 =	simm.s32 $0xC7A8  }
0x212: {  	[hbm4b:s19+s3] =	stream.linear.scatter [tilespmem:s21], [sflag:$0x7], $0x80, $0x38;
	[tilespmem:$0x12200] =	vst v63  }
0x213: {  	s15 =	sadd.s32 $0x60, s1;
	s19 =	simm.s32 $0xC830  }
0x214: {  	[hbm4b:s15+s3] =	stream.linear.scatter [tilespmem:s19], [sflag:$0x7], $0x80, $0x38;
	[tilespmem:$0x12200] =	vst v63  }
0x215: {  	s1 =	sadd.s32 $0x70, s1;
	s21 =	simm.s32 $0xC8B8  }
0x216: {  	[hbm4b:s1+s3] =	stream.linear.scatter [tilespmem:s21], [sflag:$0x7], $0x80, $0x38;
	[tilespmem:$0x12200] =	vst v63  }
0x217: {  	s15 =	simm.s32 $0xC940;
	s1 =	sadd.s32 s0, s8  }
0x218: {  	[hbm4b:s1+s3] =	stream.linear.scatter [tilespmem:s15], [sflag:$0x7], $0x80, $0x38;
	[tilespmem:$0x12200] =	vst v63  }
0x219: {  	s21 =	simm.s32 $0xC9C8;
	s19 =	sadd.s32 $0x10, s1  }
0x21a: {  	[hbm4b:s19+s3] =	stream.linear.scatter [tilespmem:s21], [sflag:$0x7], $0x80, $0x38;
	[tilespmem:$0x12200] =	vst v63  }
0x21b: {  	s19 =	sadd.s32 $0x20, s1;
	s21 =	simm.s32 $0xCA50  }
0x21c: {  	[hbm4b:s19+s3] =	stream.linear.scatter [tilespmem:s21], [sflag:$0x7], $0x80, $0x38;
	[tilespmem:$0x12200] =	vst v63  }
0x21d: {  	s19 =	sadd.s32 $0x30, s1;
	s21 =	simm.s32 $0xCAD8  }
0x21e: {  	[hbm4b:s19+s3] =	stream.linear.scatter [tilespmem:s21], [sflag:$0x7], $0x80, $0x38;
	[tilespmem:$0x12200] =	vst v63  }
0x21f: {  	s19 =	sadd.s32 $0x40, s1;
	s21 =	simm.s32 $0xCB60  }
0x220: {  	[hbm4b:s19+s3] =	stream.linear.scatter [tilespmem:s21], [sflag:$0x7], $0x80, $0x38;
	[tilespmem:$0x12200] =	vst v63  }
0x221: {  	s19 =	sadd.s32 $0x50, s1;
	s21 =	simm.s32 $0xCBE8  }
0x222: {  	[hbm4b:s19+s3] =	stream.linear.scatter [tilespmem:s21], [sflag:$0x7], $0x80, $0x38;
	[tilespmem:$0x12200] =	vst v63  }
0x223: {  	s15 =	sadd.s32 $0x60, s1;
	s19 =	simm.s32 $0xCC70  }
0x224: {  	[hbm4b:s15+s3] =	stream.linear.scatter [tilespmem:s19], [sflag:$0x7], $0x80, $0x38;
	[tilespmem:$0x12200] =	vst v63  }
0x225: {  	s1 =	sadd.s32 $0x70, s1;
	s21 =	simm.s32 $0xCCF8  }
0x226: {  	[hbm4b:s1+s3] =	stream.linear.scatter [tilespmem:s21], [sflag:$0x7], $0x80, $0x38;
	[tilespmem:$0x12200] =	vst v63  }
0x227: {  	s15 =	simm.s32 $0xCD80;
	s1 =	sadd.s32 s0, s9  }
0x228: {  	[hbm4b:s1+s3] =	stream.linear.scatter [tilespmem:s15], [sflag:$0x7], $0x80, $0x38;
	[tilespmem:$0x12200] =	vst v63  }
0x229: {  	s21 =	simm.s32 $0xCE08;
	s19 =	sadd.s32 $0x10, s1  }
0x22a: {  	[hbm4b:s19+s3] =	stream.linear.scatter [tilespmem:s21], [sflag:$0x7], $0x80, $0x38;
	[tilespmem:$0x12200] =	vst v63  }
0x22b: {  	s19 =	sadd.s32 $0x20, s1;
	s21 =	simm.s32 $0xCE90  }
0x22c: {  	[hbm4b:s19+s3] =	stream.linear.scatter [tilespmem:s21], [sflag:$0x7], $0x80, $0x38;
	[tilespmem:$0x12200] =	vst v63  }
0x22d: {  	s19 =	sadd.s32 $0x30, s1;
	s21 =	simm.s32 $0xCF18  }
0x22e: {  	[hbm4b:s19+s3] =	stream.linear.scatter [tilespmem:s21], [sflag:$0x7], $0x80, $0x38;
	[tilespmem:$0x12200] =	vst v63  }
0x22f: {  	s19 =	sadd.s32 $0x40, s1;
	s21 =	simm.s32 $0xCFA0  }
0x230: {  	[hbm4b:s19+s3] =	stream.linear.scatter [tilespmem:s21], [sflag:$0x7], $0x80, $0x38;
	[tilespmem:$0x12200] =	vst v63  }
0x231: {  	s19 =	sadd.s32 $0x50, s1;
	s21 =	simm.s32 $0xD028  }
0x232: {  	[hbm4b:s19+s3] =	stream.linear.scatter [tilespmem:s21], [sflag:$0x7], $0x80, $0x38;
	[tilespmem:$0x12200] =	vst v63  }
0x233: {  	s15 =	sadd.s32 $0x60, s1;
	s19 =	simm.s32 $0xD0B0  }
0x234: {  	[hbm4b:s15+s3] =	stream.linear.scatter [tilespmem:s19], [sflag:$0x7], $0x80, $0x38;
	[tilespmem:$0x12200] =	vst v63  }
0x235: {  	s1 =	sadd.s32 $0x70, s1;
	s21 =	simm.s32 $0xD138  }
0x236: {  	[hbm4b:s1+s3] =	stream.linear.scatter [tilespmem:s21], [sflag:$0x7], $0x80, $0x38;
	[tilespmem:$0x12200] =	vst v63  }
0x237: {  	s0 =	sadd.s32 s0, s10;
	s15 =	simm.s32 $0xD1C0  }
0x238: {  	[hbm4b:s0+s3] =	stream.linear.scatter [tilespmem:s15], [sflag:$0x7], $0x80, $0x38;
	[tilespmem:$0x12200] =	vst v63  }
0x239: {  	s19 =	sadd.s32 $0x10, s0;
	s21 =	simm.s32 $0xD248  }
0x23a: {  	[hbm4b:s19+s3] =	stream.linear.scatter [tilespmem:s21], [sflag:$0x7], $0x80, $0x38;
	[tilespmem:$0x12200] =	vst v63  }
0x23b: {  	s14 =	sadd.s32 $0x20, s0;
	s15 =	simm.s32 $0xD2D0  }
0x23c: {  	[hbm4b:s14+s3] =	stream.linear.scatter [tilespmem:s15], [sflag:$0x7], $0x80, $0x38;
	[tilespmem:$0x12200] =	vst v63  }
0x23d: {  	s19 =	sadd.s32 $0x30, s0;
	s21 =	simm.s32 $0xD358  }
0x23e: {  	[hbm4b:s19+s3] =	stream.linear.scatter [tilespmem:s21], [sflag:$0x7], $0x80, $0x38;
	[tilespmem:$0x12200] =	vst v63  }
0x23f: {  	s14 =	sadd.s32 $0x40, s0;
	s15 =	simm.s32 $0xD3E0  }
0x240: {  	[hbm4b:s14+s3] =	stream.linear.scatter [tilespmem:s15], [sflag:$0x7], $0x80, $0x38;
	[tilespmem:$0x12200] =	vst v63  }
0x241: {  	s19 =	sadd.s32 $0x50, s0;
	s21 =	simm.s32 $0xD468  }
0x242: {  	[hbm4b:s19+s3] =	stream.linear.scatter [tilespmem:s21], [sflag:$0x7], $0x80, $0x38;
	[tilespmem:$0x12200] =	vst v63  }
0x243: {  	s15 =	sadd.s32 $0x60, s0;
	s19 =	simm.s32 $0xD4F0  }
0x244: {  	[hbm4b:s15+s3] =	stream.linear.scatter [tilespmem:s19], [sflag:$0x7], $0x80, $0x38;
	[tilespmem:$0x12200] =	vst v63  }
0x245: {  	p0 =	seq.s32 s25, $0x27;
	s0 =	sadd.s32 $0x70, s0;
	s21 =	simm.s32 $0xD578  }
0x246: {  	[hbm4b:s0+s3] =	stream.linear.scatter [tilespmem:s21], [sflag:$0x7], $0x80, $0x38;
	[tilespmem:$0x12200] =	vst v63  }
0x247: {  	s0 =	simm.s32 @!p0 $0x6  }
0x248: {  	_ =	swait.ge @!p0 [sflag:s0], $0x400  }
0x249: {  	[sflag:s0] =	ssyncset.done @!p0 $0x0  }
0x24a: {  	[sflag:s0] =	ssyncadd.s32 @!p0 $0xFFFFFC00  }
0x24b: {  	_ =	swait.ge @!p0 [sflag:s0], $0x400  }
0x24c: {  	[sflag:s0] =	ssyncset.done @!p0 $0x0  }
0x24d: {  	[sflag:s0] =	ssyncadd.s32 @!p0 $0xFFFFFC00  }
0x24e: {  	_ =	swait.ge @!p0 [sflag:s0], $0x400  }
0x24f: {  	[sflag:s0] =	ssyncset.done @!p0 $0x0  }
0x250: {  	s1 =	smul.u32 @!p0 $0xA00, s25;
	[sflag:s0] =	ssyncadd.s32 @!p0 $0xFFFFFC00  }
0x251: {  	_ =	swait.ge @!p0 [sflag:s0], $0x400  }
0x252: {  	s1 =	sshra.s32 @!p0 s1, $0x2;
	s14 =	simm.s32 @!p0 $0x80;
	[sflag:s0] =	ssyncset.done @!p0 $0x0  }
0x253: {  	s15 =	simm.s32 @!p0 $0x6400;
	[sflag:s0] =	ssyncadd.s32 @!p0 $0xFFFFFC00;
	s0 =	sadd.s32 @!p0 $0x280, s1  }
0x254: {  	[tilespmem:s15], [sflag:$0x1] =	stream.indirect.gather @!p0 [hbm4b:s4+s14], $0x20, s0, s14, $0xb8;
	[tilespmem:$0x12200] =	vst v63  }
0x255: {  	_ =	swait.ge [sflag:s17], $0x1000  }
0x256: {  	s31 =	sadd.s32 s31, s12;
	s14 =	simm.s32 $0x0;
	[sflag:s17] =	ssyncset.done $0x0  }
0x257: {  	s15 =	sand.u32 $0x3FE0, s31;
	v17 =	vmov s14;
	[sflag:s17] =	ssyncadd.s32 $0xFFFFF000  }
0x258: {  	v19 =	vshrl.u32 v17, $0x3;
	v18 =	vld [tilespmem:s15+$0x10900]  }
0x259: {  	s0 =	simm.s32 $0x84F0;
	v19 =	vshll.u32 v19, v1;
	v17 =	vld [tilespmem:s15+$0x10910]  }
0x25a: {  	v20 =	vld [tilespmem:s0+$0xFFFFFF10];
	v19 =	vbroadcast v19, $0x0  }
0x25b: {  	v21 =	vld [tilespmem:s0+$0xFFFFFF20]  }
0x25c: {  	v22 =	vadd.s32 v0, v19  }
0x25d: {  	v19 =	vadd.s32 v2, v19;
	_ =	sdelay $0x1  }
0x25e: {  	s19 =	simm.s32 $0x1;
	v20 =	vadd.f32 v20, v18  }
0x25f: {  	v23 =	vmov s19;
	v21 =	vadd.f32 v21, v17  }
0x260: {  	[tilespmem:v22+s18+$0x0] =	vst.idx.msk $0xffff, v20;
	v20 =	vshrl.u32 v23, $0x3  }
0x261: {  	[tilespmem:v19+s18+$0x0] =	vst.idx.msk $0xffff, v21;
	v19 =	vshll.u32 v20, v1  }
0x262: {  	v20 =	vld [tilespmem:s0+$0xFFFFFF30];
	v19 =	vbroadcast v19, $0x0  }
0x263: {  	v21 =	vld [tilespmem:s0+$0xFFFFFF40]  }
0x264: {  	v22 =	vadd.s32 v3, v19  }
0x265: {  	v19 =	vadd.s32 v4, v19;
	_ =	sdelay $0x1  }
0x266: {  	s21 =	simm.s32 $0x2;
	v20 =	vadd.f32 v20, v18  }
0x267: {  	v23 =	vmov s21;
	v21 =	vadd.f32 v21, v17  }
0x268: {  	[tilespmem:v22+s18+$0x0] =	vst.idx.msk $0xffff, v20;
	v20 =	vshrl.u32 v23, $0x3  }
0x269: {  	[tilespmem:v19+s18+$0x0] =	vst.idx.msk $0xffff, v21;
	v19 =	vshll.u32 v20, v1  }
0x26a: {  	v20 =	vld [tilespmem:s0+$0xFFFFFF50];
	v19 =	vbroadcast v19, $0x0  }
0x26b: {  	v21 =	vld [tilespmem:s0+$0xFFFFFF60]  }
0x26c: {  	v22 =	vadd.s32 v5, v19  }
0x26d: {  	v19 =	vadd.s32 v6, v19;
	_ =	sdelay $0x1  }
0x26e: {  	s15 =	simm.s32 $0x3;
	v20 =	vadd.f32 v20, v18  }
0x26f: {  	v23 =	vmov s15;
	v21 =	vadd.f32 v21, v17  }
0x270: {  	[tilespmem:v22+s18+$0x0] =	vst.idx.msk $0xffff, v20;
	v20 =	vshrl.u32 v23, $0x3  }
0x271: {  	[tilespmem:v19+s18+$0x0] =	vst.idx.msk $0xffff, v21;
	v19 =	vshll.u32 v20, v1  }
0x272: {  	v20 =	vld [tilespmem:s0+$0xFFFFFF70];
	v19 =	vbroadcast v19, $0x0  }
0x273: {  	v21 =	vld [tilespmem:s0+$0xFFFFFF80]  }
0x274: {  	v22 =	vadd.s32 v7, v19  }
0x275: {  	v19 =	vadd.s32 v8, v19;
	_ =	sdelay $0x1  }
0x276: {  	s19 =	simm.s32 $0x4;
	v20 =	vadd.f32 v20, v18  }
0x277: {  	v23 =	vmov s19;
	v21 =	vadd.f32 v21, v17  }
0x278: {  	[tilespmem:v22+s18+$0x0] =	vst.idx.msk $0xffff, v20;
	v20 =	vshrl.u32 v23, $0x3  }
0x279: {  	[tilespmem:v19+s18+$0x0] =	vst.idx.msk $0xffff, v21;
	v19 =	vshll.u32 v20, v1  }
0x27a: {  	v20 =	vld [tilespmem:s0+$0xFFFFFF90];
	v19 =	vbroadcast v19, $0x0  }
0x27b: {  	v21 =	vld [tilespmem:s0+$0xFFFFFFA0]  }
0x27c: {  	v22 =	vadd.s32 v9, v19  }
0x27d: {  	v19 =	vadd.s32 v10, v19;
	_ =	sdelay $0x1  }
0x27e: {  	s21 =	simm.s32 $0x5;
	v20 =	vadd.f32 v20, v18  }
0x27f: {  	v23 =	vmov s21;
	v21 =	vadd.f32 v21, v17  }
0x280: {  	[tilespmem:v22+s18+$0x0] =	vst.idx.msk $0xffff, v20;
	v20 =	vshrl.u32 v23, $0x3  }
0x281: {  	[tilespmem:v19+s18+$0x0] =	vst.idx.msk $0xffff, v21;
	v19 =	vshll.u32 v20, v1  }
0x282: {  	v20 =	vld [tilespmem:s0+$0xFFFFFFB0];
	v19 =	vbroadcast v19, $0x0  }
0x283: {  	v21 =	vld [tilespmem:s0+$0xFFFFFFC0]  }
0x284: {  	v22 =	vadd.s32 v11, v19  }
0x285: {  	v19 =	vadd.s32 v12, v19;
	_ =	sdelay $0x1  }
0x286: {  	s15 =	simm.s32 $0x6;
	v20 =	vadd.f32 v20, v18  }
0x287: {  	v23 =	vmov s15;
	v21 =	vadd.f32 v21, v17  }
0x288: {  	[tilespmem:v22+s18+$0x0] =	vst.idx.msk $0xffff, v20;
	v20 =	vshrl.u32 v23, $0x3  }
0x289: {  	[tilespmem:v19+s18+$0x0] =	vst.idx.msk $0xffff, v21;
	v19 =	vshll.u32 v20, v1  }
0x28a: {  	v20 =	vld [tilespmem:s0+$0xFFFFFFD0];
	v19 =	vbroadcast v19, $0x0  }
0x28b: {  	v21 =	vld [tilespmem:s0+$0xFFFFFFE0]  }
0x28c: {  	v22 =	vadd.s32 v13, v19  }
0x28d: {  	v19 =	vadd.s32 v14, v19;
	_ =	sdelay $0x1  }
0x28e: {  	s19 =	simm.s32 $0x7;
	v20 =	vadd.f32 v20, v18  }
0x28f: {  	v23 =	vmov s19;
	v21 =	vadd.f32 v21, v17  }
0x290: {  	[tilespmem:v22+s18+$0x0] =	vst.idx.msk $0xffff, v20;
	v20 =	vshrl.u32 v23, $0x3  }
0x291: {  	[tilespmem:v19+s18+$0x0] =	vst.idx.msk $0xffff, v21;
	v19 =	vshll.u32 v20, v1  }
0x292: {  	v20 =	vld [tilespmem:s0+$0xFFFFFFF0];
	v19 =	vbroadcast v19, $0x0;
	_ =	sdelay $0x1  }
0x293: {  	v21 =	vld [tilespmem:s0+$0x0];
	v22 =	vadd.s32 v15, v19;
	_ =	sdelay $0x1  }
0x294: {  	v19 =	vadd.s32 v16, v19  }
0x295: {  	s21 =	simm.s32 $0x8;
	v23 =	vadd.f32 v20, v18  }
0x296: {  	v24 =	vmov s21  }
0x297: {  	s15 =	simm.s32 $0xF;
	s19 =	simm.s32 $0x17;
	v20 =	vadd.f32 v21, v17;
	v21 =	vshrl.u32 v24, $0x3;
	[tilespmem:v22+s18+$0x0] =	vst.idx.msk $0xffff, v23  }
.LBB2_7:
0x298: {  	p1 =	sne.s32 s19, $0x7F  }
0x299: {  	v21 =	vshll.u32 v21, v1;
	[tilespmem:v19+s18+$0x0] =	vst.idx.msk $0xffff, v20;
	s0 =	sadd.s32 $0x100, s0;
	s14 =	smov.u32 s19;
	s19 =	sadd.s32 $0x8, s19  }
0x29a: {  	v19 =	vld [tilespmem:s0+$0xFFFFFF10];
	v20 =	vbroadcast v21, $0x0  }
0x29b: {  	v21 =	vld [tilespmem:s0+$0xFFFFFF20]  }
0x29c: {  	v22 =	vadd.s32 v0, v20  }
0x29d: {  	v20 =	vadd.s32 v2, v20;
	_ =	sdelay $0x1  }
0x29e: {  	s21 =	sadd.s32 $0xFFFFFFFA, s15;
	v19 =	vadd.f32 v19, v18  }
0x29f: {  	v23 =	vmov s21;
	v21 =	vadd.f32 v21, v17  }
0x2a0: {  	[tilespmem:v22+s18+$0x0] =	vst.idx.msk $0xffff, v19;
	v19 =	vshrl.u32 v23, $0x3  }
0x2a1: {  	[tilespmem:v20+s18+$0x0] =	vst.idx.msk $0xffff, v21;
	v19 =	vshll.u32 v19, v1  }
0x2a2: {  	v20 =	vld [tilespmem:s0+$0xFFFFFF30];
	v19 =	vbroadcast v19, $0x0  }
0x2a3: {  	v21 =	vld [tilespmem:s0+$0xFFFFFF40]  }
0x2a4: {  	v22 =	vadd.s32 v3, v19  }
0x2a5: {  	v19 =	vadd.s32 v4, v19;
	_ =	sdelay $0x1  }
0x2a6: {  	s21 =	sadd.s32 $0xFFFFFFFB, s15;
	v20 =	vadd.f32 v20, v18  }
0x2a7: {  	v23 =	vmov s21;
	v21 =	vadd.f32 v21, v17  }
0x2a8: {  	[tilespmem:v22+s18+$0x0] =	vst.idx.msk $0xffff, v20;
	v20 =	vshrl.u32 v23, $0x3  }
0x2a9: {  	[tilespmem:v19+s18+$0x0] =	vst.idx.msk $0xffff, v21;
	v19 =	vshll.u32 v20, v1  }
0x2aa: {  	v20 =	vld [tilespmem:s0+$0xFFFFFF50];
	v19 =	vbroadcast v19, $0x0  }
0x2ab: {  	v21 =	vld [tilespmem:s0+$0xFFFFFF60]  }
0x2ac: {  	v22 =	vadd.s32 v5, v19  }
0x2ad: {  	v19 =	vadd.s32 v6, v19;
	_ =	sdelay $0x1  }
0x2ae: {  	s21 =	sadd.s32 $0xFFFFFFFC, s15;
	v20 =	vadd.f32 v20, v18  }
0x2af: {  	v23 =	vmov s21;
	v21 =	vadd.f32 v21, v17  }
0x2b0: {  	[tilespmem:v22+s18+$0x0] =	vst.idx.msk $0xffff, v20;
	v20 =	vshrl.u32 v23, $0x3  }
0x2b1: {  	[tilespmem:v19+s18+$0x0] =	vst.idx.msk $0xffff, v21;
	v19 =	vshll.u32 v20, v1  }
0x2b2: {  	v20 =	vld [tilespmem:s0+$0xFFFFFF70];
	v19 =	vbroadcast v19, $0x0  }
0x2b3: {  	v21 =	vld [tilespmem:s0+$0xFFFFFF80]  }
0x2b4: {  	v22 =	vadd.s32 v7, v19  }
0x2b5: {  	v19 =	vadd.s32 v8, v19;
	_ =	sdelay $0x1  }
0x2b6: {  	s21 =	sadd.s32 $0xFFFFFFFD, s15;
	v20 =	vadd.f32 v20, v18  }
0x2b7: {  	v23 =	vmov s21;
	v21 =	vadd.f32 v21, v17  }
0x2b8: {  	[tilespmem:v22+s18+$0x0] =	vst.idx.msk $0xffff, v20;
	v20 =	vshrl.u32 v23, $0x3  }
0x2b9: {  	[tilespmem:v19+s18+$0x0] =	vst.idx.msk $0xffff, v21;
	v19 =	vshll.u32 v20, v1  }
0x2ba: {  	v20 =	vld [tilespmem:s0+$0xFFFFFF90];
	v19 =	vbroadcast v19, $0x0  }
0x2bb: {  	v21 =	vld [tilespmem:s0+$0xFFFFFFA0]  }
0x2bc: {  	v22 =	vadd.s32 v9, v19  }
0x2bd: {  	v19 =	vadd.s32 v10, v19;
	_ =	sdelay $0x1  }
0x2be: {  	s21 =	sadd.s32 $0xFFFFFFFE, s15;
	v20 =	vadd.f32 v20, v18  }
0x2bf: {  	v23 =	vmov s21;
	v21 =	vadd.f32 v21, v17  }
0x2c0: {  	[tilespmem:v22+s18+$0x0] =	vst.idx.msk $0xffff, v20;
	v20 =	vshrl.u32 v23, $0x3  }
0x2c1: {  	[tilespmem:v19+s18+$0x0] =	vst.idx.msk $0xffff, v21;
	v19 =	vshll.u32 v20, v1  }
0x2c2: {  	v20 =	vld [tilespmem:s0+$0xFFFFFFB0];
	v19 =	vbroadcast v19, $0x0  }
0x2c3: {  	v21 =	vld [tilespmem:s0+$0xFFFFFFC0]  }
0x2c4: {  	v22 =	vadd.s32 v11, v19  }
0x2c5: {  	v19 =	vadd.s32 v12, v19;
	_ =	sdelay $0x1  }
0x2c6: {  	s21 =	sadd.s32 $0xFFFFFFFF, s15;
	v20 =	vadd.f32 v20, v18  }
0x2c7: {  	v23 =	vmov s21;
	v21 =	vadd.f32 v21, v17  }
0x2c8: {  	[tilespmem:v22+s18+$0x0] =	vst.idx.msk $0xffff, v20;
	v20 =	vshrl.u32 v23, $0x3  }
0x2c9: {  	[tilespmem:v19+s18+$0x0] =	vst.idx.msk $0xffff, v21;
	v19 =	vshll.u32 v20, v1  }
0x2ca: {  	v20 =	vld [tilespmem:s0+$0xFFFFFFD0];
	v19 =	vbroadcast v19, $0x0  }
0x2cb: {  	v21 =	vld [tilespmem:s0+$0xFFFFFFE0]  }
0x2cc: {  	v22 =	vadd.s32 v13, v19  }
0x2cd: {  	v19 =	vadd.s32 v14, v19;
	_ =	sdelay $0x1  }
0x2ce: {  	v20 =	vadd.f32 v20, v18  }
0x2cf: {  	v23 =	vmov s15;
	s15 =	smov.u32 s14;
	v21 =	vadd.f32 v21, v17  }
0x2d0: {  	[tilespmem:v22+s18+$0x0] =	vst.idx.msk $0xffff, v20;
	v20 =	vshrl.u32 v23, $0x3  }
0x2d1: {  	[tilespmem:v19+s18+$0x0] =	vst.idx.msk $0xffff, v21;
	v19 =	vshll.u32 v20, v1  }
0x2d2: {  	v20 =	vld [tilespmem:s0+$0xFFFFFFF0];
	v19 =	vbroadcast v19, $0x0  }
0x2d3: {  	v21 =	vld [tilespmem:s0+$0x0]  }
0x2d4: {  	v22 =	vadd.s32 v15, v19  }
.Ltmp2:
0x2d5: {  	v19 =	vadd.s32 v16, v19;
	(pc) =	sbr.rel @p1 .LBB2_7-.Ltmp2, $4  }
0x2d6: {  	_ = 	snop  }
0x2d7: {  	s14 =	sadd.s32 $0xFFFFFFF9, s15;
	v23 =	vadd.f32 v20, v18  }
0x2d8: {  	v24 =	vmov s14;
	v20 =	vadd.f32 v21, v17  }
0x2d9: {  	v21 =	vshrl.u32 v24, $0x3;
	[tilespmem:v22+s18+$0x0] =	vst.idx.msk $0xffff, v23  }
0x2da: {  	_ =	sdelay $0x3  }
0x2db: {  	v21 =	vshll.u32 v21, v1;
	[tilespmem:v19+s18+$0x0] =	vst.idx.msk $0xffff, v20;
	s0 =	sadd.s32 $0x100, s0  }
0x2dc: {  	v19 =	vld [tilespmem:s0+$0xFFFFFF10];
	v20 =	vbroadcast v21, $0x0  }
0x2dd: {  	v21 =	vld [tilespmem:s0+$0xFFFFFF20]  }
0x2de: {  	v22 =	vadd.s32 v0, v20  }
0x2df: {  	v20 =	vadd.s32 v2, v20;
	_ =	sdelay $0x1  }
0x2e0: {  	s14 =	sadd.s32 $0xFFFFFFFA, s15;
	v19 =	vadd.f32 v19, v18  }
0x2e1: {  	v23 =	vmov s14;
	v21 =	vadd.f32 v21, v17  }
0x2e2: {  	[tilespmem:v22+s18+$0x0] =	vst.idx.msk $0xffff, v19;
	v19 =	vshrl.u32 v23, $0x3  }
0x2e3: {  	[tilespmem:v20+s18+$0x0] =	vst.idx.msk $0xffff, v21;
	v19 =	vshll.u32 v19, v1  }
0x2e4: {  	v20 =	vld [tilespmem:s0+$0xFFFFFF30];
	v19 =	vbroadcast v19, $0x0  }
0x2e5: {  	v21 =	vld [tilespmem:s0+$0xFFFFFF40]  }
0x2e6: {  	v22 =	vadd.s32 v3, v19  }
0x2e7: {  	v19 =	vadd.s32 v4, v19;
	_ =	sdelay $0x1  }
0x2e8: {  	s21 =	sadd.s32 $0xFFFFFFFB, s15;
	v20 =	vadd.f32 v20, v18  }
0x2e9: {  	v23 =	vmov s21;
	v21 =	vadd.f32 v21, v17  }
0x2ea: {  	[tilespmem:v22+s18+$0x0] =	vst.idx.msk $0xffff, v20;
	v20 =	vshrl.u32 v23, $0x3  }
0x2eb: {  	[tilespmem:v19+s18+$0x0] =	vst.idx.msk $0xffff, v21;
	v19 =	vshll.u32 v20, v1  }
0x2ec: {  	v20 =	vld [tilespmem:s0+$0xFFFFFF50];
	v19 =	vbroadcast v19, $0x0  }
0x2ed: {  	v21 =	vld [tilespmem:s0+$0xFFFFFF60]  }
0x2ee: {  	v22 =	vadd.s32 v5, v19  }
0x2ef: {  	v19 =	vadd.s32 v6, v19;
	_ =	sdelay $0x1  }
0x2f0: {  	s19 =	sadd.s32 $0xFFFFFFFC, s15;
	v20 =	vadd.f32 v20, v18  }
0x2f1: {  	v23 =	vmov s19;
	v21 =	vadd.f32 v21, v17  }
0x2f2: {  	[tilespmem:v22+s18+$0x0] =	vst.idx.msk $0xffff, v20;
	v20 =	vshrl.u32 v23, $0x3  }
0x2f3: {  	[tilespmem:v19+s18+$0x0] =	vst.idx.msk $0xffff, v21;
	v19 =	vshll.u32 v20, v1  }
0x2f4: {  	v20 =	vld [tilespmem:s0+$0xFFFFFF70];
	v19 =	vbroadcast v19, $0x0  }
0x2f5: {  	v21 =	vld [tilespmem:s0+$0xFFFFFF80]  }
0x2f6: {  	v22 =	vadd.s32 v7, v19  }
0x2f7: {  	v19 =	vadd.s32 v8, v19;
	_ =	sdelay $0x1  }
0x2f8: {  	s21 =	sadd.s32 $0xFFFFFFFD, s15;
	v20 =	vadd.f32 v20, v18  }
0x2f9: {  	v23 =	vmov s21;
	v21 =	vadd.f32 v21, v17  }
0x2fa: {  	[tilespmem:v22+s18+$0x0] =	vst.idx.msk $0xffff, v20;
	v20 =	vshrl.u32 v23, $0x3  }
0x2fb: {  	[tilespmem:v19+s18+$0x0] =	vst.idx.msk $0xffff, v21;
	v19 =	vshll.u32 v20, v1  }
0x2fc: {  	v20 =	vld [tilespmem:s0+$0xFFFFFF90];
	v19 =	vbroadcast v19, $0x0  }
0x2fd: {  	v21 =	vld [tilespmem:s0+$0xFFFFFFA0]  }
0x2fe: {  	v22 =	vadd.s32 v9, v19  }
0x2ff: {  	v19 =	vadd.s32 v10, v19;
	_ =	sdelay $0x1  }
0x300: {  	s19 =	sadd.s32 $0xFFFFFFFE, s15;
	v20 =	vadd.f32 v20, v18  }
0x301: {  	v23 =	vmov s19;
	v21 =	vadd.f32 v21, v17  }
0x302: {  	[tilespmem:v22+s18+$0x0] =	vst.idx.msk $0xffff, v20;
	v20 =	vshrl.u32 v23, $0x3  }
0x303: {  	[tilespmem:v19+s18+$0x0] =	vst.idx.msk $0xffff, v21;
	v19 =	vshll.u32 v20, v1  }
0x304: {  	v20 =	vld [tilespmem:s0+$0xFFFFFFB0];
	v19 =	vbroadcast v19, $0x0  }
0x305: {  	v21 =	vld [tilespmem:s0+$0xFFFFFFC0]  }
0x306: {  	v22 =	vadd.s32 v11, v19  }
0x307: {  	v19 =	vadd.s32 v12, v19;
	_ =	sdelay $0x1  }
0x308: {  	s21 =	sadd.s32 $0xFFFFFFFF, s15;
	v20 =	vadd.f32 v20, v18  }
0x309: {  	v23 =	vmov s21;
	v21 =	vadd.f32 v21, v17  }
0x30a: {  	[tilespmem:v22+s18+$0x0] =	vst.idx.msk $0xffff, v20;
	v20 =	vshrl.u32 v23, $0x3  }
0x30b: {  	[tilespmem:v19+s18+$0x0] =	vst.idx.msk $0xffff, v21;
	v19 =	vshll.u32 v20, v1  }
0x30c: {  	v20 =	vld [tilespmem:s0+$0xFFFFFFD0];
	v19 =	vbroadcast v19, $0x0  }
0x30d: {  	v21 =	vld [tilespmem:s0+$0xFFFFFFE0]  }
0x30e: {  	v22 =	vadd.s32 v13, v19  }
0x30f: {  	v19 =	vadd.s32 v14, v19;
	_ =	sdelay $0x1  }
0x310: {  	v20 =	vadd.f32 v20, v18  }
0x311: {  	v23 =	vmov s15;
	v21 =	vadd.f32 v21, v17  }
0x312: {  	[tilespmem:v22+s18+$0x0] =	vst.idx.msk $0xffff, v20;
	v20 =	vshrl.u32 v23, $0x3  }
0x313: {  	[tilespmem:v19+s18+$0x0] =	vst.idx.msk $0xffff, v21;
	v19 =	vshll.u32 v20, v1  }
0x314: {  	v20 =	vld [tilespmem:s0+$0xFFFFFFF0];
	v19 =	vbroadcast v19, $0x0  }
0x315: {  	v21 =	vld [tilespmem:s0+$0x0]  }
0x316: {  	v22 =	vadd.s32 v15, v19  }
0x317: {  	v19 =	vadd.s32 v16, v19;
	_ =	sdelay $0x1  }
0x318: {  	s19 =	sshll.u32 s31, $0x9;
	s21 =	sshll.u32 s31, $0x7;
	v18 =	vadd.f32 v20, v18  }
0x319: {  	s14 =	sand.u32 $0xF80, s21;
	s0 =	sand.u32 $0xFFFC000, s19;
	v17 =	vadd.f32 v21, v17  }
0x31a: {  	s0 =	sor.u32 s14, s0;
	[tilespmem:v22+s18+$0x0] =	vst.idx.msk $0xffff, v18  }
0x31b: {  	s14 =	sadd.s32 s2, s0;
	[tilespmem:v19+s18+$0x0] =	vst.idx.msk $0xffff, v17  }
0x31c: {  	[hbm4b:s14+s3] =	stream.linear.scatter [tilespmem:s18], [sflag:$0x8], $0x80, $0x38;
	[tilespmem:$0x12200] =	vst v63  }
0x31d: {  	s19 =	simm.s32 $0xD688;
	s31 =	sadd.s32 $0x10, s14  }
0x31e: {  	[hbm4b:s31+s3] =	stream.linear.scatter [tilespmem:s19], [sflag:$0x8], $0x80, $0x38;
	[tilespmem:$0x12200] =	vst v63  }
0x31f: {  	s21 =	sadd.s32 $0x20, s14;
	s31 =	simm.s32 $0xD710  }
0x320: {  	[hbm4b:s21+s3] =	stream.linear.scatter [tilespmem:s31], [sflag:$0x8], $0x80, $0x38;
	[tilespmem:$0x12200] =	vst v63  }
0x321: {  	s21 =	sadd.s32 $0x30, s14;
	s31 =	simm.s32 $0xD798  }
0x322: {  	[hbm4b:s21+s3] =	stream.linear.scatter [tilespmem:s31], [sflag:$0x8], $0x80, $0x38;
	[tilespmem:$0x12200] =	vst v63  }
0x323: {  	s21 =	sadd.s32 $0x40, s14;
	s31 =	simm.s32 $0xD820  }
0x324: {  	[hbm4b:s21+s3] =	stream.linear.scatter [tilespmem:s31], [sflag:$0x8], $0x80, $0x38;
	[tilespmem:$0x12200] =	vst v63  }
0x325: {  	s21 =	sadd.s32 $0x50, s14;
	s31 =	simm.s32 $0xD8A8  }
0x326: {  	[hbm4b:s21+s3] =	stream.linear.scatter [tilespmem:s31], [sflag:$0x8], $0x80, $0x38;
	[tilespmem:$0x12200] =	vst v63  }
0x327: {  	s19 =	sadd.s32 $0x60, s14;
	s21 =	simm.s32 $0xD930  }
0x328: {  	[hbm4b:s19+s3] =	stream.linear.scatter [tilespmem:s21], [sflag:$0x8], $0x80, $0x38;
	[tilespmem:$0x12200] =	vst v63  }
0x329: {  	s14 =	sadd.s32 $0x70, s14;
	s31 =	simm.s32 $0xD9B8  }
0x32a: {  	[hbm4b:s14+s3] =	stream.linear.scatter [tilespmem:s31], [sflag:$0x8], $0x80, $0x38;
	[tilespmem:$0x12200] =	vst v63  }
0x32b: {  	s19 =	simm.s32 $0xDA40;
	s14 =	sadd.s32 s0, s8  }
0x32c: {  	[hbm4b:s14+s3] =	stream.linear.scatter [tilespmem:s19], [sflag:$0x8], $0x80, $0x38;
	[tilespmem:$0x12200] =	vst v63  }
0x32d: {  	s31 =	simm.s32 $0xDAC8;
	s21 =	sadd.s32 $0x10, s14  }
0x32e: {  	[hbm4b:s21+s3] =	stream.linear.scatter [tilespmem:s31], [sflag:$0x8], $0x80, $0x38;
	[tilespmem:$0x12200] =	vst v63  }
0x32f: {  	s21 =	sadd.s32 $0x20, s14;
	s31 =	simm.s32 $0xDB50  }
0x330: {  	[hbm4b:s21+s3] =	stream.linear.scatter [tilespmem:s31], [sflag:$0x8], $0x80, $0x38;
	[tilespmem:$0x12200] =	vst v63  }
0x331: {  	s21 =	sadd.s32 $0x30, s14;
	s31 =	simm.s32 $0xDBD8  }
0x332: {  	[hbm4b:s21+s3] =	stream.linear.scatter [tilespmem:s31], [sflag:$0x8], $0x80, $0x38;
	[tilespmem:$0x12200] =	vst v63  }
0x333: {  	s21 =	sadd.s32 $0x40, s14;
	s31 =	simm.s32 $0xDC60  }
0x334: {  	[hbm4b:s21+s3] =	stream.linear.scatter [tilespmem:s31], [sflag:$0x8], $0x80, $0x38;
	[tilespmem:$0x12200] =	vst v63  }
0x335: {  	s21 =	sadd.s32 $0x50, s14;
	s31 =	simm.s32 $0xDCE8  }
0x336: {  	[hbm4b:s21+s3] =	stream.linear.scatter [tilespmem:s31], [sflag:$0x8], $0x80, $0x38;
	[tilespmem:$0x12200] =	vst v63  }
0x337: {  	s19 =	sadd.s32 $0x60, s14;
	s21 =	simm.s32 $0xDD70  }
0x338: {  	[hbm4b:s19+s3] =	stream.linear.scatter [tilespmem:s21], [sflag:$0x8], $0x80, $0x38;
	[tilespmem:$0x12200] =	vst v63  }
0x339: {  	s14 =	sadd.s32 $0x70, s14;
	s31 =	simm.s32 $0xDDF8  }
0x33a: {  	[hbm4b:s14+s3] =	stream.linear.scatter [tilespmem:s31], [sflag:$0x8], $0x80, $0x38;
	[tilespmem:$0x12200] =	vst v63  }
0x33b: {  	s19 =	simm.s32 $0xDE80;
	s14 =	sadd.s32 s0, s9  }
0x33c: {  	[hbm4b:s14+s3] =	stream.linear.scatter [tilespmem:s19], [sflag:$0x8], $0x80, $0x38;
	[tilespmem:$0x12200] =	vst v63  }
0x33d: {  	s31 =	simm.s32 $0xDF08;
	s21 =	sadd.s32 $0x10, s14  }
0x33e: {  	[hbm4b:s21+s3] =	stream.linear.scatter [tilespmem:s31], [sflag:$0x8], $0x80, $0x38;
	[tilespmem:$0x12200] =	vst v63  }
0x33f: {  	s21 =	sadd.s32 $0x20, s14;
	s31 =	simm.s32 $0xDF90  }
0x340: {  	[hbm4b:s21+s3] =	stream.linear.scatter [tilespmem:s31], [sflag:$0x8], $0x80, $0x38;
	[tilespmem:$0x12200] =	vst v63  }
0x341: {  	s21 =	sadd.s32 $0x30, s14;
	s31 =	simm.s32 $0xE018  }
0x342: {  	[hbm4b:s21+s3] =	stream.linear.scatter [tilespmem:s31], [sflag:$0x8], $0x80, $0x38;
	[tilespmem:$0x12200] =	vst v63  }
0x343: {  	s21 =	sadd.s32 $0x40, s14;
	s31 =	simm.s32 $0xE0A0  }
0x344: {  	[hbm4b:s21+s3] =	stream.linear.scatter [tilespmem:s31], [sflag:$0x8], $0x80, $0x38;
	[tilespmem:$0x12200] =	vst v63  }
0x345: {  	s21 =	sadd.s32 $0x50, s14;
	s31 =	simm.s32 $0xE128  }
0x346: {  	[hbm4b:s21+s3] =	stream.linear.scatter [tilespmem:s31], [sflag:$0x8], $0x80, $0x38;
	[tilespmem:$0x12200] =	vst v63  }
0x347: {  	s21 =	sadd.s32 $0x60, s14;
	s31 =	simm.s32 $0xE1B0  }
0x348: {  	[hbm4b:s21+s3] =	stream.linear.scatter [tilespmem:s31], [sflag:$0x8], $0x80, $0x38;
	[tilespmem:$0x12200] =	vst v63  }
0x349: {  	s14 =	sadd.s32 $0x70, s14;
	s21 =	simm.s32 $0xE238  }
0x34a: {  	[hbm4b:s14+s3] =	stream.linear.scatter [tilespmem:s21], [sflag:$0x8], $0x80, $0x38;
	[tilespmem:$0x12200] =	vst v63  }
0x34b: {  	s0 =	sadd.s32 s0, s10;
	s31 =	simm.s32 $0xE2C0  }
0x34c: {  	[hbm4b:s0+s3] =	stream.linear.scatter [tilespmem:s31], [sflag:$0x8], $0x80, $0x38;
	[tilespmem:$0x12200] =	vst v63  }
0x34d: {  	s15 =	sadd.s32 $0x10, s0;
	s19 =	simm.s32 $0xE348  }
0x34e: {  	[hbm4b:s15+s3] =	stream.linear.scatter [tilespmem:s19], [sflag:$0x8], $0x80, $0x38;
	[tilespmem:$0x12200] =	vst v63  }
0x34f: {  	s21 =	sadd.s32 $0x20, s0;
	s31 =	simm.s32 $0xE3D0  }
0x350: {  	[hbm4b:s21+s3] =	stream.linear.scatter [tilespmem:s31], [sflag:$0x8], $0x80, $0x38;
	[tilespmem:$0x12200] =	vst v63  }
0x351: {  	s15 =	sadd.s32 $0x30, s0;
	s19 =	simm.s32 $0xE458  }
0x352: {  	[hbm4b:s15+s3] =	stream.linear.scatter [tilespmem:s19], [sflag:$0x8], $0x80, $0x38;
	[tilespmem:$0x12200] =	vst v63  }
0x353: {  	s21 =	sadd.s32 $0x40, s0;
	s31 =	simm.s32 $0xE4E0  }
0x354: {  	[hbm4b:s21+s3] =	stream.linear.scatter [tilespmem:s31], [sflag:$0x8], $0x80, $0x38;
	[tilespmem:$0x12200] =	vst v63  }
0x355: {  	s15 =	sadd.s32 $0x50, s0;
	s19 =	simm.s32 $0xE568  }
0x356: {  	[hbm4b:s15+s3] =	stream.linear.scatter [tilespmem:s19], [sflag:$0x8], $0x80, $0x38;
	[tilespmem:$0x12200] =	vst v63  }
0x357: {  	s21 =	sadd.s32 $0x60, s0;
	s31 =	simm.s32 $0xE5F0  }
0x358: {  	[hbm4b:s21+s3] =	stream.linear.scatter [tilespmem:s31], [sflag:$0x8], $0x80, $0x38;
	[tilespmem:$0x12200] =	vst v63  }
0x359: {  	s0 =	sadd.s32 $0x70, s0;
	s19 =	simm.s32 $0xE678  }
0x35a: {  	[hbm4b:s0+s3] =	stream.linear.scatter [tilespmem:s19], [sflag:$0x8], $0x80, $0x38;
	[tilespmem:$0x12200] =	vst v63  }
0x35b: {  	s0 =	simm.s32 @!p0 $0x7  }
0x35c: {  	_ =	swait.ge @!p0 [sflag:s0], $0x400  }
0x35d: {  	[sflag:s0] =	ssyncset.done @!p0 $0x0  }
0x35e: {  	[sflag:s0] =	ssyncadd.s32 @!p0 $0xFFFFFC00  }
0x35f: {  	_ =	swait.ge @!p0 [sflag:s0], $0x400  }
0x360: {  	[sflag:s0] =	ssyncset.done @!p0 $0x0  }
0x361: {  	[sflag:s0] =	ssyncadd.s32 @!p0 $0xFFFFFC00  }
0x362: {  	_ =	swait.ge @!p0 [sflag:s0], $0x400  }
0x363: {  	[sflag:s0] =	ssyncset.done @!p0 $0x0  }
0x364: {  	[sflag:s0] =	ssyncadd.s32 @!p0 $0xFFFFFC00  }
0x365: {  	_ =	swait.ge @!p0 [sflag:s0], $0x400  }
0x366: {  	s14 =	simm.s32 @!p0 $0x80;
	[sflag:s0] =	ssyncset.done @!p0 $0x0  }
0x367: {  	s15 =	simm.s32 @!p0 $0x7400;
	[sflag:s0] =	ssyncadd.s32 @!p0 $0xFFFFFC00;
	s0 =	sadd.s32 @!p0 $0x300, s1  }
0x368: {  	[tilespmem:s15], [sflag:$0x2] =	stream.indirect.gather @!p0 [hbm4b:s4+s14], $0x20, s0, s14, $0xb8;
	[tilespmem:$0x12200] =	vst v63  }
0x369: {  	_ =	swait.ge [sflag:s7], $0x1000  }
0x36a: {  	s26 =	sadd.s32 s6, s26;
	s21 =	simm.s32 $0x0;
	[sflag:s7] =	ssyncset.done $0x0  }
0x36b: {  	s31 =	sand.u32 $0x3FE0, s26;
	v17 =	vmov s21;
	[sflag:s7] =	ssyncadd.s32 $0xFFFFF000  }
0x36c: {  	v19 =	vshrl.u32 v17, $0x3;
	v18 =	vld [tilespmem:s31+$0x10900]  }
0x36d: {  	v19 =	vshll.u32 v19, v1;
	s0 =	simm.s32 $0x94F0;
	v17 =	vld [tilespmem:s31+$0x10910]  }
0x36e: {  	v19 =	vbroadcast v19, $0x0;
	v20 =	vld [tilespmem:s0+$0xFFFFFF10]  }
0x36f: {  	v21 =	vld [tilespmem:s0+$0xFFFFFF20]  }
0x370: {  	v22 =	vadd.s32 v0, v19  }
0x371: {  	v19 =	vadd.s32 v2, v19;
	_ =	sdelay $0x1  }
0x372: {  	s15 =	simm.s32 $0x1;
	v20 =	vadd.f32 v20, v18  }
0x373: {  	v23 =	vmov s15;
	v21 =	vadd.f32 v21, v17  }
0x374: {  	[tilespmem:v22+s13+$0x0] =	vst.idx.msk $0xffff, v20;
	v20 =	vshrl.u32 v23, $0x3  }
0x375: {  	[tilespmem:v19+s13+$0x0] =	vst.idx.msk $0xffff, v21;
	v19 =	vshll.u32 v20, v1  }
0x376: {  	v20 =	vld [tilespmem:s0+$0xFFFFFF30];
	v19 =	vbroadcast v19, $0x0  }
0x377: {  	v21 =	vld [tilespmem:s0+$0xFFFFFF40]  }
0x378: {  	v22 =	vadd.s32 v3, v19  }
0x379: {  	v19 =	vadd.s32 v4, v19;
	_ =	sdelay $0x1  }
0x37a: {  	s19 =	simm.s32 $0x2;
	v20 =	vadd.f32 v20, v18  }
0x37b: {  	v23 =	vmov s19;
	v21 =	vadd.f32 v21, v17  }
0x37c: {  	[tilespmem:v22+s13+$0x0] =	vst.idx.msk $0xffff, v20;
	v20 =	vshrl.u32 v23, $0x3  }
0x37d: {  	[tilespmem:v19+s13+$0x0] =	vst.idx.msk $0xffff, v21;
	v19 =	vshll.u32 v20, v1  }
0x37e: {  	v20 =	vld [tilespmem:s0+$0xFFFFFF50];
	v19 =	vbroadcast v19, $0x0  }
0x37f: {  	v21 =	vld [tilespmem:s0+$0xFFFFFF60]  }
0x380: {  	v22 =	vadd.s32 v5, v19  }
0x381: {  	v19 =	vadd.s32 v6, v19;
	_ =	sdelay $0x1  }
0x382: {  	s21 =	simm.s32 $0x3;
	v20 =	vadd.f32 v20, v18  }
0x383: {  	v23 =	vmov s21;
	v21 =	vadd.f32 v21, v17  }
0x384: {  	[tilespmem:v22+s13+$0x0] =	vst.idx.msk $0xffff, v20;
	v20 =	vshrl.u32 v23, $0x3  }
0x385: {  	[tilespmem:v19+s13+$0x0] =	vst.idx.msk $0xffff, v21;
	v19 =	vshll.u32 v20, v1  }
0x386: {  	v20 =	vld [tilespmem:s0+$0xFFFFFF70];
	v19 =	vbroadcast v19, $0x0  }
0x387: {  	v21 =	vld [tilespmem:s0+$0xFFFFFF80]  }
0x388: {  	v22 =	vadd.s32 v7, v19  }
0x389: {  	v19 =	vadd.s32 v8, v19;
	_ =	sdelay $0x1  }
0x38a: {  	s31 =	simm.s32 $0x4;
	v20 =	vadd.f32 v20, v18  }
0x38b: {  	v23 =	vmov s31;
	v21 =	vadd.f32 v21, v17  }
0x38c: {  	[tilespmem:v22+s13+$0x0] =	vst.idx.msk $0xffff, v20;
	v20 =	vshrl.u32 v23, $0x3  }
0x38d: {  	[tilespmem:v19+s13+$0x0] =	vst.idx.msk $0xffff, v21;
	v19 =	vshll.u32 v20, v1  }
0x38e: {  	v20 =	vld [tilespmem:s0+$0xFFFFFF90];
	v19 =	vbroadcast v19, $0x0  }
0x38f: {  	v21 =	vld [tilespmem:s0+$0xFFFFFFA0]  }
0x390: {  	v22 =	vadd.s32 v9, v19  }
0x391: {  	v19 =	vadd.s32 v10, v19;
	_ =	sdelay $0x1  }
0x392: {  	s15 =	simm.s32 $0x5;
	v20 =	vadd.f32 v20, v18  }
0x393: {  	v23 =	vmov s15;
	v21 =	vadd.f32 v21, v17  }
0x394: {  	[tilespmem:v22+s13+$0x0] =	vst.idx.msk $0xffff, v20;
	v20 =	vshrl.u32 v23, $0x3  }
0x395: {  	[tilespmem:v19+s13+$0x0] =	vst.idx.msk $0xffff, v21;
	v19 =	vshll.u32 v20, v1  }
0x396: {  	v20 =	vld [tilespmem:s0+$0xFFFFFFB0];
	v19 =	vbroadcast v19, $0x0  }
0x397: {  	v21 =	vld [tilespmem:s0+$0xFFFFFFC0]  }
0x398: {  	v22 =	vadd.s32 v11, v19  }
0x399: {  	v19 =	vadd.s32 v12, v19;
	_ =	sdelay $0x1  }
0x39a: {  	s19 =	simm.s32 $0x6;
	v20 =	vadd.f32 v20, v18  }
0x39b: {  	v23 =	vmov s19;
	v21 =	vadd.f32 v21, v17  }
0x39c: {  	[tilespmem:v22+s13+$0x0] =	vst.idx.msk $0xffff, v20;
	v20 =	vshrl.u32 v23, $0x3  }
0x39d: {  	[tilespmem:v19+s13+$0x0] =	vst.idx.msk $0xffff, v21;
	v19 =	vshll.u32 v20, v1  }
0x39e: {  	v20 =	vld [tilespmem:s0+$0xFFFFFFD0];
	v19 =	vbroadcast v19, $0x0  }
0x39f: {  	v21 =	vld [tilespmem:s0+$0xFFFFFFE0]  }
0x3a0: {  	v22 =	vadd.s32 v13, v19  }
0x3a1: {  	v19 =	vadd.s32 v14, v19;
	_ =	sdelay $0x1  }
0x3a2: {  	s21 =	simm.s32 $0x7;
	v20 =	vadd.f32 v20, v18  }
0x3a3: {  	v23 =	vmov s21;
	v21 =	vadd.f32 v21, v17  }
0x3a4: {  	[tilespmem:v22+s13+$0x0] =	vst.idx.msk $0xffff, v20;
	v20 =	vshrl.u32 v23, $0x3  }
0x3a5: {  	[tilespmem:v19+s13+$0x0] =	vst.idx.msk $0xffff, v21;
	v19 =	vshll.u32 v20, v1  }
0x3a6: {  	v20 =	vld [tilespmem:s0+$0xFFFFFFF0];
	v19 =	vbroadcast v19, $0x0;
	_ =	sdelay $0x1  }
0x3a7: {  	v21 =	vld [tilespmem:s0+$0x0];
	v22 =	vadd.s32 v15, v19;
	_ =	sdelay $0x1  }
0x3a8: {  	v19 =	vadd.s32 v16, v19  }
0x3a9: {  	s31 =	simm.s32 $0x8;
	v23 =	vadd.f32 v20, v18  }
0x3aa: {  	v24 =	vmov s31  }
0x3ab: {  	s15 =	simm.s32 $0xF;
	s19 =	simm.s32 $0x17;
	v20 =	vadd.f32 v21, v17;
	v21 =	vshrl.u32 v24, $0x3;
	[tilespmem:v22+s13+$0x0] =	vst.idx.msk $0xffff, v23  }
.LBB2_9:
0x3ac: {  	p1 =	sne.s32 s19, $0x7F  }
0x3ad: {  	v21 =	vshll.u32 v21, v1;
	[tilespmem:v19+s13+$0x0] =	vst.idx.msk $0xffff, v20;
	s0 =	sadd.s32 $0x100, s0;
	s14 =	smov.u32 s19;
	s19 =	sadd.s32 $0x8, s19  }
0x3ae: {  	v19 =	vld [tilespmem:s0+$0xFFFFFF10];
	v20 =	vbroadcast v21, $0x0  }
0x3af: {  	v21 =	vld [tilespmem:s0+$0xFFFFFF20]  }
0x3b0: {  	v22 =	vadd.s32 v0, v20  }
0x3b1: {  	v20 =	vadd.s32 v2, v20;
	_ =	sdelay $0x1  }
0x3b2: {  	s21 =	sadd.s32 $0xFFFFFFFA, s15;
	v19 =	vadd.f32 v19, v18  }
0x3b3: {  	v23 =	vmov s21;
	v21 =	vadd.f32 v21, v17  }
0x3b4: {  	[tilespmem:v22+s13+$0x0] =	vst.idx.msk $0xffff, v19;
	v19 =	vshrl.u32 v23, $0x3  }
0x3b5: {  	[tilespmem:v20+s13+$0x0] =	vst.idx.msk $0xffff, v21;
	v19 =	vshll.u32 v19, v1  }
0x3b6: {  	v20 =	vld [tilespmem:s0+$0xFFFFFF30];
	v19 =	vbroadcast v19, $0x0  }
0x3b7: {  	v21 =	vld [tilespmem:s0+$0xFFFFFF40]  }
0x3b8: {  	v22 =	vadd.s32 v3, v19  }
0x3b9: {  	v19 =	vadd.s32 v4, v19;
	_ =	sdelay $0x1  }
0x3ba: {  	s21 =	sadd.s32 $0xFFFFFFFB, s15;
	v20 =	vadd.f32 v20, v18  }
0x3bb: {  	v23 =	vmov s21;
	v21 =	vadd.f32 v21, v17  }
0x3bc: {  	[tilespmem:v22+s13+$0x0] =	vst.idx.msk $0xffff, v20;
	v20 =	vshrl.u32 v23, $0x3  }
0x3bd: {  	[tilespmem:v19+s13+$0x0] =	vst.idx.msk $0xffff, v21;
	v19 =	vshll.u32 v20, v1  }
0x3be: {  	v20 =	vld [tilespmem:s0+$0xFFFFFF50];
	v19 =	vbroadcast v19, $0x0  }
0x3bf: {  	v21 =	vld [tilespmem:s0+$0xFFFFFF60]  }
0x3c0: {  	v22 =	vadd.s32 v5, v19  }
0x3c1: {  	v19 =	vadd.s32 v6, v19;
	_ =	sdelay $0x1  }
0x3c2: {  	s21 =	sadd.s32 $0xFFFFFFFC, s15;
	v20 =	vadd.f32 v20, v18  }
0x3c3: {  	v23 =	vmov s21;
	v21 =	vadd.f32 v21, v17  }
0x3c4: {  	[tilespmem:v22+s13+$0x0] =	vst.idx.msk $0xffff, v20;
	v20 =	vshrl.u32 v23, $0x3  }
0x3c5: {  	[tilespmem:v19+s13+$0x0] =	vst.idx.msk $0xffff, v21;
	v19 =	vshll.u32 v20, v1  }
0x3c6: {  	v20 =	vld [tilespmem:s0+$0xFFFFFF70];
	v19 =	vbroadcast v19, $0x0  }
0x3c7: {  	v21 =	vld [tilespmem:s0+$0xFFFFFF80]  }
0x3c8: {  	v22 =	vadd.s32 v7, v19  }
0x3c9: {  	v19 =	vadd.s32 v8, v19;
	_ =	sdelay $0x1  }
0x3ca: {  	s21 =	sadd.s32 $0xFFFFFFFD, s15;
	v20 =	vadd.f32 v20, v18  }
0x3cb: {  	v23 =	vmov s21;
	v21 =	vadd.f32 v21, v17  }
0x3cc: {  	[tilespmem:v22+s13+$0x0] =	vst.idx.msk $0xffff, v20;
	v20 =	vshrl.u32 v23, $0x3  }
0x3cd: {  	[tilespmem:v19+s13+$0x0] =	vst.idx.msk $0xffff, v21;
	v19 =	vshll.u32 v20, v1  }
0x3ce: {  	v20 =	vld [tilespmem:s0+$0xFFFFFF90];
	v19 =	vbroadcast v19, $0x0  }
0x3cf: {  	v21 =	vld [tilespmem:s0+$0xFFFFFFA0]  }
0x3d0: {  	v22 =	vadd.s32 v9, v19  }
0x3d1: {  	v19 =	vadd.s32 v10, v19;
	_ =	sdelay $0x1  }
0x3d2: {  	s21 =	sadd.s32 $0xFFFFFFFE, s15;
	v20 =	vadd.f32 v20, v18  }
0x3d3: {  	v23 =	vmov s21;
	v21 =	vadd.f32 v21, v17  }
0x3d4: {  	[tilespmem:v22+s13+$0x0] =	vst.idx.msk $0xffff, v20;
	v20 =	vshrl.u32 v23, $0x3  }
0x3d5: {  	[tilespmem:v19+s13+$0x0] =	vst.idx.msk $0xffff, v21;
	v19 =	vshll.u32 v20, v1  }
0x3d6: {  	v20 =	vld [tilespmem:s0+$0xFFFFFFB0];
	v19 =	vbroadcast v19, $0x0  }
0x3d7: {  	v21 =	vld [tilespmem:s0+$0xFFFFFFC0]  }
0x3d8: {  	v22 =	vadd.s32 v11, v19  }
0x3d9: {  	v19 =	vadd.s32 v12, v19;
	_ =	sdelay $0x1  }
0x3da: {  	s21 =	sadd.s32 $0xFFFFFFFF, s15;
	v20 =	vadd.f32 v20, v18  }
0x3db: {  	v23 =	vmov s21;
	v21 =	vadd.f32 v21, v17  }
0x3dc: {  	[tilespmem:v22+s13+$0x0] =	vst.idx.msk $0xffff, v20;
	v20 =	vshrl.u32 v23, $0x3  }
0x3dd: {  	[tilespmem:v19+s13+$0x0] =	vst.idx.msk $0xffff, v21;
	v19 =	vshll.u32 v20, v1  }
0x3de: {  	v20 =	vld [tilespmem:s0+$0xFFFFFFD0];
	v19 =	vbroadcast v19, $0x0  }
0x3df: {  	v21 =	vld [tilespmem:s0+$0xFFFFFFE0]  }
0x3e0: {  	v22 =	vadd.s32 v13, v19  }
0x3e1: {  	v19 =	vadd.s32 v14, v19;
	_ =	sdelay $0x1  }
0x3e2: {  	v20 =	vadd.f32 v20, v18  }
0x3e3: {  	v23 =	vmov s15;
	s15 =	smov.u32 s14;
	v21 =	vadd.f32 v21, v17  }
0x3e4: {  	[tilespmem:v22+s13+$0x0] =	vst.idx.msk $0xffff, v20;
	v20 =	vshrl.u32 v23, $0x3  }
0x3e5: {  	[tilespmem:v19+s13+$0x0] =	vst.idx.msk $0xffff, v21;
	v19 =	vshll.u32 v20, v1  }
0x3e6: {  	v20 =	vld [tilespmem:s0+$0xFFFFFFF0];
	v19 =	vbroadcast v19, $0x0  }
0x3e7: {  	v21 =	vld [tilespmem:s0+$0x0]  }
0x3e8: {  	v22 =	vadd.s32 v15, v19  }
.Ltmp3:
0x3e9: {  	v19 =	vadd.s32 v16, v19;
	(pc) =	sbr.rel @p1 .LBB2_9-.Ltmp3, $4  }
0x3ea: {  	_ = 	snop  }
0x3eb: {  	s14 =	sadd.s32 $0xFFFFFFF9, s15;
	v23 =	vadd.f32 v20, v18  }
0x3ec: {  	v24 =	vmov s14;
	v20 =	vadd.f32 v21, v17  }
0x3ed: {  	v21 =	vshrl.u32 v24, $0x3;
	[tilespmem:v22+s13+$0x0] =	vst.idx.msk $0xffff, v23  }
0x3ee: {  	_ =	sdelay $0x3  }
0x3ef: {  	v21 =	vshll.u32 v21, v1;
	[tilespmem:v19+s13+$0x0] =	vst.idx.msk $0xffff, v20;
	s0 =	sadd.s32 $0x100, s0  }
0x3f0: {  	v19 =	vld [tilespmem:s0+$0xFFFFFF10];
	v20 =	vbroadcast v21, $0x0  }
0x3f1: {  	v21 =	vld [tilespmem:s0+$0xFFFFFF20]  }
0x3f2: {  	v22 =	vadd.s32 v0, v20  }
0x3f3: {  	v20 =	vadd.s32 v2, v20;
	_ =	sdelay $0x1  }
0x3f4: {  	s14 =	sadd.s32 $0xFFFFFFFA, s15;
	v19 =	vadd.f32 v19, v18  }
0x3f5: {  	v23 =	vmov s14;
	v21 =	vadd.f32 v21, v17  }
0x3f6: {  	[tilespmem:v22+s13+$0x0] =	vst.idx.msk $0xffff, v19;
	v19 =	vshrl.u32 v23, $0x3  }
0x3f7: {  	[tilespmem:v20+s13+$0x0] =	vst.idx.msk $0xffff, v21;
	v19 =	vshll.u32 v19, v1  }
0x3f8: {  	v20 =	vld [tilespmem:s0+$0xFFFFFF30];
	v19 =	vbroadcast v19, $0x0  }
0x3f9: {  	v21 =	vld [tilespmem:s0+$0xFFFFFF40]  }
0x3fa: {  	v22 =	vadd.s32 v3, v19  }
0x3fb: {  	v19 =	vadd.s32 v4, v19;
	_ =	sdelay $0x1  }
0x3fc: {  	s31 =	sadd.s32 $0xFFFFFFFB, s15;
	v20 =	vadd.f32 v20, v18  }
0x3fd: {  	v23 =	vmov s31;
	v21 =	vadd.f32 v21, v17  }
0x3fe: {  	[tilespmem:v22+s13+$0x0] =	vst.idx.msk $0xffff, v20;
	v20 =	vshrl.u32 v23, $0x3  }
0x3ff: {  	[tilespmem:v19+s13+$0x0] =	vst.idx.msk $0xffff, v21;
	v19 =	vshll.u32 v20, v1  }
0x400: {  	v20 =	vld [tilespmem:s0+$0xFFFFFF50];
	v19 =	vbroadcast v19, $0x0  }
0x401: {  	v21 =	vld [tilespmem:s0+$0xFFFFFF60]  }
0x402: {  	v22 =	vadd.s32 v5, v19  }
0x403: {  	v19 =	vadd.s32 v6, v19;
	_ =	sdelay $0x1  }
0x404: {  	s19 =	sadd.s32 $0xFFFFFFFC, s15;
	v20 =	vadd.f32 v20, v18  }
0x405: {  	v23 =	vmov s19;
	v21 =	vadd.f32 v21, v17  }
0x406: {  	[tilespmem:v22+s13+$0x0] =	vst.idx.msk $0xffff, v20;
	v20 =	vshrl.u32 v23, $0x3  }
0x407: {  	[tilespmem:v19+s13+$0x0] =	vst.idx.msk $0xffff, v21;
	v19 =	vshll.u32 v20, v1  }
0x408: {  	v20 =	vld [tilespmem:s0+$0xFFFFFF70];
	v19 =	vbroadcast v19, $0x0  }
0x409: {  	v21 =	vld [tilespmem:s0+$0xFFFFFF80]  }
0x40a: {  	v22 =	vadd.s32 v7, v19  }
0x40b: {  	v19 =	vadd.s32 v8, v19;
	_ =	sdelay $0x1  }
0x40c: {  	s21 =	sadd.s32 $0xFFFFFFFD, s15;
	v20 =	vadd.f32 v20, v18  }
0x40d: {  	v23 =	vmov s21;
	v21 =	vadd.f32 v21, v17  }
0x40e: {  	[tilespmem:v22+s13+$0x0] =	vst.idx.msk $0xffff, v20;
	v20 =	vshrl.u32 v23, $0x3  }
0x40f: {  	[tilespmem:v19+s13+$0x0] =	vst.idx.msk $0xffff, v21;
	v19 =	vshll.u32 v20, v1  }
0x410: {  	v20 =	vld [tilespmem:s0+$0xFFFFFF90];
	v19 =	vbroadcast v19, $0x0  }
0x411: {  	v21 =	vld [tilespmem:s0+$0xFFFFFFA0]  }
0x412: {  	v22 =	vadd.s32 v9, v19  }
0x413: {  	v19 =	vadd.s32 v10, v19;
	_ =	sdelay $0x1  }
0x414: {  	s31 =	sadd.s32 $0xFFFFFFFE, s15;
	v20 =	vadd.f32 v20, v18  }
0x415: {  	v23 =	vmov s31;
	v21 =	vadd.f32 v21, v17  }
0x416: {  	[tilespmem:v22+s13+$0x0] =	vst.idx.msk $0xffff, v20;
	v20 =	vshrl.u32 v23, $0x3  }
0x417: {  	[tilespmem:v19+s13+$0x0] =	vst.idx.msk $0xffff, v21;
	v19 =	vshll.u32 v20, v1  }
0x418: {  	v20 =	vld [tilespmem:s0+$0xFFFFFFB0];
	v19 =	vbroadcast v19, $0x0  }
0x419: {  	v21 =	vld [tilespmem:s0+$0xFFFFFFC0]  }
0x41a: {  	v22 =	vadd.s32 v11, v19  }
0x41b: {  	v19 =	vadd.s32 v12, v19;
	_ =	sdelay $0x1  }
0x41c: {  	s19 =	sadd.s32 $0xFFFFFFFF, s15;
	v20 =	vadd.f32 v20, v18  }
0x41d: {  	v23 =	vmov s19;
	v21 =	vadd.f32 v21, v17  }
0x41e: {  	[tilespmem:v22+s13+$0x0] =	vst.idx.msk $0xffff, v20;
	v20 =	vshrl.u32 v23, $0x3  }
0x41f: {  	[tilespmem:v19+s13+$0x0] =	vst.idx.msk $0xffff, v21;
	v19 =	vshll.u32 v20, v1  }
0x420: {  	v20 =	vld [tilespmem:s0+$0xFFFFFFD0];
	v19 =	vbroadcast v19, $0x0  }
0x421: {  	v21 =	vld [tilespmem:s0+$0xFFFFFFE0]  }
0x422: {  	v22 =	vadd.s32 v13, v19  }
0x423: {  	v19 =	vadd.s32 v14, v19;
	_ =	sdelay $0x1  }
0x424: {  	v20 =	vadd.f32 v20, v18  }
0x425: {  	v23 =	vmov s15;
	v21 =	vadd.f32 v21, v17  }
0x426: {  	[tilespmem:v22+s13+$0x0] =	vst.idx.msk $0xffff, v20;
	v20 =	vshrl.u32 v23, $0x3  }
0x427: {  	[tilespmem:v19+s13+$0x0] =	vst.idx.msk $0xffff, v21;
	v19 =	vshll.u32 v20, v1  }
0x428: {  	v20 =	vld [tilespmem:s0+$0xFFFFFFF0];
	v19 =	vbroadcast v19, $0x0  }
0x429: {  	v21 =	vld [tilespmem:s0+$0x0]  }
0x42a: {  	v22 =	vadd.s32 v15, v19  }
0x42b: {  	v19 =	vadd.s32 v16, v19;
	_ =	sdelay $0x1  }
0x42c: {  	s21 =	sshll.u32 s26, $0x9;
	s26 =	sshll.u32 s26, $0x7;
	v18 =	vadd.f32 v20, v18  }
0x42d: {  	s14 =	sand.u32 $0xF80, s26;
	s0 =	sand.u32 $0xFFFC000, s21;
	v17 =	vadd.f32 v21, v17  }
0x42e: {  	s0 =	sor.u32 s14, s0;
	[tilespmem:v22+s13+$0x0] =	vst.idx.msk $0xffff, v18  }
0x42f: {  	s14 =	sadd.s32 s2, s0;
	[tilespmem:v19+s13+$0x0] =	vst.idx.msk $0xffff, v17  }
0x430: {  	[hbm4b:s14+s3] =	stream.linear.scatter [tilespmem:s13], [sflag:$0x9], $0x80, $0x38;
	[tilespmem:$0x12200] =	vst v63  }
0x431: {  	s19 =	simm.s32 $0xE788;
	s31 =	sadd.s32 $0x10, s14  }
0x432: {  	[hbm4b:s31+s3] =	stream.linear.scatter [tilespmem:s19], [sflag:$0x9], $0x80, $0x38;
	[tilespmem:$0x12200] =	vst v63  }
0x433: {  	s21 =	simm.s32 $0xE810;
	s19 =	sadd.s32 $0x20, s14  }
0x434: {  	[hbm4b:s19+s3] =	stream.linear.scatter [tilespmem:s21], [sflag:$0x9], $0x80, $0x38;
	[tilespmem:$0x12200] =	vst v63  }
0x435: {  	s26 =	sadd.s32 $0x30, s14;
	s31 =	simm.s32 $0xE898  }
0x436: {  	[hbm4b:s26+s3] =	stream.linear.scatter [tilespmem:s31], [sflag:$0x9], $0x80, $0x38;
	[tilespmem:$0x12200] =	vst v63  }
0x437: {  	s19 =	sadd.s32 $0x40, s14;
	s21 =	simm.s32 $0xE920  }
0x438: {  	[hbm4b:s19+s3] =	stream.linear.scatter [tilespmem:s21], [sflag:$0x9], $0x80, $0x38;
	[tilespmem:$0x12200] =	vst v63  }
0x439: {  	s26 =	sadd.s32 $0x50, s14;
	s31 =	simm.s32 $0xE9A8  }
0x43a: {  	[hbm4b:s26+s3] =	stream.linear.scatter [tilespmem:s31], [sflag:$0x9], $0x80, $0x38;
	[tilespmem:$0x12200] =	vst v63  }
0x43b: {  	s19 =	sadd.s32 $0x60, s14;
	s21 =	simm.s32 $0xEA30  }
0x43c: {  	[hbm4b:s19+s3] =	stream.linear.scatter [tilespmem:s21], [sflag:$0x9], $0x80, $0x38;
	[tilespmem:$0x12200] =	vst v63  }
0x43d: {  	s14 =	sadd.s32 $0x70, s14;
	s26 =	simm.s32 $0xEAB8  }
0x43e: {  	[hbm4b:s14+s3] =	stream.linear.scatter [tilespmem:s26], [sflag:$0x9], $0x80, $0x38;
	[tilespmem:$0x12200] =	vst v63  }
0x43f: {  	s31 =	simm.s32 $0xEB40;
	s14 =	sadd.s32 s0, s8  }
0x440: {  	[hbm4b:s14+s3] =	stream.linear.scatter [tilespmem:s31], [sflag:$0x9], $0x80, $0x38;
	[tilespmem:$0x12200] =	vst v63  }
0x441: {  	s21 =	simm.s32 $0xEBC8;
	s19 =	sadd.s32 $0x10, s14  }
0x442: {  	[hbm4b:s19+s3] =	stream.linear.scatter [tilespmem:s21], [sflag:$0x9], $0x80, $0x38;
	[tilespmem:$0x12200] =	vst v63  }
0x443: {  	s26 =	sadd.s32 $0x20, s14;
	s31 =	simm.s32 $0xEC50  }
0x444: {  	[hbm4b:s26+s3] =	stream.linear.scatter [tilespmem:s31], [sflag:$0x9], $0x80, $0x38;
	[tilespmem:$0x12200] =	vst v63  }
0x445: {  	s19 =	sadd.s32 $0x30, s14;
	s21 =	simm.s32 $0xECD8  }
0x446: {  	[hbm4b:s19+s3] =	stream.linear.scatter [tilespmem:s21], [sflag:$0x9], $0x80, $0x38;
	[tilespmem:$0x12200] =	vst v63  }
0x447: {  	s26 =	sadd.s32 $0x40, s14;
	s31 =	simm.s32 $0xED60  }
0x448: {  	[hbm4b:s26+s3] =	stream.linear.scatter [tilespmem:s31], [sflag:$0x9], $0x80, $0x38;
	[tilespmem:$0x12200] =	vst v63  }
0x449: {  	s19 =	sadd.s32 $0x50, s14;
	s21 =	simm.s32 $0xEDE8  }
0x44a: {  	[hbm4b:s19+s3] =	stream.linear.scatter [tilespmem:s21], [sflag:$0x9], $0x80, $0x38;
	[tilespmem:$0x12200] =	vst v63  }
0x44b: {  	s26 =	sadd.s32 $0x60, s14;
	s31 =	simm.s32 $0xEE70  }
0x44c: {  	[hbm4b:s26+s3] =	stream.linear.scatter [tilespmem:s31], [sflag:$0x9], $0x80, $0x38;
	[tilespmem:$0x12200] =	vst v63  }
0x44d: {  	s14 =	sadd.s32 $0x70, s14;
	s19 =	simm.s32 $0xEEF8  }
0x44e: {  	[hbm4b:s14+s3] =	stream.linear.scatter [tilespmem:s19], [sflag:$0x9], $0x80, $0x38;
	[tilespmem:$0x12200] =	vst v63  }
0x44f: {  	s21 =	simm.s32 $0xEF80;
	s14 =	sadd.s32 s0, s9  }
0x450: {  	[hbm4b:s14+s3] =	stream.linear.scatter [tilespmem:s21], [sflag:$0x9], $0x80, $0x38;
	[tilespmem:$0x12200] =	vst v63  }
0x451: {  	s31 =	simm.s32 $0xF008;
	s26 =	sadd.s32 $0x10, s14  }
0x452: {  	[hbm4b:s26+s3] =	stream.linear.scatter [tilespmem:s31], [sflag:$0x9], $0x80, $0x38;
	[tilespmem:$0x12200] =	vst v63  }
0x453: {  	s19 =	sadd.s32 $0x20, s14;
	s21 =	simm.s32 $0xF090  }
0x454: {  	[hbm4b:s19+s3] =	stream.linear.scatter [tilespmem:s21], [sflag:$0x9], $0x80, $0x38;
	[tilespmem:$0x12200] =	vst v63  }
0x455: {  	s26 =	sadd.s32 $0x30, s14;
	s31 =	simm.s32 $0xF118  }
0x456: {  	[hbm4b:s26+s3] =	stream.linear.scatter [tilespmem:s31], [sflag:$0x9], $0x80, $0x38;
	[tilespmem:$0x12200] =	vst v63  }
0x457: {  	s19 =	sadd.s32 $0x40, s14;
	s21 =	simm.s32 $0xF1A0  }
0x458: {  	[hbm4b:s19+s3] =	stream.linear.scatter [tilespmem:s21], [sflag:$0x9], $0x80, $0x38;
	[tilespmem:$0x12200] =	vst v63  }
0x459: {  	s26 =	sadd.s32 $0x50, s14;
	s31 =	simm.s32 $0xF228  }
0x45a: {  	[hbm4b:s26+s3] =	stream.linear.scatter [tilespmem:s31], [sflag:$0x9], $0x80, $0x38;
	[tilespmem:$0x12200] =	vst v63  }
0x45b: {  	s21 =	sadd.s32 $0x60, s14;
	s26 =	simm.s32 $0xF2B0  }
0x45c: {  	[hbm4b:s21+s3] =	stream.linear.scatter [tilespmem:s26], [sflag:$0x9], $0x80, $0x38;
	[tilespmem:$0x12200] =	vst v63  }
0x45d: {  	s14 =	sadd.s32 $0x70, s14;
	s31 =	simm.s32 $0xF338  }
0x45e: {  	[hbm4b:s14+s3] =	stream.linear.scatter [tilespmem:s31], [sflag:$0x9], $0x80, $0x38;
	[tilespmem:$0x12200] =	vst v63  }
0x45f: {  	s15 =	simm.s32 $0xF3C0;
	s0 =	sadd.s32 s0, s10  }
0x460: {  	[hbm4b:s0+s3] =	stream.linear.scatter [tilespmem:s15], [sflag:$0x9], $0x80, $0x38;
	[tilespmem:$0x12200] =	vst v63  }
0x461: {  	s19 =	sadd.s32 $0x10, s0;
	s21 =	simm.s32 $0xF448  }
0x462: {  	[hbm4b:s19+s3] =	stream.linear.scatter [tilespmem:s21], [sflag:$0x9], $0x80, $0x38;
	[tilespmem:$0x12200] =	vst v63  }
0x463: {  	s26 =	sadd.s32 $0x20, s0;
	s31 =	simm.s32 $0xF4D0  }
0x464: {  	[hbm4b:s26+s3] =	stream.linear.scatter [tilespmem:s31], [sflag:$0x9], $0x80, $0x38;
	[tilespmem:$0x12200] =	vst v63  }
0x465: {  	s19 =	sadd.s32 $0x30, s0;
	s21 =	simm.s32 $0xF558  }
0x466: {  	[hbm4b:s19+s3] =	stream.linear.scatter [tilespmem:s21], [sflag:$0x9], $0x80, $0x38;
	[tilespmem:$0x12200] =	vst v63  }
0x467: {  	s26 =	sadd.s32 $0x40, s0;
	s31 =	simm.s32 $0xF5E0  }
0x468: {  	[hbm4b:s26+s3] =	stream.linear.scatter [tilespmem:s31], [sflag:$0x9], $0x80, $0x38;
	[tilespmem:$0x12200] =	vst v63  }
0x469: {  	s19 =	sadd.s32 $0x50, s0;
	s21 =	simm.s32 $0xF668  }
0x46a: {  	[hbm4b:s19+s3] =	stream.linear.scatter [tilespmem:s21], [sflag:$0x9], $0x80, $0x38;
	[tilespmem:$0x12200] =	vst v63  }
0x46b: {  	s26 =	sadd.s32 $0x60, s0;
	s31 =	simm.s32 $0xF6F0  }
0x46c: {  	[hbm4b:s26+s3] =	stream.linear.scatter [tilespmem:s31], [sflag:$0x9], $0x80, $0x38;
	[tilespmem:$0x12200] =	vst v63  }
0x46d: {  	s0 =	sadd.s32 $0x70, s0;
	s19 =	simm.s32 $0xF778  }
0x46e: {  	[hbm4b:s0+s3] =	stream.linear.scatter [tilespmem:s19], [sflag:$0x9], $0x80, $0x38;
	[tilespmem:$0x12200] =	vst v63  }
0x46f: {  	s0 =	simm.s32 @!p0 $0x8  }
0x470: {  	_ =	swait.ge @!p0 [sflag:s0], $0x400  }
0x471: {  	[sflag:s0] =	ssyncset.done @!p0 $0x0  }
0x472: {  	[sflag:s0] =	ssyncadd.s32 @!p0 $0xFFFFFC00  }
0x473: {  	_ =	swait.ge @!p0 [sflag:s0], $0x400  }
0x474: {  	[sflag:s0] =	ssyncset.done @!p0 $0x0  }
0x475: {  	[sflag:s0] =	ssyncadd.s32 @!p0 $0xFFFFFC00  }
0x476: {  	_ =	swait.ge @!p0 [sflag:s0], $0x400  }
0x477: {  	[sflag:s0] =	ssyncset.done @!p0 $0x0  }
0x478: {  	[sflag:s0] =	ssyncadd.s32 @!p0 $0xFFFFFC00  }
0x479: {  	_ =	swait.ge @!p0 [sflag:s0], $0x400  }
0x47a: {  	s14 =	simm.s32 @!p0 $0x8400;
	[sflag:s0] =	ssyncset.done @!p0 $0x0  }
0x47b: {  	[sflag:s0] =	ssyncadd.s32 @!p0 $0xFFFFFC00;
	s0 =	sadd.s32 @!p0 $0x380, s1;
	s1 =	simm.s32 @!p0 $0x80  }
0x47c: {  	[tilespmem:s14], [sflag:$0x3] =	stream.indirect.gather @!p0 [hbm4b:s4+s1], $0x20, s0, s1, $0xb8;
	[tilespmem:$0x12200] =	vst v63  }
0x47d: {  	_ =	swait.ge [sflag:s28], $0x1000  }
0x47e: {  	s21 =	simm.s32 $0x0;
	s1 =	sadd.s32 s6, s30;
	[sflag:s28] =	ssyncset.done $0x0  }
0x47f: {  	v17 =	vmov s21;
	s26 =	sand.u32 $0x3FE0, s1;
	[sflag:s28] =	ssyncadd.s32 $0xFFFFF000  }
0x480: {  	v19 =	vshrl.u32 v17, $0x3;
	v18 =	vld [tilespmem:s26+$0x10900]  }
0x481: {  	v19 =	vshll.u32 v19, v1;
	s0 =	simm.s32 $0x0;
	v17 =	vld [tilespmem:s26+$0x10910]  }
0x482: {  	v19 =	vbroadcast v19, $0x0;
	v20 =	vld [tilespmem:s0+$0xA400]  }
0x483: {  	v21 =	vld [tilespmem:s0+$0xA410]  }
0x484: {  	v22 =	vadd.s32 v0, v19  }
0x485: {  	v19 =	vadd.s32 v2, v19;
	_ =	sdelay $0x1  }
0x486: {  	s30 =	simm.s32 $0x1;
	v20 =	vadd.f32 v20, v18  }
0x487: {  	v23 =	vmov s30;
	v21 =	vadd.f32 v21, v17  }
0x488: {  	[tilespmem:v22+s29+$0x0] =	vst.idx.msk $0xffff, v20;
	v20 =	vshrl.u32 v23, $0x3  }
0x489: {  	[tilespmem:v19+s29+$0x0] =	vst.idx.msk $0xffff, v21;
	v19 =	vshll.u32 v20, v1  }
0x48a: {  	v20 =	vld [tilespmem:s0+$0xA420];
	v19 =	vbroadcast v19, $0x0  }
0x48b: {  	v21 =	vld [tilespmem:s0+$0xA430]  }
0x48c: {  	v22 =	vadd.s32 v3, v19  }
0x48d: {  	v19 =	vadd.s32 v4, v19;
	_ =	sdelay $0x1  }
0x48e: {  	s31 =	simm.s32 $0x2;
	v20 =	vadd.f32 v20, v18  }
0x48f: {  	v23 =	vmov s31;
	v21 =	vadd.f32 v21, v17  }
0x490: {  	[tilespmem:v22+s29+$0x0] =	vst.idx.msk $0xffff, v20;
	v20 =	vshrl.u32 v23, $0x3  }
0x491: {  	[tilespmem:v19+s29+$0x0] =	vst.idx.msk $0xffff, v21;
	v19 =	vshll.u32 v20, v1  }
0x492: {  	v20 =	vld [tilespmem:s0+$0xA440];
	v19 =	vbroadcast v19, $0x0  }
0x493: {  	v21 =	vld [tilespmem:s0+$0xA450]  }
0x494: {  	v22 =	vadd.s32 v5, v19  }
0x495: {  	v19 =	vadd.s32 v6, v19;
	_ =	sdelay $0x1  }
0x496: {  	s15 =	simm.s32 $0x3;
	v20 =	vadd.f32 v20, v18  }
0x497: {  	v23 =	vmov s15;
	v21 =	vadd.f32 v21, v17  }
0x498: {  	[tilespmem:v22+s29+$0x0] =	vst.idx.msk $0xffff, v20;
	v20 =	vshrl.u32 v23, $0x3  }
0x499: {  	[tilespmem:v19+s29+$0x0] =	vst.idx.msk $0xffff, v21;
	v19 =	vshll.u32 v20, v1  }
0x49a: {  	v20 =	vld [tilespmem:s0+$0xA460];
	v19 =	vbroadcast v19, $0x0  }
0x49b: {  	v21 =	vld [tilespmem:s0+$0xA470]  }
0x49c: {  	v22 =	vadd.s32 v7, v19  }
0x49d: {  	v19 =	vadd.s32 v8, v19;
	_ =	sdelay $0x1  }
0x49e: {  	s19 =	simm.s32 $0x4;
	v20 =	vadd.f32 v20, v18  }
0x49f: {  	v23 =	vmov s19;
	v21 =	vadd.f32 v21, v17  }
0x4a0: {  	[tilespmem:v22+s29+$0x0] =	vst.idx.msk $0xffff, v20;
	v20 =	vshrl.u32 v23, $0x3  }
0x4a1: {  	[tilespmem:v19+s29+$0x0] =	vst.idx.msk $0xffff, v21;
	v19 =	vshll.u32 v20, v1  }
0x4a2: {  	v20 =	vld [tilespmem:s0+$0xA480];
	v19 =	vbroadcast v19, $0x0  }
0x4a3: {  	v21 =	vld [tilespmem:s0+$0xA490]  }
0x4a4: {  	v22 =	vadd.s32 v9, v19  }
0x4a5: {  	v19 =	vadd.s32 v10, v19;
	_ =	sdelay $0x1  }
0x4a6: {  	s21 =	simm.s32 $0x5;
	v20 =	vadd.f32 v20, v18  }
0x4a7: {  	v23 =	vmov s21;
	v21 =	vadd.f32 v21, v17  }
0x4a8: {  	[tilespmem:v22+s29+$0x0] =	vst.idx.msk $0xffff, v20;
	v20 =	vshrl.u32 v23, $0x3  }
0x4a9: {  	[tilespmem:v19+s29+$0x0] =	vst.idx.msk $0xffff, v21;
	v19 =	vshll.u32 v20, v1  }
0x4aa: {  	v20 =	vld [tilespmem:s0+$0xA4A0];
	v19 =	vbroadcast v19, $0x0  }
0x4ab: {  	v21 =	vld [tilespmem:s0+$0xA4B0]  }
0x4ac: {  	v22 =	vadd.s32 v11, v19  }
0x4ad: {  	v19 =	vadd.s32 v12, v19;
	_ =	sdelay $0x1  }
0x4ae: {  	s26 =	simm.s32 $0x6;
	v20 =	vadd.f32 v20, v18  }
0x4af: {  	v23 =	vmov s26;
	v21 =	vadd.f32 v21, v17  }
0x4b0: {  	[tilespmem:v22+s29+$0x0] =	vst.idx.msk $0xffff, v20;
	v20 =	vshrl.u32 v23, $0x3  }
0x4b1: {  	[tilespmem:v19+s29+$0x0] =	vst.idx.msk $0xffff, v21;
	v19 =	vshll.u32 v20, v1  }
0x4b2: {  	v20 =	vld [tilespmem:s0+$0xA4C0];
	v19 =	vbroadcast v19, $0x0  }
0x4b3: {  	v21 =	vld [tilespmem:s0+$0xA4D0]  }
0x4b4: {  	v22 =	vadd.s32 v13, v19  }
0x4b5: {  	v19 =	vadd.s32 v14, v19;
	_ =	sdelay $0x1  }
0x4b6: {  	s30 =	simm.s32 $0x7;
	v20 =	vadd.f32 v20, v18  }
0x4b7: {  	v23 =	vmov s30;
	v21 =	vadd.f32 v21, v17  }
0x4b8: {  	[tilespmem:v22+s29+$0x0] =	vst.idx.msk $0xffff, v20;
	v20 =	vshrl.u32 v23, $0x3  }
0x4b9: {  	[tilespmem:v19+s29+$0x0] =	vst.idx.msk $0xffff, v21;
	v19 =	vshll.u32 v20, v1  }
0x4ba: {  	v20 =	vld [tilespmem:s0+$0xA4E0];
	v19 =	vbroadcast v19, $0x0  }
0x4bb: {  	v21 =	vld [tilespmem:s0+$0xA4F0]  }
0x4bc: {  	v22 =	vadd.s32 v15, v19  }
0x4bd: {  	v19 =	vadd.s32 v16, v19;
	_ =	sdelay $0x1  }
0x4be: {  	s31 =	simm.s32 $0x8;
	v23 =	vadd.f32 v20, v18  }
0x4bf: {  	v24 =	vmov s31;
	v20 =	vadd.f32 v21, v17  }
0x4c0: {  	s15 =	simm.s32 $0xF;
	s26 =	simm.s32 $0x800;
	s0 =	simm.s32 $0x100;
	v21 =	vshrl.u32 v24, $0x3;
	[tilespmem:v22+s29+$0x0] =	vst.idx.msk $0xffff, v23  }
.LBB2_11:
0x4c1: {  	s19 =	sshra.s32 s26, $0x2;
	p0 =	sne.s32 s26, $0x3C00;
	s26 =	sadd.s32 $0x400, s26;
	v21 =	vshll.u32 v21, v1;
	[tilespmem:v19+s29+$0x0] =	vst.idx.msk $0xffff, v20  }
0x4c2: {  	v19 =	vld [tilespmem:s0+$0xA400];
	v20 =	vbroadcast v21, $0x0  }
0x4c3: {  	v21 =	vld [tilespmem:s0+$0xA410]  }
0x4c4: {  	v22 =	vadd.s32 v0, v20  }
0x4c5: {  	v20 =	vadd.s32 v2, v20;
	_ =	sdelay $0x1  }
0x4c6: {  	s14 =	sadd.s32 $0xFFFFFFFA, s15;
	v19 =	vadd.f32 v19, v18  }
0x4c7: {  	v23 =	vmov s14;
	v21 =	vadd.f32 v21, v17  }
0x4c8: {  	[tilespmem:v22+s29+$0x0] =	vst.idx.msk $0xffff, v19;
	v19 =	vshrl.u32 v23, $0x3  }
0x4c9: {  	[tilespmem:v20+s29+$0x0] =	vst.idx.msk $0xffff, v21;
	v19 =	vshll.u32 v19, v1  }
0x4ca: {  	v20 =	vld [tilespmem:s0+$0xA420];
	v19 =	vbroadcast v19, $0x0  }
0x4cb: {  	v21 =	vld [tilespmem:s0+$0xA430]  }
0x4cc: {  	v22 =	vadd.s32 v3, v19  }
0x4cd: {  	v19 =	vadd.s32 v4, v19;
	_ =	sdelay $0x1  }
0x4ce: {  	s14 =	sadd.s32 $0xFFFFFFFB, s15;
	v20 =	vadd.f32 v20, v18  }
0x4cf: {  	v23 =	vmov s14;
	v21 =	vadd.f32 v21, v17  }
0x4d0: {  	[tilespmem:v22+s29+$0x0] =	vst.idx.msk $0xffff, v20;
	v20 =	vshrl.u32 v23, $0x3  }
0x4d1: {  	[tilespmem:v19+s29+$0x0] =	vst.idx.msk $0xffff, v21;
	v19 =	vshll.u32 v20, v1  }
0x4d2: {  	v20 =	vld [tilespmem:s0+$0xA440];
	v19 =	vbroadcast v19, $0x0  }
0x4d3: {  	v21 =	vld [tilespmem:s0+$0xA450]  }
0x4d4: {  	v22 =	vadd.s32 v5, v19  }
0x4d5: {  	v19 =	vadd.s32 v6, v19;
	_ =	sdelay $0x1  }
0x4d6: {  	s14 =	sadd.s32 $0xFFFFFFFC, s15;
	v20 =	vadd.f32 v20, v18  }
0x4d7: {  	v23 =	vmov s14;
	v21 =	vadd.f32 v21, v17  }
0x4d8: {  	[tilespmem:v22+s29+$0x0] =	vst.idx.msk $0xffff, v20;
	v20 =	vshrl.u32 v23, $0x3  }
0x4d9: {  	[tilespmem:v19+s29+$0x0] =	vst.idx.msk $0xffff, v21;
	v19 =	vshll.u32 v20, v1  }
0x4da: {  	v20 =	vld [tilespmem:s0+$0xA460];
	v19 =	vbroadcast v19, $0x0  }
0x4db: {  	v21 =	vld [tilespmem:s0+$0xA470]  }
0x4dc: {  	v22 =	vadd.s32 v7, v19  }
0x4dd: {  	v19 =	vadd.s32 v8, v19;
	_ =	sdelay $0x1  }
0x4de: {  	s14 =	sadd.s32 $0xFFFFFFFD, s15;
	v20 =	vadd.f32 v20, v18  }
0x4df: {  	v23 =	vmov s14;
	v21 =	vadd.f32 v21, v17  }
0x4e0: {  	[tilespmem:v22+s29+$0x0] =	vst.idx.msk $0xffff, v20;
	v20 =	vshrl.u32 v23, $0x3  }
0x4e1: {  	[tilespmem:v19+s29+$0x0] =	vst.idx.msk $0xffff, v21;
	v19 =	vshll.u32 v20, v1  }
0x4e2: {  	v20 =	vld [tilespmem:s0+$0xA480];
	v19 =	vbroadcast v19, $0x0  }
0x4e3: {  	v21 =	vld [tilespmem:s0+$0xA490]  }
0x4e4: {  	v22 =	vadd.s32 v9, v19  }
0x4e5: {  	v19 =	vadd.s32 v10, v19;
	_ =	sdelay $0x1  }
0x4e6: {  	s14 =	sadd.s32 $0xFFFFFFFE, s15;
	v20 =	vadd.f32 v20, v18  }
0x4e7: {  	v23 =	vmov s14;
	v21 =	vadd.f32 v21, v17  }
0x4e8: {  	[tilespmem:v22+s29+$0x0] =	vst.idx.msk $0xffff, v20;
	v20 =	vshrl.u32 v23, $0x3  }
0x4e9: {  	[tilespmem:v19+s29+$0x0] =	vst.idx.msk $0xffff, v21;
	v19 =	vshll.u32 v20, v1  }
0x4ea: {  	v20 =	vld [tilespmem:s0+$0xA4A0];
	v19 =	vbroadcast v19, $0x0  }
0x4eb: {  	v21 =	vld [tilespmem:s0+$0xA4B0]  }
0x4ec: {  	v22 =	vadd.s32 v11, v19  }
0x4ed: {  	v19 =	vadd.s32 v12, v19;
	_ =	sdelay $0x1  }
0x4ee: {  	s14 =	sadd.s32 $0xFFFFFFFF, s15;
	v20 =	vadd.f32 v20, v18  }
0x4ef: {  	v23 =	vmov s14;
	v21 =	vadd.f32 v21, v17  }
0x4f0: {  	[tilespmem:v22+s29+$0x0] =	vst.idx.msk $0xffff, v20;
	v20 =	vshrl.u32 v23, $0x3  }
0x4f1: {  	[tilespmem:v19+s29+$0x0] =	vst.idx.msk $0xffff, v21;
	v19 =	vshll.u32 v20, v1  }
0x4f2: {  	v20 =	vld [tilespmem:s0+$0xA4C0];
	v19 =	vbroadcast v19, $0x0  }
0x4f3: {  	v21 =	vld [tilespmem:s0+$0xA4D0]  }
0x4f4: {  	v22 =	vadd.s32 v13, v19  }
0x4f5: {  	v19 =	vadd.s32 v14, v19;
	_ =	sdelay $0x1  }
0x4f6: {  	v20 =	vadd.f32 v20, v18  }
0x4f7: {  	v23 =	vmov s15;
	v21 =	vadd.f32 v21, v17  }
0x4f8: {  	[tilespmem:v22+s29+$0x0] =	vst.idx.msk $0xffff, v20;
	v20 =	vshrl.u32 v23, $0x3  }
0x4f9: {  	[tilespmem:v19+s29+$0x0] =	vst.idx.msk $0xffff, v21;
	v19 =	vshll.u32 v20, v1  }
0x4fa: {  	v20 =	vld [tilespmem:s0+$0xA4E0];
	v19 =	vbroadcast v19, $0x0  }
0x4fb: {  	v21 =	vld [tilespmem:s0+$0xA4F0];
	s0 =	smov.u32 s19  }
0x4fc: {  	v22 =	vadd.s32 v15, v19  }
.Ltmp4:
0x4fd: {  	v19 =	vadd.s32 v16, v19;
	(pc) =	sbr.rel @p0 .LBB2_11-.Ltmp4, $4  }
0x4fe: {  	s15 =	sadd.s32 $0x8, s15  }
0x4ff: {  	s14 =	sadd.s32 $0xFFFFFFF9, s15;
	v23 =	vadd.f32 v20, v18  }
0x500: {  	v24 =	vmov s14;
	v20 =	vadd.f32 v21, v17  }
0x501: {  	v21 =	vshrl.u32 v24, $0x3;
	[tilespmem:v22+s29+$0x0] =	vst.idx.msk $0xffff, v23  }
0x502: {  	_ =	sdelay $0x3  }
0x503: {  	v21 =	vshll.u32 v21, v1;
	[tilespmem:v19+s29+$0x0] =	vst.idx.msk $0xffff, v20  }
0x504: {  	v19 =	vld [tilespmem:s0+$0xA400];
	v37 =	vbroadcast v21, $0x0  }
0x505: {  	v38 =	vld [tilespmem:s0+$0xA410]  }
0x506: {  	v22 =	vadd.s32 v0, v37  }
0x507: {  	v20 =	vadd.s32 v2, v37;
	_ =	sdelay $0x1  }
0x508: {  	s14 =	sadd.s32 $0xFFFFFFFA, s15;
	v19 =	vadd.f32 v19, v18  }
0x509: {  	v23 =	vmov s14;
	v21 =	vadd.f32 v38, v17  }
0x50a: {  	[tilespmem:v22+s29+$0x0] =	vst.idx.msk $0xffff, v19;
	v19 =	vshrl.u32 v23, $0x3  }
0x50b: {  	[tilespmem:v20+s29+$0x0] =	vst.idx.msk $0xffff, v21;
	v19 =	vshll.u32 v19, v1  }
0x50c: {  	v20 =	vld [tilespmem:s0+$0xA420];
	v19 =	vbroadcast v19, $0x0  }
0x50d: {  	v21 =	vld [tilespmem:s0+$0xA430]  }
0x50e: {  	v39 =	vadd.s32 v3, v19  }
0x50f: {  	v19 =	vadd.s32 v4, v19;
	_ =	sdelay $0x1  }
0x510: {  	s31 =	sadd.s32 $0xFFFFFFFB, s15;
	v20 =	vadd.f32 v20, v18  }
0x511: {  	v40 =	vmov s31;
	v21 =	vadd.f32 v21, v17  }
0x512: {  	v41 =	vshrl.u32 v40, $0x3;
	[tilespmem:v39+s29+$0x0] =	vst.idx.msk $0xffff, v20  }
0x513: {  	[tilespmem:v19+s29+$0x0] =	vst.idx.msk $0xffff, v21;
	v19 =	vshll.u32 v41, v1  }
0x514: {  	v42 =	vld [tilespmem:s0+$0xA440];
	v19 =	vbroadcast v19, $0x0  }
0x515: {  	v21 =	vld [tilespmem:s0+$0xA450]  }
0x516: {  	v43 =	vadd.s32 v5, v19  }
0x517: {  	v19 =	vadd.s32 v6, v19;
	_ =	sdelay $0x1  }
0x518: {  	s19 =	sadd.s32 $0xFFFFFFFC, s15;
	v20 =	vadd.f32 v42, v18  }
0x519: {  	v44 =	vmov s19;
	v21 =	vadd.f32 v21, v17  }
0x51a: {  	v45 =	vshrl.u32 v44, $0x3;
	[tilespmem:v43+s29+$0x0] =	vst.idx.msk $0xffff, v20  }
0x51b: {  	[tilespmem:v19+s29+$0x0] =	vst.idx.msk $0xffff, v21;
	v19 =	vshll.u32 v45, v1  }
0x51c: {  	v46 =	vld [tilespmem:s0+$0xA460];
	v19 =	vbroadcast v19, $0x0  }
0x51d: {  	v21 =	vld [tilespmem:s0+$0xA470]  }
0x51e: {  	v47 =	vadd.s32 v7, v19  }
0x51f: {  	v19 =	vadd.s32 v8, v19;
	_ =	sdelay $0x1  }
0x520: {  	s21 =	sadd.s32 $0xFFFFFFFD, s15;
	v20 =	vadd.f32 v46, v18  }
0x521: {  	v48 =	vmov s21;
	v21 =	vadd.f32 v21, v17  }
0x522: {  	v49 =	vshrl.u32 v48, $0x3;
	[tilespmem:v47+s29+$0x0] =	vst.idx.msk $0xffff, v20  }
0x523: {  	[tilespmem:v19+s29+$0x0] =	vst.idx.msk $0xffff, v21;
	v19 =	vshll.u32 v49, v1  }
0x524: {  	v50 =	vld [tilespmem:s0+$0xA480];
	v19 =	vbroadcast v19, $0x0  }
0x525: {  	v21 =	vld [tilespmem:s0+$0xA490]  }
0x526: {  	v51 =	vadd.s32 v9, v19  }
0x527: {  	v19 =	vadd.s32 v10, v19;
	_ =	sdelay $0x1  }
0x528: {  	s26 =	sadd.s32 $0xFFFFFFFE, s15;
	v20 =	vadd.f32 v50, v18  }
0x529: {  	v52 =	vmov s26;
	v21 =	vadd.f32 v21, v17  }
0x52a: {  	v53 =	vshrl.u32 v52, $0x3;
	[tilespmem:v51+s29+$0x0] =	vst.idx.msk $0xffff, v20  }
0x52b: {  	[tilespmem:v19+s29+$0x0] =	vst.idx.msk $0xffff, v21;
	v19 =	vshll.u32 v53, v1  }
0x52c: {  	v54 =	vld [tilespmem:s0+$0xA4A0];
	v19 =	vbroadcast v19, $0x0  }
0x52d: {  	v21 =	vld [tilespmem:s0+$0xA4B0]  }
0x52e: {  	v55 =	vadd.s32 v11, v19  }
0x52f: {  	v19 =	vadd.s32 v12, v19;
	_ =	sdelay $0x1  }
0x530: {  	s30 =	sadd.s32 $0xFFFFFFFF, s15;
	v20 =	vadd.f32 v54, v18  }
0x531: {  	v56 =	vmov s30;
	v21 =	vadd.f32 v21, v17  }
0x532: {  	v57 =	vshrl.u32 v56, $0x3;
	[tilespmem:v55+s29+$0x0] =	vst.idx.msk $0xffff, v20  }
0x533: {  	[tilespmem:v19+s29+$0x0] =	vst.idx.msk $0xffff, v21;
	v19 =	vshll.u32 v57, v1  }
0x534: {  	v58 =	vld [tilespmem:s0+$0xA4C0];
	v19 =	vbroadcast v19, $0x0  }
0x535: {  	v21 =	vld [tilespmem:s0+$0xA4D0]  }
0x536: {  	v59 =	vadd.s32 v13, v19  }
0x537: {  	v19 =	vadd.s32 v14, v19;
	_ =	sdelay $0x1  }
0x538: {  	v20 =	vadd.f32 v58, v18  }
0x539: {  	v60 =	vmov s15;
	v21 =	vadd.f32 v21, v17  }
0x53a: {  	v61 =	vshrl.u32 v60, $0x3;
	[tilespmem:v59+s29+$0x0] =	vst.idx.msk $0xffff, v20  }
0x53b: {  	[tilespmem:v19+s29+$0x0] =	vst.idx.msk $0xffff, v21;
	v19 =	vshll.u32 v61, v1  }
0x53c: {  	v62 =	vld [tilespmem:s0+$0xA4E0];
	v19 =	vbroadcast v19, $0x0  }
0x53d: {  	v21 =	vld [tilespmem:s0+$0xA4F0]  }
0x53e: {  	v63 =	vadd.s32 v15, v19  }
0x53f: {  	v19 =	vadd.s32 v16, v19;
	_ =	sdelay $0x1  }
0x540: {  	s31 =	sshll.u32 s1, $0x9;
	s14 =	sshll.u32 s1, $0x7;
	v18 =	vadd.f32 v62, v18  }
0x541: {  	s1 =	sand.u32 $0xF80, s14;
	s0 =	sand.u32 $0xFFFC000, s31;
	v17 =	vadd.f32 v21, v17  }
0x542: {  	s0 =	sor.u32 s1, s0;
	[tilespmem:v63+s29+$0x0] =	vst.idx.msk $0xffff, v18  }
0x543: {  	s1 =	sadd.s32 s2, s0;
	[tilespmem:v19+s29+$0x0] =	vst.idx.msk $0xffff, v17  }
0x544: {  	[hbm4b:s1+s3] =	stream.linear.scatter [tilespmem:s29], [sflag:$0xA], $0x80, $0x38;
	[tilespmem:$0x12200] =	vst v63  }
0x545: {  	s19 =	simm.s32 $0xF888;
	s15 =	sadd.s32 $0x10, s1  }
0x546: {  	[hbm4b:s15+s3] =	stream.linear.scatter [tilespmem:s19], [sflag:$0xA], $0x80, $0x38;
	[tilespmem:$0x12200] =	vst v63  }
0x547: {  	s26 =	simm.s32 $0xF910;
	s21 =	sadd.s32 $0x20, s1  }
0x548: {  	[hbm4b:s21+s3] =	stream.linear.scatter [tilespmem:s26], [sflag:$0xA], $0x80, $0x38;
	[tilespmem:$0x12200] =	vst v63  }
0x549: {  	s31 =	simm.s32 $0xF998;
	s30 =	sadd.s32 $0x30, s1  }
0x54a: {  	[hbm4b:s30+s3] =	stream.linear.scatter [tilespmem:s31], [sflag:$0xA], $0x80, $0x38;
	[tilespmem:$0x12200] =	vst v63  }
0x54b: {  	s15 =	sadd.s32 $0x40, s1;
	s19 =	simm.s32 $0xFA20  }
0x54c: {  	[hbm4b:s15+s3] =	stream.linear.scatter [tilespmem:s19], [sflag:$0xA], $0x80, $0x38;
	[tilespmem:$0x12200] =	vst v63  }
0x54d: {  	s21 =	sadd.s32 $0x50, s1;
	s26 =	simm.s32 $0xFAA8  }
0x54e: {  	[hbm4b:s21+s3] =	stream.linear.scatter [tilespmem:s26], [sflag:$0xA], $0x80, $0x38;
	[tilespmem:$0x12200] =	vst v63  }
0x54f: {  	s30 =	sadd.s32 $0x60, s1;
	s31 =	simm.s32 $0xFB30  }
0x550: {  	[hbm4b:s30+s3] =	stream.linear.scatter [tilespmem:s31], [sflag:$0xA], $0x80, $0x38;
	[tilespmem:$0x12200] =	vst v63  }
0x551: {  	s1 =	sadd.s32 $0x70, s1;
	s15 =	simm.s32 $0xFBB8  }
0x552: {  	[hbm4b:s1+s3] =	stream.linear.scatter [tilespmem:s15], [sflag:$0xA], $0x80, $0x38;
	[tilespmem:$0x12200] =	vst v63  }
0x553: {  	s19 =	simm.s32 $0xFC40;
	s1 =	sadd.s32 s0, s8  }
0x554: {  	[hbm4b:s1+s3] =	stream.linear.scatter [tilespmem:s19], [sflag:$0xA], $0x80, $0x38;
	[tilespmem:$0x12200] =	vst v63  }
0x555: {  	s26 =	simm.s32 $0xFCC8;
	s21 =	sadd.s32 $0x10, s1  }
0x556: {  	[hbm4b:s21+s3] =	stream.linear.scatter [tilespmem:s26], [sflag:$0xA], $0x80, $0x38;
	[tilespmem:$0x12200] =	vst v63  }
0x557: {  	s31 =	simm.s32 $0xFD50;
	s30 =	sadd.s32 $0x20, s1  }
0x558: {  	[hbm4b:s30+s3] =	stream.linear.scatter [tilespmem:s31], [sflag:$0xA], $0x80, $0x38;
	[tilespmem:$0x12200] =	vst v63  }
0x559: {  	s15 =	sadd.s32 $0x30, s1;
	s19 =	simm.s32 $0xFDD8  }
0x55a: {  	[hbm4b:s15+s3] =	stream.linear.scatter [tilespmem:s19], [sflag:$0xA], $0x80, $0x38;
	[tilespmem:$0x12200] =	vst v63  }
0x55b: {  	s21 =	sadd.s32 $0x40, s1;
	s26 =	simm.s32 $0xFE60  }
0x55c: {  	[hbm4b:s21+s3] =	stream.linear.scatter [tilespmem:s26], [sflag:$0xA], $0x80, $0x38;
	[tilespmem:$0x12200] =	vst v63  }
0x55d: {  	s30 =	sadd.s32 $0x50, s1;
	s31 =	simm.s32 $0xFEE8  }
0x55e: {  	[hbm4b:s30+s3] =	stream.linear.scatter [tilespmem:s31], [sflag:$0xA], $0x80, $0x38;
	[tilespmem:$0x12200] =	vst v63  }
0x55f: {  	s15 =	sadd.s32 $0x60, s1;
	s19 =	simm.s32 $0xFF70  }
0x560: {  	[hbm4b:s15+s3] =	stream.linear.scatter [tilespmem:s19], [sflag:$0xA], $0x80, $0x38;
	[tilespmem:$0x12200] =	vst v63  }
0x561: {  	s1 =	sadd.s32 $0x70, s1;
	s21 =	simm.s32 $0xFFF8  }
0x562: {  	[hbm4b:s1+s3] =	stream.linear.scatter [tilespmem:s21], [sflag:$0xA], $0x80, $0x38;
	[tilespmem:$0x12200] =	vst v63  }
0x563: {  	s26 =	simm.s32 $0x10080;
	s1 =	sadd.s32 s0, s9  }
0x564: {  	[hbm4b:s1+s3] =	stream.linear.scatter [tilespmem:s26], [sflag:$0xA], $0x80, $0x38;
	[tilespmem:$0x12200] =	vst v63  }
0x565: {  	s31 =	simm.s32 $0x10108;
	s30 =	sadd.s32 $0x10, s1  }
0x566: {  	[hbm4b:s30+s3] =	stream.linear.scatter [tilespmem:s31], [sflag:$0xA], $0x80, $0x38;
	[tilespmem:$0x12200] =	vst v63  }
0x567: {  	s19 =	simm.s32 $0x10190;
	s15 =	sadd.s32 $0x20, s1  }
0x568: {  	[hbm4b:s15+s3] =	stream.linear.scatter [tilespmem:s19], [sflag:$0xA], $0x80, $0x38;
	[tilespmem:$0x12200] =	vst v63  }
0x569: {  	s21 =	sadd.s32 $0x30, s1;
	s26 =	simm.s32 $0x10218  }
0x56a: {  	[hbm4b:s21+s3] =	stream.linear.scatter [tilespmem:s26], [sflag:$0xA], $0x80, $0x38;
	[tilespmem:$0x12200] =	vst v63  }
0x56b: {  	s30 =	sadd.s32 $0x40, s1;
	s31 =	simm.s32 $0x102A0  }
0x56c: {  	[hbm4b:s30+s3] =	stream.linear.scatter [tilespmem:s31], [sflag:$0xA], $0x80, $0x38;
	[tilespmem:$0x12200] =	vst v63  }
0x56d: {  	s19 =	sadd.s32 $0x50, s1;
	s21 =	simm.s32 $0x10328  }
0x56e: {  	[hbm4b:s19+s3] =	stream.linear.scatter [tilespmem:s21], [sflag:$0xA], $0x80, $0x38;
	[tilespmem:$0x12200] =	vst v63  }
0x56f: {  	s26 =	sadd.s32 $0x60, s1;
	s30 =	simm.s32 $0x103B0  }
0x570: {  	[hbm4b:s26+s3] =	stream.linear.scatter [tilespmem:s30], [sflag:$0xA], $0x80, $0x38;
	[tilespmem:$0x12200] =	vst v63  }
0x571: {  	s1 =	sadd.s32 $0x70, s1;
	s31 =	simm.s32 $0x10438  }
0x572: {  	[hbm4b:s1+s3] =	stream.linear.scatter [tilespmem:s31], [sflag:$0xA], $0x80, $0x38;
	[tilespmem:$0x12200] =	vst v63  }
0x573: {  	s14 =	simm.s32 $0x104C0;
	s0 =	sadd.s32 s0, s10  }
0x574: {  	[hbm4b:s0+s3] =	stream.linear.scatter [tilespmem:s14], [sflag:$0xA], $0x80, $0x38;
	[tilespmem:$0x12200] =	vst v63  }
0x575: {  	s15 =	sadd.s32 $0x10, s0;
	s19 =	simm.s32 $0x10548  }
0x576: {  	[hbm4b:s15+s3] =	stream.linear.scatter [tilespmem:s19], [sflag:$0xA], $0x80, $0x38;
	[tilespmem:$0x12200] =	vst v63  }
0x577: {  	s21 =	sadd.s32 $0x20, s0;
	s26 =	simm.s32 $0x105D0  }
0x578: {  	[hbm4b:s21+s3] =	stream.linear.scatter [tilespmem:s26], [sflag:$0xA], $0x80, $0x38;
	[tilespmem:$0x12200] =	vst v63  }
0x579: {  	s30 =	sadd.s32 $0x30, s0;
	s31 =	simm.s32 $0x10658  }
0x57a: {  	[hbm4b:s30+s3] =	stream.linear.scatter [tilespmem:s31], [sflag:$0xA], $0x80, $0x38;
	[tilespmem:$0x12200] =	vst v63  }
0x57b: {  	s25 =	sadd.s32 $0x1, s25;
	s15 =	sadd.s32 $0x40, s0;
	s19 =	simm.s32 $0x106E0  }
0x57c: {  	[hbm4b:s15+s3] =	stream.linear.scatter [tilespmem:s19], [sflag:$0xA], $0x80, $0x38;
	[tilespmem:$0x12200] =	vst v63  }
0x57d: {  	p0 =	sne.s32 s25, $0x28;
	s21 =	sadd.s32 $0x50, s0;
	s26 =	simm.s32 $0x10768  }
0x57e: {  	[hbm4b:s21+s3] =	stream.linear.scatter [tilespmem:s26], [sflag:$0xA], $0x80, $0x38;
	[tilespmem:$0x12200] =	vst v63  }
.Ltmp5:
0x57f: {  	_ = 	snop;
	(pc) =	sbr.rel @p0 .LBB2_2-.Ltmp5, $4  }
0x580: {  	s30 =	sadd.s32 $0x60, s0;
	s31 =	simm.s32 $0x107F0  }
0x581: {  	[hbm4b:s30+s3] =	stream.linear.scatter [tilespmem:s31], [sflag:$0xA], $0x80, $0x38;
	[tilespmem:$0x12200] =	vst v63  }
0x582: {  	s0 =	sadd.s32 $0x70, s0  }
0x583: {  	[hbm4b:s0+s3] =	stream.linear.scatter [tilespmem:s24], [sflag:$0xA], $0x80, $0x38;
	[tilespmem:$0x12200] =	vst v63  }
0x584: {  	s0 =	simm.s32 $0x6  }
0x585: {  	_ =	swait.ge [sflag:s0], $0x400  }
0x586: {  	[sflag:s0] =	ssyncset.done $0x0  }
0x587: {  	[sflag:s0] =	ssyncadd.s32 $0xFFFFFC00  }
0x588: {  	_ =	swait.ge [sflag:s0], $0x400  }
0x589: {  	[sflag:s0] =	ssyncset.done $0x0  }
0x58a: {  	[sflag:s0] =	ssyncadd.s32 $0xFFFFFC00  }
0x58b: {  	_ =	swait.ge [sflag:s0], $0x400  }
0x58c: {  	[sflag:s0] =	ssyncset.done $0x0  }
0x58d: {  	[sflag:s0] =	ssyncadd.s32 $0xFFFFFC00  }
0x58e: {  	_ =	swait.ge [sflag:s0], $0x400  }
0x58f: {  	[sflag:s0] =	ssyncset.done $0x0  }
0x590: {  	s25 =	simm.s32 $0x7;
	[sflag:s0] =	ssyncadd.s32 $0xFFFFFC00  }
0x591: {  	_ =	swait.ge [sflag:s25], $0x400  }
0x592: {  	[sflag:s25] =	ssyncset.done $0x0  }
0x593: {  	[sflag:s25] =	ssyncadd.s32 $0xFFFFFC00  }
0x594: {  	_ =	swait.ge [sflag:s25], $0x400  }
0x595: {  	[sflag:s25] =	ssyncset.done $0x0  }
0x596: {  	[sflag:s25] =	ssyncadd.s32 $0xFFFFFC00  }
0x597: {  	_ =	swait.ge [sflag:s25], $0x400  }
0x598: {  	[sflag:s25] =	ssyncset.done $0x0  }
0x599: {  	[sflag:s25] =	ssyncadd.s32 $0xFFFFFC00  }
0x59a: {  	_ =	swait.ge [sflag:s25], $0x400  }
0x59b: {  	[sflag:s25] =	ssyncset.done $0x0  }
0x59c: {  	s26 =	simm.s32 $0x8;
	[sflag:s25] =	ssyncadd.s32 $0xFFFFFC00  }
0x59d: {  	_ =	swait.ge [sflag:s26], $0x400  }
0x59e: {  	[sflag:s26] =	ssyncset.done $0x0  }
0x59f: {  	[sflag:s26] =	ssyncadd.s32 $0xFFFFFC00  }
0x5a0: {  	_ =	swait.ge [sflag:s26], $0x400  }
0x5a1: {  	[sflag:s26] =	ssyncset.done $0x0  }
0x5a2: {  	[sflag:s26] =	ssyncadd.s32 $0xFFFFFC00  }
0x5a3: {  	_ =	swait.ge [sflag:s26], $0x400  }
0x5a4: {  	[sflag:s26] =	ssyncset.done $0x0  }
0x5a5: {  	[sflag:s26] =	ssyncadd.s32 $0xFFFFFC00  }
0x5a6: {  	_ =	swait.ge [sflag:s26], $0x400  }
0x5a7: {  	[sflag:s26] =	ssyncset.done $0x0  }
0x5a8: {  	s30 =	simm.s32 $0x9;
	[sflag:s26] =	ssyncadd.s32 $0xFFFFFC00  }
0x5a9: {  	_ =	swait.ge [sflag:s30], $0x400  }
0x5aa: {  	[sflag:s30] =	ssyncset.done $0x0  }
0x5ab: {  	[sflag:s30] =	ssyncadd.s32 $0xFFFFFC00  }
0x5ac: {  	_ =	swait.ge [sflag:s30], $0x400  }
0x5ad: {  	[sflag:s30] =	ssyncset.done $0x0  }
0x5ae: {  	[sflag:s30] =	ssyncadd.s32 $0xFFFFFC00  }
0x5af: {  	_ =	swait.ge [sflag:s30], $0x400  }
0x5b0: {  	[sflag:s30] =	ssyncset.done $0x0  }
0x5b1: {  	[sflag:s30] =	ssyncadd.s32 $0xFFFFFC00  }
0x5b2: {  	_ =	swait.ge [sflag:s30], $0x400  }
0x5b3: {  	[sflag:s30] =	ssyncset.done $0x0  }
0x5b4: {  	s1 =	simm.s32 $0xA;
	[sflag:s30] =	ssyncadd.s32 $0xFFFFFC00  }
0x5b5: {  	_ =	swait.ge [sflag:s1], $0x400  }
0x5b6: {  	[sflag:s1] =	ssyncset.done $0x0  }
0x5b7: {  	[sflag:s1] =	ssyncadd.s32 $0xFFFFFC00  }
0x5b8: {  	_ =	swait.ge [sflag:s1], $0x400  }
0x5b9: {  	[sflag:s1] =	ssyncset.done $0x0  }
0x5ba: {  	[sflag:s1] =	ssyncadd.s32 $0xFFFFFC00  }
0x5bb: {  	_ =	swait.ge [sflag:s1], $0x400  }
0x5bc: {  	[sflag:s1] =	ssyncset.done $0x0  }
0x5bd: {  	[sflag:s1] =	ssyncadd.s32 $0xFFFFFC00  }
0x5be: {  	_ =	swait.ge [sflag:s1], $0x400  }
0x5bf: {  	s14 =	rddreg [dreg:$0x6]  }
0x5c0: {  	s31 =	rddreg [dreg:$0x5];
	s14 =	sadd.s32 $0x1, s14  }
0x5c1: {  	p0 =	sne.s32 s14, s31  }
.Ltmp6:
0x5c2: {  	_ = 	snop;
	(pc) =	sbr.rel @p0 .LBB2_1-.Ltmp6, $3  }
0x5c3: {  	_ =	sdelay $0x1  }
0x5c4: {  	[sflag:s1] =	ssyncset.done $0x0  }
0x5c5: {  	[sflag:s1] =	ssyncadd.s32 $0xFFFFFC00  }
0x5c6: {  	_ =	sfence.sel $0x180000  }
0x5c7: {  	[bflag:$0x0] =	sbarrier.arrive $0xFFFF  }
0x5c8: {  	_ =	strace $0x90000047  }
0x5c9: {  	s0 =	stileid.u32;
	[bflag:$0x2] =	sbarrier.arrive $0xFFFF  }
0x5ca: {  	p0 =	sne.s32 s0, $0x0;
	s0 =	rddreg [dreg:$0x2]  }
0x5cb: {  	s0 =	sadd.s32 @!p0 $0x100000, s0  }
0x5cc: {  	[sflag:s0] =	ssyncadd.tile.s32 @!p0 $0x1;
	_ =	shalt  }
.Lfunc_end2:
_tile_overlayer_lowered:
.L_overlay_start_2:
0x5cd: {  	(tag) =	ssettag $0x2  }
0x5ce: {  	s0 =	rddreg [dreg:$0x0];
	s2 =	stileid.u32  }
0x5cf: {  	s1 =	rddreg [dreg:$0x1];
	p0 =	sne.s32 s2, $0x0  }
0x5d0: {  	s3 =	rddreg [dreg:$0x2];
	[bflag:$0x3] =	sbarrier.arrive $0xFFFF;
	s2 =	simm.s32 @!p0 $0x1C0B  }
0x5d1: {  	[timem:s3], [sflag:s2] =	dma.local @!p0 [hbm:s0], s1  }
0x5d2: {  	s0 =	simm.s32 @!p0 $0xB  }
0x5d3: {  	_ =	swait.ge @!p0 [sflag:s0], s1  }
0x5d4: {  	s1 =	ssub.s32 @!p0 $0x0, s1;
	[sflag:s0] =	ssyncset.done @!p0 $0x0  }
0x5d5: {  	[sflag:s0] =	ssyncadd.s32 @!p0 s1  }
0x5d6: {  	[bflag:$0x3] =	sbarrier.arrive $0xFFFF  }
0x5d7: {  	_ =	shalt  }

</sc_bundles>
